<compile_context>
chip_gen: v7x
topology: tpu7x:2x2x1
jax: 0.10.2.dev20260603
libtpu: 0.0.44.dev20260713+nightly
codegen_flags: <defaults>
</compile_context>

<pallas_src>
import jax
import jax.numpy as jnp
from jax import lax
from jax.experimental import pallas as pl
from jax.experimental.pallas import tpu as pltpu
from jax.experimental.pallas import tpu_sc as plsc

N = 10000
E = 320000
D = 128

CH = 128
NCH = E // CH
NSUB = 16
NCORE = 2
NW = NCORE * NSUB
NPAD = 10240
ROWS_PER_SUB = NPAD // NSUB

BE = 2560
BN_ = 2000


def _norm(x):
    return jnp.maximum(jnp.sqrt(jnp.sum(x * x, axis=-1, keepdims=True)), 1e-15)


def _hyp(x):
    n = _norm(x)
    e = jnp.tanh(n) * x / n
    ne = _norm(e)
    maxn = 1.0 - 1e-05
    e = jnp.where(ne > maxn, e / ne * maxn, e)
    n3 = _norm(e)
    atanh = 0.5 * (jnp.log1p(n3) - jnp.log1p(-n3))
    return atanh / n3 * e


def _elu(x):
    return jnp.where(x > 0, x, jnp.exp(jnp.minimum(x, 0.0)) - 1.0)


def _node_body(x_ref, o_ref):
    o_ref[...] = _hyp(x_ref[...])


def _node_transform(features):
    blk = pl.BlockSpec((BN_, D), lambda i: (i, 0))
    return pl.pallas_call(
        _node_body,
        grid=(N // BN_,),
        in_specs=[blk],
        out_specs=blk,
        out_shape=jax.ShapeDtypeStruct((N, D), jnp.float32),
    )(features)


NFULL = NCH // NW

SLICES = ((0, 20, 0),
          (640, 30, 0),
          (1600, 28, 4))


def _make_gather_body(c0, nfull, nrem):
    def body(feats_hbm, ei0_hbm, ei1_hbm, srcg_hbm, dstg_hbm,
             idx0a, idx1a, idx0b, idx1b, r0a, r1a, r0b, r1b,
             semi_a, semi_b, semg_a, semg_b, semw_a, semw_b):
        c = lax.axis_index("c")
        s = lax.axis_index("s")
        wid = c * NSUB + s
        idx = ((idx0a, idx1a), (idx0b, idx1b))
        rows = ((r0a, r1a), (r0b, r1b))
        semi = (semi_a, semi_b)
        semg = (semg_a, semg_b)
        semw = (semw_a, semw_b)

        def gbase(j):
            return (c0 + wid + NW * j) * CH

        def lbase(j):
            return (wid + NW * j) * CH

        for b in (0, 1):
            pb = gbase(b)
            pltpu.async_copy(ei0_hbm.at[pl.ds(pb, CH)], idx[b][0], semi[b])
            pltpu.async_copy(ei1_hbm.at[pl.ds(pb, CH)], idx[b][1], semi[b])

        def outer(g, carry):
            for b in (0, 1):
                j = g * 2 + b
                base = gbase(j)
                lb = lbase(j)

                @pl.when(j >= 2)
                def _():
                    pv = lbase(j - 2)
                    pltpu.make_async_copy(
                        rows[b][0], srcg_hbm.at[pl.ds(pv, CH)],
                        semw[b]).wait()
                    pltpu.make_async_copy(
                        rows[b][1], dstg_hbm.at[pl.ds(pv, CH)],
                        semw[b]).wait()

                pltpu.make_async_copy(
                    ei0_hbm.at[pl.ds(base, CH)], idx[b][0], semi[b]).wait()
                pltpu.make_async_copy(
                    ei1_hbm.at[pl.ds(base, CH)], idx[b][1], semi[b]).wait()
                cp0 = pltpu.async_copy(feats_hbm.at[idx[b][0]], rows[b][0],
                                       semg[b])
                cp1 = pltpu.async_copy(feats_hbm.at[idx[b][1]], rows[b][1],
                                       semg[b])
                cp0.wait()
                cp1.wait()
                pltpu.async_copy(rows[b][0], srcg_hbm.at[pl.ds(lb, CH)],
                                 semw[b])
                pltpu.async_copy(rows[b][1], dstg_hbm.at[pl.ds(lb, CH)],
                                 semw[b])

                @pl.when(j + 2 < nfull)
                def _():
                    nb = gbase(j + 2)
                    pltpu.async_copy(ei0_hbm.at[pl.ds(nb, CH)], idx[b][0],
                                     semi[b])
                    pltpu.async_copy(ei1_hbm.at[pl.ds(nb, CH)], idx[b][1],
                                     semi[b])

            return carry

        lax.fori_loop(0, nfull // 2, outer, 0)

        for b in (0, 1):
            pv = lbase(nfull - 2 + b)
            pltpu.make_async_copy(rows[b][0], srcg_hbm.at[pl.ds(pv, CH)],
                                  semw[b]).wait()
            pltpu.make_async_copy(rows[b][1], dstg_hbm.at[pl.ds(pv, CH)],
                                  semw[b]).wait()

        if nrem:
            @pl.when(wid < nrem)
            def _():
                base = (c0 + nfull * NW + wid) * CH
                lb = (nfull * NW + wid) * CH
                pltpu.sync_copy(ei0_hbm.at[pl.ds(base, CH)], idx[0][0])
                pltpu.sync_copy(ei1_hbm.at[pl.ds(base, CH)], idx[0][1])
                cp0 = pltpu.async_copy(feats_hbm.at[idx[0][0]], rows[0][0],
                                       semg[0])
                cp1 = pltpu.async_copy(feats_hbm.at[idx[0][1]], rows[0][1],
                                       semg[0])
                cp0.wait()
                cp1.wait()
                pltpu.sync_copy(rows[0][0], srcg_hbm.at[pl.ds(lb, CH)])
                pltpu.sync_copy(rows[0][1], dstg_hbm.at[pl.ds(lb, CH)])

    return body


def _make_gather(sl):
    c0, nfull, nrem = sl
    es = (nfull * NW + nrem) * CH
    return pl.kernel(
        _make_gather_body(c0, nfull, nrem),
        out_type=(jax.ShapeDtypeStruct((es, D), jnp.float32),
                  jax.ShapeDtypeStruct((es, D), jnp.float32)),
        mesh=plsc.VectorSubcoreMesh(core_axis_name="c", subcore_axis_name="s"),
        scratch_types=[
            pltpu.VMEM((CH,), jnp.int32),
            pltpu.VMEM((CH,), jnp.int32),
            pltpu.VMEM((CH,), jnp.int32),
            pltpu.VMEM((CH,), jnp.int32),
            pltpu.VMEM((CH, D), jnp.float32),
            pltpu.VMEM((CH, D), jnp.float32),
            pltpu.VMEM((CH, D), jnp.float32),
            pltpu.VMEM((CH, D), jnp.float32),
            pltpu.SemaphoreType.DMA,
            pltpu.SemaphoreType.DMA,
            pltpu.SemaphoreType.DMA,
            pltpu.SemaphoreType.DMA,
            pltpu.SemaphoreType.DMA,
            pltpu.SemaphoreType.DMA,
        ],
    )


def _edge_body(src_ref, dst_ref, w1a_ref, w1b_ref, b1_ref, lng_ref, lnb_ref,
               w2_ref, b2_ref, h2_ref, s1_ref, s2_ref):
    src = src_ref[...].astype(jnp.float32)
    dst = dst_ref[...].astype(jnp.float32)
    multi = jnp.sum(src * dst, axis=-1, keepdims=True)
    dd = src - dst
    dist = jnp.sqrt(jnp.sum(dd * dd, axis=-1, keepdims=True))
    z = 2.0 * dist + 2.0 * (dist * dist * dist / 3.0 + multi * dist * dist)
    coef = 1.0 - jax.nn.sigmoid(z)
    h = (jnp.dot((1.0 + coef) * src, w1a_ref[...],
                 preferred_element_type=jnp.float32)
         + jnp.dot(dst, w1b_ref[...], preferred_element_type=jnp.float32)
         + b1_ref[...])
    h = _elu(h)
    mu = jnp.mean(h, axis=-1, keepdims=True)
    hc = h - mu
    var = jnp.mean(hc * hc, axis=-1, keepdims=True)
    h = hc / jnp.sqrt(var + 1e-5) * lng_ref[...] + lnb_ref[...]
    h = jnp.dot(h, w2_ref[...], preferred_element_type=jnp.float32) + b2_ref[...]
    h = _elu(h)
    h2_ref[...] = h

    @pl.when(pl.program_id(0) == 0)
    def _():
        s1_ref[...] = jnp.zeros_like(s1_ref)
        s2_ref[...] = jnp.zeros_like(s2_ref)

    s1_ref[...] += jnp.sum(h, axis=0, keepdims=True)
    s2_ref[...] += jnp.sum(h * h, axis=0, keepdims=True)


def _edge_mlp(srcg, dstg, w1aT, w1bT, b1, ln_g, ln_b, w2T, b2):
    full = pl.BlockSpec((D, D), lambda i: (0, 0))
    vec = pl.BlockSpec((1, D), lambda i: (0, 0))
    return pl.pallas_call(
        _edge_body,
        grid=(srcg.shape[0] // BE,),
        in_specs=[
            pl.BlockSpec((BE, D), lambda i: (i, 0)),
            pl.BlockSpec((BE, D), lambda i: (i, 0)),
            full, full, vec, vec, vec, full, vec,
        ],
        out_specs=[
            pl.BlockSpec((BE, D), lambda i: (i, 0)),
            vec, vec,
        ],
        out_shape=[
            jax.ShapeDtypeStruct((srcg.shape[0], D), jnp.float32),
            jax.ShapeDtypeStruct((1, D), jnp.float32),
            jax.ShapeDtypeStruct((1, D), jnp.float32),
        ],
    )(srcg, dstg, w1aT, w1bT, b1, ln_g, ln_b, w2T, b2)


def _make_scatter_body(c0, nfull, nrem):
    def body(h2_hbm, ei1_hbm, zs_hbm, sp_hbm,
             idxa, idxb, h2a, h2b, s_sh,
             seml_a, seml_b, sems_a, sems_b):
        c = lax.axis_index("c")
        s = lax.axis_index("s")
        wid = c * NSUB + s
        r0 = s * ROWS_PER_SUB
        idx = (idxa, idxb)
        h2v = (h2a, h2b)
        seml = (seml_a, seml_b)
        sems = (sems_a, sems_b)

        @pl.when(s == 0)
        def _():
            pltpu.sync_copy(zs_hbm, s_sh)

        plsc.subcore_barrier()

        def gbase(j):
            return (c0 + wid + NW * j) * CH

        def lbase(j):
            return (wid + NW * j) * CH

        pltpu.async_copy(ei1_hbm.at[pl.ds(gbase(0), CH)], idx[0], seml[0])
        pltpu.async_copy(h2_hbm.at[pl.ds(lbase(0), CH)], h2v[0], seml[0])

        def outer(g, carry):
            for b in (0, 1):
                j = g * 2 + b
                pltpu.make_async_copy(
                    ei1_hbm.at[pl.ds(gbase(j), CH)], idx[b], seml[b]).wait()
                pltpu.make_async_copy(
                    h2_hbm.at[pl.ds(lbase(j), CH)], h2v[b], seml[b]).wait()
                pltpu.async_copy(h2v[b], s_sh.at[idx[b]], sems[b], add=True)

                o = 1 - b

                @pl.when(j >= 1)
                def _():
                    pltpu.make_async_copy(
                        h2v[o], s_sh.at[idx[o]], sems[o]).wait()

                @pl.when(j + 1 < nfull)
                def _():
                    pltpu.async_copy(ei1_hbm.at[pl.ds(gbase(j + 1), CH)],
                                     idx[o], seml[o])
                    pltpu.async_copy(h2_hbm.at[pl.ds(lbase(j + 1), CH)],
                                     h2v[o], seml[o])

            return carry

        lax.fori_loop(0, nfull // 2, outer, 0)
        pltpu.make_async_copy(h2v[1], s_sh.at[idx[1]], sems[1]).wait()

        if nrem:
            @pl.when(wid < nrem)
            def _():
                gb = (c0 + nfull * NW + wid) * CH
                lb = (nfull * NW + wid) * CH
                pltpu.sync_copy(ei1_hbm.at[pl.ds(gb, CH)], idx[0])
                pltpu.sync_copy(h2_hbm.at[pl.ds(lb, CH)], h2v[0])
                pltpu.sync_copy(h2v[0], s_sh.at[idx[0]], add=True)

        plsc.subcore_barrier()
        pltpu.sync_copy(s_sh.at[pl.ds(r0, ROWS_PER_SUB)],
                        sp_hbm.at[pl.ds(c * NPAD + r0, ROWS_PER_SUB)])

    return body


def _make_scatter(sl):
    c0, nfull, nrem = sl
    return pl.kernel(
        _make_scatter_body(c0, nfull, nrem),
        out_type=jax.ShapeDtypeStruct((NCORE * NPAD, D), jnp.float32),
        mesh=plsc.VectorSubcoreMesh(core_axis_name="c", subcore_axis_name="s"),
        scratch_types=[
            pltpu.VMEM((CH,), jnp.int32),
            pltpu.VMEM((CH,), jnp.int32),
            pltpu.VMEM((CH, D), jnp.float32),
            pltpu.VMEM((CH, D), jnp.float32),
            pltpu.VMEM_SHARED((NPAD, D), jnp.float32),
            pltpu.SemaphoreType.DMA,
            pltpu.SemaphoreType.DMA,
            pltpu.SemaphoreType.DMA,
            pltpu.SemaphoreType.DMA,
        ],
    )


def _deg_body(ei1_hbm, zs_hbm, ones_hbm, dg_hbm,
              idxa, idxb, ones_v, s_sh, seml_a, seml_b, sems_a, sems_b):
    c = lax.axis_index("c")
    s = lax.axis_index("s")
    wid = c * NSUB + s
    r0 = s * ROWS_PER_SUB
    idx = (idxa, idxb)
    seml = (seml_a, seml_b)
    sems = (sems_a, sems_b)

    @pl.when(s == 0)
    def _():
        pltpu.sync_copy(zs_hbm, s_sh)

    pltpu.sync_copy(ones_hbm, ones_v)
    plsc.subcore_barrier()

    def gbase(j):
        return (wid + NW * j) * CH

    pltpu.async_copy(ei1_hbm.at[pl.ds(gbase(0), CH)], idx[0], seml[0])

    def douter(g, carry):
        for b in (0, 1):
            j = g * 2 + b
            pltpu.make_async_copy(
                ei1_hbm.at[pl.ds(gbase(j), CH)], idx[b], seml[b]).wait()
            pltpu.async_copy(ones_v, s_sh.at[idx[b]], sems[b], add=True)

            o = 1 - b

            @pl.when(j >= 1)
            def _():
                pltpu.make_async_copy(
                    ones_v, s_sh.at[idx[o]], sems[o]).wait()

            @pl.when(j + 1 < NFULL)
            def _():
                pltpu.async_copy(ei1_hbm.at[pl.ds(gbase(j + 1), CH)],
                                 idx[o], seml[o])

        return carry

    lax.fori_loop(0, NFULL // 2, douter, 0)
    pltpu.make_async_copy(ones_v, s_sh.at[idx[1]], sems[1]).wait()

    @pl.when(wid < NCH - NFULL * NW)
    def _():
        gb = (NFULL * NW + wid) * CH
        pltpu.sync_copy(ei1_hbm.at[pl.ds(gb, CH)], idx[0])
        pltpu.sync_copy(ones_v, s_sh.at[idx[0]], add=True)

    plsc.subcore_barrier()
    pltpu.sync_copy(s_sh.at[pl.ds(r0, ROWS_PER_SUB)],
                    dg_hbm.at[pl.ds(c * NPAD + r0, ROWS_PER_SUB)])


def _deg(ei1, zs, ones):
    f = pl.kernel(
        _deg_body,
        out_type=jax.ShapeDtypeStruct((NCORE * NPAD, D), jnp.float32),
        mesh=plsc.VectorSubcoreMesh(core_axis_name="c", subcore_axis_name="s"),
        scratch_types=[
            pltpu.VMEM((CH,), jnp.int32),
            pltpu.VMEM((CH,), jnp.int32),
            pltpu.VMEM((CH, D), jnp.float32),
            pltpu.VMEM_SHARED((NPAD, D), jnp.float32),
            pltpu.SemaphoreType.DMA,
            pltpu.SemaphoreType.DMA,
            pltpu.SemaphoreType.DMA,
            pltpu.SemaphoreType.DMA,
        ],
    )
    return f(ei1, zs, ones)


def _final_body(sp0_ref, sp1_ref, sp2_ref, dg_ref, s1_ref, s2_ref,
                bng_ref, bnb_ref, wo_ref, bo_ref, feats_ref, o_ref):
    s_sum = (sp0_ref[0] + sp0_ref[1] + sp1_ref[0] + sp1_ref[1]
             + sp2_ref[0] + sp2_ref[1])
    d_sum = dg_ref[0] + dg_ref[1]
    m = s1_ref[...] / float(E)
    v = s2_ref[...] / float(E) - m * m
    a = bng_ref[...] / jnp.sqrt(v + 1e-5)
    cv = bnb_ref[...] - m * a
    kv = jnp.dot(cv, wo_ref[...], preferred_element_type=jnp.float32)
    out = (jnp.dot(s_sum * a, wo_ref[...], preferred_element_type=jnp.float32)
           + d_sum * kv + bo_ref[...])
    out = _hyp(out)
    out = 1.0507009873554805 * jnp.where(
        out > 0, out, 1.6732632423543772 * (jnp.exp(jnp.minimum(out, 0.0)) - 1.0))
    o_ref[...] = out + feats_ref[...]


def _final(sps, dg, s1, s2, bn_g, bn_b, woT, bo, feats):
    vec = pl.BlockSpec((1, D), lambda i: (0, 0))
    acc = pl.BlockSpec((NCORE, BN_, D), lambda i: (0, i, 0))
    return pl.pallas_call(
        _final_body,
        grid=(N // BN_,),
        in_specs=[
            acc, acc, acc, acc,
            vec, vec, vec, vec,
            pl.BlockSpec((D, D), lambda i: (0, 0)),
            vec,
            pl.BlockSpec((BN_, D), lambda i: (i, 0)),
        ],
        out_specs=pl.BlockSpec((BN_, D), lambda i: (i, 0)),
        out_shape=jax.ShapeDtypeStruct((N, D), jnp.float32),
    )(sps[0], sps[1], sps[2], dg, s1, s2, bn_g, bn_b, woT, bo, feats)


def kernel(features, edge_index, c, W1, b1, ln_g, ln_b, W2, b2, bn_g, bn_b,
           Wo, bo):
    del c
    f32 = jnp.float32

    feats = _node_transform(features)

    ei0 = edge_index[0]
    ei1 = edge_index[1]
    gathered = [_make_gather(sl)(feats, ei0, ei1) for sl in SLICES]

    w1aT = W1[:, :D].T
    w1bT = W1[:, D:].T
    w2T = W2.T
    mlp = [_edge_mlp(sg, dg_, w1aT, w1bT, b1[None], ln_g[None], ln_b[None],
                     w2T, b2[None]) for sg, dg_ in gathered]

    zs = jnp.zeros((NPAD, D), f32)
    ones = jnp.ones((CH, D), f32)
    sp0 = _make_scatter(SLICES[0])(mlp[0][0], ei1, zs)
    dg = _deg(ei1, zs, ones)
    sp1 = _make_scatter(SLICES[1])(mlp[1][0], ei1, zs)
    sp2 = _make_scatter(SLICES[2])(mlp[2][0], ei1, zs)

    sp0 = sp0.reshape(NCORE, NPAD, D)
    sp1 = sp1.reshape(NCORE, NPAD, D)
    sp2 = sp2.reshape(NCORE, NPAD, D)
    dg = dg.reshape(NCORE, NPAD, D)
    s1 = mlp[0][1] + mlp[1][1] + mlp[2][1]
    s2 = mlp[0][2] + mlp[1][2] + mlp[2][2]
    return _final([sp0, sp1, sp2], dg, s1, s2, bn_g[None], bn_b[None], Wo.T,
                  bo[None], feats)

# --- scband reference (transcript-rebuilt; emitter-appended) ---
"""Pipeline reference for scband-curv-layer-5205500362919 (READ-ONLY COPY).

The authoritative reference and input builder live on the scoring server;
editing this copy changes nothing except your own understanding.
"""

import jax, jax.numpy as jnp
import numpy as np

N = 10000
E = 320000
D = 128
H = 128
O = 128


def _xavier(key, shape):
    fan_out, fan_in = shape
    std = (2.0 / (fan_in + fan_out)) ** 0.5
    return jax.random.normal(key, shape, dtype=jnp.float32) * std


def setup_inputs(seed: int = 0) -> dict:
    key = jax.random.key(seed)
    ks = jax.random.split(key, 8)
    features = jax.random.normal(ks[0], (N, D), dtype=jnp.float32)
    edge_index = jax.random.randint(ks[1], (2, E), 0, N, dtype=jnp.int32)
    return {
        'features': features,
        'edge_index': edge_index,
        'c': -1,
        'W1': _xavier(ks[2], (H, 2 * D)),
        'b1': jnp.zeros((H,), jnp.float32),
        'ln_g': jnp.ones((H,), jnp.float32),
        'ln_b': jnp.zeros((H,), jnp.float32),
        'W2': _xavier(ks[3], (H, H)),
        'b2': jnp.zeros((H,), jnp.float32),
        'bn_g': jnp.ones((H,), jnp.float32),
        'bn_b': jnp.zeros((H,), jnp.float32),
        'Wo': _xavier(ks[4], (O, H)),
        'bo': jnp.zeros((O,), jnp.float32),
    }


def reference(features, edge_index, c, W1, b1, ln_g, ln_b, W2, b2, bn_g, bn_b, Wo, bo):
    c = jnp.asarray(c, jnp.float32)  # c = -1 -> hyperbolic branch
    sqrt_c = jnp.abs(c) ** 0.5

    def expmap(e):
        n = jnp.maximum(jnp.linalg.norm(e, axis=-1, keepdims=True), 1e-15)
        return jnp.tanh(sqrt_c * n) * e / (sqrt_c * n)

    def logmap(h):
        n = jnp.maximum(jnp.linalg.norm(h, axis=-1, keepdims=True), 1e-15)
        return (1.0 / sqrt_c) * jnp.arctanh(sqrt_c * n) / n * h

    def proj(x):
        n = jnp.maximum(jnp.linalg.norm(x, axis=-1, keepdims=True), 1e-15)
        maxn = (1 - 1e-05) / sqrt_c
        return jnp.where(n > maxn, x / n * maxn, x)

    feats = logmap(proj(expmap(features)))
    dst_feats = feats  # num_dst_nodes == N for a homogeneous graph

    src = jnp.take(feats, edge_index[0], axis=0)
    dst = jnp.take(feats, edge_index[1], axis=0)

    dist = jnp.linalg.norm(src - dst, axis=-1, keepdims=True)
    multi = jnp.sum(src * dst, axis=-1, keepdims=True)
    coef = 1.0 - jax.nn.sigmoid(2.0 * dist - 2.0 * c * (dist ** 3 / 3.0 + multi * dist ** 2))

    msg = jnp.concatenate([coef * src + src, dst], axis=-1)

    # edge_linear (LinearLayer, final=True, dropout = identity in eval)
    h = msg @ W1.T + b1
    h = jax.nn.elu(h)
    mu = jnp.mean(h, axis=-1, keepdims=True)
    var = jnp.var(h, axis=-1, keepdims=True)
    h = (h - mu) / jnp.sqrt(var + 1e-5) * ln_g + ln_b
    h = h @ W2.T + b2
    h = jax.nn.elu(h)

    # edge_bn: BatchNorm1d over the edge dimension (training-mode batch stats)
    m = jnp.mean(h, axis=0)
    v = jnp.var(h, axis=0)
    h = (h - m) / jnp.sqrt(v + 1e-5) * bn_g + bn_b

    # update_all(copy_e, sum): scatter-add messages into destination nodes
    out = jax.ops.segment_sum(h, edge_index[1], num_segments=N)
    out = out @ Wo.T + bo

    out = logmap(proj(expmap(out)))
    out = jax.nn.selu(out)
    out = out + dst_feats
    return out

if __name__ == "__main__":
    import jax
    _d = setup_inputs()
    print(jax.jit(kernel)(*tuple(_d.values())))

</pallas_src>

<mosaic_0001>
#map = affine_map<(d0, d1) -> (0)>
#map1 = affine_map<(d0, d1) -> (0, 0)>
module attributes {stable_mosaic.version = 14 : i64} {
  func.func @_deg_body(%arg0: i32, %arg1: i32, %arg2: memref<320000xi32, #tpu.memory_space<hbm>>, %arg3: memref<10240x128xf32, #tpu.memory_space<hbm>>, %arg4: memref<128x128xf32, #tpu.memory_space<hbm>>, %arg5: memref<20480x128xf32, #tpu.memory_space<hbm>>, %arg6: memref<128xi32, #tpu.memory_space<vmem>>, %arg7: memref<128xi32, #tpu.memory_space<vmem>>, %arg8: memref<128x128xf32, #tpu.memory_space<vmem>>, %arg9: memref<10240x128xf32, #tpu.memory_space<vmem_shared>>, %arg10: memref<!tpu.dma_semaphore, #tpu.memory_space<semaphore_mem>>, %arg11: memref<!tpu.dma_semaphore, #tpu.memory_space<semaphore_mem>>, %arg12: memref<!tpu.dma_semaphore, #tpu.memory_space<semaphore_mem>>, %arg13: memref<!tpu.dma_semaphore, #tpu.memory_space<semaphore_mem>>) attributes {dimension_semantics = [#tpu.dimension_semantics<core_parallel>, #tpu.dimension_semantics<subcore_parallel>], iteration_bounds = array<i64: 2, 16>, scalar_prefetch = 0 : i64, scratch_operands = 8 : i64, tpu.core_type = #tpu.core_type<sc_vector_subcore>, window_params = [{transform_indices = #map}, {transform_indices = #map1}, {transform_indices = #map1}, {transform_indices = #map1}]} {
    %mul3A = arith.constant 16 : i32
    %mul3A_0 = arith.muli %arg0, %mul3A : i32
    %add3A = arith.addi %mul3A_0, %arg1 : i32
    %mul3A_1 = arith.constant 640 : i32
    %mul3A_2 = arith.muli %arg1, %mul3A_1 : i32
    %eq3A = arith.constant 0 : i32
    %eq3A_3 = arith.cmpi eq, %arg1, %eq3A : i32
    %convert_element_type3A = arith.extui %eq3A_3 : i1 to i32
    %cond3A = arith.constant 0 : i32
    %cond3A_4 = arith.cmpi ne, %convert_element_type3A, %cond3A : i32
    scf.if %cond3A_4 {
      "tpu.region"() ({
        %run_scoped3A = tpu.sem_alloc : memref<!tpu.dma_semaphore, #tpu.memory_space<semaphore_mem>>
        tpu.enqueue_dma source(%arg3 : memref<10240x128xf32, #tpu.memory_space<hbm>>) target(%arg9 : memref<10240x128xf32, #tpu.memory_space<vmem_shared>>) target_semaphore(%run_scoped3A : memref<!tpu.dma_semaphore, #tpu.memory_space<semaphore_mem>>)
        tpu.wait_dma2 semaphore(%run_scoped3A : memref<!tpu.dma_semaphore, #tpu.memory_space<semaphore_mem>>) src(%arg3 : memref<10240x128xf32, #tpu.memory_space<hbm>>) dst(%arg9 : memref<10240x128xf32, #tpu.memory_space<vmem_shared>>)
        tpu.yield
      }) : () -> ()
    } else {
    }
    "tpu.region"() ({
      %run_scoped3A = tpu.sem_alloc : memref<!tpu.dma_semaphore, #tpu.memory_space<semaphore_mem>>
      tpu.enqueue_dma source(%arg4 : memref<128x128xf32, #tpu.memory_space<hbm>>) target(%arg8 : memref<128x128xf32, #tpu.memory_space<vmem>>) target_semaphore(%run_scoped3A : memref<!tpu.dma_semaphore, #tpu.memory_space<semaphore_mem>>)
      tpu.wait_dma2 semaphore(%run_scoped3A : memref<!tpu.dma_semaphore, #tpu.memory_space<semaphore_mem>>) src(%arg4 : memref<128x128xf32, #tpu.memory_space<hbm>>) dst(%arg8 : memref<128x128xf32, #tpu.memory_space<vmem>>)
      tpu.yield
    }) : () -> ()
    %barrier3A = arith.constant 0 : index
    tpu.barrier barrier_id(%barrier3A)
    %add3A_5 = arith.constant 0 : i32
    %add3A_6 = arith.addi %add3A, %add3A_5 : i32
    %mul3A_7 = arith.constant 128 : i32
    %mul3A_8 = arith.muli %add3A_6, %mul3A_7 : i32
    %dma_start3A = tpu.memref_slice %arg2[%mul3A_8] : memref<320000xi32, #tpu.memory_space<hbm>> -> memref<128xi32, #tpu.memory_space<hbm>>
    %dma_start3A_9 = tpu.memref_slice %arg2[%mul3A_8] : memref<320000xi32, #tpu.memory_space<hbm>> -> memref<128xi32, #tpu.memory_space<hbm>>
    tpu.enqueue_dma source(%dma_start3A_9 : memref<128xi32, #tpu.memory_space<hbm>>) target(%arg6 : memref<128xi32, #tpu.memory_space<vmem>>) target_semaphore(%arg10 : memref<!tpu.dma_semaphore, #tpu.memory_space<semaphore_mem>>)
    %scan3A = arith.constant 0 : i32
    %scan3A_10 = arith.constant 0 : i32
    %scan3A_11 = arith.constant 39 : i32
    %scan3A_12 = arith.addi %scan3A_10, %scan3A_11 : i32
    %scan3A_13 = arith.constant 1 : i32
    scf.for %scan3A_25 = %scan3A_10 to %scan3A_12 step %scan3A_13  : i32 {
      %mul3A_26 = arith.constant 2 : i32
      %mul3A_27 = arith.muli %scan3A_25, %mul3A_26 : i32
      %add3A_28 = arith.constant 0 : i32
      %add3A_29 = arith.addi %mul3A_27, %add3A_28 : i32
      %mul3A_30 = arith.constant 32 : i32
      %mul3A_31 = arith.muli %mul3A_30, %add3A_29 : i32
      %add3A_32 = arith.addi %add3A, %mul3A_31 : i32
      %mul3A_33 = arith.constant 128 : i32
      %mul3A_34 = arith.muli %add3A_32, %mul3A_33 : i32
      %dma_wait3A_35 = tpu.memref_slice %arg2[%mul3A_34] : memref<320000xi32, #tpu.memory_space<hbm>> -> memref<128xi32, #tpu.memory_space<hbm>>
      %dma_wait3A_36 = tpu.memref_slice %arg2[%mul3A_34] : memref<320000xi32, #tpu.memory_space<hbm>> -> memref<128xi32, #tpu.memory_space<hbm>>
      tpu.wait_dma2 semaphore(%arg10 : memref<!tpu.dma_semaphore, #tpu.memory_space<semaphore_mem>>) src(%dma_wait3A_36 : memref<128xi32, #tpu.memory_space<hbm>>) dst(%arg6 : memref<128xi32, #tpu.memory_space<vmem>>)
      %dma_start3A_37 = arith.constant 0 : i32
      %dma_start3A_38 = arith.constant 0 : i32
      %dma_start3A_39 = tpu.memref_slice %arg9[%dma_start3A_37, %dma_start3A_38] : memref<10240x128xf32, #tpu.memory_space<vmem_shared>> -> memref<10240x128xf32, #tpu.memory_space<vmem_shared>>
      tpu.enqueue_indirect_dma source(%arg8 : memref<128x128xf32, #tpu.memory_space<vmem>>) target(%dma_start3A_39 : memref<10240x128xf32, #tpu.memory_space<vmem_shared>>) offsets(%arg6 : memref<128xi32, #tpu.memory_space<vmem>>) semaphore(%arg12 : memref<!tpu.dma_semaphore, #tpu.memory_space<semaphore_mem>>) {add = true}
      %ge3A = arith.constant 1 : i32
      %ge3A_40 = arith.cmpi sge, %add3A_29, %ge3A : i32
      %convert_element_type3A_41 = arith.extui %ge3A_40 : i1 to i32
      %cond3A_42 = arith.constant 0 : i32
      %cond3A_43 = arith.cmpi ne, %convert_element_type3A_41, %cond3A_42 : i32
      scf.if %cond3A_43 {
        %dma_wait3A_77 = arith.constant 0 : i32
        %dma_wait3A_78 = arith.constant 0 : i32
        %dma_wait3A_79 = tpu.memref_slice %arg9[%dma_wait3A_77, %dma_wait3A_78] : memref<10240x128xf32, #tpu.memory_space<vmem_shared>> -> memref<10240x128xf32, #tpu.memory_space<vmem_shared>>
        tpu.wait_indirect_dma semaphore(%arg13 : memref<!tpu.dma_semaphore, #tpu.memory_space<semaphore_mem>>) src(%arg8 : memref<128x128xf32, #tpu.memory_space<vmem>>) dst(%dma_wait3A_79 : memref<10240x128xf32, #tpu.memory_space<vmem_shared>>)
      } else {
      }
      %add3A_44 = arith.constant 1 : i32
      %add3A_45 = arith.addi %add3A_29, %add3A_44 : i32
      %lt3A_46 = arith.constant 78 : i32
      %lt3A_47 = arith.cmpi slt, %add3A_45, %lt3A_46 : i32
      %convert_element_type3A_48 = arith.extui %lt3A_47 : i1 to i32
      %cond3A_49 = arith.constant 0 : i32
      %cond3A_50 = arith.cmpi ne, %convert_element_type3A_48, %cond3A_49 : i32
      scf.if %cond3A_50 {
        %add3A_77 = arith.constant 1 : i32
        %add3A_78 = arith.addi %add3A_29, %add3A_77 : i32
        %mul3A_79 = arith.constant 32 : i32
        %mul3A_80 = arith.muli %mul3A_79, %add3A_78 : i32
        %add3A_81 = arith.addi %add3A, %mul3A_80 : i32
        %mul3A_82 = arith.constant 128 : i32
        %mul3A_83 = arith.muli %add3A_81, %mul3A_82 : i32
        %dma_start3A_84 = tpu.memref_slice %arg2[%mul3A_83] : memref<320000xi32, #tpu.memory_space<hbm>> -> memref<128xi32, #tpu.memory_space<hbm>>
        %dma_start3A_85 = tpu.memref_slice %arg2[%mul3A_83] : memref<320000xi32, #tpu.memory_space<hbm>> -> memref<128xi32, #tpu.memory_space<hbm>>
        tpu.enqueue_dma source(%dma_start3A_85 : memref<128xi32, #tpu.memory_space<hbm>>) target(%arg7 : memref<128xi32, #tpu.memory_space<vmem>>) target_semaphore(%arg11 : memref<!tpu.dma_semaphore, #tpu.memory_space<semaphore_mem>>)
      } else {
      }
      %mul3A_51 = arith.constant 2 : i32
      %mul3A_52 = arith.muli %scan3A_25, %mul3A_51 : i32
      %add3A_53 = arith.constant 1 : i32
      %add3A_54 = arith.addi %mul3A_52, %add3A_53 : i32
      %mul3A_55 = arith.constant 32 : i32
      %mul3A_56 = arith.muli %mul3A_55, %add3A_54 : i32
      %add3A_57 = arith.addi %add3A, %mul3A_56 : i32
      %mul3A_58 = arith.constant 128 : i32
      %mul3A_59 = arith.muli %add3A_57, %mul3A_58 : i32
      %dma_wait3A_60 = tpu.memref_slice %arg2[%mul3A_59] : memref<320000xi32, #tpu.memory_space<hbm>> -> memref<128xi32, #tpu.memory_space<hbm>>
      %dma_wait3A_61 = tpu.memref_slice %arg2[%mul3A_59] : memref<320000xi32, #tpu.memory_space<hbm>> -> memref<128xi32, #tpu.memory_space<hbm>>
      tpu.wait_dma2 semaphore(%arg11 : memref<!tpu.dma_semaphore, #tpu.memory_space<semaphore_mem>>) src(%dma_wait3A_61 : memref<128xi32, #tpu.memory_space<hbm>>) dst(%arg7 : memref<128xi32, #tpu.memory_space<vmem>>)
      %dma_start3A_62 = arith.constant 0 : i32
      %dma_start3A_63 = arith.constant 0 : i32
      %dma_start3A_64 = tpu.memref_slice %arg9[%dma_start3A_62, %dma_start3A_63] : memref<10240x128xf32, #tpu.memory_space<vmem_shared>> -> memref<10240x128xf32, #tpu.memory_space<vmem_shared>>
      tpu.enqueue_indirect_dma source(%arg8 : memref<128x128xf32, #tpu.memory_space<vmem>>) target(%dma_start3A_64 : memref<10240x128xf32, #tpu.memory_space<vmem_shared>>) offsets(%arg7 : memref<128xi32, #tpu.memory_space<vmem>>) semaphore(%arg13 : memref<!tpu.dma_semaphore, #tpu.memory_space<semaphore_mem>>) {add = true}
      %ge3A_65 = arith.constant 1 : i32
      %ge3A_66 = arith.cmpi sge, %add3A_54, %ge3A_65 : i32
      %convert_element_type3A_67 = arith.extui %ge3A_66 : i1 to i32
      %cond3A_68 = arith.constant 0 : i32
      %cond3A_69 = arith.cmpi ne, %convert_element_type3A_67, %cond3A_68 : i32
      scf.if %cond3A_69 {
        %dma_wait3A_77 = arith.constant 0 : i32
        %dma_wait3A_78 = arith.constant 0 : i32
        %dma_wait3A_79 = tpu.memref_slice %arg9[%dma_wait3A_77, %dma_wait3A_78] : memref<10240x128xf32, #tpu.memory_space<vmem_shared>> -> memref<10240x128xf32, #tpu.memory_space<vmem_shared>>
        tpu.wait_indirect_dma semaphore(%arg12 : memref<!tpu.dma_semaphore, #tpu.memory_space<semaphore_mem>>) src(%arg8 : memref<128x128xf32, #tpu.memory_space<vmem>>) dst(%dma_wait3A_79 : memref<10240x128xf32, #tpu.memory_space<vmem_shared>>)
      } else {
      }
      %add3A_70 = arith.constant 1 : i32
      %add3A_71 = arith.addi %add3A_54, %add3A_70 : i32
      %lt3A_72 = arith.constant 78 : i32
      %lt3A_73 = arith.cmpi slt, %add3A_71, %lt3A_72 : i32
      %convert_element_type3A_74 = arith.extui %lt3A_73 : i1 to i32
      %cond3A_75 = arith.constant 0 : i32
      %cond3A_76 = arith.cmpi ne, %convert_element_type3A_74, %cond3A_75 : i32
      scf.if %cond3A_76 {
        %add3A_77 = arith.constant 1 : i32
        %add3A_78 = arith.addi %add3A_54, %add3A_77 : i32
        %mul3A_79 = arith.constant 32 : i32
        %mul3A_80 = arith.muli %mul3A_79, %add3A_78 : i32
        %add3A_81 = arith.addi %add3A, %mul3A_80 : i32
        %mul3A_82 = arith.constant 128 : i32
        %mul3A_83 = arith.muli %add3A_81, %mul3A_82 : i32
        %dma_start3A_84 = tpu.memref_slice %arg2[%mul3A_83] : memref<320000xi32, #tpu.memory_space<hbm>> -> memref<128xi32, #tpu.memory_space<hbm>>
        %dma_start3A_85 = tpu.memref_slice %arg2[%mul3A_83] : memref<320000xi32, #tpu.memory_space<hbm>> -> memref<128xi32, #tpu.memory_space<hbm>>
        tpu.enqueue_dma source(%dma_start3A_85 : memref<128xi32, #tpu.memory_space<hbm>>) target(%arg6 : memref<128xi32, #tpu.memory_space<vmem>>) target_semaphore(%arg10 : memref<!tpu.dma_semaphore, #tpu.memory_space<semaphore_mem>>)
      } else {
      }
    }
    %scan3A_14 = arith.constant 39 : i32
    %dma_wait3A = arith.constant 0 : i32
    %dma_wait3A_15 = arith.constant 0 : i32
    %dma_wait3A_16 = tpu.memref_slice %arg9[%dma_wait3A, %dma_wait3A_15] : memref<10240x128xf32, #tpu.memory_space<vmem_shared>> -> memref<10240x128xf32, #tpu.memory_space<vmem_shared>>
    tpu.wait_indirect_dma semaphore(%arg13 : memref<!tpu.dma_semaphore, #tpu.memory_space<semaphore_mem>>) src(%arg8 : memref<128x128xf32, #tpu.memory_space<vmem>>) dst(%dma_wait3A_16 : memref<10240x128xf32, #tpu.memory_space<vmem_shared>>)
    %lt3A = arith.constant 4 : i32
    %lt3A_17 = arith.cmpi slt, %add3A, %lt3A : i32
    %convert_element_type3A_18 = arith.extui %lt3A_17 : i1 to i32
    %cond3A_19 = arith.constant 0 : i32
    %cond3A_20 = arith.cmpi ne, %convert_element_type3A_18, %cond3A_19 : i32
    scf.if %cond3A_20 {
      %add3A_25 = arith.constant 2496 : i32
      %add3A_26 = arith.addi %add3A_25, %add3A : i32
      %mul3A_27 = arith.constant 128 : i32
      %mul3A_28 = arith.muli %add3A_26, %mul3A_27 : i32
      "tpu.region"() ({
        %run_scoped3A = tpu.sem_alloc : memref<!tpu.dma_semaphore, #tpu.memory_space<semaphore_mem>>
        %dma_start3A_29 = tpu.memref_slice %arg2[%mul3A_28] : memref<320000xi32, #tpu.memory_space<hbm>> -> memref<128xi32, #tpu.memory_space<hbm>>
        %dma_start3A_30 = tpu.memref_slice %arg2[%mul3A_28] : memref<320000xi32, #tpu.memory_space<hbm>> -> memref<128xi32, #tpu.memory_space<hbm>>
        tpu.enqueue_dma source(%dma_start3A_30 : memref<128xi32, #tpu.memory_space<hbm>>) target(%arg6 : memref<128xi32, #tpu.memory_space<vmem>>) target_semaphore(%run_scoped3A : memref<!tpu.dma_semaphore, #tpu.memory_space<semaphore_mem>>)
        %dma_wait3A_31 = tpu.memref_slice %arg2[%mul3A_28] : memref<320000xi32, #tpu.memory_space<hbm>> -> memref<128xi32, #tpu.memory_space<hbm>>
        %dma_wait3A_32 = tpu.memref_slice %arg2[%mul3A_28] : memref<320000xi32, #tpu.memory_space<hbm>> -> memref<128xi32, #tpu.memory_space<hbm>>
        tpu.wait_dma2 semaphore(%run_scoped3A : memref<!tpu.dma_semaphore, #tpu.memory_space<semaphore_mem>>) src(%dma_wait3A_32 : memref<128xi32, #tpu.memory_space<hbm>>) dst(%arg6 : memref<128xi32, #tpu.memory_space<vmem>>)
        tpu.yield
      }) : () -> ()
      "tpu.region"() ({
        %run_scoped3A = tpu.sem_alloc : memref<!tpu.dma_semaphore, #tpu.memory_space<semaphore_mem>>
        %dma_start3A_29 = arith.constant 0 : i32
        %dma_start3A_30 = arith.constant 0 : i32
        %dma_start3A_31 = tpu.memref_slice %arg9[%dma_start3A_29, %dma_start3A_30] : memref<10240x128xf32, #tpu.memory_space<vmem_shared>> -> memref<10240x128xf32, #tpu.memory_space<vmem_shared>>
        tpu.enqueue_indirect_dma source(%arg8 : memref<128x128xf32, #tpu.memory_space<vmem>>) target(%dma_start3A_31 : memref<10240x128xf32, #tpu.memory_space<vmem_shared>>) offsets(%arg6 : memref<128xi32, #tpu.memory_space<vmem>>) semaphore(%run_scoped3A : memref<!tpu.dma_semaphore, #tpu.memory_space<semaphore_mem>>) {add = true}
        %dma_wait3A_32 = arith.constant 0 : i32
        %dma_wait3A_33 = arith.constant 0 : i32
        %dma_wait3A_34 = tpu.memref_slice %arg9[%dma_wait3A_32, %dma_wait3A_33] : memref<10240x128xf32, #tpu.memory_space<vmem_shared>> -> memref<10240x128xf32, #tpu.memory_space<vmem_shared>>
        tpu.wait_indirect_dma semaphore(%run_scoped3A : memref<!tpu.dma_semaphore, #tpu.memory_space<semaphore_mem>>) src(%arg8 : memref<128x128xf32, #tpu.memory_space<vmem>>) dst(%dma_wait3A_34 : memref<10240x128xf32, #tpu.memory_space<vmem_shared>>)
        tpu.yield
      }) : () -> ()
    } else {
    }
    %barrier3A_21 = arith.constant 0 : index
    tpu.barrier barrier_id(%barrier3A_21)
    %mul3A_22 = arith.constant 10240 : i32
    %mul3A_23 = arith.muli %arg0, %mul3A_22 : i32
    %add3A_24 = arith.addi %mul3A_23, %mul3A_2 : i32
    "tpu.region"() ({
      %run_scoped3A = tpu.sem_alloc : memref<!tpu.dma_semaphore, #tpu.memory_space<semaphore_mem>>
      %dma_start3A_25 = arith.constant 0 : i32
      %dma_start3A_26 = tpu.memref_slice %arg5[%add3A_24, %dma_start3A_25] : memref<20480x128xf32, #tpu.memory_space<hbm>> -> memref<640x128xf32, #tpu.memory_space<hbm>>
      %dma_start3A_27 = arith.constant 0 : i32
      %dma_start3A_28 = tpu.memref_slice %arg9[%mul3A_2, %dma_start3A_27] : memref<10240x128xf32, #tpu.memory_space<vmem_shared>> -> memref<640x128xf32, #tpu.memory_space<vmem_shared>>
      tpu.enqueue_dma source(%dma_start3A_28 : memref<640x128xf32, #tpu.memory_space<vmem_shared>>) target(%dma_start3A_26 : memref<640x128xf32, #tpu.memory_space<hbm>>) target_semaphore(%run_scoped3A : memref<!tpu.dma_semaphore, #tpu.memory_space<semaphore_mem>>)
      %dma_wait3A_29 = arith.constant 0 : i32
      %dma_wait3A_30 = tpu.memref_slice %arg5[%add3A_24, %dma_wait3A_29] : memref<20480x128xf32, #tpu.memory_space<hbm>> -> memref<640x128xf32, #tpu.memory_space<hbm>>
      %dma_wait3A_31 = arith.constant 0 : i32
      %dma_wait3A_32 = tpu.memref_slice %arg9[%mul3A_2, %dma_wait3A_31] : memref<10240x128xf32, #tpu.memory_space<vmem_shared>> -> memref<640x128xf32, #tpu.memory_space<vmem_shared>>
      tpu.wait_dma2 semaphore(%run_scoped3A : memref<!tpu.dma_semaphore, #tpu.memory_space<semaphore_mem>>) src(%dma_wait3A_32 : memref<640x128xf32, #tpu.memory_space<vmem_shared>>) dst(%dma_wait3A_30 : memref<640x128xf32, #tpu.memory_space<hbm>>)
      tpu.yield
    }) : () -> ()
    return
  }
}

#map = affine_map<(d0, d1) -> (0, 0)>
#map1 = affine_map<(d0, d1) -> (0)>
module attributes {stable_mosaic.version = 14 : i64} {
  func.func @body(%arg0: i32, %arg1: i32, %arg2: memref<10000x128xf32, #tpu.memory_space<hbm>>, %arg3: memref<320000xi32, #tpu.memory_space<hbm>>, %arg4: memref<320000xi32, #tpu.memory_space<hbm>>, %arg5: memref<115200x128xf32, #tpu.memory_space<hbm>>, %arg6: memref<115200x128xf32, #tpu.memory_space<hbm>>, %arg7: memref<128xi32, #tpu.memory_space<vmem>>, %arg8: memref<128xi32, #tpu.memory_space<vmem>>, %arg9: memref<128xi32, #tpu.memory_space<vmem>>, %arg10: memref<128xi32, #tpu.memory_space<vmem>>, %arg11: memref<128x128xf32, #tpu.memory_space<vmem>>, %arg12: memref<128x128xf32, #tpu.memory_space<vmem>>, %arg13: memref<128x128xf32, #tpu.memory_space<vmem>>, %arg14: memref<128x128xf32, #tpu.memory_space<vmem>>, %arg15: memref<!tpu.dma_semaphore, #tpu.memory_space<semaphore_mem>>, %arg16: memref<!tpu.dma_semaphore, #tpu.memory_space<semaphore_mem>>, %arg17: memref<!tpu.dma_semaphore, #tpu.memory_space<semaphore_mem>>, %arg18: memref<!tpu.dma_semaphore, #tpu.memory_space<semaphore_mem>>, %arg19: memref<!tpu.dma_semaphore, #tpu.memory_space<semaphore_mem>>, %arg20: memref<!tpu.dma_semaphore, #tpu.memory_space<semaphore_mem>>) attributes {dimension_semantics = [#tpu.dimension_semantics<core_parallel>, #tpu.dimension_semantics<subcore_parallel>], iteration_bounds = array<i64: 2, 16>, scalar_prefetch = 0 : i64, scratch_operands = 14 : i64, tpu.core_type = #tpu.core_type<sc_vector_subcore>, window_params = [{transform_indices = #map}, {transform_indices = #map1}, {transform_indices = #map1}, {transform_indices = #map}, {transform_indices = #map}]} {
    %mul3A = arith.constant 16 : i32
    %mul3A_0 = arith.muli %arg0, %mul3A : i32
    %add3A = arith.addi %mul3A_0, %arg1 : i32
    %add3A_1 = arith.constant 1600 : i32
    %add3A_2 = arith.addi %add3A_1, %add3A : i32
    %add3A_3 = arith.constant 0 : i32
    %add3A_4 = arith.addi %add3A_2, %add3A_3 : i32
    %mul3A_5 = arith.constant 128 : i32
    %mul3A_6 = arith.muli %add3A_4, %mul3A_5 : i32
    %dma_start3A = tpu.memref_slice %arg3[%mul3A_6] : memref<320000xi32, #tpu.memory_space<hbm>> -> memref<128xi32, #tpu.memory_space<hbm>>
    %dma_start3A_7 = tpu.memref_slice %arg3[%mul3A_6] : memref<320000xi32, #tpu.memory_space<hbm>> -> memref<128xi32, #tpu.memory_space<hbm>>
    tpu.enqueue_dma source(%dma_start3A_7 : memref<128xi32, #tpu.memory_space<hbm>>) target(%arg7 : memref<128xi32, #tpu.memory_space<vmem>>) target_semaphore(%arg15 : memref<!tpu.dma_semaphore, #tpu.memory_space<semaphore_mem>>)
    %dma_start3A_8 = tpu.memref_slice %arg4[%mul3A_6] : memref<320000xi32, #tpu.memory_space<hbm>> -> memref<128xi32, #tpu.memory_space<hbm>>
    %dma_start3A_9 = tpu.memref_slice %arg4[%mul3A_6] : memref<320000xi32, #tpu.memory_space<hbm>> -> memref<128xi32, #tpu.memory_space<hbm>>
    tpu.enqueue_dma source(%dma_start3A_9 : memref<128xi32, #tpu.memory_space<hbm>>) target(%arg8 : memref<128xi32, #tpu.memory_space<vmem>>) target_semaphore(%arg15 : memref<!tpu.dma_semaphore, #tpu.memory_space<semaphore_mem>>)
    %add3A_10 = arith.constant 1600 : i32
    %add3A_11 = arith.addi %add3A_10, %add3A : i32
    %add3A_12 = arith.constant 32 : i32
    %add3A_13 = arith.addi %add3A_11, %add3A_12 : i32
    %mul3A_14 = arith.constant 128 : i32
    %mul3A_15 = arith.muli %add3A_13, %mul3A_14 : i32
    %dma_start3A_16 = tpu.memref_slice %arg3[%mul3A_15] : memref<320000xi32, #tpu.memory_space<hbm>> -> memref<128xi32, #tpu.memory_space<hbm>>
    %dma_start3A_17 = tpu.memref_slice %arg3[%mul3A_15] : memref<320000xi32, #tpu.memory_space<hbm>> -> memref<128xi32, #tpu.memory_space<hbm>>
    tpu.enqueue_dma source(%dma_start3A_17 : memref<128xi32, #tpu.memory_space<hbm>>) target(%arg9 : memref<128xi32, #tpu.memory_space<vmem>>) target_semaphore(%arg16 : memref<!tpu.dma_semaphore, #tpu.memory_space<semaphore_mem>>)
    %dma_start3A_18 = tpu.memref_slice %arg4[%mul3A_15] : memref<320000xi32, #tpu.memory_space<hbm>> -> memref<128xi32, #tpu.memory_space<hbm>>
    %dma_start3A_19 = tpu.memref_slice %arg4[%mul3A_15] : memref<320000xi32, #tpu.memory_space<hbm>> -> memref<128xi32, #tpu.memory_space<hbm>>
    tpu.enqueue_dma source(%dma_start3A_19 : memref<128xi32, #tpu.memory_space<hbm>>) target(%arg10 : memref<128xi32, #tpu.memory_space<vmem>>) target_semaphore(%arg16 : memref<!tpu.dma_semaphore, #tpu.memory_space<semaphore_mem>>)
    %scan3A = arith.constant 0 : i32
    %scan3A_20 = arith.constant 0 : i32
    %scan3A_21 = arith.constant 14 : i32
    %scan3A_22 = arith.addi %scan3A_20, %scan3A_21 : i32
    %scan3A_23 = arith.constant 1 : i32
    scf.for %scan3A_50 = %scan3A_20 to %scan3A_22 step %scan3A_23  : i32 {
      %mul3A_51 = arith.constant 2 : i32
      %mul3A_52 = arith.muli %scan3A_50, %mul3A_51 : i32
      %add3A_53 = arith.constant 0 : i32
      %add3A_54 = arith.addi %mul3A_52, %add3A_53 : i32
      %add3A_55 = arith.constant 1600 : i32
      %add3A_56 = arith.addi %add3A_55, %add3A : i32
      %mul3A_57 = arith.constant 32 : i32
      %mul3A_58 = arith.muli %mul3A_57, %add3A_54 : i32
      %add3A_59 = arith.addi %add3A_56, %mul3A_58 : i32
      %mul3A_60 = arith.constant 128 : i32
      %mul3A_61 = arith.muli %add3A_59, %mul3A_60 : i32
      %mul3A_62 = arith.constant 32 : i32
      %mul3A_63 = arith.muli %mul3A_62, %add3A_54 : i32
      %add3A_64 = arith.addi %add3A, %mul3A_63 : i32
      %mul3A_65 = arith.constant 128 : i32
      %mul3A_66 = arith.muli %add3A_64, %mul3A_65 : i32
      %ge3A = arith.constant 2 : i32
      %ge3A_67 = arith.cmpi sge, %add3A_54, %ge3A : i32
      %convert_element_type3A_68 = arith.extui %ge3A_67 : i1 to i32
      %cond3A_69 = arith.constant 0 : i32
      %cond3A_70 = arith.cmpi ne, %convert_element_type3A_68, %cond3A_69 : i32
      scf.if %cond3A_70 {
        %sub3A = arith.constant 2 : i32
        %sub3A_154 = arith.subi %add3A_54, %sub3A : i32
        %mul3A_155 = arith.constant 32 : i32
        %mul3A_156 = arith.muli %mul3A_155, %sub3A_154 : i32
        %add3A_157 = arith.addi %add3A, %mul3A_156 : i32
        %mul3A_158 = arith.constant 128 : i32
        %mul3A_159 = arith.muli %add3A_157, %mul3A_158 : i32
        %dma_wait3A_160 = arith.constant 0 : i32
        %dma_wait3A_161 = tpu.memref_slice %arg5[%mul3A_159, %dma_wait3A_160] : memref<115200x128xf32, #tpu.memory_space<hbm>> -> memref<128x128xf32, #tpu.memory_space<hbm>>
        %dma_wait3A_162 = arith.constant 0 : i32
        %dma_wait3A_163 = tpu.memref_slice %arg5[%mul3A_159, %dma_wait3A_162] : memref<115200x128xf32, #tpu.memory_space<hbm>> -> memref<128x128xf32, #tpu.memory_space<hbm>>
        tpu.wait_dma2 semaphore(%arg19 : memref<!tpu.dma_semaphore, #tpu.memory_space<semaphore_mem>>) src(%arg11 : memref<128x128xf32, #tpu.memory_space<vmem>>) dst(%dma_wait3A_163 : memref<128x128xf32, #tpu.memory_space<hbm>>)
        %dma_wait3A_164 = arith.constant 0 : i32
        %dma_wait3A_165 = tpu.memref_slice %arg6[%mul3A_159, %dma_wait3A_164] : memref<115200x128xf32, #tpu.memory_space<hbm>> -> memref<128x128xf32, #tpu.memory_space<hbm>>
        %dma_wait3A_166 = arith.constant 0 : i32
        %dma_wait3A_167 = tpu.memref_slice %arg6[%mul3A_159, %dma_wait3A_166] : memref<115200x128xf32, #tpu.memory_space<hbm>> -> memref<128x128xf32, #tpu.memory_space<hbm>>
        tpu.wait_dma2 semaphore(%arg19 : memref<!tpu.dma_semaphore, #tpu.memory_space<semaphore_mem>>) src(%arg12 : memref<128x128xf32, #tpu.memory_space<vmem>>) dst(%dma_wait3A_167 : memref<128x128xf32, #tpu.memory_space<hbm>>)
      } else {
      }
      %dma_wait3A_71 = tpu.memref_slice %arg3[%mul3A_61] : memref<320000xi32, #tpu.memory_space<hbm>> -> memref<128xi32, #tpu.memory_space<hbm>>
      %dma_wait3A_72 = tpu.memref_slice %arg3[%mul3A_61] : memref<320000xi32, #tpu.memory_space<hbm>> -> memref<128xi32, #tpu.memory_space<hbm>>
      tpu.wait_dma2 semaphore(%arg15 : memref<!tpu.dma_semaphore, #tpu.memory_space<semaphore_mem>>) src(%dma_wait3A_72 : memref<128xi32, #tpu.memory_space<hbm>>) dst(%arg7 : memref<128xi32, #tpu.memory_space<vmem>>)
      %dma_wait3A_73 = tpu.memref_slice %arg4[%mul3A_61] : memref<320000xi32, #tpu.memory_space<hbm>> -> memref<128xi32, #tpu.memory_space<hbm>>
      %dma_wait3A_74 = tpu.memref_slice %arg4[%mul3A_61] : memref<320000xi32, #tpu.memory_space<hbm>> -> memref<128xi32, #tpu.memory_space<hbm>>
      tpu.wait_dma2 semaphore(%arg15 : memref<!tpu.dma_semaphore, #tpu.memory_space<semaphore_mem>>) src(%dma_wait3A_74 : memref<128xi32, #tpu.memory_space<hbm>>) dst(%arg8 : memref<128xi32, #tpu.memory_space<vmem>>)
      %dma_start3A_75 = arith.constant 0 : i32
      %dma_start3A_76 = arith.constant 0 : i32
      %dma_start3A_77 = tpu.memref_slice %arg2[%dma_start3A_75, %dma_start3A_76] : memref<10000x128xf32, #tpu.memory_space<hbm>> -> memref<10000x128xf32, #tpu.memory_space<hbm>>
      tpu.enqueue_indirect_dma source(%dma_start3A_77 : memref<10000x128xf32, #tpu.memory_space<hbm>>) target(%arg11 : memref<128x128xf32, #tpu.memory_space<vmem>>) offsets(%arg7 : memref<128xi32, #tpu.memory_space<vmem>>) semaphore(%arg17 : memref<!tpu.dma_semaphore, #tpu.memory_space<semaphore_mem>>)
      %dma_start3A_78 = arith.constant 0 : i32
      %dma_start3A_79 = arith.constant 0 : i32
      %dma_start3A_80 = tpu.memref_slice %arg2[%dma_start3A_78, %dma_start3A_79] : memref<10000x128xf32, #tpu.memory_space<hbm>> -> memref<10000x128xf32, #tpu.memory_space<hbm>>
      tpu.enqueue_indirect_dma source(%dma_start3A_80 : memref<10000x128xf32, #tpu.memory_space<hbm>>) target(%arg12 : memref<128x128xf32, #tpu.memory_space<vmem>>) offsets(%arg8 : memref<128xi32, #tpu.memory_space<vmem>>) semaphore(%arg17 : memref<!tpu.dma_semaphore, #tpu.memory_space<semaphore_mem>>)
      %dma_wait3A_81 = arith.constant 0 : i32
      %dma_wait3A_82 = arith.constant 0 : i32
      %dma_wait3A_83 = tpu.memref_slice %arg2[%dma_wait3A_81, %dma_wait3A_82] : memref<10000x128xf32, #tpu.memory_space<hbm>> -> memref<10000x128xf32, #tpu.memory_space<hbm>>
      tpu.wait_indirect_dma semaphore(%arg17 : memref<!tpu.dma_semaphore, #tpu.memory_space<semaphore_mem>>) src(%dma_wait3A_83 : memref<10000x128xf32, #tpu.memory_space<hbm>>) dst(%arg11 : memref<128x128xf32, #tpu.memory_space<vmem>>)
      %dma_wait3A_84 = arith.constant 0 : i32
      %dma_wait3A_85 = arith.constant 0 : i32
      %dma_wait3A_86 = tpu.memref_slice %arg2[%dma_wait3A_84, %dma_wait3A_85] : memref<10000x128xf32, #tpu.memory_space<hbm>> -> memref<10000x128xf32, #tpu.memory_space<hbm>>
      tpu.wait_indirect_dma semaphore(%arg17 : memref<!tpu.dma_semaphore, #tpu.memory_space<semaphore_mem>>) src(%dma_wait3A_86 : memref<10000x128xf32, #tpu.memory_space<hbm>>) dst(%arg12 : memref<128x128xf32, #tpu.memory_space<vmem>>)
      %dma_start3A_87 = arith.constant 0 : i32
      %dma_start3A_88 = tpu.memref_slice %arg5[%mul3A_66, %dma_start3A_87] : memref<115200x128xf32, #tpu.memory_space<hbm>> -> memref<128x128xf32, #tpu.memory_space<hbm>>
      %dma_start3A_89 = arith.constant 0 : i32
      %dma_start3A_90 = tpu.memref_slice %arg5[%mul3A_66, %dma_start3A_89] : memref<115200x128xf32, #tpu.memory_space<hbm>> -> memref<128x128xf32, #tpu.memory_space<hbm>>
      tpu.enqueue_dma source(%arg11 : memref<128x128xf32, #tpu.memory_space<vmem>>) target(%dma_start3A_90 : memref<128x128xf32, #tpu.memory_space<hbm>>) target_semaphore(%arg19 : memref<!tpu.dma_semaphore, #tpu.memory_space<semaphore_mem>>)
      %dma_start3A_91 = arith.constant 0 : i32
      %dma_start3A_92 = tpu.memref_slice %arg6[%mul3A_66, %dma_start3A_91] : memref<115200x128xf32, #tpu.memory_space<hbm>> -> memref<128x128xf32, #tpu.memory_space<hbm>>
      %dma_start3A_93 = arith.constant 0 : i32
      %dma_start3A_94 = tpu.memref_slice %arg6[%mul3A_66, %dma_start3A_93] : memref<115200x128xf32, #tpu.memory_space<hbm>> -> memref<128x128xf32, #tpu.memory_space<hbm>>
      tpu.enqueue_dma source(%arg12 : memref<128x128xf32, #tpu.memory_space<vmem>>) target(%dma_start3A_94 : memref<128x128xf32, #tpu.memory_space<hbm>>) target_semaphore(%arg19 : memref<!tpu.dma_semaphore, #tpu.memory_space<semaphore_mem>>)
      %add3A_95 = arith.constant 2 : i32
      %add3A_96 = arith.addi %add3A_54, %add3A_95 : i32
      %lt3A_97 = arith.constant 28 : i32
      %lt3A_98 = arith.cmpi slt, %add3A_96, %lt3A_97 : i32
      %convert_element_type3A_99 = arith.extui %lt3A_98 : i1 to i32
      %cond3A_100 = arith.constant 0 : i32
      %cond3A_101 = arith.cmpi ne, %convert_element_type3A_99, %cond3A_100 : i32
      scf.if %cond3A_101 {
        %add3A_154 = arith.constant 2 : i32
        %add3A_155 = arith.addi %add3A_54, %add3A_154 : i32
        %add3A_156 = arith.constant 1600 : i32
        %add3A_157 = arith.addi %add3A_156, %add3A : i32
        %mul3A_158 = arith.constant 32 : i32
        %mul3A_159 = arith.muli %mul3A_158, %add3A_155 : i32
        %add3A_160 = arith.addi %add3A_157, %mul3A_159 : i32
        %mul3A_161 = arith.constant 128 : i32
        %mul3A_162 = arith.muli %add3A_160, %mul3A_161 : i32
        %dma_start3A_163 = tpu.memref_slice %arg3[%mul3A_162] : memref<320000xi32, #tpu.memory_space<hbm>> -> memref<128xi32, #tpu.memory_space<hbm>>
        %dma_start3A_164 = tpu.memref_slice %arg3[%mul3A_162] : memref<320000xi32, #tpu.memory_space<hbm>> -> memref<128xi32, #tpu.memory_space<hbm>>
        tpu.enqueue_dma source(%dma_start3A_164 : memref<128xi32, #tpu.memory_space<hbm>>) target(%arg7 : memref<128xi32, #tpu.memory_space<vmem>>) target_semaphore(%arg15 : memref<!tpu.dma_semaphore, #tpu.memory_space<semaphore_mem>>)
        %dma_start3A_165 = tpu.memref_slice %arg4[%mul3A_162] : memref<320000xi32, #tpu.memory_space<hbm>> -> memref<128xi32, #tpu.memory_space<hbm>>
        %dma_start3A_166 = tpu.memref_slice %arg4[%mul3A_162] : memref<320000xi32, #tpu.memory_space<hbm>> -> memref<128xi32, #tpu.memory_space<hbm>>
        tpu.enqueue_dma source(%dma_start3A_166 : memref<128xi32, #tpu.memory_space<hbm>>) target(%arg8 : memref<128xi32, #tpu.memory_space<vmem>>) target_semaphore(%arg15 : memref<!tpu.dma_semaphore, #tpu.memory_space<semaphore_mem>>)
      } else {
      }
      %mul3A_102 = arith.constant 2 : i32
      %mul3A_103 = arith.muli %scan3A_50, %mul3A_102 : i32
      %add3A_104 = arith.constant 1 : i32
      %add3A_105 = arith.addi %mul3A_103, %add3A_104 : i32
      %add3A_106 = arith.constant 1600 : i32
      %add3A_107 = arith.addi %add3A_106, %add3A : i32
      %mul3A_108 = arith.constant 32 : i32
      %mul3A_109 = arith.muli %mul3A_108, %add3A_105 : i32
      %add3A_110 = arith.addi %add3A_107, %mul3A_109 : i32
      %mul3A_111 = arith.constant 128 : i32
      %mul3A_112 = arith.muli %add3A_110, %mul3A_111 : i32
      %mul3A_113 = arith.constant 32 : i32
      %mul3A_114 = arith.muli %mul3A_113, %add3A_105 : i32
      %add3A_115 = arith.addi %add3A, %mul3A_114 : i32
      %mul3A_116 = arith.constant 128 : i32
      %mul3A_117 = arith.muli %add3A_115, %mul3A_116 : i32
      %ge3A_118 = arith.constant 2 : i32
      %ge3A_119 = arith.cmpi sge, %add3A_105, %ge3A_118 : i32
      %convert_element_type3A_120 = arith.extui %ge3A_119 : i1 to i32
      %cond3A_121 = arith.constant 0 : i32
      %cond3A_122 = arith.cmpi ne, %convert_element_type3A_120, %cond3A_121 : i32
      scf.if %cond3A_122 {
        %sub3A = arith.constant 2 : i32
        %sub3A_154 = arith.subi %add3A_105, %sub3A : i32
        %mul3A_155 = arith.constant 32 : i32
        %mul3A_156 = arith.muli %mul3A_155, %sub3A_154 : i32
        %add3A_157 = arith.addi %add3A, %mul3A_156 : i32
        %mul3A_158 = arith.constant 128 : i32
        %mul3A_159 = arith.muli %add3A_157, %mul3A_158 : i32
        %dma_wait3A_160 = arith.constant 0 : i32
        %dma_wait3A_161 = tpu.memref_slice %arg5[%mul3A_159, %dma_wait3A_160] : memref<115200x128xf32, #tpu.memory_space<hbm>> -> memref<128x128xf32, #tpu.memory_space<hbm>>
        %dma_wait3A_162 = arith.constant 0 : i32
        %dma_wait3A_163 = tpu.memref_slice %arg5[%mul3A_159, %dma_wait3A_162] : memref<115200x128xf32, #tpu.memory_space<hbm>> -> memref<128x128xf32, #tpu.memory_space<hbm>>
        tpu.wait_dma2 semaphore(%arg20 : memref<!tpu.dma_semaphore, #tpu.memory_space<semaphore_mem>>) src(%arg13 : memref<128x128xf32, #tpu.memory_space<vmem>>) dst(%dma_wait3A_163 : memref<128x128xf32, #tpu.memory_space<hbm>>)
        %dma_wait3A_164 = arith.constant 0 : i32
        %dma_wait3A_165 = tpu.memref_slice %arg6[%mul3A_159, %dma_wait3A_164] : memref<115200x128xf32, #tpu.memory_space<hbm>> -> memref<128x128xf32, #tpu.memory_space<hbm>>
        %dma_wait3A_166 = arith.constant 0 : i32
        %dma_wait3A_167 = tpu.memref_slice %arg6[%mul3A_159, %dma_wait3A_166] : memref<115200x128xf32, #tpu.memory_space<hbm>> -> memref<128x128xf32, #tpu.memory_space<hbm>>
        tpu.wait_dma2 semaphore(%arg20 : memref<!tpu.dma_semaphore, #tpu.memory_space<semaphore_mem>>) src(%arg14 : memref<128x128xf32, #tpu.memory_space<vmem>>) dst(%dma_wait3A_167 : memref<128x128xf32, #tpu.memory_space<hbm>>)
      } else {
      }
      %dma_wait3A_123 = tpu.memref_slice %arg3[%mul3A_112] : memref<320000xi32, #tpu.memory_space<hbm>> -> memref<128xi32, #tpu.memory_space<hbm>>
      %dma_wait3A_124 = tpu.memref_slice %arg3[%mul3A_112] : memref<320000xi32, #tpu.memory_space<hbm>> -> memref<128xi32, #tpu.memory_space<hbm>>
      tpu.wait_dma2 semaphore(%arg16 : memref<!tpu.dma_semaphore, #tpu.memory_space<semaphore_mem>>) src(%dma_wait3A_124 : memref<128xi32, #tpu.memory_space<hbm>>) dst(%arg9 : memref<128xi32, #tpu.memory_space<vmem>>)
      %dma_wait3A_125 = tpu.memref_slice %arg4[%mul3A_112] : memref<320000xi32, #tpu.memory_space<hbm>> -> memref<128xi32, #tpu.memory_space<hbm>>
      %dma_wait3A_126 = tpu.memref_slice %arg4[%mul3A_112] : memref<320000xi32, #tpu.memory_space<hbm>> -> memref<128xi32, #tpu.memory_space<hbm>>
      tpu.wait_dma2 semaphore(%arg16 : memref<!tpu.dma_semaphore, #tpu.memory_space<semaphore_mem>>) src(%dma_wait3A_126 : memref<128xi32, #tpu.memory_space<hbm>>) dst(%arg10 : memref<128xi32, #tpu.memory_space<vmem>>)
      %dma_start3A_127 = arith.constant 0 : i32
      %dma_start3A_128 = arith.constant 0 : i32
      %dma_start3A_129 = tpu.memref_slice %arg2[%dma_start3A_127, %dma_start3A_128] : memref<10000x128xf32, #tpu.memory_space<hbm>> -> memref<10000x128xf32, #tpu.memory_space<hbm>>
      tpu.enqueue_indirect_dma source(%dma_start3A_129 : memref<10000x128xf32, #tpu.memory_space<hbm>>) target(%arg13 : memref<128x128xf32, #tpu.memory_space<vmem>>) offsets(%arg9 : memref<128xi32, #tpu.memory_space<vmem>>) semaphore(%arg18 : memref<!tpu.dma_semaphore, #tpu.memory_space<semaphore_mem>>)
      %dma_start3A_130 = arith.constant 0 : i32
      %dma_start3A_131 = arith.constant 0 : i32
      %dma_start3A_132 = tpu.memref_slice %arg2[%dma_start3A_130, %dma_start3A_131] : memref<10000x128xf32, #tpu.memory_space<hbm>> -> memref<10000x128xf32, #tpu.memory_space<hbm>>
      tpu.enqueue_indirect_dma source(%dma_start3A_132 : memref<10000x128xf32, #tpu.memory_space<hbm>>) target(%arg14 : memref<128x128xf32, #tpu.memory_space<vmem>>) offsets(%arg10 : memref<128xi32, #tpu.memory_space<vmem>>) semaphore(%arg18 : memref<!tpu.dma_semaphore, #tpu.memory_space<semaphore_mem>>)
      %dma_wait3A_133 = arith.constant 0 : i32
      %dma_wait3A_134 = arith.constant 0 : i32
      %dma_wait3A_135 = tpu.memref_slice %arg2[%dma_wait3A_133, %dma_wait3A_134] : memref<10000x128xf32, #tpu.memory_space<hbm>> -> memref<10000x128xf32, #tpu.memory_space<hbm>>
      tpu.wait_indirect_dma semaphore(%arg18 : memref<!tpu.dma_semaphore, #tpu.memory_space<semaphore_mem>>) src(%dma_wait3A_135 : memref<10000x128xf32, #tpu.memory_space<hbm>>) dst(%arg13 : memref<128x128xf32, #tpu.memory_space<vmem>>)
      %dma_wait3A_136 = arith.constant 0 : i32
      %dma_wait3A_137 = arith.constant 0 : i32
      %dma_wait3A_138 = tpu.memref_slice %arg2[%dma_wait3A_136, %dma_wait3A_137] : memref<10000x128xf32, #tpu.memory_space<hbm>> -> memref<10000x128xf32, #tpu.memory_space<hbm>>
      tpu.wait_indirect_dma semaphore(%arg18 : memref<!tpu.dma_semaphore, #tpu.memory_space<semaphore_mem>>) src(%dma_wait3A_138 : memref<10000x128xf32, #tpu.memory_space<hbm>>) dst(%arg14 : memref<128x128xf32, #tpu.memory_space<vmem>>)
      %dma_start3A_139 = arith.constant 0 : i32
      %dma_start3A_140 = tpu.memref_slice %arg5[%mul3A_117, %dma_start3A_139] : memref<115200x128xf32, #tpu.memory_space<hbm>> -> memref<128x128xf32, #tpu.memory_space<hbm>>
      %dma_start3A_141 = arith.constant 0 : i32
      %dma_start3A_142 = tpu.memref_slice %arg5[%mul3A_117, %dma_start3A_141] : memref<115200x128xf32, #tpu.memory_space<hbm>> -> memref<128x128xf32, #tpu.memory_space<hbm>>
      tpu.enqueue_dma source(%arg13 : memref<128x128xf32, #tpu.memory_space<vmem>>) target(%dma_start3A_142 : memref<128x128xf32, #tpu.memory_space<hbm>>) target_semaphore(%arg20 : memref<!tpu.dma_semaphore, #tpu.memory_space<semaphore_mem>>)
      %dma_start3A_143 = arith.constant 0 : i32
      %dma_start3A_144 = tpu.memref_slice %arg6[%mul3A_117, %dma_start3A_143] : memref<115200x128xf32, #tpu.memory_space<hbm>> -> memref<128x128xf32, #tpu.memory_space<hbm>>
      %dma_start3A_145 = arith.constant 0 : i32
      %dma_start3A_146 = tpu.memref_slice %arg6[%mul3A_117, %dma_start3A_145] : memref<115200x128xf32, #tpu.memory_space<hbm>> -> memref<128x128xf32, #tpu.memory_space<hbm>>
      tpu.enqueue_dma source(%arg14 : memref<128x128xf32, #tpu.memory_space<vmem>>) target(%dma_start3A_146 : memref<128x128xf32, #tpu.memory_space<hbm>>) target_semaphore(%arg20 : memref<!tpu.dma_semaphore, #tpu.memory_space<semaphore_mem>>)
      %add3A_147 = arith.constant 2 : i32
      %add3A_148 = arith.addi %add3A_105, %add3A_147 : i32
      %lt3A_149 = arith.constant 28 : i32
      %lt3A_150 = arith.cmpi slt, %add3A_148, %lt3A_149 : i32
      %convert_element_type3A_151 = arith.extui %lt3A_150 : i1 to i32
      %cond3A_152 = arith.constant 0 : i32
      %cond3A_153 = arith.cmpi ne, %convert_element_type3A_151, %cond3A_152 : i32
      scf.if %cond3A_153 {
        %add3A_154 = arith.constant 2 : i32
        %add3A_155 = arith.addi %add3A_105, %add3A_154 : i32
        %add3A_156 = arith.constant 1600 : i32
        %add3A_157 = arith.addi %add3A_156, %add3A : i32
        %mul3A_158 = arith.constant 32 : i32
        %mul3A_159 = arith.muli %mul3A_158, %add3A_155 : i32
        %add3A_160 = arith.addi %add3A_157, %mul3A_159 : i32
        %mul3A_161 = arith.constant 128 : i32
        %mul3A_162 = arith.muli %add3A_160, %mul3A_161 : i32
        %dma_start3A_163 = tpu.memref_slice %arg3[%mul3A_162] : memref<320000xi32, #tpu.memory_space<hbm>> -> memref<128xi32, #tpu.memory_space<hbm>>
        %dma_start3A_164 = tpu.memref_slice %arg3[%mul3A_162] : memref<320000xi32, #tpu.memory_space<hbm>> -> memref<128xi32, #tpu.memory_space<hbm>>
        tpu.enqueue_dma source(%dma_start3A_164 : memref<128xi32, #tpu.memory_space<hbm>>) target(%arg9 : memref<128xi32, #tpu.memory_space<vmem>>) target_semaphore(%arg16 : memref<!tpu.dma_semaphore, #tpu.memory_space<semaphore_mem>>)
        %dma_start3A_165 = tpu.memref_slice %arg4[%mul3A_162] : memref<320000xi32, #tpu.memory_space<hbm>> -> memref<128xi32, #tpu.memory_space<hbm>>
        %dma_start3A_166 = tpu.memref_slice %arg4[%mul3A_162] : memref<320000xi32, #tpu.memory_space<hbm>> -> memref<128xi32, #tpu.memory_space<hbm>>
        tpu.enqueue_dma source(%dma_start3A_166 : memref<128xi32, #tpu.memory_space<hbm>>) target(%arg10 : memref<128xi32, #tpu.memory_space<vmem>>) target_semaphore(%arg16 : memref<!tpu.dma_semaphore, #tpu.memory_space<semaphore_mem>>)
      } else {
      }
    }
    %scan3A_24 = arith.constant 14 : i32
    %add3A_25 = arith.constant 832 : i32
    %add3A_26 = arith.addi %add3A, %add3A_25 : i32
    %mul3A_27 = arith.constant 128 : i32
    %mul3A_28 = arith.muli %add3A_26, %mul3A_27 : i32
    %dma_wait3A = arith.constant 0 : i32
    %dma_wait3A_29 = tpu.memref_slice %arg5[%mul3A_28, %dma_wait3A] : memref<115200x128xf32, #tpu.memory_space<hbm>> -> memref<128x128xf32, #tpu.memory_space<hbm>>
    %dma_wait3A_30 = arith.constant 0 : i32
    %dma_wait3A_31 = tpu.memref_slice %arg5[%mul3A_28, %dma_wait3A_30] : memref<115200x128xf32, #tpu.memory_space<hbm>> -> memref<128x128xf32, #tpu.memory_space<hbm>>
    tpu.wait_dma2 semaphore(%arg19 : memref<!tpu.dma_semaphore, #tpu.memory_space<semaphore_mem>>) src(%arg11 : memref<128x128xf32, #tpu.memory_space<vmem>>) dst(%dma_wait3A_31 : memref<128x128xf32, #tpu.memory_space<hbm>>)
    %dma_wait3A_32 = arith.constant 0 : i32
    %dma_wait3A_33 = tpu.memref_slice %arg6[%mul3A_28, %dma_wait3A_32] : memref<115200x128xf32, #tpu.memory_space<hbm>> -> memref<128x128xf32, #tpu.memory_space<hbm>>
    %dma_wait3A_34 = arith.constant 0 : i32
    %dma_wait3A_35 = tpu.memref_slice %arg6[%mul3A_28, %dma_wait3A_34] : memref<115200x128xf32, #tpu.memory_space<hbm>> -> memref<128x128xf32, #tpu.memory_space<hbm>>
    tpu.wait_dma2 semaphore(%arg19 : memref<!tpu.dma_semaphore, #tpu.memory_space<semaphore_mem>>) src(%arg12 : memref<128x128xf32, #tpu.memory_space<vmem>>) dst(%dma_wait3A_35 : memref<128x128xf32, #tpu.memory_space<hbm>>)
    %add3A_36 = arith.constant 864 : i32
    %add3A_37 = arith.addi %add3A, %add3A_36 : i32
    %mul3A_38 = arith.constant 128 : i32
    %mul3A_39 = arith.muli %add3A_37, %mul3A_38 : i32
    %dma_wait3A_40 = arith.constant 0 : i32
    %dma_wait3A_41 = tpu.memref_slice %arg5[%mul3A_39, %dma_wait3A_40] : memref<115200x128xf32, #tpu.memory_space<hbm>> -> memref<128x128xf32, #tpu.memory_space<hbm>>
    %dma_wait3A_42 = arith.constant 0 : i32
    %dma_wait3A_43 = tpu.memref_slice %arg5[%mul3A_39, %dma_wait3A_42] : memref<115200x128xf32, #tpu.memory_space<hbm>> -> memref<128x128xf32, #tpu.memory_space<hbm>>
    tpu.wait_dma2 semaphore(%arg20 : memref<!tpu.dma_semaphore, #tpu.memory_space<semaphore_mem>>) src(%arg13 : memref<128x128xf32, #tpu.memory_space<vmem>>) dst(%dma_wait3A_43 : memref<128x128xf32, #tpu.memory_space<hbm>>)
    %dma_wait3A_44 = arith.constant 0 : i32
    %dma_wait3A_45 = tpu.memref_slice %arg6[%mul3A_39, %dma_wait3A_44] : memref<115200x128xf32, #tpu.memory_space<hbm>> -> memref<128x128xf32, #tpu.memory_space<hbm>>
    %dma_wait3A_46 = arith.constant 0 : i32
    %dma_wait3A_47 = tpu.memref_slice %arg6[%mul3A_39, %dma_wait3A_46] : memref<115200x128xf32, #tpu.memory_space<hbm>> -> memref<128x128xf32, #tpu.memory_space<hbm>>
    tpu.wait_dma2 semaphore(%arg20 : memref<!tpu.dma_semaphore, #tpu.memory_space<semaphore_mem>>) src(%arg14 : memref<128x128xf32, #tpu.memory_space<vmem>>) dst(%dma_wait3A_47 : memref<128x128xf32, #tpu.memory_space<hbm>>)
    %lt3A = arith.constant 4 : i32
    %lt3A_48 = arith.cmpi slt, %add3A, %lt3A : i32
    %convert_element_type3A = arith.extui %lt3A_48 : i1 to i32
    %cond3A = arith.constant 0 : i32
    %cond3A_49 = arith.cmpi ne, %convert_element_type3A, %cond3A : i32
    scf.if %cond3A_49 {
      %add3A_50 = arith.constant 2496 : i32
      %add3A_51 = arith.addi %add3A_50, %add3A : i32
      %mul3A_52 = arith.constant 128 : i32
      %mul3A_53 = arith.muli %add3A_51, %mul3A_52 : i32
      %add3A_54 = arith.constant 896 : i32
      %add3A_55 = arith.addi %add3A_54, %add3A : i32
      %mul3A_56 = arith.constant 128 : i32
      %mul3A_57 = arith.muli %add3A_55, %mul3A_56 : i32
      "tpu.region"() ({
        %run_scoped3A = tpu.sem_alloc : memref<!tpu.dma_semaphore, #tpu.memory_space<semaphore_mem>>
        %dma_start3A_70 = tpu.memref_slice %arg3[%mul3A_53] : memref<320000xi32, #tpu.memory_space<hbm>> -> memref<128xi32, #tpu.memory_space<hbm>>
        %dma_start3A_71 = tpu.memref_slice %arg3[%mul3A_53] : memref<320000xi32, #tpu.memory_space<hbm>> -> memref<128xi32, #tpu.memory_space<hbm>>
        tpu.enqueue_dma source(%dma_start3A_71 : memref<128xi32, #tpu.memory_space<hbm>>) target(%arg7 : memref<128xi32, #tpu.memory_space<vmem>>) target_semaphore(%run_scoped3A : memref<!tpu.dma_semaphore, #tpu.memory_space<semaphore_mem>>)
        %dma_wait3A_72 = tpu.memref_slice %arg3[%mul3A_53] : memref<320000xi32, #tpu.memory_space<hbm>> -> memref<128xi32, #tpu.memory_space<hbm>>
        %dma_wait3A_73 = tpu.memref_slice %arg3[%mul3A_53] : memref<320000xi32, #tpu.memory_space<hbm>> -> memref<128xi32, #tpu.memory_space<hbm>>
        tpu.wait_dma2 semaphore(%run_scoped3A : memref<!tpu.dma_semaphore, #tpu.memory_space<semaphore_mem>>) src(%dma_wait3A_73 : memref<128xi32, #tpu.memory_space<hbm>>) dst(%arg7 : memref<128xi32, #tpu.memory_space<vmem>>)
        tpu.yield
      }) : () -> ()
      "tpu.region"() ({
        %run_scoped3A = tpu.sem_alloc : memref<!tpu.dma_semaphore, #tpu.memory_space<semaphore_mem>>
        %dma_start3A_70 = tpu.memref_slice %arg4[%mul3A_53] : memref<320000xi32, #tpu.memory_space<hbm>> -> memref<128xi32, #tpu.memory_space<hbm>>
        %dma_start3A_71 = tpu.memref_slice %arg4[%mul3A_53] : memref<320000xi32, #tpu.memory_space<hbm>> -> memref<128xi32, #tpu.memory_space<hbm>>
        tpu.enqueue_dma source(%dma_start3A_71 : memref<128xi32, #tpu.memory_space<hbm>>) target(%arg8 : memref<128xi32, #tpu.memory_space<vmem>>) target_semaphore(%run_scoped3A : memref<!tpu.dma_semaphore, #tpu.memory_space<semaphore_mem>>)
        %dma_wait3A_72 = tpu.memref_slice %arg4[%mul3A_53] : memref<320000xi32, #tpu.memory_space<hbm>> -> memref<128xi32, #tpu.memory_space<hbm>>
        %dma_wait3A_73 = tpu.memref_slice %arg4[%mul3A_53] : memref<320000xi32, #tpu.memory_space<hbm>> -> memref<128xi32, #tpu.memory_space<hbm>>
        tpu.wait_dma2 semaphore(%run_scoped3A : memref<!tpu.dma_semaphore, #tpu.memory_space<semaphore_mem>>) src(%dma_wait3A_73 : memref<128xi32, #tpu.memory_space<hbm>>) dst(%arg8 : memref<128xi32, #tpu.memory_space<vmem>>)
        tpu.yield
      }) : () -> ()
      %dma_start3A_58 = arith.constant 0 : i32
      %dma_start3A_59 = arith.constant 0 : i32
      %dma_start3A_60 = tpu.memref_slice %arg2[%dma_start3A_58, %dma_start3A_59] : memref<10000x128xf32, #tpu.memory_space<hbm>> -> memref<10000x128xf32, #tpu.memory_space<hbm>>
      tpu.enqueue_indirect_dma source(%dma_start3A_60 : memref<10000x128xf32, #tpu.memory_space<hbm>>) target(%arg11 : memref<128x128xf32, #tpu.memory_space<vmem>>) offsets(%arg7 : memref<128xi32, #tpu.memory_space<vmem>>) semaphore(%arg17 : memref<!tpu.dma_semaphore, #tpu.memory_space<semaphore_mem>>)
      %dma_start3A_61 = arith.constant 0 : i32
      %dma_start3A_62 = arith.constant 0 : i32
      %dma_start3A_63 = tpu.memref_slice %arg2[%dma_start3A_61, %dma_start3A_62] : memref<10000x128xf32, #tpu.memory_space<hbm>> -> memref<10000x128xf32, #tpu.memory_space<hbm>>
      tpu.enqueue_indirect_dma source(%dma_start3A_63 : memref<10000x128xf32, #tpu.memory_space<hbm>>) target(%arg12 : memref<128x128xf32, #tpu.memory_space<vmem>>) offsets(%arg8 : memref<128xi32, #tpu.memory_space<vmem>>) semaphore(%arg17 : memref<!tpu.dma_semaphore, #tpu.memory_space<semaphore_mem>>)
      %dma_wait3A_64 = arith.constant 0 : i32
      %dma_wait3A_65 = arith.constant 0 : i32
      %dma_wait3A_66 = tpu.memref_slice %arg2[%dma_wait3A_64, %dma_wait3A_65] : memref<10000x128xf32, #tpu.memory_space<hbm>> -> memref<10000x128xf32, #tpu.memory_space<hbm>>
      tpu.wait_indirect_dma semaphore(%arg17 : memref<!tpu.dma_semaphore, #tpu.memory_space<semaphore_mem>>) src(%dma_wait3A_66 : memref<10000x128xf32, #tpu.memory_space<hbm>>) dst(%arg11 : memref<128x128xf32, #tpu.memory_space<vmem>>)
      %dma_wait3A_67 = arith.constant 0 : i32
      %dma_wait3A_68 = arith.constant 0 : i32
      %dma_wait3A_69 = tpu.memref_slice %arg2[%dma_wait3A_67, %dma_wait3A_68] : memref<10000x128xf32, #tpu.memory_space<hbm>> -> memref<10000x128xf32, #tpu.memory_space<hbm>>
      tpu.wait_indirect_dma semaphore(%arg17 : memref<!tpu.dma_semaphore, #tpu.memory_space<semaphore_mem>>) src(%dma_wait3A_69 : memref<10000x128xf32, #tpu.memory_space<hbm>>) dst(%arg12 : memref<128x128xf32, #tpu.memory_space<vmem>>)
      "tpu.region"() ({
        %run_scoped3A = tpu.sem_alloc : memref<!tpu.dma_semaphore, #tpu.memory_space<semaphore_mem>>
        %dma_start3A_70 = arith.constant 0 : i32
        %dma_start3A_71 = tpu.memref_slice %arg5[%mul3A_57, %dma_start3A_70] : memref<115200x128xf32, #tpu.memory_space<hbm>> -> memref<128x128xf32, #tpu.memory_space<hbm>>
        %dma_start3A_72 = arith.constant 0 : i32
        %dma_start3A_73 = tpu.memref_slice %arg5[%mul3A_57, %dma_start3A_72] : memref<115200x128xf32, #tpu.memory_space<hbm>> -> memref<128x128xf32, #tpu.memory_space<hbm>>
        tpu.enqueue_dma source(%arg11 : memref<128x128xf32, #tpu.memory_space<vmem>>) target(%dma_start3A_73 : memref<128x128xf32, #tpu.memory_space<hbm>>) target_semaphore(%run_scoped3A : memref<!tpu.dma_semaphore, #tpu.memory_space<semaphore_mem>>)
        %dma_wait3A_74 = arith.constant 0 : i32
        %dma_wait3A_75 = tpu.memref_slice %arg5[%mul3A_57, %dma_wait3A_74] : memref<115200x128xf32, #tpu.memory_space<hbm>> -> memref<128x128xf32, #tpu.memory_space<hbm>>
        %dma_wait3A_76 = arith.constant 0 : i32
        %dma_wait3A_77 = tpu.memref_slice %arg5[%mul3A_57, %dma_wait3A_76] : memref<115200x128xf32, #tpu.memory_space<hbm>> -> memref<128x128xf32, #tpu.memory_space<hbm>>
        tpu.wait_dma2 semaphore(%run_scoped3A : memref<!tpu.dma_semaphore, #tpu.memory_space<semaphore_mem>>) src(%arg11 : memref<128x128xf32, #tpu.memory_space<vmem>>) dst(%dma_wait3A_77 : memref<128x128xf32, #tpu.memory_space<hbm>>)
        tpu.yield
      }) : () -> ()
      "tpu.region"() ({
        %run_scoped3A = tpu.sem_alloc : memref<!tpu.dma_semaphore, #tpu.memory_space<semaphore_mem>>
        %dma_start3A_70 = arith.constant 0 : i32
        %dma_start3A_71 = tpu.memref_slice %arg6[%mul3A_57, %dma_start3A_70] : memref<115200x128xf32, #tpu.memory_space<hbm>> -> memref<128x128xf32, #tpu.memory_space<hbm>>
        %dma_start3A_72 = arith.constant 0 : i32
        %dma_start3A_73 = tpu.memref_slice %arg6[%mul3A_57, %dma_start3A_72] : memref<115200x128xf32, #tpu.memory_space<hbm>> -> memref<128x128xf32, #tpu.memory_space<hbm>>
        tpu.enqueue_dma source(%arg12 : memref<128x128xf32, #tpu.memory_space<vmem>>) target(%dma_start3A_73 : memref<128x128xf32, #tpu.memory_space<hbm>>) target_semaphore(%run_scoped3A : memref<!tpu.dma_semaphore, #tpu.memory_space<semaphore_mem>>)
        %dma_wait3A_74 = arith.constant 0 : i32
        %dma_wait3A_75 = tpu.memref_slice %arg6[%mul3A_57, %dma_wait3A_74] : memref<115200x128xf32, #tpu.memory_space<hbm>> -> memref<128x128xf32, #tpu.memory_space<hbm>>
        %dma_wait3A_76 = arith.constant 0 : i32
        %dma_wait3A_77 = tpu.memref_slice %arg6[%mul3A_57, %dma_wait3A_76] : memref<115200x128xf32, #tpu.memory_space<hbm>> -> memref<128x128xf32, #tpu.memory_space<hbm>>
        tpu.wait_dma2 semaphore(%run_scoped3A : memref<!tpu.dma_semaphore, #tpu.memory_space<semaphore_mem>>) src(%arg12 : memref<128x128xf32, #tpu.memory_space<vmem>>) dst(%dma_wait3A_77 : memref<128x128xf32, #tpu.memory_space<hbm>>)
        tpu.yield
      }) : () -> ()
    } else {
    }
    return
  }
}

#map = affine_map<(d0, d1) -> (0, 0)>
#map1 = affine_map<(d0, d1) -> (0)>
module attributes {stable_mosaic.version = 14 : i64} {
  func.func @body(%arg0: i32, %arg1: i32, %arg2: memref<10000x128xf32, #tpu.memory_space<hbm>>, %arg3: memref<320000xi32, #tpu.memory_space<hbm>>, %arg4: memref<320000xi32, #tpu.memory_space<hbm>>, %arg5: memref<81920x128xf32, #tpu.memory_space<hbm>>, %arg6: memref<81920x128xf32, #tpu.memory_space<hbm>>, %arg7: memref<128xi32, #tpu.memory_space<vmem>>, %arg8: memref<128xi32, #tpu.memory_space<vmem>>, %arg9: memref<128xi32, #tpu.memory_space<vmem>>, %arg10: memref<128xi32, #tpu.memory_space<vmem>>, %arg11: memref<128x128xf32, #tpu.memory_space<vmem>>, %arg12: memref<128x128xf32, #tpu.memory_space<vmem>>, %arg13: memref<128x128xf32, #tpu.memory_space<vmem>>, %arg14: memref<128x128xf32, #tpu.memory_space<vmem>>, %arg15: memref<!tpu.dma_semaphore, #tpu.memory_space<semaphore_mem>>, %arg16: memref<!tpu.dma_semaphore, #tpu.memory_space<semaphore_mem>>, %arg17: memref<!tpu.dma_semaphore, #tpu.memory_space<semaphore_mem>>, %arg18: memref<!tpu.dma_semaphore, #tpu.memory_space<semaphore_mem>>, %arg19: memref<!tpu.dma_semaphore, #tpu.memory_space<semaphore_mem>>, %arg20: memref<!tpu.dma_semaphore, #tpu.memory_space<semaphore_mem>>) attributes {dimension_semantics = [#tpu.dimension_semantics<core_parallel>, #tpu.dimension_semantics<subcore_parallel>], iteration_bounds = array<i64: 2, 16>, scalar_prefetch = 0 : i64, scratch_operands = 14 : i64, tpu.core_type = #tpu.core_type<sc_vector_subcore>, window_params = [{transform_indices = #map}, {transform_indices = #map1}, {transform_indices = #map1}, {transform_indices = #map}, {transform_indices = #map}]} {
    %mul3A = arith.constant 16 : i32
    %mul3A_0 = arith.muli %arg0, %mul3A : i32
    %add3A = arith.addi %mul3A_0, %arg1 : i32
    %add3A_1 = arith.constant 0 : i32
    %add3A_2 = arith.addi %add3A_1, %add3A : i32
    %add3A_3 = arith.constant 0 : i32
    %add3A_4 = arith.addi %add3A_2, %add3A_3 : i32
    %mul3A_5 = arith.constant 128 : i32
    %mul3A_6 = arith.muli %add3A_4, %mul3A_5 : i32
    %dma_start3A = tpu.memref_slice %arg3[%mul3A_6] : memref<320000xi32, #tpu.memory_space<hbm>> -> memref<128xi32, #tpu.memory_space<hbm>>
    %dma_start3A_7 = tpu.memref_slice %arg3[%mul3A_6] : memref<320000xi32, #tpu.memory_space<hbm>> -> memref<128xi32, #tpu.memory_space<hbm>>
    tpu.enqueue_dma source(%dma_start3A_7 : memref<128xi32, #tpu.memory_space<hbm>>) target(%arg7 : memref<128xi32, #tpu.memory_space<vmem>>) target_semaphore(%arg15 : memref<!tpu.dma_semaphore, #tpu.memory_space<semaphore_mem>>)
    %dma_start3A_8 = tpu.memref_slice %arg4[%mul3A_6] : memref<320000xi32, #tpu.memory_space<hbm>> -> memref<128xi32, #tpu.memory_space<hbm>>
    %dma_start3A_9 = tpu.memref_slice %arg4[%mul3A_6] : memref<320000xi32, #tpu.memory_space<hbm>> -> memref<128xi32, #tpu.memory_space<hbm>>
    tpu.enqueue_dma source(%dma_start3A_9 : memref<128xi32, #tpu.memory_space<hbm>>) target(%arg8 : memref<128xi32, #tpu.memory_space<vmem>>) target_semaphore(%arg15 : memref<!tpu.dma_semaphore, #tpu.memory_space<semaphore_mem>>)
    %add3A_10 = arith.constant 0 : i32
    %add3A_11 = arith.addi %add3A_10, %add3A : i32
    %add3A_12 = arith.constant 32 : i32
    %add3A_13 = arith.addi %add3A_11, %add3A_12 : i32
    %mul3A_14 = arith.constant 128 : i32
    %mul3A_15 = arith.muli %add3A_13, %mul3A_14 : i32
    %dma_start3A_16 = tpu.memref_slice %arg3[%mul3A_15] : memref<320000xi32, #tpu.memory_space<hbm>> -> memref<128xi32, #tpu.memory_space<hbm>>
    %dma_start3A_17 = tpu.memref_slice %arg3[%mul3A_15] : memref<320000xi32, #tpu.memory_space<hbm>> -> memref<128xi32, #tpu.memory_space<hbm>>
    tpu.enqueue_dma source(%dma_start3A_17 : memref<128xi32, #tpu.memory_space<hbm>>) target(%arg9 : memref<128xi32, #tpu.memory_space<vmem>>) target_semaphore(%arg16 : memref<!tpu.dma_semaphore, #tpu.memory_space<semaphore_mem>>)
    %dma_start3A_18 = tpu.memref_slice %arg4[%mul3A_15] : memref<320000xi32, #tpu.memory_space<hbm>> -> memref<128xi32, #tpu.memory_space<hbm>>
    %dma_start3A_19 = tpu.memref_slice %arg4[%mul3A_15] : memref<320000xi32, #tpu.memory_space<hbm>> -> memref<128xi32, #tpu.memory_space<hbm>>
    tpu.enqueue_dma source(%dma_start3A_19 : memref<128xi32, #tpu.memory_space<hbm>>) target(%arg10 : memref<128xi32, #tpu.memory_space<vmem>>) target_semaphore(%arg16 : memref<!tpu.dma_semaphore, #tpu.memory_space<semaphore_mem>>)
    %scan3A = arith.constant 0 : i32
    %scan3A_20 = arith.constant 0 : i32
    %scan3A_21 = arith.constant 10 : i32
    %scan3A_22 = arith.addi %scan3A_20, %scan3A_21 : i32
    %scan3A_23 = arith.constant 1 : i32
    scf.for %scan3A_48 = %scan3A_20 to %scan3A_22 step %scan3A_23  : i32 {
      %mul3A_49 = arith.constant 2 : i32
      %mul3A_50 = arith.muli %scan3A_48, %mul3A_49 : i32
      %add3A_51 = arith.constant 0 : i32
      %add3A_52 = arith.addi %mul3A_50, %add3A_51 : i32
      %add3A_53 = arith.constant 0 : i32
      %add3A_54 = arith.addi %add3A_53, %add3A : i32
      %mul3A_55 = arith.constant 32 : i32
      %mul3A_56 = arith.muli %mul3A_55, %add3A_52 : i32
      %add3A_57 = arith.addi %add3A_54, %mul3A_56 : i32
      %mul3A_58 = arith.constant 128 : i32
      %mul3A_59 = arith.muli %add3A_57, %mul3A_58 : i32
      %mul3A_60 = arith.constant 32 : i32
      %mul3A_61 = arith.muli %mul3A_60, %add3A_52 : i32
      %add3A_62 = arith.addi %add3A, %mul3A_61 : i32
      %mul3A_63 = arith.constant 128 : i32
      %mul3A_64 = arith.muli %add3A_62, %mul3A_63 : i32
      %ge3A = arith.constant 2 : i32
      %ge3A_65 = arith.cmpi sge, %add3A_52, %ge3A : i32
      %convert_element_type3A = arith.extui %ge3A_65 : i1 to i32
      %cond3A = arith.constant 0 : i32
      %cond3A_66 = arith.cmpi ne, %convert_element_type3A, %cond3A : i32
      scf.if %cond3A_66 {
        %sub3A = arith.constant 2 : i32
        %sub3A_149 = arith.subi %add3A_52, %sub3A : i32
        %mul3A_150 = arith.constant 32 : i32
        %mul3A_151 = arith.muli %mul3A_150, %sub3A_149 : i32
        %add3A_152 = arith.addi %add3A, %mul3A_151 : i32
        %mul3A_153 = arith.constant 128 : i32
        %mul3A_154 = arith.muli %add3A_152, %mul3A_153 : i32
        %dma_wait3A_155 = arith.constant 0 : i32
        %dma_wait3A_156 = tpu.memref_slice %arg5[%mul3A_154, %dma_wait3A_155] : memref<81920x128xf32, #tpu.memory_space<hbm>> -> memref<128x128xf32, #tpu.memory_space<hbm>>
        %dma_wait3A_157 = arith.constant 0 : i32
        %dma_wait3A_158 = tpu.memref_slice %arg5[%mul3A_154, %dma_wait3A_157] : memref<81920x128xf32, #tpu.memory_space<hbm>> -> memref<128x128xf32, #tpu.memory_space<hbm>>
        tpu.wait_dma2 semaphore(%arg19 : memref<!tpu.dma_semaphore, #tpu.memory_space<semaphore_mem>>) src(%arg11 : memref<128x128xf32, #tpu.memory_space<vmem>>) dst(%dma_wait3A_158 : memref<128x128xf32, #tpu.memory_space<hbm>>)
        %dma_wait3A_159 = arith.constant 0 : i32
        %dma_wait3A_160 = tpu.memref_slice %arg6[%mul3A_154, %dma_wait3A_159] : memref<81920x128xf32, #tpu.memory_space<hbm>> -> memref<128x128xf32, #tpu.memory_space<hbm>>
        %dma_wait3A_161 = arith.constant 0 : i32
        %dma_wait3A_162 = tpu.memref_slice %arg6[%mul3A_154, %dma_wait3A_161] : memref<81920x128xf32, #tpu.memory_space<hbm>> -> memref<128x128xf32, #tpu.memory_space<hbm>>
        tpu.wait_dma2 semaphore(%arg19 : memref<!tpu.dma_semaphore, #tpu.memory_space<semaphore_mem>>) src(%arg12 : memref<128x128xf32, #tpu.memory_space<vmem>>) dst(%dma_wait3A_162 : memref<128x128xf32, #tpu.memory_space<hbm>>)
      } else {
      }
      %dma_wait3A_67 = tpu.memref_slice %arg3[%mul3A_59] : memref<320000xi32, #tpu.memory_space<hbm>> -> memref<128xi32, #tpu.memory_space<hbm>>
      %dma_wait3A_68 = tpu.memref_slice %arg3[%mul3A_59] : memref<320000xi32, #tpu.memory_space<hbm>> -> memref<128xi32, #tpu.memory_space<hbm>>
      tpu.wait_dma2 semaphore(%arg15 : memref<!tpu.dma_semaphore, #tpu.memory_space<semaphore_mem>>) src(%dma_wait3A_68 : memref<128xi32, #tpu.memory_space<hbm>>) dst(%arg7 : memref<128xi32, #tpu.memory_space<vmem>>)
      %dma_wait3A_69 = tpu.memref_slice %arg4[%mul3A_59] : memref<320000xi32, #tpu.memory_space<hbm>> -> memref<128xi32, #tpu.memory_space<hbm>>
      %dma_wait3A_70 = tpu.memref_slice %arg4[%mul3A_59] : memref<320000xi32, #tpu.memory_space<hbm>> -> memref<128xi32, #tpu.memory_space<hbm>>
      tpu.wait_dma2 semaphore(%arg15 : memref<!tpu.dma_semaphore, #tpu.memory_space<semaphore_mem>>) src(%dma_wait3A_70 : memref<128xi32, #tpu.memory_space<hbm>>) dst(%arg8 : memref<128xi32, #tpu.memory_space<vmem>>)
      %dma_start3A_71 = arith.constant 0 : i32
      %dma_start3A_72 = arith.constant 0 : i32
      %dma_start3A_73 = tpu.memref_slice %arg2[%dma_start3A_71, %dma_start3A_72] : memref<10000x128xf32, #tpu.memory_space<hbm>> -> memref<10000x128xf32, #tpu.memory_space<hbm>>
      tpu.enqueue_indirect_dma source(%dma_start3A_73 : memref<10000x128xf32, #tpu.memory_space<hbm>>) target(%arg11 : memref<128x128xf32, #tpu.memory_space<vmem>>) offsets(%arg7 : memref<128xi32, #tpu.memory_space<vmem>>) semaphore(%arg17 : memref<!tpu.dma_semaphore, #tpu.memory_space<semaphore_mem>>)
      %dma_start3A_74 = arith.constant 0 : i32
      %dma_start3A_75 = arith.constant 0 : i32
      %dma_start3A_76 = tpu.memref_slice %arg2[%dma_start3A_74, %dma_start3A_75] : memref<10000x128xf32, #tpu.memory_space<hbm>> -> memref<10000x128xf32, #tpu.memory_space<hbm>>
      tpu.enqueue_indirect_dma source(%dma_start3A_76 : memref<10000x128xf32, #tpu.memory_space<hbm>>) target(%arg12 : memref<128x128xf32, #tpu.memory_space<vmem>>) offsets(%arg8 : memref<128xi32, #tpu.memory_space<vmem>>) semaphore(%arg17 : memref<!tpu.dma_semaphore, #tpu.memory_space<semaphore_mem>>)
      %dma_wait3A_77 = arith.constant 0 : i32
      %dma_wait3A_78 = arith.constant 0 : i32
      %dma_wait3A_79 = tpu.memref_slice %arg2[%dma_wait3A_77, %dma_wait3A_78] : memref<10000x128xf32, #tpu.memory_space<hbm>> -> memref<10000x128xf32, #tpu.memory_space<hbm>>
      tpu.wait_indirect_dma semaphore(%arg17 : memref<!tpu.dma_semaphore, #tpu.memory_space<semaphore_mem>>) src(%dma_wait3A_79 : memref<10000x128xf32, #tpu.memory_space<hbm>>) dst(%arg11 : memref<128x128xf32, #tpu.memory_space<vmem>>)
      %dma_wait3A_80 = arith.constant 0 : i32
      %dma_wait3A_81 = arith.constant 0 : i32
      %dma_wait3A_82 = tpu.memref_slice %arg2[%dma_wait3A_80, %dma_wait3A_81] : memref<10000x128xf32, #tpu.memory_space<hbm>> -> memref<10000x128xf32, #tpu.memory_space<hbm>>
      tpu.wait_indirect_dma semaphore(%arg17 : memref<!tpu.dma_semaphore, #tpu.memory_space<semaphore_mem>>) src(%dma_wait3A_82 : memref<10000x128xf32, #tpu.memory_space<hbm>>) dst(%arg12 : memref<128x128xf32, #tpu.memory_space<vmem>>)
      %dma_start3A_83 = arith.constant 0 : i32
      %dma_start3A_84 = tpu.memref_slice %arg5[%mul3A_64, %dma_start3A_83] : memref<81920x128xf32, #tpu.memory_space<hbm>> -> memref<128x128xf32, #tpu.memory_space<hbm>>
      %dma_start3A_85 = arith.constant 0 : i32
      %dma_start3A_86 = tpu.memref_slice %arg5[%mul3A_64, %dma_start3A_85] : memref<81920x128xf32, #tpu.memory_space<hbm>> -> memref<128x128xf32, #tpu.memory_space<hbm>>
      tpu.enqueue_dma source(%arg11 : memref<128x128xf32, #tpu.memory_space<vmem>>) target(%dma_start3A_86 : memref<128x128xf32, #tpu.memory_space<hbm>>) target_semaphore(%arg19 : memref<!tpu.dma_semaphore, #tpu.memory_space<semaphore_mem>>)
      %dma_start3A_87 = arith.constant 0 : i32
      %dma_start3A_88 = tpu.memref_slice %arg6[%mul3A_64, %dma_start3A_87] : memref<81920x128xf32, #tpu.memory_space<hbm>> -> memref<128x128xf32, #tpu.memory_space<hbm>>
      %dma_start3A_89 = arith.constant 0 : i32
      %dma_start3A_90 = tpu.memref_slice %arg6[%mul3A_64, %dma_start3A_89] : memref<81920x128xf32, #tpu.memory_space<hbm>> -> memref<128x128xf32, #tpu.memory_space<hbm>>
      tpu.enqueue_dma source(%arg12 : memref<128x128xf32, #tpu.memory_space<vmem>>) target(%dma_start3A_90 : memref<128x128xf32, #tpu.memory_space<hbm>>) target_semaphore(%arg19 : memref<!tpu.dma_semaphore, #tpu.memory_space<semaphore_mem>>)
      %add3A_91 = arith.constant 2 : i32
      %add3A_92 = arith.addi %add3A_52, %add3A_91 : i32
      %lt3A = arith.constant 20 : i32
      %lt3A_93 = arith.cmpi slt, %add3A_92, %lt3A : i32
      %convert_element_type3A_94 = arith.extui %lt3A_93 : i1 to i32
      %cond3A_95 = arith.constant 0 : i32
      %cond3A_96 = arith.cmpi ne, %convert_element_type3A_94, %cond3A_95 : i32
      scf.if %cond3A_96 {
        %add3A_149 = arith.constant 2 : i32
        %add3A_150 = arith.addi %add3A_52, %add3A_149 : i32
        %add3A_151 = arith.constant 0 : i32
        %add3A_152 = arith.addi %add3A_151, %add3A : i32
        %mul3A_153 = arith.constant 32 : i32
        %mul3A_154 = arith.muli %mul3A_153, %add3A_150 : i32
        %add3A_155 = arith.addi %add3A_152, %mul3A_154 : i32
        %mul3A_156 = arith.constant 128 : i32
        %mul3A_157 = arith.muli %add3A_155, %mul3A_156 : i32
        %dma_start3A_158 = tpu.memref_slice %arg3[%mul3A_157] : memref<320000xi32, #tpu.memory_space<hbm>> -> memref<128xi32, #tpu.memory_space<hbm>>
        %dma_start3A_159 = tpu.memref_slice %arg3[%mul3A_157] : memref<320000xi32, #tpu.memory_space<hbm>> -> memref<128xi32, #tpu.memory_space<hbm>>
        tpu.enqueue_dma source(%dma_start3A_159 : memref<128xi32, #tpu.memory_space<hbm>>) target(%arg7 : memref<128xi32, #tpu.memory_space<vmem>>) target_semaphore(%arg15 : memref<!tpu.dma_semaphore, #tpu.memory_space<semaphore_mem>>)
        %dma_start3A_160 = tpu.memref_slice %arg4[%mul3A_157] : memref<320000xi32, #tpu.memory_space<hbm>> -> memref<128xi32, #tpu.memory_space<hbm>>
        %dma_start3A_161 = tpu.memref_slice %arg4[%mul3A_157] : memref<320000xi32, #tpu.memory_space<hbm>> -> memref<128xi32, #tpu.memory_space<hbm>>
        tpu.enqueue_dma source(%dma_start3A_161 : memref<128xi32, #tpu.memory_space<hbm>>) target(%arg8 : memref<128xi32, #tpu.memory_space<vmem>>) target_semaphore(%arg15 : memref<!tpu.dma_semaphore, #tpu.memory_space<semaphore_mem>>)
      } else {
      }
      %mul3A_97 = arith.constant 2 : i32
      %mul3A_98 = arith.muli %scan3A_48, %mul3A_97 : i32
      %add3A_99 = arith.constant 1 : i32
      %add3A_100 = arith.addi %mul3A_98, %add3A_99 : i32
      %add3A_101 = arith.constant 0 : i32
      %add3A_102 = arith.addi %add3A_101, %add3A : i32
      %mul3A_103 = arith.constant 32 : i32
      %mul3A_104 = arith.muli %mul3A_103, %add3A_100 : i32
      %add3A_105 = arith.addi %add3A_102, %mul3A_104 : i32
      %mul3A_106 = arith.constant 128 : i32
      %mul3A_107 = arith.muli %add3A_105, %mul3A_106 : i32
      %mul3A_108 = arith.constant 32 : i32
      %mul3A_109 = arith.muli %mul3A_108, %add3A_100 : i32
      %add3A_110 = arith.addi %add3A, %mul3A_109 : i32
      %mul3A_111 = arith.constant 128 : i32
      %mul3A_112 = arith.muli %add3A_110, %mul3A_111 : i32
      %ge3A_113 = arith.constant 2 : i32
      %ge3A_114 = arith.cmpi sge, %add3A_100, %ge3A_113 : i32
      %convert_element_type3A_115 = arith.extui %ge3A_114 : i1 to i32
      %cond3A_116 = arith.constant 0 : i32
      %cond3A_117 = arith.cmpi ne, %convert_element_type3A_115, %cond3A_116 : i32
      scf.if %cond3A_117 {
        %sub3A = arith.constant 2 : i32
        %sub3A_149 = arith.subi %add3A_100, %sub3A : i32
        %mul3A_150 = arith.constant 32 : i32
        %mul3A_151 = arith.muli %mul3A_150, %sub3A_149 : i32
        %add3A_152 = arith.addi %add3A, %mul3A_151 : i32
        %mul3A_153 = arith.constant 128 : i32
        %mul3A_154 = arith.muli %add3A_152, %mul3A_153 : i32
        %dma_wait3A_155 = arith.constant 0 : i32
        %dma_wait3A_156 = tpu.memref_slice %arg5[%mul3A_154, %dma_wait3A_155] : memref<81920x128xf32, #tpu.memory_space<hbm>> -> memref<128x128xf32, #tpu.memory_space<hbm>>
        %dma_wait3A_157 = arith.constant 0 : i32
        %dma_wait3A_158 = tpu.memref_slice %arg5[%mul3A_154, %dma_wait3A_157] : memref<81920x128xf32, #tpu.memory_space<hbm>> -> memref<128x128xf32, #tpu.memory_space<hbm>>
        tpu.wait_dma2 semaphore(%arg20 : memref<!tpu.dma_semaphore, #tpu.memory_space<semaphore_mem>>) src(%arg13 : memref<128x128xf32, #tpu.memory_space<vmem>>) dst(%dma_wait3A_158 : memref<128x128xf32, #tpu.memory_space<hbm>>)
        %dma_wait3A_159 = arith.constant 0 : i32
        %dma_wait3A_160 = tpu.memref_slice %arg6[%mul3A_154, %dma_wait3A_159] : memref<81920x128xf32, #tpu.memory_space<hbm>> -> memref<128x128xf32, #tpu.memory_space<hbm>>
        %dma_wait3A_161 = arith.constant 0 : i32
        %dma_wait3A_162 = tpu.memref_slice %arg6[%mul3A_154, %dma_wait3A_161] : memref<81920x128xf32, #tpu.memory_space<hbm>> -> memref<128x128xf32, #tpu.memory_space<hbm>>
        tpu.wait_dma2 semaphore(%arg20 : memref<!tpu.dma_semaphore, #tpu.memory_space<semaphore_mem>>) src(%arg14 : memref<128x128xf32, #tpu.memory_space<vmem>>) dst(%dma_wait3A_162 : memref<128x128xf32, #tpu.memory_space<hbm>>)
      } else {
      }
      %dma_wait3A_118 = tpu.memref_slice %arg3[%mul3A_107] : memref<320000xi32, #tpu.memory_space<hbm>> -> memref<128xi32, #tpu.memory_space<hbm>>
      %dma_wait3A_119 = tpu.memref_slice %arg3[%mul3A_107] : memref<320000xi32, #tpu.memory_space<hbm>> -> memref<128xi32, #tpu.memory_space<hbm>>
      tpu.wait_dma2 semaphore(%arg16 : memref<!tpu.dma_semaphore, #tpu.memory_space<semaphore_mem>>) src(%dma_wait3A_119 : memref<128xi32, #tpu.memory_space<hbm>>) dst(%arg9 : memref<128xi32, #tpu.memory_space<vmem>>)
      %dma_wait3A_120 = tpu.memref_slice %arg4[%mul3A_107] : memref<320000xi32, #tpu.memory_space<hbm>> -> memref<128xi32, #tpu.memory_space<hbm>>
      %dma_wait3A_121 = tpu.memref_slice %arg4[%mul3A_107] : memref<320000xi32, #tpu.memory_space<hbm>> -> memref<128xi32, #tpu.memory_space<hbm>>
      tpu.wait_dma2 semaphore(%arg16 : memref<!tpu.dma_semaphore, #tpu.memory_space<semaphore_mem>>) src(%dma_wait3A_121 : memref<128xi32, #tpu.memory_space<hbm>>) dst(%arg10 : memref<128xi32, #tpu.memory_space<vmem>>)
      %dma_start3A_122 = arith.constant 0 : i32
      %dma_start3A_123 = arith.constant 0 : i32
      %dma_start3A_124 = tpu.memref_slice %arg2[%dma_start3A_122, %dma_start3A_123] : memref<10000x128xf32, #tpu.memory_space<hbm>> -> memref<10000x128xf32, #tpu.memory_space<hbm>>
      tpu.enqueue_indirect_dma source(%dma_start3A_124 : memref<10000x128xf32, #tpu.memory_space<hbm>>) target(%arg13 : memref<128x128xf32, #tpu.memory_space<vmem>>) offsets(%arg9 : memref<128xi32, #tpu.memory_space<vmem>>) semaphore(%arg18 : memref<!tpu.dma_semaphore, #tpu.memory_space<semaphore_mem>>)
      %dma_start3A_125 = arith.constant 0 : i32
      %dma_start3A_126 = arith.constant 0 : i32
      %dma_start3A_127 = tpu.memref_slice %arg2[%dma_start3A_125, %dma_start3A_126] : memref<10000x128xf32, #tpu.memory_space<hbm>> -> memref<10000x128xf32, #tpu.memory_space<hbm>>
      tpu.enqueue_indirect_dma source(%dma_start3A_127 : memref<10000x128xf32, #tpu.memory_space<hbm>>) target(%arg14 : memref<128x128xf32, #tpu.memory_space<vmem>>) offsets(%arg10 : memref<128xi32, #tpu.memory_space<vmem>>) semaphore(%arg18 : memref<!tpu.dma_semaphore, #tpu.memory_space<semaphore_mem>>)
      %dma_wait3A_128 = arith.constant 0 : i32
      %dma_wait3A_129 = arith.constant 0 : i32
      %dma_wait3A_130 = tpu.memref_slice %arg2[%dma_wait3A_128, %dma_wait3A_129] : memref<10000x128xf32, #tpu.memory_space<hbm>> -> memref<10000x128xf32, #tpu.memory_space<hbm>>
      tpu.wait_indirect_dma semaphore(%arg18 : memref<!tpu.dma_semaphore, #tpu.memory_space<semaphore_mem>>) src(%dma_wait3A_130 : memref<10000x128xf32, #tpu.memory_space<hbm>>) dst(%arg13 : memref<128x128xf32, #tpu.memory_space<vmem>>)
      %dma_wait3A_131 = arith.constant 0 : i32
      %dma_wait3A_132 = arith.constant 0 : i32
      %dma_wait3A_133 = tpu.memref_slice %arg2[%dma_wait3A_131, %dma_wait3A_132] : memref<10000x128xf32, #tpu.memory_space<hbm>> -> memref<10000x128xf32, #tpu.memory_space<hbm>>
      tpu.wait_indirect_dma semaphore(%arg18 : memref<!tpu.dma_semaphore, #tpu.memory_space<semaphore_mem>>) src(%dma_wait3A_133 : memref<10000x128xf32, #tpu.memory_space<hbm>>) dst(%arg14 : memref<128x128xf32, #tpu.memory_space<vmem>>)
      %dma_start3A_134 = arith.constant 0 : i32
      %dma_start3A_135 = tpu.memref_slice %arg5[%mul3A_112, %dma_start3A_134] : memref<81920x128xf32, #tpu.memory_space<hbm>> -> memref<128x128xf32, #tpu.memory_space<hbm>>
      %dma_start3A_136 = arith.constant 0 : i32
      %dma_start3A_137 = tpu.memref_slice %arg5[%mul3A_112, %dma_start3A_136] : memref<81920x128xf32, #tpu.memory_space<hbm>> -> memref<128x128xf32, #tpu.memory_space<hbm>>
      tpu.enqueue_dma source(%arg13 : memref<128x128xf32, #tpu.memory_space<vmem>>) target(%dma_start3A_137 : memref<128x128xf32, #tpu.memory_space<hbm>>) target_semaphore(%arg20 : memref<!tpu.dma_semaphore, #tpu.memory_space<semaphore_mem>>)
      %dma_start3A_138 = arith.constant 0 : i32
      %dma_start3A_139 = tpu.memref_slice %arg6[%mul3A_112, %dma_start3A_138] : memref<81920x128xf32, #tpu.memory_space<hbm>> -> memref<128x128xf32, #tpu.memory_space<hbm>>
      %dma_start3A_140 = arith.constant 0 : i32
      %dma_start3A_141 = tpu.memref_slice %arg6[%mul3A_112, %dma_start3A_140] : memref<81920x128xf32, #tpu.memory_space<hbm>> -> memref<128x128xf32, #tpu.memory_space<hbm>>
      tpu.enqueue_dma source(%arg14 : memref<128x128xf32, #tpu.memory_space<vmem>>) target(%dma_start3A_141 : memref<128x128xf32, #tpu.memory_space<hbm>>) target_semaphore(%arg20 : memref<!tpu.dma_semaphore, #tpu.memory_space<semaphore_mem>>)
      %add3A_142 = arith.constant 2 : i32
      %add3A_143 = arith.addi %add3A_100, %add3A_142 : i32
      %lt3A_144 = arith.constant 20 : i32
      %lt3A_145 = arith.cmpi slt, %add3A_143, %lt3A_144 : i32
      %convert_element_type3A_146 = arith.extui %lt3A_145 : i1 to i32
      %cond3A_147 = arith.constant 0 : i32
      %cond3A_148 = arith.cmpi ne, %convert_element_type3A_146, %cond3A_147 : i32
      scf.if %cond3A_148 {
        %add3A_149 = arith.constant 2 : i32
        %add3A_150 = arith.addi %add3A_100, %add3A_149 : i32
        %add3A_151 = arith.constant 0 : i32
        %add3A_152 = arith.addi %add3A_151, %add3A : i32
        %mul3A_153 = arith.constant 32 : i32
        %mul3A_154 = arith.muli %mul3A_153, %add3A_150 : i32
        %add3A_155 = arith.addi %add3A_152, %mul3A_154 : i32
        %mul3A_156 = arith.constant 128 : i32
        %mul3A_157 = arith.muli %add3A_155, %mul3A_156 : i32
        %dma_start3A_158 = tpu.memref_slice %arg3[%mul3A_157] : memref<320000xi32, #tpu.memory_space<hbm>> -> memref<128xi32, #tpu.memory_space<hbm>>
        %dma_start3A_159 = tpu.memref_slice %arg3[%mul3A_157] : memref<320000xi32, #tpu.memory_space<hbm>> -> memref<128xi32, #tpu.memory_space<hbm>>
        tpu.enqueue_dma source(%dma_start3A_159 : memref<128xi32, #tpu.memory_space<hbm>>) target(%arg9 : memref<128xi32, #tpu.memory_space<vmem>>) target_semaphore(%arg16 : memref<!tpu.dma_semaphore, #tpu.memory_space<semaphore_mem>>)
        %dma_start3A_160 = tpu.memref_slice %arg4[%mul3A_157] : memref<320000xi32, #tpu.memory_space<hbm>> -> memref<128xi32, #tpu.memory_space<hbm>>
        %dma_start3A_161 = tpu.memref_slice %arg4[%mul3A_157] : memref<320000xi32, #tpu.memory_space<hbm>> -> memref<128xi32, #tpu.memory_space<hbm>>
        tpu.enqueue_dma source(%dma_start3A_161 : memref<128xi32, #tpu.memory_space<hbm>>) target(%arg10 : memref<128xi32, #tpu.memory_space<vmem>>) target_semaphore(%arg16 : memref<!tpu.dma_semaphore, #tpu.memory_space<semaphore_mem>>)
      } else {
      }
    }
    %scan3A_24 = arith.constant 10 : i32
    %add3A_25 = arith.constant 576 : i32
    %add3A_26 = arith.addi %add3A, %add3A_25 : i32
    %mul3A_27 = arith.constant 128 : i32
    %mul3A_28 = arith.muli %add3A_26, %mul3A_27 : i32
    %dma_wait3A = arith.constant 0 : i32
    %dma_wait3A_29 = tpu.memref_slice %arg5[%mul3A_28, %dma_wait3A] : memref<81920x128xf32, #tpu.memory_space<hbm>> -> memref<128x128xf32, #tpu.memory_space<hbm>>
    %dma_wait3A_30 = arith.constant 0 : i32
    %dma_wait3A_31 = tpu.memref_slice %arg5[%mul3A_28, %dma_wait3A_30] : memref<81920x128xf32, #tpu.memory_space<hbm>> -> memref<128x128xf32, #tpu.memory_space<hbm>>
    tpu.wait_dma2 semaphore(%arg19 : memref<!tpu.dma_semaphore, #tpu.memory_space<semaphore_mem>>) src(%arg11 : memref<128x128xf32, #tpu.memory_space<vmem>>) dst(%dma_wait3A_31 : memref<128x128xf32, #tpu.memory_space<hbm>>)
    %dma_wait3A_32 = arith.constant 0 : i32
    %dma_wait3A_33 = tpu.memref_slice %arg6[%mul3A_28, %dma_wait3A_32] : memref<81920x128xf32, #tpu.memory_space<hbm>> -> memref<128x128xf32, #tpu.memory_space<hbm>>
    %dma_wait3A_34 = arith.constant 0 : i32
    %dma_wait3A_35 = tpu.memref_slice %arg6[%mul3A_28, %dma_wait3A_34] : memref<81920x128xf32, #tpu.memory_space<hbm>> -> memref<128x128xf32, #tpu.memory_space<hbm>>
    tpu.wait_dma2 semaphore(%arg19 : memref<!tpu.dma_semaphore, #tpu.memory_space<semaphore_mem>>) src(%arg12 : memref<128x128xf32, #tpu.memory_space<vmem>>) dst(%dma_wait3A_35 : memref<128x128xf32, #tpu.memory_space<hbm>>)
    %add3A_36 = arith.constant 608 : i32
    %add3A_37 = arith.addi %add3A, %add3A_36 : i32
    %mul3A_38 = arith.constant 128 : i32
    %mul3A_39 = arith.muli %add3A_37, %mul3A_38 : i32
    %dma_wait3A_40 = arith.constant 0 : i32
    %dma_wait3A_41 = tpu.memref_slice %arg5[%mul3A_39, %dma_wait3A_40] : memref<81920x128xf32, #tpu.memory_space<hbm>> -> memref<128x128xf32, #tpu.memory_space<hbm>>
    %dma_wait3A_42 = arith.constant 0 : i32
    %dma_wait3A_43 = tpu.memref_slice %arg5[%mul3A_39, %dma_wait3A_42] : memref<81920x128xf32, #tpu.memory_space<hbm>> -> memref<128x128xf32, #tpu.memory_space<hbm>>
    tpu.wait_dma2 semaphore(%arg20 : memref<!tpu.dma_semaphore, #tpu.memory_space<semaphore_mem>>) src(%arg13 : memref<128x128xf32, #tpu.memory_space<vmem>>) dst(%dma_wait3A_43 : memref<128x128xf32, #tpu.memory_space<hbm>>)
    %dma_wait3A_44 = arith.constant 0 : i32
    %dma_wait3A_45 = tpu.memref_slice %arg6[%mul3A_39, %dma_wait3A_44] : memref<81920x128xf32, #tpu.memory_space<hbm>> -> memref<128x128xf32, #tpu.memory_space<hbm>>
    %dma_wait3A_46 = arith.constant 0 : i32
    %dma_wait3A_47 = tpu.memref_slice %arg6[%mul3A_39, %dma_wait3A_46] : memref<81920x128xf32, #tpu.memory_space<hbm>> -> memref<128x128xf32, #tpu.memory_space<hbm>>
    tpu.wait_dma2 semaphore(%arg20 : memref<!tpu.dma_semaphore, #tpu.memory_space<semaphore_mem>>) src(%arg14 : memref<128x128xf32, #tpu.memory_space<vmem>>) dst(%dma_wait3A_47 : memref<128x128xf32, #tpu.memory_space<hbm>>)
    return
  }
}

#map = affine_map<(d0, d1) -> (0, 0)>
#map1 = affine_map<(d0, d1) -> (0)>
module attributes {stable_mosaic.version = 14 : i64} {
  func.func @body(%arg0: i32, %arg1: i32, %arg2: memref<10000x128xf32, #tpu.memory_space<hbm>>, %arg3: memref<320000xi32, #tpu.memory_space<hbm>>, %arg4: memref<320000xi32, #tpu.memory_space<hbm>>, %arg5: memref<122880x128xf32, #tpu.memory_space<hbm>>, %arg6: memref<122880x128xf32, #tpu.memory_space<hbm>>, %arg7: memref<128xi32, #tpu.memory_space<vmem>>, %arg8: memref<128xi32, #tpu.memory_space<vmem>>, %arg9: memref<128xi32, #tpu.memory_space<vmem>>, %arg10: memref<128xi32, #tpu.memory_space<vmem>>, %arg11: memref<128x128xf32, #tpu.memory_space<vmem>>, %arg12: memref<128x128xf32, #tpu.memory_space<vmem>>, %arg13: memref<128x128xf32, #tpu.memory_space<vmem>>, %arg14: memref<128x128xf32, #tpu.memory_space<vmem>>, %arg15: memref<!tpu.dma_semaphore, #tpu.memory_space<semaphore_mem>>, %arg16: memref<!tpu.dma_semaphore, #tpu.memory_space<semaphore_mem>>, %arg17: memref<!tpu.dma_semaphore, #tpu.memory_space<semaphore_mem>>, %arg18: memref<!tpu.dma_semaphore, #tpu.memory_space<semaphore_mem>>, %arg19: memref<!tpu.dma_semaphore, #tpu.memory_space<semaphore_mem>>, %arg20: memref<!tpu.dma_semaphore, #tpu.memory_space<semaphore_mem>>) attributes {dimension_semantics = [#tpu.dimension_semantics<core_parallel>, #tpu.dimension_semantics<subcore_parallel>], iteration_bounds = array<i64: 2, 16>, scalar_prefetch = 0 : i64, scratch_operands = 14 : i64, tpu.core_type = #tpu.core_type<sc_vector_subcore>, window_params = [{transform_indices = #map}, {transform_indices = #map1}, {transform_indices = #map1}, {transform_indices = #map}, {transform_indices = #map}]} {
    %mul3A = arith.constant 16 : i32
    %mul3A_0 = arith.muli %arg0, %mul3A : i32
    %add3A = arith.addi %mul3A_0, %arg1 : i32
    %add3A_1 = arith.constant 640 : i32
    %add3A_2 = arith.addi %add3A_1, %add3A : i32
    %add3A_3 = arith.constant 0 : i32
    %add3A_4 = arith.addi %add3A_2, %add3A_3 : i32
    %mul3A_5 = arith.constant 128 : i32
    %mul3A_6 = arith.muli %add3A_4, %mul3A_5 : i32
    %dma_start3A = tpu.memref_slice %arg3[%mul3A_6] : memref<320000xi32, #tpu.memory_space<hbm>> -> memref<128xi32, #tpu.memory_space<hbm>>
    %dma_start3A_7 = tpu.memref_slice %arg3[%mul3A_6] : memref<320000xi32, #tpu.memory_space<hbm>> -> memref<128xi32, #tpu.memory_space<hbm>>
    tpu.enqueue_dma source(%dma_start3A_7 : memref<128xi32, #tpu.memory_space<hbm>>) target(%arg7 : memref<128xi32, #tpu.memory_space<vmem>>) target_semaphore(%arg15 : memref<!tpu.dma_semaphore, #tpu.memory_space<semaphore_mem>>)
    %dma_start3A_8 = tpu.memref_slice %arg4[%mul3A_6] : memref<320000xi32, #tpu.memory_space<hbm>> -> memref<128xi32, #tpu.memory_space<hbm>>
    %dma_start3A_9 = tpu.memref_slice %arg4[%mul3A_6] : memref<320000xi32, #tpu.memory_space<hbm>> -> memref<128xi32, #tpu.memory_space<hbm>>
    tpu.enqueue_dma source(%dma_start3A_9 : memref<128xi32, #tpu.memory_space<hbm>>) target(%arg8 : memref<128xi32, #tpu.memory_space<vmem>>) target_semaphore(%arg15 : memref<!tpu.dma_semaphore, #tpu.memory_space<semaphore_mem>>)
    %add3A_10 = arith.constant 640 : i32
    %add3A_11 = arith.addi %add3A_10, %add3A : i32
    %add3A_12 = arith.constant 32 : i32
    %add3A_13 = arith.addi %add3A_11, %add3A_12 : i32
    %mul3A_14 = arith.constant 128 : i32
    %mul3A_15 = arith.muli %add3A_13, %mul3A_14 : i32
    %dma_start3A_16 = tpu.memref_slice %arg3[%mul3A_15] : memref<320000xi32, #tpu.memory_space<hbm>> -> memref<128xi32, #tpu.memory_space<hbm>>
    %dma_start3A_17 = tpu.memref_slice %arg3[%mul3A_15] : memref<320000xi32, #tpu.memory_space<hbm>> -> memref<128xi32, #tpu.memory_space<hbm>>
    tpu.enqueue_dma source(%dma_start3A_17 : memref<128xi32, #tpu.memory_space<hbm>>) target(%arg9 : memref<128xi32, #tpu.memory_space<vmem>>) target_semaphore(%arg16 : memref<!tpu.dma_semaphore, #tpu.memory_space<semaphore_mem>>)
    %dma_start3A_18 = tpu.memref_slice %arg4[%mul3A_15] : memref<320000xi32, #tpu.memory_space<hbm>> -> memref<128xi32, #tpu.memory_space<hbm>>
    %dma_start3A_19 = tpu.memref_slice %arg4[%mul3A_15] : memref<320000xi32, #tpu.memory_space<hbm>> -> memref<128xi32, #tpu.memory_space<hbm>>
    tpu.enqueue_dma source(%dma_start3A_19 : memref<128xi32, #tpu.memory_space<hbm>>) target(%arg10 : memref<128xi32, #tpu.memory_space<vmem>>) target_semaphore(%arg16 : memref<!tpu.dma_semaphore, #tpu.memory_space<semaphore_mem>>)
    %scan3A = arith.constant 0 : i32
    %scan3A_20 = arith.constant 0 : i32
    %scan3A_21 = arith.constant 15 : i32
    %scan3A_22 = arith.addi %scan3A_20, %scan3A_21 : i32
    %scan3A_23 = arith.constant 1 : i32
    scf.for %scan3A_48 = %scan3A_20 to %scan3A_22 step %scan3A_23  : i32 {
      %mul3A_49 = arith.constant 2 : i32
      %mul3A_50 = arith.muli %scan3A_48, %mul3A_49 : i32
      %add3A_51 = arith.constant 0 : i32
      %add3A_52 = arith.addi %mul3A_50, %add3A_51 : i32
      %add3A_53 = arith.constant 640 : i32
      %add3A_54 = arith.addi %add3A_53, %add3A : i32
      %mul3A_55 = arith.constant 32 : i32
      %mul3A_56 = arith.muli %mul3A_55, %add3A_52 : i32
      %add3A_57 = arith.addi %add3A_54, %mul3A_56 : i32
      %mul3A_58 = arith.constant 128 : i32
      %mul3A_59 = arith.muli %add3A_57, %mul3A_58 : i32
      %mul3A_60 = arith.constant 32 : i32
      %mul3A_61 = arith.muli %mul3A_60, %add3A_52 : i32
      %add3A_62 = arith.addi %add3A, %mul3A_61 : i32
      %mul3A_63 = arith.constant 128 : i32
      %mul3A_64 = arith.muli %add3A_62, %mul3A_63 : i32
      %ge3A = arith.constant 2 : i32
      %ge3A_65 = arith.cmpi sge, %add3A_52, %ge3A : i32
      %convert_element_type3A = arith.extui %ge3A_65 : i1 to i32
      %cond3A = arith.constant 0 : i32
      %cond3A_66 = arith.cmpi ne, %convert_element_type3A, %cond3A : i32
      scf.if %cond3A_66 {
        %sub3A = arith.constant 2 : i32
        %sub3A_149 = arith.subi %add3A_52, %sub3A : i32
        %mul3A_150 = arith.constant 32 : i32
        %mul3A_151 = arith.muli %mul3A_150, %sub3A_149 : i32
        %add3A_152 = arith.addi %add3A, %mul3A_151 : i32
        %mul3A_153 = arith.constant 128 : i32
        %mul3A_154 = arith.muli %add3A_152, %mul3A_153 : i32
        %dma_wait3A_155 = arith.constant 0 : i32
        %dma_wait3A_156 = tpu.memref_slice %arg5[%mul3A_154, %dma_wait3A_155] : memref<122880x128xf32, #tpu.memory_space<hbm>> -> memref<128x128xf32, #tpu.memory_space<hbm>>
        %dma_wait3A_157 = arith.constant 0 : i32
        %dma_wait3A_158 = tpu.memref_slice %arg5[%mul3A_154, %dma_wait3A_157] : memref<122880x128xf32, #tpu.memory_space<hbm>> -> memref<128x128xf32, #tpu.memory_space<hbm>>
        tpu.wait_dma2 semaphore(%arg19 : memref<!tpu.dma_semaphore, #tpu.memory_space<semaphore_mem>>) src(%arg11 : memref<128x128xf32, #tpu.memory_space<vmem>>) dst(%dma_wait3A_158 : memref<128x128xf32, #tpu.memory_space<hbm>>)
        %dma_wait3A_159 = arith.constant 0 : i32
        %dma_wait3A_160 = tpu.memref_slice %arg6[%mul3A_154, %dma_wait3A_159] : memref<122880x128xf32, #tpu.memory_space<hbm>> -> memref<128x128xf32, #tpu.memory_space<hbm>>
        %dma_wait3A_161 = arith.constant 0 : i32
        %dma_wait3A_162 = tpu.memref_slice %arg6[%mul3A_154, %dma_wait3A_161] : memref<122880x128xf32, #tpu.memory_space<hbm>> -> memref<128x128xf32, #tpu.memory_space<hbm>>
        tpu.wait_dma2 semaphore(%arg19 : memref<!tpu.dma_semaphore, #tpu.memory_space<semaphore_mem>>) src(%arg12 : memref<128x128xf32, #tpu.memory_space<vmem>>) dst(%dma_wait3A_162 : memref<128x128xf32, #tpu.memory_space<hbm>>)
      } else {
      }
      %dma_wait3A_67 = tpu.memref_slice %arg3[%mul3A_59] : memref<320000xi32, #tpu.memory_space<hbm>> -> memref<128xi32, #tpu.memory_space<hbm>>
      %dma_wait3A_68 = tpu.memref_slice %arg3[%mul3A_59] : memref<320000xi32, #tpu.memory_space<hbm>> -> memref<128xi32, #tpu.memory_space<hbm>>
      tpu.wait_dma2 semaphore(%arg15 : memref<!tpu.dma_semaphore, #tpu.memory_space<semaphore_mem>>) src(%dma_wait3A_68 : memref<128xi32, #tpu.memory_space<hbm>>) dst(%arg7 : memref<128xi32, #tpu.memory_space<vmem>>)
      %dma_wait3A_69 = tpu.memref_slice %arg4[%mul3A_59] : memref<320000xi32, #tpu.memory_space<hbm>> -> memref<128xi32, #tpu.memory_space<hbm>>
      %dma_wait3A_70 = tpu.memref_slice %arg4[%mul3A_59] : memref<320000xi32, #tpu.memory_space<hbm>> -> memref<128xi32, #tpu.memory_space<hbm>>
      tpu.wait_dma2 semaphore(%arg15 : memref<!tpu.dma_semaphore, #tpu.memory_space<semaphore_mem>>) src(%dma_wait3A_70 : memref<128xi32, #tpu.memory_space<hbm>>) dst(%arg8 : memref<128xi32, #tpu.memory_space<vmem>>)
      %dma_start3A_71 = arith.constant 0 : i32
      %dma_start3A_72 = arith.constant 0 : i32
      %dma_start3A_73 = tpu.memref_slice %arg2[%dma_start3A_71, %dma_start3A_72] : memref<10000x128xf32, #tpu.memory_space<hbm>> -> memref<10000x128xf32, #tpu.memory_space<hbm>>
      tpu.enqueue_indirect_dma source(%dma_start3A_73 : memref<10000x128xf32, #tpu.memory_space<hbm>>) target(%arg11 : memref<128x128xf32, #tpu.memory_space<vmem>>) offsets(%arg7 : memref<128xi32, #tpu.memory_space<vmem>>) semaphore(%arg17 : memref<!tpu.dma_semaphore, #tpu.memory_space<semaphore_mem>>)
      %dma_start3A_74 = arith.constant 0 : i32
      %dma_start3A_75 = arith.constant 0 : i32
      %dma_start3A_76 = tpu.memref_slice %arg2[%dma_start3A_74, %dma_start3A_75] : memref<10000x128xf32, #tpu.memory_space<hbm>> -> memref<10000x128xf32, #tpu.memory_space<hbm>>
      tpu.enqueue_indirect_dma source(%dma_start3A_76 : memref<10000x128xf32, #tpu.memory_space<hbm>>) target(%arg12 : memref<128x128xf32, #tpu.memory_space<vmem>>) offsets(%arg8 : memref<128xi32, #tpu.memory_space<vmem>>) semaphore(%arg17 : memref<!tpu.dma_semaphore, #tpu.memory_space<semaphore_mem>>)
      %dma_wait3A_77 = arith.constant 0 : i32
      %dma_wait3A_78 = arith.constant 0 : i32
      %dma_wait3A_79 = tpu.memref_slice %arg2[%dma_wait3A_77, %dma_wait3A_78] : memref<10000x128xf32, #tpu.memory_space<hbm>> -> memref<10000x128xf32, #tpu.memory_space<hbm>>
      tpu.wait_indirect_dma semaphore(%arg17 : memref<!tpu.dma_semaphore, #tpu.memory_space<semaphore_mem>>) src(%dma_wait3A_79 : memref<10000x128xf32, #tpu.memory_space<hbm>>) dst(%arg11 : memref<128x128xf32, #tpu.memory_space<vmem>>)
      %dma_wait3A_80 = arith.constant 0 : i32
      %dma_wait3A_81 = arith.constant 0 : i32
      %dma_wait3A_82 = tpu.memref_slice %arg2[%dma_wait3A_80, %dma_wait3A_81] : memref<10000x128xf32, #tpu.memory_space<hbm>> -> memref<10000x128xf32, #tpu.memory_space<hbm>>
      tpu.wait_indirect_dma semaphore(%arg17 : memref<!tpu.dma_semaphore, #tpu.memory_space<semaphore_mem>>) src(%dma_wait3A_82 : memref<10000x128xf32, #tpu.memory_space<hbm>>) dst(%arg12 : memref<128x128xf32, #tpu.memory_space<vmem>>)
      %dma_start3A_83 = arith.constant 0 : i32
      %dma_start3A_84 = tpu.memref_slice %arg5[%mul3A_64, %dma_start3A_83] : memref<122880x128xf32, #tpu.memory_space<hbm>> -> memref<128x128xf32, #tpu.memory_space<hbm>>
      %dma_start3A_85 = arith.constant 0 : i32
      %dma_start3A_86 = tpu.memref_slice %arg5[%mul3A_64, %dma_start3A_85] : memref<122880x128xf32, #tpu.memory_space<hbm>> -> memref<128x128xf32, #tpu.memory_space<hbm>>
      tpu.enqueue_dma source(%arg11 : memref<128x128xf32, #tpu.memory_space<vmem>>) target(%dma_start3A_86 : memref<128x128xf32, #tpu.memory_space<hbm>>) target_semaphore(%arg19 : memref<!tpu.dma_semaphore, #tpu.memory_space<semaphore_mem>>)
      %dma_start3A_87 = arith.constant 0 : i32
      %dma_start3A_88 = tpu.memref_slice %arg6[%mul3A_64, %dma_start3A_87] : memref<122880x128xf32, #tpu.memory_space<hbm>> -> memref<128x128xf32, #tpu.memory_space<hbm>>
      %dma_start3A_89 = arith.constant 0 : i32
      %dma_start3A_90 = tpu.memref_slice %arg6[%mul3A_64, %dma_start3A_89] : memref<122880x128xf32, #tpu.memory_space<hbm>> -> memref<128x128xf32, #tpu.memory_space<hbm>>
      tpu.enqueue_dma source(%arg12 : memref<128x128xf32, #tpu.memory_space<vmem>>) target(%dma_start3A_90 : memref<128x128xf32, #tpu.memory_space<hbm>>) target_semaphore(%arg19 : memref<!tpu.dma_semaphore, #tpu.memory_space<semaphore_mem>>)
      %add3A_91 = arith.constant 2 : i32
      %add3A_92 = arith.addi %add3A_52, %add3A_91 : i32
      %lt3A = arith.constant 30 : i32
      %lt3A_93 = arith.cmpi slt, %add3A_92, %lt3A : i32
      %convert_element_type3A_94 = arith.extui %lt3A_93 : i1 to i32
      %cond3A_95 = arith.constant 0 : i32
      %cond3A_96 = arith.cmpi ne, %convert_element_type3A_94, %cond3A_95 : i32
      scf.if %cond3A_96 {
        %add3A_149 = arith.constant 2 : i32
        %add3A_150 = arith.addi %add3A_52, %add3A_149 : i32
        %add3A_151 = arith.constant 640 : i32
        %add3A_152 = arith.addi %add3A_151, %add3A : i32
        %mul3A_153 = arith.constant 32 : i32
        %mul3A_154 = arith.muli %mul3A_153, %add3A_150 : i32
        %add3A_155 = arith.addi %add3A_152, %mul3A_154 : i32
        %mul3A_156 = arith.constant 128 : i32
        %mul3A_157 = arith.muli %add3A_155, %mul3A_156 : i32
        %dma_start3A_158 = tpu.memref_slice %arg3[%mul3A_157] : memref<320000xi32, #tpu.memory_space<hbm>> -> memref<128xi32, #tpu.memory_space<hbm>>
        %dma_start3A_159 = tpu.memref_slice %arg3[%mul3A_157] : memref<320000xi32, #tpu.memory_space<hbm>> -> memref<128xi32, #tpu.memory_space<hbm>>
        tpu.enqueue_dma source(%dma_start3A_159 : memref<128xi32, #tpu.memory_space<hbm>>) target(%arg7 : memref<128xi32, #tpu.memory_space<vmem>>) target_semaphore(%arg15 : memref<!tpu.dma_semaphore, #tpu.memory_space<semaphore_mem>>)
        %dma_start3A_160 = tpu.memref_slice %arg4[%mul3A_157] : memref<320000xi32, #tpu.memory_space<hbm>> -> memref<128xi32, #tpu.memory_space<hbm>>
        %dma_start3A_161 = tpu.memref_slice %arg4[%mul3A_157] : memref<320000xi32, #tpu.memory_space<hbm>> -> memref<128xi32, #tpu.memory_space<hbm>>
        tpu.enqueue_dma source(%dma_start3A_161 : memref<128xi32, #tpu.memory_space<hbm>>) target(%arg8 : memref<128xi32, #tpu.memory_space<vmem>>) target_semaphore(%arg15 : memref<!tpu.dma_semaphore, #tpu.memory_space<semaphore_mem>>)
      } else {
      }
      %mul3A_97 = arith.constant 2 : i32
      %mul3A_98 = arith.muli %scan3A_48, %mul3A_97 : i32
      %add3A_99 = arith.constant 1 : i32
      %add3A_100 = arith.addi %mul3A_98, %add3A_99 : i32
      %add3A_101 = arith.constant 640 : i32
      %add3A_102 = arith.addi %add3A_101, %add3A : i32
      %mul3A_103 = arith.constant 32 : i32
      %mul3A_104 = arith.muli %mul3A_103, %add3A_100 : i32
      %add3A_105 = arith.addi %add3A_102, %mul3A_104 : i32
      %mul3A_106 = arith.constant 128 : i32
      %mul3A_107 = arith.muli %add3A_105, %mul3A_106 : i32
      %mul3A_108 = arith.constant 32 : i32
      %mul3A_109 = arith.muli %mul3A_108, %add3A_100 : i32
      %add3A_110 = arith.addi %add3A, %mul3A_109 : i32
      %mul3A_111 = arith.constant 128 : i32
      %mul3A_112 = arith.muli %add3A_110, %mul3A_111 : i32
      %ge3A_113 = arith.constant 2 : i32
      %ge3A_114 = arith.cmpi sge, %add3A_100, %ge3A_113 : i32
      %convert_element_type3A_115 = arith.extui %ge3A_114 : i1 to i32
      %cond3A_116 = arith.constant 0 : i32
      %cond3A_117 = arith.cmpi ne, %convert_element_type3A_115, %cond3A_116 : i32
      scf.if %cond3A_117 {
        %sub3A = arith.constant 2 : i32
        %sub3A_149 = arith.subi %add3A_100, %sub3A : i32
        %mul3A_150 = arith.constant 32 : i32
        %mul3A_151 = arith.muli %mul3A_150, %sub3A_149 : i32
        %add3A_152 = arith.addi %add3A, %mul3A_151 : i32
        %mul3A_153 = arith.constant 128 : i32
        %mul3A_154 = arith.muli %add3A_152, %mul3A_153 : i32
        %dma_wait3A_155 = arith.constant 0 : i32
        %dma_wait3A_156 = tpu.memref_slice %arg5[%mul3A_154, %dma_wait3A_155] : memref<122880x128xf32, #tpu.memory_space<hbm>> -> memref<128x128xf32, #tpu.memory_space<hbm>>
        %dma_wait3A_157 = arith.constant 0 : i32
        %dma_wait3A_158 = tpu.memref_slice %arg5[%mul3A_154, %dma_wait3A_157] : memref<122880x128xf32, #tpu.memory_space<hbm>> -> memref<128x128xf32, #tpu.memory_space<hbm>>
        tpu.wait_dma2 semaphore(%arg20 : memref<!tpu.dma_semaphore, #tpu.memory_space<semaphore_mem>>) src(%arg13 : memref<128x128xf32, #tpu.memory_space<vmem>>) dst(%dma_wait3A_158 : memref<128x128xf32, #tpu.memory_space<hbm>>)
        %dma_wait3A_159 = arith.constant 0 : i32
        %dma_wait3A_160 = tpu.memref_slice %arg6[%mul3A_154, %dma_wait3A_159] : memref<122880x128xf32, #tpu.memory_space<hbm>> -> memref<128x128xf32, #tpu.memory_space<hbm>>
        %dma_wait3A_161 = arith.constant 0 : i32
        %dma_wait3A_162 = tpu.memref_slice %arg6[%mul3A_154, %dma_wait3A_161] : memref<122880x128xf32, #tpu.memory_space<hbm>> -> memref<128x128xf32, #tpu.memory_space<hbm>>
        tpu.wait_dma2 semaphore(%arg20 : memref<!tpu.dma_semaphore, #tpu.memory_space<semaphore_mem>>) src(%arg14 : memref<128x128xf32, #tpu.memory_space<vmem>>) dst(%dma_wait3A_162 : memref<128x128xf32, #tpu.memory_space<hbm>>)
      } else {
      }
      %dma_wait3A_118 = tpu.memref_slice %arg3[%mul3A_107] : memref<320000xi32, #tpu.memory_space<hbm>> -> memref<128xi32, #tpu.memory_space<hbm>>
      %dma_wait3A_119 = tpu.memref_slice %arg3[%mul3A_107] : memref<320000xi32, #tpu.memory_space<hbm>> -> memref<128xi32, #tpu.memory_space<hbm>>
      tpu.wait_dma2 semaphore(%arg16 : memref<!tpu.dma_semaphore, #tpu.memory_space<semaphore_mem>>) src(%dma_wait3A_119 : memref<128xi32, #tpu.memory_space<hbm>>) dst(%arg9 : memref<128xi32, #tpu.memory_space<vmem>>)
      %dma_wait3A_120 = tpu.memref_slice %arg4[%mul3A_107] : memref<320000xi32, #tpu.memory_space<hbm>> -> memref<128xi32, #tpu.memory_space<hbm>>
      %dma_wait3A_121 = tpu.memref_slice %arg4[%mul3A_107] : memref<320000xi32, #tpu.memory_space<hbm>> -> memref<128xi32, #tpu.memory_space<hbm>>
      tpu.wait_dma2 semaphore(%arg16 : memref<!tpu.dma_semaphore, #tpu.memory_space<semaphore_mem>>) src(%dma_wait3A_121 : memref<128xi32, #tpu.memory_space<hbm>>) dst(%arg10 : memref<128xi32, #tpu.memory_space<vmem>>)
      %dma_start3A_122 = arith.constant 0 : i32
      %dma_start3A_123 = arith.constant 0 : i32
      %dma_start3A_124 = tpu.memref_slice %arg2[%dma_start3A_122, %dma_start3A_123] : memref<10000x128xf32, #tpu.memory_space<hbm>> -> memref<10000x128xf32, #tpu.memory_space<hbm>>
      tpu.enqueue_indirect_dma source(%dma_start3A_124 : memref<10000x128xf32, #tpu.memory_space<hbm>>) target(%arg13 : memref<128x128xf32, #tpu.memory_space<vmem>>) offsets(%arg9 : memref<128xi32, #tpu.memory_space<vmem>>) semaphore(%arg18 : memref<!tpu.dma_semaphore, #tpu.memory_space<semaphore_mem>>)
      %dma_start3A_125 = arith.constant 0 : i32
      %dma_start3A_126 = arith.constant 0 : i32
      %dma_start3A_127 = tpu.memref_slice %arg2[%dma_start3A_125, %dma_start3A_126] : memref<10000x128xf32, #tpu.memory_space<hbm>> -> memref<10000x128xf32, #tpu.memory_space<hbm>>
      tpu.enqueue_indirect_dma source(%dma_start3A_127 : memref<10000x128xf32, #tpu.memory_space<hbm>>) target(%arg14 : memref<128x128xf32, #tpu.memory_space<vmem>>) offsets(%arg10 : memref<128xi32, #tpu.memory_space<vmem>>) semaphore(%arg18 : memref<!tpu.dma_semaphore, #tpu.memory_space<semaphore_mem>>)
      %dma_wait3A_128 = arith.constant 0 : i32
      %dma_wait3A_129 = arith.constant 0 : i32
      %dma_wait3A_130 = tpu.memref_slice %arg2[%dma_wait3A_128, %dma_wait3A_129] : memref<10000x128xf32, #tpu.memory_space<hbm>> -> memref<10000x128xf32, #tpu.memory_space<hbm>>
      tpu.wait_indirect_dma semaphore(%arg18 : memref<!tpu.dma_semaphore, #tpu.memory_space<semaphore_mem>>) src(%dma_wait3A_130 : memref<10000x128xf32, #tpu.memory_space<hbm>>) dst(%arg13 : memref<128x128xf32, #tpu.memory_space<vmem>>)
      %dma_wait3A_131 = arith.constant 0 : i32
      %dma_wait3A_132 = arith.constant 0 : i32
      %dma_wait3A_133 = tpu.memref_slice %arg2[%dma_wait3A_131, %dma_wait3A_132] : memref<10000x128xf32, #tpu.memory_space<hbm>> -> memref<10000x128xf32, #tpu.memory_space<hbm>>
      tpu.wait_indirect_dma semaphore(%arg18 : memref<!tpu.dma_semaphore, #tpu.memory_space<semaphore_mem>>) src(%dma_wait3A_133 : memref<10000x128xf32, #tpu.memory_space<hbm>>) dst(%arg14 : memref<128x128xf32, #tpu.memory_space<vmem>>)
      %dma_start3A_134 = arith.constant 0 : i32
      %dma_start3A_135 = tpu.memref_slice %arg5[%mul3A_112, %dma_start3A_134] : memref<122880x128xf32, #tpu.memory_space<hbm>> -> memref<128x128xf32, #tpu.memory_space<hbm>>
      %dma_start3A_136 = arith.constant 0 : i32
      %dma_start3A_137 = tpu.memref_slice %arg5[%mul3A_112, %dma_start3A_136] : memref<122880x128xf32, #tpu.memory_space<hbm>> -> memref<128x128xf32, #tpu.memory_space<hbm>>
      tpu.enqueue_dma source(%arg13 : memref<128x128xf32, #tpu.memory_space<vmem>>) target(%dma_start3A_137 : memref<128x128xf32, #tpu.memory_space<hbm>>) target_semaphore(%arg20 : memref<!tpu.dma_semaphore, #tpu.memory_space<semaphore_mem>>)
      %dma_start3A_138 = arith.constant 0 : i32
      %dma_start3A_139 = tpu.memref_slice %arg6[%mul3A_112, %dma_start3A_138] : memref<122880x128xf32, #tpu.memory_space<hbm>> -> memref<128x128xf32, #tpu.memory_space<hbm>>
      %dma_start3A_140 = arith.constant 0 : i32
      %dma_start3A_141 = tpu.memref_slice %arg6[%mul3A_112, %dma_start3A_140] : memref<122880x128xf32, #tpu.memory_space<hbm>> -> memref<128x128xf32, #tpu.memory_space<hbm>>
      tpu.enqueue_dma source(%arg14 : memref<128x128xf32, #tpu.memory_space<vmem>>) target(%dma_start3A_141 : memref<128x128xf32, #tpu.memory_space<hbm>>) target_semaphore(%arg20 : memref<!tpu.dma_semaphore, #tpu.memory_space<semaphore_mem>>)
      %add3A_142 = arith.constant 2 : i32
      %add3A_143 = arith.addi %add3A_100, %add3A_142 : i32
      %lt3A_144 = arith.constant 30 : i32
      %lt3A_145 = arith.cmpi slt, %add3A_143, %lt3A_144 : i32
      %convert_element_type3A_146 = arith.extui %lt3A_145 : i1 to i32
      %cond3A_147 = arith.constant 0 : i32
      %cond3A_148 = arith.cmpi ne, %convert_element_type3A_146, %cond3A_147 : i32
      scf.if %cond3A_148 {
        %add3A_149 = arith.constant 2 : i32
        %add3A_150 = arith.addi %add3A_100, %add3A_149 : i32
        %add3A_151 = arith.constant 640 : i32
        %add3A_152 = arith.addi %add3A_151, %add3A : i32
        %mul3A_153 = arith.constant 32 : i32
        %mul3A_154 = arith.muli %mul3A_153, %add3A_150 : i32
        %add3A_155 = arith.addi %add3A_152, %mul3A_154 : i32
        %mul3A_156 = arith.constant 128 : i32
        %mul3A_157 = arith.muli %add3A_155, %mul3A_156 : i32
        %dma_start3A_158 = tpu.memref_slice %arg3[%mul3A_157] : memref<320000xi32, #tpu.memory_space<hbm>> -> memref<128xi32, #tpu.memory_space<hbm>>
        %dma_start3A_159 = tpu.memref_slice %arg3[%mul3A_157] : memref<320000xi32, #tpu.memory_space<hbm>> -> memref<128xi32, #tpu.memory_space<hbm>>
        tpu.enqueue_dma source(%dma_start3A_159 : memref<128xi32, #tpu.memory_space<hbm>>) target(%arg9 : memref<128xi32, #tpu.memory_space<vmem>>) target_semaphore(%arg16 : memref<!tpu.dma_semaphore, #tpu.memory_space<semaphore_mem>>)
        %dma_start3A_160 = tpu.memref_slice %arg4[%mul3A_157] : memref<320000xi32, #tpu.memory_space<hbm>> -> memref<128xi32, #tpu.memory_space<hbm>>
        %dma_start3A_161 = tpu.memref_slice %arg4[%mul3A_157] : memref<320000xi32, #tpu.memory_space<hbm>> -> memref<128xi32, #tpu.memory_space<hbm>>
        tpu.enqueue_dma source(%dma_start3A_161 : memref<128xi32, #tpu.memory_space<hbm>>) target(%arg10 : memref<128xi32, #tpu.memory_space<vmem>>) target_semaphore(%arg16 : memref<!tpu.dma_semaphore, #tpu.memory_space<semaphore_mem>>)
      } else {
      }
    }
    %scan3A_24 = arith.constant 15 : i32
    %add3A_25 = arith.constant 896 : i32
    %add3A_26 = arith.addi %add3A, %add3A_25 : i32
    %mul3A_27 = arith.constant 128 : i32
    %mul3A_28 = arith.muli %add3A_26, %mul3A_27 : i32
    %dma_wait3A = arith.constant 0 : i32
    %dma_wait3A_29 = tpu.memref_slice %arg5[%mul3A_28, %dma_wait3A] : memref<122880x128xf32, #tpu.memory_space<hbm>> -> memref<128x128xf32, #tpu.memory_space<hbm>>
    %dma_wait3A_30 = arith.constant 0 : i32
    %dma_wait3A_31 = tpu.memref_slice %arg5[%mul3A_28, %dma_wait3A_30] : memref<122880x128xf32, #tpu.memory_space<hbm>> -> memref<128x128xf32, #tpu.memory_space<hbm>>
    tpu.wait_dma2 semaphore(%arg19 : memref<!tpu.dma_semaphore, #tpu.memory_space<semaphore_mem>>) src(%arg11 : memref<128x128xf32, #tpu.memory_space<vmem>>) dst(%dma_wait3A_31 : memref<128x128xf32, #tpu.memory_space<hbm>>)
    %dma_wait3A_32 = arith.constant 0 : i32
    %dma_wait3A_33 = tpu.memref_slice %arg6[%mul3A_28, %dma_wait3A_32] : memref<122880x128xf32, #tpu.memory_space<hbm>> -> memref<128x128xf32, #tpu.memory_space<hbm>>
    %dma_wait3A_34 = arith.constant 0 : i32
    %dma_wait3A_35 = tpu.memref_slice %arg6[%mul3A_28, %dma_wait3A_34] : memref<122880x128xf32, #tpu.memory_space<hbm>> -> memref<128x128xf32, #tpu.memory_space<hbm>>
    tpu.wait_dma2 semaphore(%arg19 : memref<!tpu.dma_semaphore, #tpu.memory_space<semaphore_mem>>) src(%arg12 : memref<128x128xf32, #tpu.memory_space<vmem>>) dst(%dma_wait3A_35 : memref<128x128xf32, #tpu.memory_space<hbm>>)
    %add3A_36 = arith.constant 928 : i32
    %add3A_37 = arith.addi %add3A, %add3A_36 : i32
    %mul3A_38 = arith.constant 128 : i32
    %mul3A_39 = arith.muli %add3A_37, %mul3A_38 : i32
    %dma_wait3A_40 = arith.constant 0 : i32
    %dma_wait3A_41 = tpu.memref_slice %arg5[%mul3A_39, %dma_wait3A_40] : memref<122880x128xf32, #tpu.memory_space<hbm>> -> memref<128x128xf32, #tpu.memory_space<hbm>>
    %dma_wait3A_42 = arith.constant 0 : i32
    %dma_wait3A_43 = tpu.memref_slice %arg5[%mul3A_39, %dma_wait3A_42] : memref<122880x128xf32, #tpu.memory_space<hbm>> -> memref<128x128xf32, #tpu.memory_space<hbm>>
    tpu.wait_dma2 semaphore(%arg20 : memref<!tpu.dma_semaphore, #tpu.memory_space<semaphore_mem>>) src(%arg13 : memref<128x128xf32, #tpu.memory_space<vmem>>) dst(%dma_wait3A_43 : memref<128x128xf32, #tpu.memory_space<hbm>>)
    %dma_wait3A_44 = arith.constant 0 : i32
    %dma_wait3A_45 = tpu.memref_slice %arg6[%mul3A_39, %dma_wait3A_44] : memref<122880x128xf32, #tpu.memory_space<hbm>> -> memref<128x128xf32, #tpu.memory_space<hbm>>
    %dma_wait3A_46 = arith.constant 0 : i32
    %dma_wait3A_47 = tpu.memref_slice %arg6[%mul3A_39, %dma_wait3A_46] : memref<122880x128xf32, #tpu.memory_space<hbm>> -> memref<128x128xf32, #tpu.memory_space<hbm>>
    tpu.wait_dma2 semaphore(%arg20 : memref<!tpu.dma_semaphore, #tpu.memory_space<semaphore_mem>>) src(%arg14 : memref<128x128xf32, #tpu.memory_space<vmem>>) dst(%dma_wait3A_47 : memref<128x128xf32, #tpu.memory_space<hbm>>)
    return
  }
}

#map = affine_map<(d0, d1) -> (0, 0)>
#map1 = affine_map<(d0, d1) -> (0)>
module attributes {stable_mosaic.version = 14 : i64} {
  func.func @body(%arg0: i32, %arg1: i32, %arg2: memref<81920x128xf32, #tpu.memory_space<hbm>>, %arg3: memref<320000xi32, #tpu.memory_space<hbm>>, %arg4: memref<10240x128xf32, #tpu.memory_space<hbm>>, %arg5: memref<20480x128xf32, #tpu.memory_space<hbm>>, %arg6: memref<128xi32, #tpu.memory_space<vmem>>, %arg7: memref<128xi32, #tpu.memory_space<vmem>>, %arg8: memref<128x128xf32, #tpu.memory_space<vmem>>, %arg9: memref<128x128xf32, #tpu.memory_space<vmem>>, %arg10: memref<10240x128xf32, #tpu.memory_space<vmem_shared>>, %arg11: memref<!tpu.dma_semaphore, #tpu.memory_space<semaphore_mem>>, %arg12: memref<!tpu.dma_semaphore, #tpu.memory_space<semaphore_mem>>, %arg13: memref<!tpu.dma_semaphore, #tpu.memory_space<semaphore_mem>>, %arg14: memref<!tpu.dma_semaphore, #tpu.memory_space<semaphore_mem>>) attributes {dimension_semantics = [#tpu.dimension_semantics<core_parallel>, #tpu.dimension_semantics<subcore_parallel>], iteration_bounds = array<i64: 2, 16>, scalar_prefetch = 0 : i64, scratch_operands = 9 : i64, tpu.core_type = #tpu.core_type<sc_vector_subcore>, window_params = [{transform_indices = #map}, {transform_indices = #map1}, {transform_indices = #map}, {transform_indices = #map}]} {
    %mul3A = arith.constant 16 : i32
    %mul3A_0 = arith.muli %arg0, %mul3A : i32
    %add3A = arith.addi %mul3A_0, %arg1 : i32
    %mul3A_1 = arith.constant 640 : i32
    %mul3A_2 = arith.muli %arg1, %mul3A_1 : i32
    %eq3A = arith.constant 0 : i32
    %eq3A_3 = arith.cmpi eq, %arg1, %eq3A : i32
    %convert_element_type3A = arith.extui %eq3A_3 : i1 to i32
    %cond3A = arith.constant 0 : i32
    %cond3A_4 = arith.cmpi ne, %convert_element_type3A, %cond3A : i32
    scf.if %cond3A_4 {
      "tpu.region"() ({
        %run_scoped3A = tpu.sem_alloc : memref<!tpu.dma_semaphore, #tpu.memory_space<semaphore_mem>>
        tpu.enqueue_dma source(%arg4 : memref<10240x128xf32, #tpu.memory_space<hbm>>) target(%arg10 : memref<10240x128xf32, #tpu.memory_space<vmem_shared>>) target_semaphore(%run_scoped3A : memref<!tpu.dma_semaphore, #tpu.memory_space<semaphore_mem>>)
        tpu.wait_dma2 semaphore(%run_scoped3A : memref<!tpu.dma_semaphore, #tpu.memory_space<semaphore_mem>>) src(%arg4 : memref<10240x128xf32, #tpu.memory_space<hbm>>) dst(%arg10 : memref<10240x128xf32, #tpu.memory_space<vmem_shared>>)
        tpu.yield
      }) : () -> ()
    } else {
    }
    %barrier3A = arith.constant 0 : index
    tpu.barrier barrier_id(%barrier3A)
    %add3A_5 = arith.constant 0 : i32
    %add3A_6 = arith.addi %add3A_5, %add3A : i32
    %add3A_7 = arith.constant 0 : i32
    %add3A_8 = arith.addi %add3A_6, %add3A_7 : i32
    %mul3A_9 = arith.constant 128 : i32
    %mul3A_10 = arith.muli %add3A_8, %mul3A_9 : i32
    %dma_start3A = tpu.memref_slice %arg3[%mul3A_10] : memref<320000xi32, #tpu.memory_space<hbm>> -> memref<128xi32, #tpu.memory_space<hbm>>
    %dma_start3A_11 = tpu.memref_slice %arg3[%mul3A_10] : memref<320000xi32, #tpu.memory_space<hbm>> -> memref<128xi32, #tpu.memory_space<hbm>>
    tpu.enqueue_dma source(%dma_start3A_11 : memref<128xi32, #tpu.memory_space<hbm>>) target(%arg6 : memref<128xi32, #tpu.memory_space<vmem>>) target_semaphore(%arg11 : memref<!tpu.dma_semaphore, #tpu.memory_space<semaphore_mem>>)
    %add3A_12 = arith.constant 0 : i32
    %add3A_13 = arith.addi %add3A, %add3A_12 : i32
    %mul3A_14 = arith.constant 128 : i32
    %mul3A_15 = arith.muli %add3A_13, %mul3A_14 : i32
    %dma_start3A_16 = arith.constant 0 : i32
    %dma_start3A_17 = tpu.memref_slice %arg2[%mul3A_15, %dma_start3A_16] : memref<81920x128xf32, #tpu.memory_space<hbm>> -> memref<128x128xf32, #tpu.memory_space<hbm>>
    %dma_start3A_18 = arith.constant 0 : i32
    %dma_start3A_19 = tpu.memref_slice %arg2[%mul3A_15, %dma_start3A_18] : memref<81920x128xf32, #tpu.memory_space<hbm>> -> memref<128x128xf32, #tpu.memory_space<hbm>>
    tpu.enqueue_dma source(%dma_start3A_19 : memref<128x128xf32, #tpu.memory_space<hbm>>) target(%arg8 : memref<128x128xf32, #tpu.memory_space<vmem>>) target_semaphore(%arg11 : memref<!tpu.dma_semaphore, #tpu.memory_space<semaphore_mem>>)
    %scan3A = arith.constant 0 : i32
    %scan3A_20 = arith.constant 0 : i32
    %scan3A_21 = arith.constant 10 : i32
    %scan3A_22 = arith.addi %scan3A_20, %scan3A_21 : i32
    %scan3A_23 = arith.constant 1 : i32
    scf.for %scan3A_31 = %scan3A_20 to %scan3A_22 step %scan3A_23  : i32 {
      %mul3A_32 = arith.constant 2 : i32
      %mul3A_33 = arith.muli %scan3A_31, %mul3A_32 : i32
      %add3A_34 = arith.constant 0 : i32
      %add3A_35 = arith.addi %mul3A_33, %add3A_34 : i32
      %add3A_36 = arith.constant 0 : i32
      %add3A_37 = arith.addi %add3A_36, %add3A : i32
      %mul3A_38 = arith.constant 32 : i32
      %mul3A_39 = arith.muli %mul3A_38, %add3A_35 : i32
      %add3A_40 = arith.addi %add3A_37, %mul3A_39 : i32
      %mul3A_41 = arith.constant 128 : i32
      %mul3A_42 = arith.muli %add3A_40, %mul3A_41 : i32
      %dma_wait3A_43 = tpu.memref_slice %arg3[%mul3A_42] : memref<320000xi32, #tpu.memory_space<hbm>> -> memref<128xi32, #tpu.memory_space<hbm>>
      %dma_wait3A_44 = tpu.memref_slice %arg3[%mul3A_42] : memref<320000xi32, #tpu.memory_space<hbm>> -> memref<128xi32, #tpu.memory_space<hbm>>
      tpu.wait_dma2 semaphore(%arg11 : memref<!tpu.dma_semaphore, #tpu.memory_space<semaphore_mem>>) src(%dma_wait3A_44 : memref<128xi32, #tpu.memory_space<hbm>>) dst(%arg6 : memref<128xi32, #tpu.memory_space<vmem>>)
      %mul3A_45 = arith.constant 32 : i32
      %mul3A_46 = arith.muli %mul3A_45, %add3A_35 : i32
      %add3A_47 = arith.addi %add3A, %mul3A_46 : i32
      %mul3A_48 = arith.constant 128 : i32
      %mul3A_49 = arith.muli %add3A_47, %mul3A_48 : i32
      %dma_wait3A_50 = arith.constant 0 : i32
      %dma_wait3A_51 = tpu.memref_slice %arg2[%mul3A_49, %dma_wait3A_50] : memref<81920x128xf32, #tpu.memory_space<hbm>> -> memref<128x128xf32, #tpu.memory_space<hbm>>
      %dma_wait3A_52 = arith.constant 0 : i32
      %dma_wait3A_53 = tpu.memref_slice %arg2[%mul3A_49, %dma_wait3A_52] : memref<81920x128xf32, #tpu.memory_space<hbm>> -> memref<128x128xf32, #tpu.memory_space<hbm>>
      tpu.wait_dma2 semaphore(%arg11 : memref<!tpu.dma_semaphore, #tpu.memory_space<semaphore_mem>>) src(%dma_wait3A_53 : memref<128x128xf32, #tpu.memory_space<hbm>>) dst(%arg8 : memref<128x128xf32, #tpu.memory_space<vmem>>)
      %dma_start3A_54 = arith.constant 0 : i32
      %dma_start3A_55 = arith.constant 0 : i32
      %dma_start3A_56 = tpu.memref_slice %arg10[%dma_start3A_54, %dma_start3A_55] : memref<10240x128xf32, #tpu.memory_space<vmem_shared>> -> memref<10240x128xf32, #tpu.memory_space<vmem_shared>>
      tpu.enqueue_indirect_dma source(%arg8 : memref<128x128xf32, #tpu.memory_space<vmem>>) target(%dma_start3A_56 : memref<10240x128xf32, #tpu.memory_space<vmem_shared>>) offsets(%arg6 : memref<128xi32, #tpu.memory_space<vmem>>) semaphore(%arg13 : memref<!tpu.dma_semaphore, #tpu.memory_space<semaphore_mem>>) {add = true}
      %ge3A = arith.constant 1 : i32
      %ge3A_57 = arith.cmpi sge, %add3A_35, %ge3A : i32
      %convert_element_type3A_58 = arith.extui %ge3A_57 : i1 to i32
      %cond3A_59 = arith.constant 0 : i32
      %cond3A_60 = arith.cmpi ne, %convert_element_type3A_58, %cond3A_59 : i32
      scf.if %cond3A_60 {
        %dma_wait3A_104 = arith.constant 0 : i32
        %dma_wait3A_105 = arith.constant 0 : i32
        %dma_wait3A_106 = tpu.memref_slice %arg10[%dma_wait3A_104, %dma_wait3A_105] : memref<10240x128xf32, #tpu.memory_space<vmem_shared>> -> memref<10240x128xf32, #tpu.memory_space<vmem_shared>>
        tpu.wait_indirect_dma semaphore(%arg14 : memref<!tpu.dma_semaphore, #tpu.memory_space<semaphore_mem>>) src(%arg9 : memref<128x128xf32, #tpu.memory_space<vmem>>) dst(%dma_wait3A_106 : memref<10240x128xf32, #tpu.memory_space<vmem_shared>>)
      } else {
      }
      %add3A_61 = arith.constant 1 : i32
      %add3A_62 = arith.addi %add3A_35, %add3A_61 : i32
      %lt3A = arith.constant 20 : i32
      %lt3A_63 = arith.cmpi slt, %add3A_62, %lt3A : i32
      %convert_element_type3A_64 = arith.extui %lt3A_63 : i1 to i32
      %cond3A_65 = arith.constant 0 : i32
      %cond3A_66 = arith.cmpi ne, %convert_element_type3A_64, %cond3A_65 : i32
      scf.if %cond3A_66 {
        %add3A_104 = arith.constant 1 : i32
        %add3A_105 = arith.addi %add3A_35, %add3A_104 : i32
        %add3A_106 = arith.constant 0 : i32
        %add3A_107 = arith.addi %add3A_106, %add3A : i32
        %mul3A_108 = arith.constant 32 : i32
        %mul3A_109 = arith.muli %mul3A_108, %add3A_105 : i32
        %add3A_110 = arith.addi %add3A_107, %mul3A_109 : i32
        %mul3A_111 = arith.constant 128 : i32
        %mul3A_112 = arith.muli %add3A_110, %mul3A_111 : i32
        %dma_start3A_113 = tpu.memref_slice %arg3[%mul3A_112] : memref<320000xi32, #tpu.memory_space<hbm>> -> memref<128xi32, #tpu.memory_space<hbm>>
        %dma_start3A_114 = tpu.memref_slice %arg3[%mul3A_112] : memref<320000xi32, #tpu.memory_space<hbm>> -> memref<128xi32, #tpu.memory_space<hbm>>
        tpu.enqueue_dma source(%dma_start3A_114 : memref<128xi32, #tpu.memory_space<hbm>>) target(%arg7 : memref<128xi32, #tpu.memory_space<vmem>>) target_semaphore(%arg12 : memref<!tpu.dma_semaphore, #tpu.memory_space<semaphore_mem>>)
        %add3A_115 = arith.constant 1 : i32
        %add3A_116 = arith.addi %add3A_35, %add3A_115 : i32
        %mul3A_117 = arith.constant 32 : i32
        %mul3A_118 = arith.muli %mul3A_117, %add3A_116 : i32
        %add3A_119 = arith.addi %add3A, %mul3A_118 : i32
        %mul3A_120 = arith.constant 128 : i32
        %mul3A_121 = arith.muli %add3A_119, %mul3A_120 : i32
        %dma_start3A_122 = arith.constant 0 : i32
        %dma_start3A_123 = tpu.memref_slice %arg2[%mul3A_121, %dma_start3A_122] : memref<81920x128xf32, #tpu.memory_space<hbm>> -> memref<128x128xf32, #tpu.memory_space<hbm>>
        %dma_start3A_124 = arith.constant 0 : i32
        %dma_start3A_125 = tpu.memref_slice %arg2[%mul3A_121, %dma_start3A_124] : memref<81920x128xf32, #tpu.memory_space<hbm>> -> memref<128x128xf32, #tpu.memory_space<hbm>>
        tpu.enqueue_dma source(%dma_start3A_125 : memref<128x128xf32, #tpu.memory_space<hbm>>) target(%arg9 : memref<128x128xf32, #tpu.memory_space<vmem>>) target_semaphore(%arg12 : memref<!tpu.dma_semaphore, #tpu.memory_space<semaphore_mem>>)
      } else {
      }
      %mul3A_67 = arith.constant 2 : i32
      %mul3A_68 = arith.muli %scan3A_31, %mul3A_67 : i32
      %add3A_69 = arith.constant 1 : i32
      %add3A_70 = arith.addi %mul3A_68, %add3A_69 : i32
      %add3A_71 = arith.constant 0 : i32
      %add3A_72 = arith.addi %add3A_71, %add3A : i32
      %mul3A_73 = arith.constant 32 : i32
      %mul3A_74 = arith.muli %mul3A_73, %add3A_70 : i32
      %add3A_75 = arith.addi %add3A_72, %mul3A_74 : i32
      %mul3A_76 = arith.constant 128 : i32
      %mul3A_77 = arith.muli %add3A_75, %mul3A_76 : i32
      %dma_wait3A_78 = tpu.memref_slice %arg3[%mul3A_77] : memref<320000xi32, #tpu.memory_space<hbm>> -> memref<128xi32, #tpu.memory_space<hbm>>
      %dma_wait3A_79 = tpu.memref_slice %arg3[%mul3A_77] : memref<320000xi32, #tpu.memory_space<hbm>> -> memref<128xi32, #tpu.memory_space<hbm>>
      tpu.wait_dma2 semaphore(%arg12 : memref<!tpu.dma_semaphore, #tpu.memory_space<semaphore_mem>>) src(%dma_wait3A_79 : memref<128xi32, #tpu.memory_space<hbm>>) dst(%arg7 : memref<128xi32, #tpu.memory_space<vmem>>)
      %mul3A_80 = arith.constant 32 : i32
      %mul3A_81 = arith.muli %mul3A_80, %add3A_70 : i32
      %add3A_82 = arith.addi %add3A, %mul3A_81 : i32
      %mul3A_83 = arith.constant 128 : i32
      %mul3A_84 = arith.muli %add3A_82, %mul3A_83 : i32
      %dma_wait3A_85 = arith.constant 0 : i32
      %dma_wait3A_86 = tpu.memref_slice %arg2[%mul3A_84, %dma_wait3A_85] : memref<81920x128xf32, #tpu.memory_space<hbm>> -> memref<128x128xf32, #tpu.memory_space<hbm>>
      %dma_wait3A_87 = arith.constant 0 : i32
      %dma_wait3A_88 = tpu.memref_slice %arg2[%mul3A_84, %dma_wait3A_87] : memref<81920x128xf32, #tpu.memory_space<hbm>> -> memref<128x128xf32, #tpu.memory_space<hbm>>
      tpu.wait_dma2 semaphore(%arg12 : memref<!tpu.dma_semaphore, #tpu.memory_space<semaphore_mem>>) src(%dma_wait3A_88 : memref<128x128xf32, #tpu.memory_space<hbm>>) dst(%arg9 : memref<128x128xf32, #tpu.memory_space<vmem>>)
      %dma_start3A_89 = arith.constant 0 : i32
      %dma_start3A_90 = arith.constant 0 : i32
      %dma_start3A_91 = tpu.memref_slice %arg10[%dma_start3A_89, %dma_start3A_90] : memref<10240x128xf32, #tpu.memory_space<vmem_shared>> -> memref<10240x128xf32, #tpu.memory_space<vmem_shared>>
      tpu.enqueue_indirect_dma source(%arg9 : memref<128x128xf32, #tpu.memory_space<vmem>>) target(%dma_start3A_91 : memref<10240x128xf32, #tpu.memory_space<vmem_shared>>) offsets(%arg7 : memref<128xi32, #tpu.memory_space<vmem>>) semaphore(%arg14 : memref<!tpu.dma_semaphore, #tpu.memory_space<semaphore_mem>>) {add = true}
      %ge3A_92 = arith.constant 1 : i32
      %ge3A_93 = arith.cmpi sge, %add3A_70, %ge3A_92 : i32
      %convert_element_type3A_94 = arith.extui %ge3A_93 : i1 to i32
      %cond3A_95 = arith.constant 0 : i32
      %cond3A_96 = arith.cmpi ne, %convert_element_type3A_94, %cond3A_95 : i32
      scf.if %cond3A_96 {
        %dma_wait3A_104 = arith.constant 0 : i32
        %dma_wait3A_105 = arith.constant 0 : i32
        %dma_wait3A_106 = tpu.memref_slice %arg10[%dma_wait3A_104, %dma_wait3A_105] : memref<10240x128xf32, #tpu.memory_space<vmem_shared>> -> memref<10240x128xf32, #tpu.memory_space<vmem_shared>>
        tpu.wait_indirect_dma semaphore(%arg13 : memref<!tpu.dma_semaphore, #tpu.memory_space<semaphore_mem>>) src(%arg8 : memref<128x128xf32, #tpu.memory_space<vmem>>) dst(%dma_wait3A_106 : memref<10240x128xf32, #tpu.memory_space<vmem_shared>>)
      } else {
      }
      %add3A_97 = arith.constant 1 : i32
      %add3A_98 = arith.addi %add3A_70, %add3A_97 : i32
      %lt3A_99 = arith.constant 20 : i32
      %lt3A_100 = arith.cmpi slt, %add3A_98, %lt3A_99 : i32
      %convert_element_type3A_101 = arith.extui %lt3A_100 : i1 to i32
      %cond3A_102 = arith.constant 0 : i32
      %cond3A_103 = arith.cmpi ne, %convert_element_type3A_101, %cond3A_102 : i32
      scf.if %cond3A_103 {
        %add3A_104 = arith.constant 1 : i32
        %add3A_105 = arith.addi %add3A_70, %add3A_104 : i32
        %add3A_106 = arith.constant 0 : i32
        %add3A_107 = arith.addi %add3A_106, %add3A : i32
        %mul3A_108 = arith.constant 32 : i32
        %mul3A_109 = arith.muli %mul3A_108, %add3A_105 : i32
        %add3A_110 = arith.addi %add3A_107, %mul3A_109 : i32
        %mul3A_111 = arith.constant 128 : i32
        %mul3A_112 = arith.muli %add3A_110, %mul3A_111 : i32
        %dma_start3A_113 = tpu.memref_slice %arg3[%mul3A_112] : memref<320000xi32, #tpu.memory_space<hbm>> -> memref<128xi32, #tpu.memory_space<hbm>>
        %dma_start3A_114 = tpu.memref_slice %arg3[%mul3A_112] : memref<320000xi32, #tpu.memory_space<hbm>> -> memref<128xi32, #tpu.memory_space<hbm>>
        tpu.enqueue_dma source(%dma_start3A_114 : memref<128xi32, #tpu.memory_space<hbm>>) target(%arg6 : memref<128xi32, #tpu.memory_space<vmem>>) target_semaphore(%arg11 : memref<!tpu.dma_semaphore, #tpu.memory_space<semaphore_mem>>)
        %add3A_115 = arith.constant 1 : i32
        %add3A_116 = arith.addi %add3A_70, %add3A_115 : i32
        %mul3A_117 = arith.constant 32 : i32
        %mul3A_118 = arith.muli %mul3A_117, %add3A_116 : i32
        %add3A_119 = arith.addi %add3A, %mul3A_118 : i32
        %mul3A_120 = arith.constant 128 : i32
        %mul3A_121 = arith.muli %add3A_119, %mul3A_120 : i32
        %dma_start3A_122 = arith.constant 0 : i32
        %dma_start3A_123 = tpu.memref_slice %arg2[%mul3A_121, %dma_start3A_122] : memref<81920x128xf32, #tpu.memory_space<hbm>> -> memref<128x128xf32, #tpu.memory_space<hbm>>
        %dma_start3A_124 = arith.constant 0 : i32
        %dma_start3A_125 = tpu.memref_slice %arg2[%mul3A_121, %dma_start3A_124] : memref<81920x128xf32, #tpu.memory_space<hbm>> -> memref<128x128xf32, #tpu.memory_space<hbm>>
        tpu.enqueue_dma source(%dma_start3A_125 : memref<128x128xf32, #tpu.memory_space<hbm>>) target(%arg8 : memref<128x128xf32, #tpu.memory_space<vmem>>) target_semaphore(%arg11 : memref<!tpu.dma_semaphore, #tpu.memory_space<semaphore_mem>>)
      } else {
      }
    }
    %scan3A_24 = arith.constant 10 : i32
    %dma_wait3A = arith.constant 0 : i32
    %dma_wait3A_25 = arith.constant 0 : i32
    %dma_wait3A_26 = tpu.memref_slice %arg10[%dma_wait3A, %dma_wait3A_25] : memref<10240x128xf32, #tpu.memory_space<vmem_shared>> -> memref<10240x128xf32, #tpu.memory_space<vmem_shared>>
    tpu.wait_indirect_dma semaphore(%arg14 : memref<!tpu.dma_semaphore, #tpu.memory_space<semaphore_mem>>) src(%arg9 : memref<128x128xf32, #tpu.memory_space<vmem>>) dst(%dma_wait3A_26 : memref<10240x128xf32, #tpu.memory_space<vmem_shared>>)
    %barrier3A_27 = arith.constant 0 : index
    tpu.barrier barrier_id(%barrier3A_27)
    %mul3A_28 = arith.constant 10240 : i32
    %mul3A_29 = arith.muli %arg0, %mul3A_28 : i32
    %add3A_30 = arith.addi %mul3A_29, %mul3A_2 : i32
    "tpu.region"() ({
      %run_scoped3A = tpu.sem_alloc : memref<!tpu.dma_semaphore, #tpu.memory_space<semaphore_mem>>
      %dma_start3A_31 = arith.constant 0 : i32
      %dma_start3A_32 = tpu.memref_slice %arg5[%add3A_30, %dma_start3A_31] : memref<20480x128xf32, #tpu.memory_space<hbm>> -> memref<640x128xf32, #tpu.memory_space<hbm>>
      %dma_start3A_33 = arith.constant 0 : i32
      %dma_start3A_34 = tpu.memref_slice %arg10[%mul3A_2, %dma_start3A_33] : memref<10240x128xf32, #tpu.memory_space<vmem_shared>> -> memref<640x128xf32, #tpu.memory_space<vmem_shared>>
      tpu.enqueue_dma source(%dma_start3A_34 : memref<640x128xf32, #tpu.memory_space<vmem_shared>>) target(%dma_start3A_32 : memref<640x128xf32, #tpu.memory_space<hbm>>) target_semaphore(%run_scoped3A : memref<!tpu.dma_semaphore, #tpu.memory_space<semaphore_mem>>)
      %dma_wait3A_35 = arith.constant 0 : i32
      %dma_wait3A_36 = tpu.memref_slice %arg5[%add3A_30, %dma_wait3A_35] : memref<20480x128xf32, #tpu.memory_space<hbm>> -> memref<640x128xf32, #tpu.memory_space<hbm>>
      %dma_wait3A_37 = arith.constant 0 : i32
      %dma_wait3A_38 = tpu.memref_slice %arg10[%mul3A_2, %dma_wait3A_37] : memref<10240x128xf32, #tpu.memory_space<vmem_shared>> -> memref<640x128xf32, #tpu.memory_space<vmem_shared>>
      tpu.wait_dma2 semaphore(%run_scoped3A : memref<!tpu.dma_semaphore, #tpu.memory_space<semaphore_mem>>) src(%dma_wait3A_38 : memref<640x128xf32, #tpu.memory_space<vmem_shared>>) dst(%dma_wait3A_36 : memref<640x128xf32, #tpu.memory_space<hbm>>)
      tpu.yield
    }) : () -> ()
    return
  }
}

#map = affine_map<(d0, d1) -> (0, 0)>
#map1 = affine_map<(d0, d1) -> (0)>
module attributes {stable_mosaic.version = 14 : i64} {
  func.func @body(%arg0: i32, %arg1: i32, %arg2: memref<122880x128xf32, #tpu.memory_space<hbm>>, %arg3: memref<320000xi32, #tpu.memory_space<hbm>>, %arg4: memref<10240x128xf32, #tpu.memory_space<hbm>>, %arg5: memref<20480x128xf32, #tpu.memory_space<hbm>>, %arg6: memref<128xi32, #tpu.memory_space<vmem>>, %arg7: memref<128xi32, #tpu.memory_space<vmem>>, %arg8: memref<128x128xf32, #tpu.memory_space<vmem>>, %arg9: memref<128x128xf32, #tpu.memory_space<vmem>>, %arg10: memref<10240x128xf32, #tpu.memory_space<vmem_shared>>, %arg11: memref<!tpu.dma_semaphore, #tpu.memory_space<semaphore_mem>>, %arg12: memref<!tpu.dma_semaphore, #tpu.memory_space<semaphore_mem>>, %arg13: memref<!tpu.dma_semaphore, #tpu.memory_space<semaphore_mem>>, %arg14: memref<!tpu.dma_semaphore, #tpu.memory_space<semaphore_mem>>) attributes {dimension_semantics = [#tpu.dimension_semantics<core_parallel>, #tpu.dimension_semantics<subcore_parallel>], iteration_bounds = array<i64: 2, 16>, scalar_prefetch = 0 : i64, scratch_operands = 9 : i64, tpu.core_type = #tpu.core_type<sc_vector_subcore>, window_params = [{transform_indices = #map}, {transform_indices = #map1}, {transform_indices = #map}, {transform_indices = #map}]} {
    %mul3A = arith.constant 16 : i32
    %mul3A_0 = arith.muli %arg0, %mul3A : i32
    %add3A = arith.addi %mul3A_0, %arg1 : i32
    %mul3A_1 = arith.constant 640 : i32
    %mul3A_2 = arith.muli %arg1, %mul3A_1 : i32
    %eq3A = arith.constant 0 : i32
    %eq3A_3 = arith.cmpi eq, %arg1, %eq3A : i32
    %convert_element_type3A = arith.extui %eq3A_3 : i1 to i32
    %cond3A = arith.constant 0 : i32
    %cond3A_4 = arith.cmpi ne, %convert_element_type3A, %cond3A : i32
    scf.if %cond3A_4 {
      "tpu.region"() ({
        %run_scoped3A = tpu.sem_alloc : memref<!tpu.dma_semaphore, #tpu.memory_space<semaphore_mem>>
        tpu.enqueue_dma source(%arg4 : memref<10240x128xf32, #tpu.memory_space<hbm>>) target(%arg10 : memref<10240x128xf32, #tpu.memory_space<vmem_shared>>) target_semaphore(%run_scoped3A : memref<!tpu.dma_semaphore, #tpu.memory_space<semaphore_mem>>)
        tpu.wait_dma2 semaphore(%run_scoped3A : memref<!tpu.dma_semaphore, #tpu.memory_space<semaphore_mem>>) src(%arg4 : memref<10240x128xf32, #tpu.memory_space<hbm>>) dst(%arg10 : memref<10240x128xf32, #tpu.memory_space<vmem_shared>>)
        tpu.yield
      }) : () -> ()
    } else {
    }
    %barrier3A = arith.constant 0 : index
    tpu.barrier barrier_id(%barrier3A)
    %add3A_5 = arith.constant 640 : i32
    %add3A_6 = arith.addi %add3A_5, %add3A : i32
    %add3A_7 = arith.constant 0 : i32
    %add3A_8 = arith.addi %add3A_6, %add3A_7 : i32
    %mul3A_9 = arith.constant 128 : i32
    %mul3A_10 = arith.muli %add3A_8, %mul3A_9 : i32
    %dma_start3A = tpu.memref_slice %arg3[%mul3A_10] : memref<320000xi32, #tpu.memory_space<hbm>> -> memref<128xi32, #tpu.memory_space<hbm>>
    %dma_start3A_11 = tpu.memref_slice %arg3[%mul3A_10] : memref<320000xi32, #tpu.memory_space<hbm>> -> memref<128xi32, #tpu.memory_space<hbm>>
    tpu.enqueue_dma source(%dma_start3A_11 : memref<128xi32, #tpu.memory_space<hbm>>) target(%arg6 : memref<128xi32, #tpu.memory_space<vmem>>) target_semaphore(%arg11 : memref<!tpu.dma_semaphore, #tpu.memory_space<semaphore_mem>>)
    %add3A_12 = arith.constant 0 : i32
    %add3A_13 = arith.addi %add3A, %add3A_12 : i32
    %mul3A_14 = arith.constant 128 : i32
    %mul3A_15 = arith.muli %add3A_13, %mul3A_14 : i32
    %dma_start3A_16 = arith.constant 0 : i32
    %dma_start3A_17 = tpu.memref_slice %arg2[%mul3A_15, %dma_start3A_16] : memref<122880x128xf32, #tpu.memory_space<hbm>> -> memref<128x128xf32, #tpu.memory_space<hbm>>
    %dma_start3A_18 = arith.constant 0 : i32
    %dma_start3A_19 = tpu.memref_slice %arg2[%mul3A_15, %dma_start3A_18] : memref<122880x128xf32, #tpu.memory_space<hbm>> -> memref<128x128xf32, #tpu.memory_space<hbm>>
    tpu.enqueue_dma source(%dma_start3A_19 : memref<128x128xf32, #tpu.memory_space<hbm>>) target(%arg8 : memref<128x128xf32, #tpu.memory_space<vmem>>) target_semaphore(%arg11 : memref<!tpu.dma_semaphore, #tpu.memory_space<semaphore_mem>>)
    %scan3A = arith.constant 0 : i32
    %scan3A_20 = arith.constant 0 : i32
    %scan3A_21 = arith.constant 15 : i32
    %scan3A_22 = arith.addi %scan3A_20, %scan3A_21 : i32
    %scan3A_23 = arith.constant 1 : i32
    scf.for %scan3A_31 = %scan3A_20 to %scan3A_22 step %scan3A_23  : i32 {
      %mul3A_32 = arith.constant 2 : i32
      %mul3A_33 = arith.muli %scan3A_31, %mul3A_32 : i32
      %add3A_34 = arith.constant 0 : i32
      %add3A_35 = arith.addi %mul3A_33, %add3A_34 : i32
      %add3A_36 = arith.constant 640 : i32
      %add3A_37 = arith.addi %add3A_36, %add3A : i32
      %mul3A_38 = arith.constant 32 : i32
      %mul3A_39 = arith.muli %mul3A_38, %add3A_35 : i32
      %add3A_40 = arith.addi %add3A_37, %mul3A_39 : i32
      %mul3A_41 = arith.constant 128 : i32
      %mul3A_42 = arith.muli %add3A_40, %mul3A_41 : i32
      %dma_wait3A_43 = tpu.memref_slice %arg3[%mul3A_42] : memref<320000xi32, #tpu.memory_space<hbm>> -> memref<128xi32, #tpu.memory_space<hbm>>
      %dma_wait3A_44 = tpu.memref_slice %arg3[%mul3A_42] : memref<320000xi32, #tpu.memory_space<hbm>> -> memref<128xi32, #tpu.memory_space<hbm>>
      tpu.wait_dma2 semaphore(%arg11 : memref<!tpu.dma_semaphore, #tpu.memory_space<semaphore_mem>>) src(%dma_wait3A_44 : memref<128xi32, #tpu.memory_space<hbm>>) dst(%arg6 : memref<128xi32, #tpu.memory_space<vmem>>)
      %mul3A_45 = arith.constant 32 : i32
      %mul3A_46 = arith.muli %mul3A_45, %add3A_35 : i32
      %add3A_47 = arith.addi %add3A, %mul3A_46 : i32
      %mul3A_48 = arith.constant 128 : i32
      %mul3A_49 = arith.muli %add3A_47, %mul3A_48 : i32
      %dma_wait3A_50 = arith.constant 0 : i32
      %dma_wait3A_51 = tpu.memref_slice %arg2[%mul3A_49, %dma_wait3A_50] : memref<122880x128xf32, #tpu.memory_space<hbm>> -> memref<128x128xf32, #tpu.memory_space<hbm>>
      %dma_wait3A_52 = arith.constant 0 : i32
      %dma_wait3A_53 = tpu.memref_slice %arg2[%mul3A_49, %dma_wait3A_52] : memref<122880x128xf32, #tpu.memory_space<hbm>> -> memref<128x128xf32, #tpu.memory_space<hbm>>
      tpu.wait_dma2 semaphore(%arg11 : memref<!tpu.dma_semaphore, #tpu.memory_space<semaphore_mem>>) src(%dma_wait3A_53 : memref<128x128xf32, #tpu.memory_space<hbm>>) dst(%arg8 : memref<128x128xf32, #tpu.memory_space<vmem>>)
      %dma_start3A_54 = arith.constant 0 : i32
      %dma_start3A_55 = arith.constant 0 : i32
      %dma_start3A_56 = tpu.memref_slice %arg10[%dma_start3A_54, %dma_start3A_55] : memref<10240x128xf32, #tpu.memory_space<vmem_shared>> -> memref<10240x128xf32, #tpu.memory_space<vmem_shared>>
      tpu.enqueue_indirect_dma source(%arg8 : memref<128x128xf32, #tpu.memory_space<vmem>>) target(%dma_start3A_56 : memref<10240x128xf32, #tpu.memory_space<vmem_shared>>) offsets(%arg6 : memref<128xi32, #tpu.memory_space<vmem>>) semaphore(%arg13 : memref<!tpu.dma_semaphore, #tpu.memory_space<semaphore_mem>>) {add = true}
      %ge3A = arith.constant 1 : i32
      %ge3A_57 = arith.cmpi sge, %add3A_35, %ge3A : i32
      %convert_element_type3A_58 = arith.extui %ge3A_57 : i1 to i32
      %cond3A_59 = arith.constant 0 : i32
      %cond3A_60 = arith.cmpi ne, %convert_element_type3A_58, %cond3A_59 : i32
      scf.if %cond3A_60 {
        %dma_wait3A_104 = arith.constant 0 : i32
        %dma_wait3A_105 = arith.constant 0 : i32
        %dma_wait3A_106 = tpu.memref_slice %arg10[%dma_wait3A_104, %dma_wait3A_105] : memref<10240x128xf32, #tpu.memory_space<vmem_shared>> -> memref<10240x128xf32, #tpu.memory_space<vmem_shared>>
        tpu.wait_indirect_dma semaphore(%arg14 : memref<!tpu.dma_semaphore, #tpu.memory_space<semaphore_mem>>) src(%arg9 : memref<128x128xf32, #tpu.memory_space<vmem>>) dst(%dma_wait3A_106 : memref<10240x128xf32, #tpu.memory_space<vmem_shared>>)
      } else {
      }
      %add3A_61 = arith.constant 1 : i32
      %add3A_62 = arith.addi %add3A_35, %add3A_61 : i32
      %lt3A = arith.constant 30 : i32
      %lt3A_63 = arith.cmpi slt, %add3A_62, %lt3A : i32
      %convert_element_type3A_64 = arith.extui %lt3A_63 : i1 to i32
      %cond3A_65 = arith.constant 0 : i32
      %cond3A_66 = arith.cmpi ne, %convert_element_type3A_64, %cond3A_65 : i32
      scf.if %cond3A_66 {
        %add3A_104 = arith.constant 1 : i32
        %add3A_105 = arith.addi %add3A_35, %add3A_104 : i32
        %add3A_106 = arith.constant 640 : i32
        %add3A_107 = arith.addi %add3A_106, %add3A : i32
        %mul3A_108 = arith.constant 32 : i32
        %mul3A_109 = arith.muli %mul3A_108, %add3A_105 : i32
        %add3A_110 = arith.addi %add3A_107, %mul3A_109 : i32
        %mul3A_111 = arith.constant 128 : i32
        %mul3A_112 = arith.muli %add3A_110, %mul3A_111 : i32
        %dma_start3A_113 = tpu.memref_slice %arg3[%mul3A_112] : memref<320000xi32, #tpu.memory_space<hbm>> -> memref<128xi32, #tpu.memory_space<hbm>>
        %dma_start3A_114 = tpu.memref_slice %arg3[%mul3A_112] : memref<320000xi32, #tpu.memory_space<hbm>> -> memref<128xi32, #tpu.memory_space<hbm>>
        tpu.enqueue_dma source(%dma_start3A_114 : memref<128xi32, #tpu.memory_space<hbm>>) target(%arg7 : memref<128xi32, #tpu.memory_space<vmem>>) target_semaphore(%arg12 : memref<!tpu.dma_semaphore, #tpu.memory_space<semaphore_mem>>)
        %add3A_115 = arith.constant 1 : i32
        %add3A_116 = arith.addi %add3A_35, %add3A_115 : i32
        %mul3A_117 = arith.constant 32 : i32
        %mul3A_118 = arith.muli %mul3A_117, %add3A_116 : i32
        %add3A_119 = arith.addi %add3A, %mul3A_118 : i32
        %mul3A_120 = arith.constant 128 : i32
        %mul3A_121 = arith.muli %add3A_119, %mul3A_120 : i32
        %dma_start3A_122 = arith.constant 0 : i32
        %dma_start3A_123 = tpu.memref_slice %arg2[%mul3A_121, %dma_start3A_122] : memref<122880x128xf32, #tpu.memory_space<hbm>> -> memref<128x128xf32, #tpu.memory_space<hbm>>
        %dma_start3A_124 = arith.constant 0 : i32
        %dma_start3A_125 = tpu.memref_slice %arg2[%mul3A_121, %dma_start3A_124] : memref<122880x128xf32, #tpu.memory_space<hbm>> -> memref<128x128xf32, #tpu.memory_space<hbm>>
        tpu.enqueue_dma source(%dma_start3A_125 : memref<128x128xf32, #tpu.memory_space<hbm>>) target(%arg9 : memref<128x128xf32, #tpu.memory_space<vmem>>) target_semaphore(%arg12 : memref<!tpu.dma_semaphore, #tpu.memory_space<semaphore_mem>>)
      } else {
      }
      %mul3A_67 = arith.constant 2 : i32
      %mul3A_68 = arith.muli %scan3A_31, %mul3A_67 : i32
      %add3A_69 = arith.constant 1 : i32
      %add3A_70 = arith.addi %mul3A_68, %add3A_69 : i32
      %add3A_71 = arith.constant 640 : i32
      %add3A_72 = arith.addi %add3A_71, %add3A : i32
      %mul3A_73 = arith.constant 32 : i32
      %mul3A_74 = arith.muli %mul3A_73, %add3A_70 : i32
      %add3A_75 = arith.addi %add3A_72, %mul3A_74 : i32
      %mul3A_76 = arith.constant 128 : i32
      %mul3A_77 = arith.muli %add3A_75, %mul3A_76 : i32
      %dma_wait3A_78 = tpu.memref_slice %arg3[%mul3A_77] : memref<320000xi32, #tpu.memory_space<hbm>> -> memref<128xi32, #tpu.memory_space<hbm>>
      %dma_wait3A_79 = tpu.memref_slice %arg3[%mul3A_77] : memref<320000xi32, #tpu.memory_space<hbm>> -> memref<128xi32, #tpu.memory_space<hbm>>
      tpu.wait_dma2 semaphore(%arg12 : memref<!tpu.dma_semaphore, #tpu.memory_space<semaphore_mem>>) src(%dma_wait3A_79 : memref<128xi32, #tpu.memory_space<hbm>>) dst(%arg7 : memref<128xi32, #tpu.memory_space<vmem>>)
      %mul3A_80 = arith.constant 32 : i32
      %mul3A_81 = arith.muli %mul3A_80, %add3A_70 : i32
      %add3A_82 = arith.addi %add3A, %mul3A_81 : i32
      %mul3A_83 = arith.constant 128 : i32
      %mul3A_84 = arith.muli %add3A_82, %mul3A_83 : i32
      %dma_wait3A_85 = arith.constant 0 : i32
      %dma_wait3A_86 = tpu.memref_slice %arg2[%mul3A_84, %dma_wait3A_85] : memref<122880x128xf32, #tpu.memory_space<hbm>> -> memref<128x128xf32, #tpu.memory_space<hbm>>
      %dma_wait3A_87 = arith.constant 0 : i32
      %dma_wait3A_88 = tpu.memref_slice %arg2[%mul3A_84, %dma_wait3A_87] : memref<122880x128xf32, #tpu.memory_space<hbm>> -> memref<128x128xf32, #tpu.memory_space<hbm>>
      tpu.wait_dma2 semaphore(%arg12 : memref<!tpu.dma_semaphore, #tpu.memory_space<semaphore_mem>>) src(%dma_wait3A_88 : memref<128x128xf32, #tpu.memory_space<hbm>>) dst(%arg9 : memref<128x128xf32, #tpu.memory_space<vmem>>)
      %dma_start3A_89 = arith.constant 0 : i32
      %dma_start3A_90 = arith.constant 0 : i32
      %dma_start3A_91 = tpu.memref_slice %arg10[%dma_start3A_89, %dma_start3A_90] : memref<10240x128xf32, #tpu.memory_space<vmem_shared>> -> memref<10240x128xf32, #tpu.memory_space<vmem_shared>>
      tpu.enqueue_indirect_dma source(%arg9 : memref<128x128xf32, #tpu.memory_space<vmem>>) target(%dma_start3A_91 : memref<10240x128xf32, #tpu.memory_space<vmem_shared>>) offsets(%arg7 : memref<128xi32, #tpu.memory_space<vmem>>) semaphore(%arg14 : memref<!tpu.dma_semaphore, #tpu.memory_space<semaphore_mem>>) {add = true}
      %ge3A_92 = arith.constant 1 : i32
      %ge3A_93 = arith.cmpi sge, %add3A_70, %ge3A_92 : i32
      %convert_element_type3A_94 = arith.extui %ge3A_93 : i1 to i32
      %cond3A_95 = arith.constant 0 : i32
      %cond3A_96 = arith.cmpi ne, %convert_element_type3A_94, %cond3A_95 : i32
      scf.if %cond3A_96 {
        %dma_wait3A_104 = arith.constant 0 : i32
        %dma_wait3A_105 = arith.constant 0 : i32
        %dma_wait3A_106 = tpu.memref_slice %arg10[%dma_wait3A_104, %dma_wait3A_105] : memref<10240x128xf32, #tpu.memory_space<vmem_shared>> -> memref<10240x128xf32, #tpu.memory_space<vmem_shared>>
        tpu.wait_indirect_dma semaphore(%arg13 : memref<!tpu.dma_semaphore, #tpu.memory_space<semaphore_mem>>) src(%arg8 : memref<128x128xf32, #tpu.memory_space<vmem>>) dst(%dma_wait3A_106 : memref<10240x128xf32, #tpu.memory_space<vmem_shared>>)
      } else {
      }
      %add3A_97 = arith.constant 1 : i32
      %add3A_98 = arith.addi %add3A_70, %add3A_97 : i32
      %lt3A_99 = arith.constant 30 : i32
      %lt3A_100 = arith.cmpi slt, %add3A_98, %lt3A_99 : i32
      %convert_element_type3A_101 = arith.extui %lt3A_100 : i1 to i32
      %cond3A_102 = arith.constant 0 : i32
      %cond3A_103 = arith.cmpi ne, %convert_element_type3A_101, %cond3A_102 : i32
      scf.if %cond3A_103 {
        %add3A_104 = arith.constant 1 : i32
        %add3A_105 = arith.addi %add3A_70, %add3A_104 : i32
        %add3A_106 = arith.constant 640 : i32
        %add3A_107 = arith.addi %add3A_106, %add3A : i32
        %mul3A_108 = arith.constant 32 : i32
        %mul3A_109 = arith.muli %mul3A_108, %add3A_105 : i32
        %add3A_110 = arith.addi %add3A_107, %mul3A_109 : i32
        %mul3A_111 = arith.constant 128 : i32
        %mul3A_112 = arith.muli %add3A_110, %mul3A_111 : i32
        %dma_start3A_113 = tpu.memref_slice %arg3[%mul3A_112] : memref<320000xi32, #tpu.memory_space<hbm>> -> memref<128xi32, #tpu.memory_space<hbm>>
        %dma_start3A_114 = tpu.memref_slice %arg3[%mul3A_112] : memref<320000xi32, #tpu.memory_space<hbm>> -> memref<128xi32, #tpu.memory_space<hbm>>
        tpu.enqueue_dma source(%dma_start3A_114 : memref<128xi32, #tpu.memory_space<hbm>>) target(%arg6 : memref<128xi32, #tpu.memory_space<vmem>>) target_semaphore(%arg11 : memref<!tpu.dma_semaphore, #tpu.memory_space<semaphore_mem>>)
        %add3A_115 = arith.constant 1 : i32
        %add3A_116 = arith.addi %add3A_70, %add3A_115 : i32
        %mul3A_117 = arith.constant 32 : i32
        %mul3A_118 = arith.muli %mul3A_117, %add3A_116 : i32
        %add3A_119 = arith.addi %add3A, %mul3A_118 : i32
        %mul3A_120 = arith.constant 128 : i32
        %mul3A_121 = arith.muli %add3A_119, %mul3A_120 : i32
        %dma_start3A_122 = arith.constant 0 : i32
        %dma_start3A_123 = tpu.memref_slice %arg2[%mul3A_121, %dma_start3A_122] : memref<122880x128xf32, #tpu.memory_space<hbm>> -> memref<128x128xf32, #tpu.memory_space<hbm>>
        %dma_start3A_124 = arith.constant 0 : i32
        %dma_start3A_125 = tpu.memref_slice %arg2[%mul3A_121, %dma_start3A_124] : memref<122880x128xf32, #tpu.memory_space<hbm>> -> memref<128x128xf32, #tpu.memory_space<hbm>>
        tpu.enqueue_dma source(%dma_start3A_125 : memref<128x128xf32, #tpu.memory_space<hbm>>) target(%arg8 : memref<128x128xf32, #tpu.memory_space<vmem>>) target_semaphore(%arg11 : memref<!tpu.dma_semaphore, #tpu.memory_space<semaphore_mem>>)
      } else {
      }
    }
    %scan3A_24 = arith.constant 15 : i32
    %dma_wait3A = arith.constant 0 : i32
    %dma_wait3A_25 = arith.constant 0 : i32
    %dma_wait3A_26 = tpu.memref_slice %arg10[%dma_wait3A, %dma_wait3A_25] : memref<10240x128xf32, #tpu.memory_space<vmem_shared>> -> memref<10240x128xf32, #tpu.memory_space<vmem_shared>>
    tpu.wait_indirect_dma semaphore(%arg14 : memref<!tpu.dma_semaphore, #tpu.memory_space<semaphore_mem>>) src(%arg9 : memref<128x128xf32, #tpu.memory_space<vmem>>) dst(%dma_wait3A_26 : memref<10240x128xf32, #tpu.memory_space<vmem_shared>>)
    %barrier3A_27 = arith.constant 0 : index
    tpu.barrier barrier_id(%barrier3A_27)
    %mul3A_28 = arith.constant 10240 : i32
    %mul3A_29 = arith.muli %arg0, %mul3A_28 : i32
    %add3A_30 = arith.addi %mul3A_29, %mul3A_2 : i32
    "tpu.region"() ({
      %run_scoped3A = tpu.sem_alloc : memref<!tpu.dma_semaphore, #tpu.memory_space<semaphore_mem>>
      %dma_start3A_31 = arith.constant 0 : i32
      %dma_start3A_32 = tpu.memref_slice %arg5[%add3A_30, %dma_start3A_31] : memref<20480x128xf32, #tpu.memory_space<hbm>> -> memref<640x128xf32, #tpu.memory_space<hbm>>
      %dma_start3A_33 = arith.constant 0 : i32
      %dma_start3A_34 = tpu.memref_slice %arg10[%mul3A_2, %dma_start3A_33] : memref<10240x128xf32, #tpu.memory_space<vmem_shared>> -> memref<640x128xf32, #tpu.memory_space<vmem_shared>>
      tpu.enqueue_dma source(%dma_start3A_34 : memref<640x128xf32, #tpu.memory_space<vmem_shared>>) target(%dma_start3A_32 : memref<640x128xf32, #tpu.memory_space<hbm>>) target_semaphore(%run_scoped3A : memref<!tpu.dma_semaphore, #tpu.memory_space<semaphore_mem>>)
      %dma_wait3A_35 = arith.constant 0 : i32
      %dma_wait3A_36 = tpu.memref_slice %arg5[%add3A_30, %dma_wait3A_35] : memref<20480x128xf32, #tpu.memory_space<hbm>> -> memref<640x128xf32, #tpu.memory_space<hbm>>
      %dma_wait3A_37 = arith.constant 0 : i32
      %dma_wait3A_38 = tpu.memref_slice %arg10[%mul3A_2, %dma_wait3A_37] : memref<10240x128xf32, #tpu.memory_space<vmem_shared>> -> memref<640x128xf32, #tpu.memory_space<vmem_shared>>
      tpu.wait_dma2 semaphore(%run_scoped3A : memref<!tpu.dma_semaphore, #tpu.memory_space<semaphore_mem>>) src(%dma_wait3A_38 : memref<640x128xf32, #tpu.memory_space<vmem_shared>>) dst(%dma_wait3A_36 : memref<640x128xf32, #tpu.memory_space<hbm>>)
      tpu.yield
    }) : () -> ()
    return
  }
}

#map = affine_map<(d0, d1) -> (0, 0)>
#map1 = affine_map<(d0, d1) -> (0)>
module attributes {stable_mosaic.version = 14 : i64} {
  func.func @body(%arg0: i32, %arg1: i32, %arg2: memref<115200x128xf32, #tpu.memory_space<hbm>>, %arg3: memref<320000xi32, #tpu.memory_space<hbm>>, %arg4: memref<10240x128xf32, #tpu.memory_space<hbm>>, %arg5: memref<20480x128xf32, #tpu.memory_space<hbm>>, %arg6: memref<128xi32, #tpu.memory_space<vmem>>, %arg7: memref<128xi32, #tpu.memory_space<vmem>>, %arg8: memref<128x128xf32, #tpu.memory_space<vmem>>, %arg9: memref<128x128xf32, #tpu.memory_space<vmem>>, %arg10: memref<10240x128xf32, #tpu.memory_space<vmem_shared>>, %arg11: memref<!tpu.dma_semaphore, #tpu.memory_space<semaphore_mem>>, %arg12: memref<!tpu.dma_semaphore, #tpu.memory_space<semaphore_mem>>, %arg13: memref<!tpu.dma_semaphore, #tpu.memory_space<semaphore_mem>>, %arg14: memref<!tpu.dma_semaphore, #tpu.memory_space<semaphore_mem>>) attributes {dimension_semantics = [#tpu.dimension_semantics<core_parallel>, #tpu.dimension_semantics<subcore_parallel>], iteration_bounds = array<i64: 2, 16>, scalar_prefetch = 0 : i64, scratch_operands = 9 : i64, tpu.core_type = #tpu.core_type<sc_vector_subcore>, window_params = [{transform_indices = #map}, {transform_indices = #map1}, {transform_indices = #map}, {transform_indices = #map}]} {
    %mul3A = arith.constant 16 : i32
    %mul3A_0 = arith.muli %arg0, %mul3A : i32
    %add3A = arith.addi %mul3A_0, %arg1 : i32
    %mul3A_1 = arith.constant 640 : i32
    %mul3A_2 = arith.muli %arg1, %mul3A_1 : i32
    %eq3A = arith.constant 0 : i32
    %eq3A_3 = arith.cmpi eq, %arg1, %eq3A : i32
    %convert_element_type3A = arith.extui %eq3A_3 : i1 to i32
    %cond3A = arith.constant 0 : i32
    %cond3A_4 = arith.cmpi ne, %convert_element_type3A, %cond3A : i32
    scf.if %cond3A_4 {
      "tpu.region"() ({
        %run_scoped3A = tpu.sem_alloc : memref<!tpu.dma_semaphore, #tpu.memory_space<semaphore_mem>>
        tpu.enqueue_dma source(%arg4 : memref<10240x128xf32, #tpu.memory_space<hbm>>) target(%arg10 : memref<10240x128xf32, #tpu.memory_space<vmem_shared>>) target_semaphore(%run_scoped3A : memref<!tpu.dma_semaphore, #tpu.memory_space<semaphore_mem>>)
        tpu.wait_dma2 semaphore(%run_scoped3A : memref<!tpu.dma_semaphore, #tpu.memory_space<semaphore_mem>>) src(%arg4 : memref<10240x128xf32, #tpu.memory_space<hbm>>) dst(%arg10 : memref<10240x128xf32, #tpu.memory_space<vmem_shared>>)
        tpu.yield
      }) : () -> ()
    } else {
    }
    %barrier3A = arith.constant 0 : index
    tpu.barrier barrier_id(%barrier3A)
    %add3A_5 = arith.constant 1600 : i32
    %add3A_6 = arith.addi %add3A_5, %add3A : i32
    %add3A_7 = arith.constant 0 : i32
    %add3A_8 = arith.addi %add3A_6, %add3A_7 : i32
    %mul3A_9 = arith.constant 128 : i32
    %mul3A_10 = arith.muli %add3A_8, %mul3A_9 : i32
    %dma_start3A = tpu.memref_slice %arg3[%mul3A_10] : memref<320000xi32, #tpu.memory_space<hbm>> -> memref<128xi32, #tpu.memory_space<hbm>>
    %dma_start3A_11 = tpu.memref_slice %arg3[%mul3A_10] : memref<320000xi32, #tpu.memory_space<hbm>> -> memref<128xi32, #tpu.memory_space<hbm>>
    tpu.enqueue_dma source(%dma_start3A_11 : memref<128xi32, #tpu.memory_space<hbm>>) target(%arg6 : memref<128xi32, #tpu.memory_space<vmem>>) target_semaphore(%arg11 : memref<!tpu.dma_semaphore, #tpu.memory_space<semaphore_mem>>)
    %add3A_12 = arith.constant 0 : i32
    %add3A_13 = arith.addi %add3A, %add3A_12 : i32
    %mul3A_14 = arith.constant 128 : i32
    %mul3A_15 = arith.muli %add3A_13, %mul3A_14 : i32
    %dma_start3A_16 = arith.constant 0 : i32
    %dma_start3A_17 = tpu.memref_slice %arg2[%mul3A_15, %dma_start3A_16] : memref<115200x128xf32, #tpu.memory_space<hbm>> -> memref<128x128xf32, #tpu.memory_space<hbm>>
    %dma_start3A_18 = arith.constant 0 : i32
    %dma_start3A_19 = tpu.memref_slice %arg2[%mul3A_15, %dma_start3A_18] : memref<115200x128xf32, #tpu.memory_space<hbm>> -> memref<128x128xf32, #tpu.memory_space<hbm>>
    tpu.enqueue_dma source(%dma_start3A_19 : memref<128x128xf32, #tpu.memory_space<hbm>>) target(%arg8 : memref<128x128xf32, #tpu.memory_space<vmem>>) target_semaphore(%arg11 : memref<!tpu.dma_semaphore, #tpu.memory_space<semaphore_mem>>)
    %scan3A = arith.constant 0 : i32
    %scan3A_20 = arith.constant 0 : i32
    %scan3A_21 = arith.constant 14 : i32
    %scan3A_22 = arith.addi %scan3A_20, %scan3A_21 : i32
    %scan3A_23 = arith.constant 1 : i32
    scf.for %scan3A_35 = %scan3A_20 to %scan3A_22 step %scan3A_23  : i32 {
      %mul3A_36 = arith.constant 2 : i32
      %mul3A_37 = arith.muli %scan3A_35, %mul3A_36 : i32
      %add3A_38 = arith.constant 0 : i32
      %add3A_39 = arith.addi %mul3A_37, %add3A_38 : i32
      %add3A_40 = arith.constant 1600 : i32
      %add3A_41 = arith.addi %add3A_40, %add3A : i32
      %mul3A_42 = arith.constant 32 : i32
      %mul3A_43 = arith.muli %mul3A_42, %add3A_39 : i32
      %add3A_44 = arith.addi %add3A_41, %mul3A_43 : i32
      %mul3A_45 = arith.constant 128 : i32
      %mul3A_46 = arith.muli %add3A_44, %mul3A_45 : i32
      %dma_wait3A_47 = tpu.memref_slice %arg3[%mul3A_46] : memref<320000xi32, #tpu.memory_space<hbm>> -> memref<128xi32, #tpu.memory_space<hbm>>
      %dma_wait3A_48 = tpu.memref_slice %arg3[%mul3A_46] : memref<320000xi32, #tpu.memory_space<hbm>> -> memref<128xi32, #tpu.memory_space<hbm>>
      tpu.wait_dma2 semaphore(%arg11 : memref<!tpu.dma_semaphore, #tpu.memory_space<semaphore_mem>>) src(%dma_wait3A_48 : memref<128xi32, #tpu.memory_space<hbm>>) dst(%arg6 : memref<128xi32, #tpu.memory_space<vmem>>)
      %mul3A_49 = arith.constant 32 : i32
      %mul3A_50 = arith.muli %mul3A_49, %add3A_39 : i32
      %add3A_51 = arith.addi %add3A, %mul3A_50 : i32
      %mul3A_52 = arith.constant 128 : i32
      %mul3A_53 = arith.muli %add3A_51, %mul3A_52 : i32
      %dma_wait3A_54 = arith.constant 0 : i32
      %dma_wait3A_55 = tpu.memref_slice %arg2[%mul3A_53, %dma_wait3A_54] : memref<115200x128xf32, #tpu.memory_space<hbm>> -> memref<128x128xf32, #tpu.memory_space<hbm>>
      %dma_wait3A_56 = arith.constant 0 : i32
      %dma_wait3A_57 = tpu.memref_slice %arg2[%mul3A_53, %dma_wait3A_56] : memref<115200x128xf32, #tpu.memory_space<hbm>> -> memref<128x128xf32, #tpu.memory_space<hbm>>
      tpu.wait_dma2 semaphore(%arg11 : memref<!tpu.dma_semaphore, #tpu.memory_space<semaphore_mem>>) src(%dma_wait3A_57 : memref<128x128xf32, #tpu.memory_space<hbm>>) dst(%arg8 : memref<128x128xf32, #tpu.memory_space<vmem>>)
      %dma_start3A_58 = arith.constant 0 : i32
      %dma_start3A_59 = arith.constant 0 : i32
      %dma_start3A_60 = tpu.memref_slice %arg10[%dma_start3A_58, %dma_start3A_59] : memref<10240x128xf32, #tpu.memory_space<vmem_shared>> -> memref<10240x128xf32, #tpu.memory_space<vmem_shared>>
      tpu.enqueue_indirect_dma source(%arg8 : memref<128x128xf32, #tpu.memory_space<vmem>>) target(%dma_start3A_60 : memref<10240x128xf32, #tpu.memory_space<vmem_shared>>) offsets(%arg6 : memref<128xi32, #tpu.memory_space<vmem>>) semaphore(%arg13 : memref<!tpu.dma_semaphore, #tpu.memory_space<semaphore_mem>>) {add = true}
      %ge3A = arith.constant 1 : i32
      %ge3A_61 = arith.cmpi sge, %add3A_39, %ge3A : i32
      %convert_element_type3A_62 = arith.extui %ge3A_61 : i1 to i32
      %cond3A_63 = arith.constant 0 : i32
      %cond3A_64 = arith.cmpi ne, %convert_element_type3A_62, %cond3A_63 : i32
      scf.if %cond3A_64 {
        %dma_wait3A_109 = arith.constant 0 : i32
        %dma_wait3A_110 = arith.constant 0 : i32
        %dma_wait3A_111 = tpu.memref_slice %arg10[%dma_wait3A_109, %dma_wait3A_110] : memref<10240x128xf32, #tpu.memory_space<vmem_shared>> -> memref<10240x128xf32, #tpu.memory_space<vmem_shared>>
        tpu.wait_indirect_dma semaphore(%arg14 : memref<!tpu.dma_semaphore, #tpu.memory_space<semaphore_mem>>) src(%arg9 : memref<128x128xf32, #tpu.memory_space<vmem>>) dst(%dma_wait3A_111 : memref<10240x128xf32, #tpu.memory_space<vmem_shared>>)
      } else {
      }
      %add3A_65 = arith.constant 1 : i32
      %add3A_66 = arith.addi %add3A_39, %add3A_65 : i32
      %lt3A_67 = arith.constant 28 : i32
      %lt3A_68 = arith.cmpi slt, %add3A_66, %lt3A_67 : i32
      %convert_element_type3A_69 = arith.extui %lt3A_68 : i1 to i32
      %cond3A_70 = arith.constant 0 : i32
      %cond3A_71 = arith.cmpi ne, %convert_element_type3A_69, %cond3A_70 : i32
      scf.if %cond3A_71 {
        %add3A_109 = arith.constant 1 : i32
        %add3A_110 = arith.addi %add3A_39, %add3A_109 : i32
        %add3A_111 = arith.constant 1600 : i32
        %add3A_112 = arith.addi %add3A_111, %add3A : i32
        %mul3A_113 = arith.constant 32 : i32
        %mul3A_114 = arith.muli %mul3A_113, %add3A_110 : i32
        %add3A_115 = arith.addi %add3A_112, %mul3A_114 : i32
        %mul3A_116 = arith.constant 128 : i32
        %mul3A_117 = arith.muli %add3A_115, %mul3A_116 : i32
        %dma_start3A_118 = tpu.memref_slice %arg3[%mul3A_117] : memref<320000xi32, #tpu.memory_space<hbm>> -> memref<128xi32, #tpu.memory_space<hbm>>
        %dma_start3A_119 = tpu.memref_slice %arg3[%mul3A_117] : memref<320000xi32, #tpu.memory_space<hbm>> -> memref<128xi32, #tpu.memory_space<hbm>>
        tpu.enqueue_dma source(%dma_start3A_119 : memref<128xi32, #tpu.memory_space<hbm>>) target(%arg7 : memref<128xi32, #tpu.memory_space<vmem>>) target_semaphore(%arg12 : memref<!tpu.dma_semaphore, #tpu.memory_space<semaphore_mem>>)
        %add3A_120 = arith.constant 1 : i32
        %add3A_121 = arith.addi %add3A_39, %add3A_120 : i32
        %mul3A_122 = arith.constant 32 : i32
        %mul3A_123 = arith.muli %mul3A_122, %add3A_121 : i32
        %add3A_124 = arith.addi %add3A, %mul3A_123 : i32
        %mul3A_125 = arith.constant 128 : i32
        %mul3A_126 = arith.muli %add3A_124, %mul3A_125 : i32
        %dma_start3A_127 = arith.constant 0 : i32
        %dma_start3A_128 = tpu.memref_slice %arg2[%mul3A_126, %dma_start3A_127] : memref<115200x128xf32, #tpu.memory_space<hbm>> -> memref<128x128xf32, #tpu.memory_space<hbm>>
        %dma_start3A_129 = arith.constant 0 : i32
        %dma_start3A_130 = tpu.memref_slice %arg2[%mul3A_126, %dma_start3A_129] : memref<115200x128xf32, #tpu.memory_space<hbm>> -> memref<128x128xf32, #tpu.memory_space<hbm>>
        tpu.enqueue_dma source(%dma_start3A_130 : memref<128x128xf32, #tpu.memory_space<hbm>>) target(%arg9 : memref<128x128xf32, #tpu.memory_space<vmem>>) target_semaphore(%arg12 : memref<!tpu.dma_semaphore, #tpu.memory_space<semaphore_mem>>)
      } else {
      }
      %mul3A_72 = arith.constant 2 : i32
      %mul3A_73 = arith.muli %scan3A_35, %mul3A_72 : i32
      %add3A_74 = arith.constant 1 : i32
      %add3A_75 = arith.addi %mul3A_73, %add3A_74 : i32
      %add3A_76 = arith.constant 1600 : i32
      %add3A_77 = arith.addi %add3A_76, %add3A : i32
      %mul3A_78 = arith.constant 32 : i32
      %mul3A_79 = arith.muli %mul3A_78, %add3A_75 : i32
      %add3A_80 = arith.addi %add3A_77, %mul3A_79 : i32
      %mul3A_81 = arith.constant 128 : i32
      %mul3A_82 = arith.muli %add3A_80, %mul3A_81 : i32
      %dma_wait3A_83 = tpu.memref_slice %arg3[%mul3A_82] : memref<320000xi32, #tpu.memory_space<hbm>> -> memref<128xi32, #tpu.memory_space<hbm>>
      %dma_wait3A_84 = tpu.memref_slice %arg3[%mul3A_82] : memref<320000xi32, #tpu.memory_space<hbm>> -> memref<128xi32, #tpu.memory_space<hbm>>
      tpu.wait_dma2 semaphore(%arg12 : memref<!tpu.dma_semaphore, #tpu.memory_space<semaphore_mem>>) src(%dma_wait3A_84 : memref<128xi32, #tpu.memory_space<hbm>>) dst(%arg7 : memref<128xi32, #tpu.memory_space<vmem>>)
      %mul3A_85 = arith.constant 32 : i32
      %mul3A_86 = arith.muli %mul3A_85, %add3A_75 : i32
      %add3A_87 = arith.addi %add3A, %mul3A_86 : i32
      %mul3A_88 = arith.constant 128 : i32
      %mul3A_89 = arith.muli %add3A_87, %mul3A_88 : i32
      %dma_wait3A_90 = arith.constant 0 : i32
      %dma_wait3A_91 = tpu.memref_slice %arg2[%mul3A_89, %dma_wait3A_90] : memref<115200x128xf32, #tpu.memory_space<hbm>> -> memref<128x128xf32, #tpu.memory_space<hbm>>
      %dma_wait3A_92 = arith.constant 0 : i32
      %dma_wait3A_93 = tpu.memref_slice %arg2[%mul3A_89, %dma_wait3A_92] : memref<115200x128xf32, #tpu.memory_space<hbm>> -> memref<128x128xf32, #tpu.memory_space<hbm>>
      tpu.wait_dma2 semaphore(%arg12 : memref<!tpu.dma_semaphore, #tpu.memory_space<semaphore_mem>>) src(%dma_wait3A_93 : memref<128x128xf32, #tpu.memory_space<hbm>>) dst(%arg9 : memref<128x128xf32, #tpu.memory_space<vmem>>)
      %dma_start3A_94 = arith.constant 0 : i32
      %dma_start3A_95 = arith.constant 0 : i32
      %dma_start3A_96 = tpu.memref_slice %arg10[%dma_start3A_94, %dma_start3A_95] : memref<10240x128xf32, #tpu.memory_space<vmem_shared>> -> memref<10240x128xf32, #tpu.memory_space<vmem_shared>>
      tpu.enqueue_indirect_dma source(%arg9 : memref<128x128xf32, #tpu.memory_space<vmem>>) target(%dma_start3A_96 : memref<10240x128xf32, #tpu.memory_space<vmem_shared>>) offsets(%arg7 : memref<128xi32, #tpu.memory_space<vmem>>) semaphore(%arg14 : memref<!tpu.dma_semaphore, #tpu.memory_space<semaphore_mem>>) {add = true}
      %ge3A_97 = arith.constant 1 : i32
      %ge3A_98 = arith.cmpi sge, %add3A_75, %ge3A_97 : i32
      %convert_element_type3A_99 = arith.extui %ge3A_98 : i1 to i32
      %cond3A_100 = arith.constant 0 : i32
      %cond3A_101 = arith.cmpi ne, %convert_element_type3A_99, %cond3A_100 : i32
      scf.if %cond3A_101 {
        %dma_wait3A_109 = arith.constant 0 : i32
        %dma_wait3A_110 = arith.constant 0 : i32
        %dma_wait3A_111 = tpu.memref_slice %arg10[%dma_wait3A_109, %dma_wait3A_110] : memref<10240x128xf32, #tpu.memory_space<vmem_shared>> -> memref<10240x128xf32, #tpu.memory_space<vmem_shared>>
        tpu.wait_indirect_dma semaphore(%arg13 : memref<!tpu.dma_semaphore, #tpu.memory_space<semaphore_mem>>) src(%arg8 : memref<128x128xf32, #tpu.memory_space<vmem>>) dst(%dma_wait3A_111 : memref<10240x128xf32, #tpu.memory_space<vmem_shared>>)
      } else {
      }
      %add3A_102 = arith.constant 1 : i32
      %add3A_103 = arith.addi %add3A_75, %add3A_102 : i32
      %lt3A_104 = arith.constant 28 : i32
      %lt3A_105 = arith.cmpi slt, %add3A_103, %lt3A_104 : i32
      %convert_element_type3A_106 = arith.extui %lt3A_105 : i1 to i32
      %cond3A_107 = arith.constant 0 : i32
      %cond3A_108 = arith.cmpi ne, %convert_element_type3A_106, %cond3A_107 : i32
      scf.if %cond3A_108 {
        %add3A_109 = arith.constant 1 : i32
        %add3A_110 = arith.addi %add3A_75, %add3A_109 : i32
        %add3A_111 = arith.constant 1600 : i32
        %add3A_112 = arith.addi %add3A_111, %add3A : i32
        %mul3A_113 = arith.constant 32 : i32
        %mul3A_114 = arith.muli %mul3A_113, %add3A_110 : i32
        %add3A_115 = arith.addi %add3A_112, %mul3A_114 : i32
        %mul3A_116 = arith.constant 128 : i32
        %mul3A_117 = arith.muli %add3A_115, %mul3A_116 : i32
        %dma_start3A_118 = tpu.memref_slice %arg3[%mul3A_117] : memref<320000xi32, #tpu.memory_space<hbm>> -> memref<128xi32, #tpu.memory_space<hbm>>
        %dma_start3A_119 = tpu.memref_slice %arg3[%mul3A_117] : memref<320000xi32, #tpu.memory_space<hbm>> -> memref<128xi32, #tpu.memory_space<hbm>>
        tpu.enqueue_dma source(%dma_start3A_119 : memref<128xi32, #tpu.memory_space<hbm>>) target(%arg6 : memref<128xi32, #tpu.memory_space<vmem>>) target_semaphore(%arg11 : memref<!tpu.dma_semaphore, #tpu.memory_space<semaphore_mem>>)
        %add3A_120 = arith.constant 1 : i32
        %add3A_121 = arith.addi %add3A_75, %add3A_120 : i32
        %mul3A_122 = arith.constant 32 : i32
        %mul3A_123 = arith.muli %mul3A_122, %add3A_121 : i32
        %add3A_124 = arith.addi %add3A, %mul3A_123 : i32
        %mul3A_125 = arith.constant 128 : i32
        %mul3A_126 = arith.muli %add3A_124, %mul3A_125 : i32
        %dma_start3A_127 = arith.constant 0 : i32
        %dma_start3A_128 = tpu.memref_slice %arg2[%mul3A_126, %dma_start3A_127] : memref<115200x128xf32, #tpu.memory_space<hbm>> -> memref<128x128xf32, #tpu.memory_space<hbm>>
        %dma_start3A_129 = arith.constant 0 : i32
        %dma_start3A_130 = tpu.memref_slice %arg2[%mul3A_126, %dma_start3A_129] : memref<115200x128xf32, #tpu.memory_space<hbm>> -> memref<128x128xf32, #tpu.memory_space<hbm>>
        tpu.enqueue_dma source(%dma_start3A_130 : memref<128x128xf32, #tpu.memory_space<hbm>>) target(%arg8 : memref<128x128xf32, #tpu.memory_space<vmem>>) target_semaphore(%arg11 : memref<!tpu.dma_semaphore, #tpu.memory_space<semaphore_mem>>)
      } else {
      }
    }
    %scan3A_24 = arith.constant 14 : i32
    %dma_wait3A = arith.constant 0 : i32
    %dma_wait3A_25 = arith.constant 0 : i32
    %dma_wait3A_26 = tpu.memref_slice %arg10[%dma_wait3A, %dma_wait3A_25] : memref<10240x128xf32, #tpu.memory_space<vmem_shared>> -> memref<10240x128xf32, #tpu.memory_space<vmem_shared>>
    tpu.wait_indirect_dma semaphore(%arg14 : memref<!tpu.dma_semaphore, #tpu.memory_space<semaphore_mem>>) src(%arg9 : memref<128x128xf32, #tpu.memory_space<vmem>>) dst(%dma_wait3A_26 : memref<10240x128xf32, #tpu.memory_space<vmem_shared>>)
    %lt3A = arith.constant 4 : i32
    %lt3A_27 = arith.cmpi slt, %add3A, %lt3A : i32
    %convert_element_type3A_28 = arith.extui %lt3A_27 : i1 to i32
    %cond3A_29 = arith.constant 0 : i32
    %cond3A_30 = arith.cmpi ne, %convert_element_type3A_28, %cond3A_29 : i32
    scf.if %cond3A_30 {
      %add3A_35 = arith.constant 2496 : i32
      %add3A_36 = arith.addi %add3A_35, %add3A : i32
      %mul3A_37 = arith.constant 128 : i32
      %mul3A_38 = arith.muli %add3A_36, %mul3A_37 : i32
      %add3A_39 = arith.constant 896 : i32
      %add3A_40 = arith.addi %add3A_39, %add3A : i32
      %mul3A_41 = arith.constant 128 : i32
      %mul3A_42 = arith.muli %add3A_40, %mul3A_41 : i32
      "tpu.region"() ({
        %run_scoped3A = tpu.sem_alloc : memref<!tpu.dma_semaphore, #tpu.memory_space<semaphore_mem>>
        %dma_start3A_43 = tpu.memref_slice %arg3[%mul3A_38] : memref<320000xi32, #tpu.memory_space<hbm>> -> memref<128xi32, #tpu.memory_space<hbm>>
        %dma_start3A_44 = tpu.memref_slice %arg3[%mul3A_38] : memref<320000xi32, #tpu.memory_space<hbm>> -> memref<128xi32, #tpu.memory_space<hbm>>
        tpu.enqueue_dma source(%dma_start3A_44 : memref<128xi32, #tpu.memory_space<hbm>>) target(%arg6 : memref<128xi32, #tpu.memory_space<vmem>>) target_semaphore(%run_scoped3A : memref<!tpu.dma_semaphore, #tpu.memory_space<semaphore_mem>>)
        %dma_wait3A_45 = tpu.memref_slice %arg3[%mul3A_38] : memref<320000xi32, #tpu.memory_space<hbm>> -> memref<128xi32, #tpu.memory_space<hbm>>
        %dma_wait3A_46 = tpu.memref_slice %arg3[%mul3A_38] : memref<320000xi32, #tpu.memory_space<hbm>> -> memref<128xi32, #tpu.memory_space<hbm>>
        tpu.wait_dma2 semaphore(%run_scoped3A : memref<!tpu.dma_semaphore, #tpu.memory_space<semaphore_mem>>) src(%dma_wait3A_46 : memref<128xi32, #tpu.memory_space<hbm>>) dst(%arg6 : memref<128xi32, #tpu.memory_space<vmem>>)
        tpu.yield
      }) : () -> ()
      "tpu.region"() ({
        %run_scoped3A = tpu.sem_alloc : memref<!tpu.dma_semaphore, #tpu.memory_space<semaphore_mem>>
        %dma_start3A_43 = arith.constant 0 : i32
        %dma_start3A_44 = tpu.memref_slice %arg2[%mul3A_42, %dma_start3A_43] : memref<115200x128xf32, #tpu.memory_space<hbm>> -> memref<128x128xf32, #tpu.memory_space<hbm>>
        %dma_start3A_45 = arith.constant 0 : i32
        %dma_start3A_46 = tpu.memref_slice %arg2[%mul3A_42, %dma_start3A_45] : memref<115200x128xf32, #tpu.memory_space<hbm>> -> memref<128x128xf32, #tpu.memory_space<hbm>>
        tpu.enqueue_dma source(%dma_start3A_46 : memref<128x128xf32, #tpu.memory_space<hbm>>) target(%arg8 : memref<128x128xf32, #tpu.memory_space<vmem>>) target_semaphore(%run_scoped3A : memref<!tpu.dma_semaphore, #tpu.memory_space<semaphore_mem>>)
        %dma_wait3A_47 = arith.constant 0 : i32
        %dma_wait3A_48 = tpu.memref_slice %arg2[%mul3A_42, %dma_wait3A_47] : memref<115200x128xf32, #tpu.memory_space<hbm>> -> memref<128x128xf32, #tpu.memory_space<hbm>>
        %dma_wait3A_49 = arith.constant 0 : i32
        %dma_wait3A_50 = tpu.memref_slice %arg2[%mul3A_42, %dma_wait3A_49] : memref<115200x128xf32, #tpu.memory_space<hbm>> -> memref<128x128xf32, #tpu.memory_space<hbm>>
        tpu.wait_dma2 semaphore(%run_scoped3A : memref<!tpu.dma_semaphore, #tpu.memory_space<semaphore_mem>>) src(%dma_wait3A_50 : memref<128x128xf32, #tpu.memory_space<hbm>>) dst(%arg8 : memref<128x128xf32, #tpu.memory_space<vmem>>)
        tpu.yield
      }) : () -> ()
      "tpu.region"() ({
        %run_scoped3A = tpu.sem_alloc : memref<!tpu.dma_semaphore, #tpu.memory_space<semaphore_mem>>
        %dma_start3A_43 = arith.constant 0 : i32
        %dma_start3A_44 = arith.constant 0 : i32
        %dma_start3A_45 = tpu.memref_slice %arg10[%dma_start3A_43, %dma_start3A_44] : memref<10240x128xf32, #tpu.memory_space<vmem_shared>> -> memref<10240x128xf32, #tpu.memory_space<vmem_shared>>
        tpu.enqueue_indirect_dma source(%arg8 : memref<128x128xf32, #tpu.memory_space<vmem>>) target(%dma_start3A_45 : memref<10240x128xf32, #tpu.memory_space<vmem_shared>>) offsets(%arg6 : memref<128xi32, #tpu.memory_space<vmem>>) semaphore(%run_scoped3A : memref<!tpu.dma_semaphore, #tpu.memory_space<semaphore_mem>>) {add = true}
        %dma_wait3A_46 = arith.constant 0 : i32
        %dma_wait3A_47 = arith.constant 0 : i32
        %dma_wait3A_48 = tpu.memref_slice %arg10[%dma_wait3A_46, %dma_wait3A_47] : memref<10240x128xf32, #tpu.memory_space<vmem_shared>> -> memref<10240x128xf32, #tpu.memory_space<vmem_shared>>
        tpu.wait_indirect_dma semaphore(%run_scoped3A : memref<!tpu.dma_semaphore, #tpu.memory_space<semaphore_mem>>) src(%arg8 : memref<128x128xf32, #tpu.memory_space<vmem>>) dst(%dma_wait3A_48 : memref<10240x128xf32, #tpu.memory_space<vmem_shared>>)
        tpu.yield
      }) : () -> ()
    } else {
    }
    %barrier3A_31 = arith.constant 0 : index
    tpu.barrier barrier_id(%barrier3A_31)
    %mul3A_32 = arith.constant 10240 : i32
    %mul3A_33 = arith.muli %arg0, %mul3A_32 : i32
    %add3A_34 = arith.addi %mul3A_33, %mul3A_2 : i32
    "tpu.region"() ({
      %run_scoped3A = tpu.sem_alloc : memref<!tpu.dma_semaphore, #tpu.memory_space<semaphore_mem>>
      %dma_start3A_35 = arith.constant 0 : i32
      %dma_start3A_36 = tpu.memref_slice %arg5[%add3A_34, %dma_start3A_35] : memref<20480x128xf32, #tpu.memory_space<hbm>> -> memref<640x128xf32, #tpu.memory_space<hbm>>
      %dma_start3A_37 = arith.constant 0 : i32
      %dma_start3A_38 = tpu.memref_slice %arg10[%mul3A_2, %dma_start3A_37] : memref<10240x128xf32, #tpu.memory_space<vmem_shared>> -> memref<640x128xf32, #tpu.memory_space<vmem_shared>>
      tpu.enqueue_dma source(%dma_start3A_38 : memref<640x128xf32, #tpu.memory_space<vmem_shared>>) target(%dma_start3A_36 : memref<640x128xf32, #tpu.memory_space<hbm>>) target_semaphore(%run_scoped3A : memref<!tpu.dma_semaphore, #tpu.memory_space<semaphore_mem>>)
      %dma_wait3A_39 = arith.constant 0 : i32
      %dma_wait3A_40 = tpu.memref_slice %arg5[%add3A_34, %dma_wait3A_39] : memref<20480x128xf32, #tpu.memory_space<hbm>> -> memref<640x128xf32, #tpu.memory_space<hbm>>
      %dma_wait3A_41 = arith.constant 0 : i32
      %dma_wait3A_42 = tpu.memref_slice %arg10[%mul3A_2, %dma_wait3A_41] : memref<10240x128xf32, #tpu.memory_space<vmem_shared>> -> memref<640x128xf32, #tpu.memory_space<vmem_shared>>
      tpu.wait_dma2 semaphore(%run_scoped3A : memref<!tpu.dma_semaphore, #tpu.memory_space<semaphore_mem>>) src(%dma_wait3A_42 : memref<640x128xf32, #tpu.memory_space<vmem_shared>>) dst(%dma_wait3A_40 : memref<640x128xf32, #tpu.memory_space<hbm>>)
      tpu.yield
    }) : () -> ()
    return
  }
}

module attributes {stable_mosaic.version = 14 : i64} {
  func.func @_node_body(%arg0: i32, %arg1: memref<2000x128xf32, #tpu.memory_space<vmem>>, %arg2: memref<2000x128xf32, #tpu.memory_space<vmem>>) attributes {dimension_semantics = [#tpu.dimension_semantics<arbitrary>], iteration_bounds = array<i64: 5>, scalar_prefetch = 0 : i64, scratch_operands = 0 : i64, tpu.core_type = #tpu.core_type<tc>, window_params = [{transform_indices = @transform_0, window_bounds = array<i64: 2000, 128>}, {transform_indices = @transform_1, window_bounds = array<i64: 2000, 128>}]} {
    %get3A = arith.constant 0 : index
    %get3A_0 = arith.constant 0 : index
    %get3A_1 = vector.load %arg1[%get3A, %get3A_0] : memref<2000x128xf32, #tpu.memory_space<vmem>>, vector<2000x128xf32>
    %mul3A = arith.mulf %get3A_1, %get3A_1 : vector<2000x128xf32>
    %reduce_sum3A = arith.constant dense<0.000000e+00> : vector<2000xf32>
    %reduce_sum3A_2 = vector.multi_reduction <add>, %mul3A, %reduce_sum3A [1] : vector<2000x128xf32> to vector<2000xf32>
    %broadcast_in_dim3A = vector.shape_cast %reduce_sum3A_2 : vector<2000xf32> to vector<2000x1xf32>
    %sqrt3A = math.sqrt %broadcast_in_dim3A : vector<2000x1xf32>
    %max3A = arith.constant 1.000000e-15 : f32
    %max3A_3 = vector.broadcast %max3A : f32 to vector<2000x1xf32>
    %max3A_4 = arith.maximumf %sqrt3A, %max3A_3 : vector<2000x1xf32>
    %tanh3A = math.tanh %max3A_4 : vector<2000x1xf32>
    %mul3A_5 = vector.broadcast %tanh3A : vector<2000x1xf32> to vector<2000x128xf32>
    %mul3A_6 = arith.mulf %mul3A_5, %get3A_1 : vector<2000x128xf32>
    %div3A = vector.broadcast %max3A_4 : vector<2000x1xf32> to vector<2000x128xf32>
    %div3A_7 = arith.divf %mul3A_6, %div3A : vector<2000x128xf32>
    %mul3A_8 = arith.mulf %div3A_7, %div3A_7 : vector<2000x128xf32>
    %reduce_sum3A_9 = arith.constant dense<0.000000e+00> : vector<2000xf32>
    %reduce_sum3A_10 = vector.multi_reduction <add>, %mul3A_8, %reduce_sum3A_9 [1] : vector<2000x128xf32> to vector<2000xf32>
    %broadcast_in_dim3A_11 = vector.shape_cast %reduce_sum3A_10 : vector<2000xf32> to vector<2000x1xf32>
    %sqrt3A_12 = math.sqrt %broadcast_in_dim3A_11 : vector<2000x1xf32>
    %max3A_13 = arith.constant 1.000000e-15 : f32
    %max3A_14 = vector.broadcast %max3A_13 : f32 to vector<2000x1xf32>
    %max3A_15 = arith.maximumf %sqrt3A_12, %max3A_14 : vector<2000x1xf32>
    %gt3A = arith.constant 0.999989986 : f32
    %gt3A_16 = vector.broadcast %gt3A : f32 to vector<2000x1xf32>
    %gt3A_17 = arith.cmpf ogt, %max3A_15, %gt3A_16 : vector<2000x1xf32>
    %div3A_18 = vector.broadcast %max3A_15 : vector<2000x1xf32> to vector<2000x128xf32>
    %div3A_19 = arith.divf %div3A_7, %div3A_18 : vector<2000x128xf32>
    %mul3A_20 = arith.constant 0.999989986 : f32
    %mul3A_21 = vector.broadcast %mul3A_20 : f32 to vector<2000x128xf32>
    %mul3A_22 = arith.mulf %div3A_19, %mul3A_21 : vector<2000x128xf32>
    %broadcast_in_dim3A_23 = vector.shape_cast %gt3A_17 : vector<2000x1xi1> to vector<2000x1xi1>
    %broadcast_in_dim3A_24 = vector.broadcast %broadcast_in_dim3A_23 : vector<2000x1xi1> to vector<2000x128xi1>
    %select_n3A = arith.select %broadcast_in_dim3A_24, %mul3A_22, %div3A_7 : vector<2000x128xi1>, vector<2000x128xf32>
    %mul3A_25 = arith.mulf %select_n3A, %select_n3A : vector<2000x128xf32>
    %reduce_sum3A_26 = arith.constant dense<0.000000e+00> : vector<2000xf32>
    %reduce_sum3A_27 = vector.multi_reduction <add>, %mul3A_25, %reduce_sum3A_26 [1] : vector<2000x128xf32> to vector<2000xf32>
    %broadcast_in_dim3A_28 = vector.shape_cast %reduce_sum3A_27 : vector<2000xf32> to vector<2000x1xf32>
    %sqrt3A_29 = math.sqrt %broadcast_in_dim3A_28 : vector<2000x1xf32>
    %max3A_30 = arith.constant 1.000000e-15 : f32
    %max3A_31 = vector.broadcast %max3A_30 : f32 to vector<2000x1xf32>
    %max3A_32 = arith.maximumf %sqrt3A_29, %max3A_31 : vector<2000x1xf32>
    %log1p3A = math.log1p %max3A_32 : vector<2000x1xf32>
    %neg3A = arith.constant 0.000000e+00 : f32
    %neg3A_33 = vector.broadcast %neg3A : f32 to vector<2000x1xf32>
    %neg3A_34 = arith.subf %neg3A_33, %max3A_32 : vector<2000x1xf32>
    %log1p3A_35 = math.log1p %neg3A_34 : vector<2000x1xf32>
    %sub3A = arith.subf %log1p3A, %log1p3A_35 : vector<2000x1xf32>
    %mul3A_36 = arith.constant 5.000000e-01 : f32
    %mul3A_37 = vector.broadcast %mul3A_36 : f32 to vector<2000x1xf32>
    %mul3A_38 = arith.mulf %mul3A_37, %sub3A : vector<2000x1xf32>
    %div3A_39 = arith.divf %mul3A_38, %max3A_32 : vector<2000x1xf32>
    %mul3A_40 = vector.broadcast %div3A_39 : vector<2000x1xf32> to vector<2000x128xf32>
    %mul3A_41 = arith.mulf %mul3A_40, %select_n3A : vector<2000x128xf32>
    %swap3A = arith.constant 0 : index
    %swap3A_42 = arith.constant 0 : index
    %swap3A_43 = vector.load %arg2[%swap3A, %swap3A_42] : memref<2000x128xf32, #tpu.memory_space<vmem>>, vector<2000x128xf32>
    tpu.vector_store %arg2[%swap3A, %swap3A_42], %mul3A_41 {strides = array<i32>} : memref<2000x128xf32, #tpu.memory_space<vmem>>, vector<2000x128xf32>,
    return
  }
  func.func @transform_0(%arg0: i32) -> (i32, i32) {
    %c0_i32 = arith.constant 0 : i32
    %c0_i32_0 = arith.constant 0 : i32
    return %arg0, %c0_i32 : i32, i32
  }
  func.func @transform_1(%arg0: i32) -> (i32, i32) {
    %c0_i32 = arith.constant 0 : i32
    %c0_i32_0 = arith.constant 0 : i32
    return %arg0, %c0_i32 : i32, i32
  }
}

module attributes {stable_mosaic.version = 14 : i64} {
  func.func @_edge_body(%arg0: i32, %arg1: memref<2560x128xf32, #tpu.memory_space<vmem>>, %arg2: memref<2560x128xf32, #tpu.memory_space<vmem>>, %arg3: memref<128x128xf32, #tpu.memory_space<vmem>>, %arg4: memref<128x128xf32, #tpu.memory_space<vmem>>, %arg5: memref<1x128xf32, #tpu.memory_space<vmem>>, %arg6: memref<1x128xf32, #tpu.memory_space<vmem>>, %arg7: memref<1x128xf32, #tpu.memory_space<vmem>>, %arg8: memref<128x128xf32, #tpu.memory_space<vmem>>, %arg9: memref<1x128xf32, #tpu.memory_space<vmem>>, %arg10: memref<2560x128xf32, #tpu.memory_space<vmem>>, %arg11: memref<1x128xf32, #tpu.memory_space<vmem>>, %arg12: memref<1x128xf32, #tpu.memory_space<vmem>>) attributes {dimension_semantics = [#tpu.dimension_semantics<arbitrary>], iteration_bounds = array<i64: 48>, scalar_prefetch = 0 : i64, scratch_operands = 0 : i64, tpu.core_type = #tpu.core_type<tc>, window_params = [{transform_indices = @transform_0, window_bounds = array<i64: 2560, 128>}, {transform_indices = @transform_1, window_bounds = array<i64: 2560, 128>}, {pipeline_mode = #tpu.pipeline_mode<synchronous>, transform_indices = @transform_2, window_bounds = array<i64: 128, 128>}, {pipeline_mode = #tpu.pipeline_mode<synchronous>, transform_indices = @transform_3, window_bounds = array<i64: 128, 128>}, {pipeline_mode = #tpu.pipeline_mode<synchronous>, transform_indices = @transform_4, window_bounds = array<i64: 1, 128>}, {pipeline_mode = #tpu.pipeline_mode<synchronous>, transform_indices = @transform_5, window_bounds = array<i64: 1, 128>}, {pipeline_mode = #tpu.pipeline_mode<synchronous>, transform_indices = @transform_6, window_bounds = array<i64: 1, 128>}, {pipeline_mode = #tpu.pipeline_mode<synchronous>, transform_indices = @transform_7, window_bounds = array<i64: 128, 128>}, {pipeline_mode = #tpu.pipeline_mode<synchronous>, transform_indices = @transform_8, window_bounds = array<i64: 1, 128>}, {transform_indices = @transform_9, window_bounds = array<i64: 2560, 128>}, {pipeline_mode = #tpu.pipeline_mode<synchronous>, transform_indices = @transform_10, window_bounds = array<i64: 1, 128>}, {pipeline_mode = #tpu.pipeline_mode<synchronous>, transform_indices = @transform_11, window_bounds = array<i64: 1, 128>}]} {
    %get3A = arith.constant 0 : index
    %get3A_0 = arith.constant 0 : index
    %get3A_1 = vector.load %arg1[%get3A, %get3A_0] : memref<2560x128xf32, #tpu.memory_space<vmem>>, vector<2560x128xf32>
    %get3A_2 = arith.constant 0 : index
    %get3A_3 = arith.constant 0 : index
    %get3A_4 = vector.load %arg2[%get3A_2, %get3A_3] : memref<2560x128xf32, #tpu.memory_space<vmem>>, vector<2560x128xf32>
    %mul3A = arith.mulf %get3A_1, %get3A_4 : vector<2560x128xf32>
    %reduce_sum3A = arith.constant dense<0.000000e+00> : vector<2560xf32>
    %reduce_sum3A_5 = vector.multi_reduction <add>, %mul3A, %reduce_sum3A [1] : vector<2560x128xf32> to vector<2560xf32>
    %broadcast_in_dim3A = vector.shape_cast %reduce_sum3A_5 : vector<2560xf32> to vector<2560x1xf32>
    %sub3A = arith.subf %get3A_1, %get3A_4 : vector<2560x128xf32>
    %mul3A_6 = arith.mulf %sub3A, %sub3A : vector<2560x128xf32>
    %reduce_sum3A_7 = arith.constant dense<0.000000e+00> : vector<2560xf32>
    %reduce_sum3A_8 = vector.multi_reduction <add>, %mul3A_6, %reduce_sum3A_7 [1] : vector<2560x128xf32> to vector<2560xf32>
    %broadcast_in_dim3A_9 = vector.shape_cast %reduce_sum3A_8 : vector<2560xf32> to vector<2560x1xf32>
    %sqrt3A = math.sqrt %broadcast_in_dim3A_9 : vector<2560x1xf32>
    %mul3A_10 = arith.constant 2.000000e+00 : f32
    %mul3A_11 = vector.broadcast %mul3A_10 : f32 to vector<2560x1xf32>
    %mul3A_12 = arith.mulf %mul3A_11, %sqrt3A : vector<2560x1xf32>
    %mul3A_13 = arith.mulf %sqrt3A, %sqrt3A : vector<2560x1xf32>
    %mul3A_14 = arith.mulf %mul3A_13, %sqrt3A : vector<2560x1xf32>
    %div3A = arith.constant 3.000000e+00 : f32
    %div3A_15 = vector.broadcast %div3A : f32 to vector<2560x1xf32>
    %div3A_16 = arith.divf %mul3A_14, %div3A_15 : vector<2560x1xf32>
    %mul3A_17 = arith.mulf %broadcast_in_dim3A, %sqrt3A : vector<2560x1xf32>
    %mul3A_18 = arith.mulf %mul3A_17, %sqrt3A : vector<2560x1xf32>
    %add3A = arith.addf %div3A_16, %mul3A_18 : vector<2560x1xf32>
    %mul3A_19 = arith.constant 2.000000e+00 : f32
    %mul3A_20 = vector.broadcast %mul3A_19 : f32 to vector<2560x1xf32>
    %mul3A_21 = arith.mulf %mul3A_20, %add3A : vector<2560x1xf32>
    %add3A_22 = arith.addf %mul3A_12, %mul3A_21 : vector<2560x1xf32>
    %logistic3A = arith.negf %add3A_22 : vector<2560x1xf32>
    %logistic3A_23 = math.exp %logistic3A : vector<2560x1xf32>
    %logistic3A_24 = arith.constant 1.000000e+00 : f32
    %logistic3A_25 = vector.broadcast %logistic3A_24 : f32 to vector<2560x1xf32>
    %logistic3A_26 = arith.addf %logistic3A_25, %logistic3A_23 : vector<2560x1xf32>
    %logistic3A_27 = arith.divf %logistic3A_25, %logistic3A_26 : vector<2560x1xf32>
    %sub3A_28 = arith.constant 1.000000e+00 : f32
    %sub3A_29 = vector.broadcast %sub3A_28 : f32 to vector<2560x1xf32>
    %sub3A_30 = arith.subf %sub3A_29, %logistic3A_27 : vector<2560x1xf32>
    %add3A_31 = arith.constant 1.000000e+00 : f32
    %add3A_32 = vector.broadcast %add3A_31 : f32 to vector<2560x1xf32>
    %add3A_33 = arith.addf %add3A_32, %sub3A_30 : vector<2560x1xf32>
    %mul3A_34 = vector.broadcast %add3A_33 : vector<2560x1xf32> to vector<2560x128xf32>
    %mul3A_35 = arith.mulf %mul3A_34, %get3A_1 : vector<2560x128xf32>
    %get3A_36 = arith.constant 0 : index
    %get3A_37 = arith.constant 0 : index
    %get3A_38 = vector.load %arg3[%get3A_36, %get3A_37] : memref<128x128xf32, #tpu.memory_space<vmem>>, vector<128x128xf32>
    %dot_general3A = arith.constant dense<0.000000e+00> : vector<2560x128xf32>
    %dot_general3A_39 = tpu.matmul %mul3A_35, %get3A_38, %dot_general3A {dimension_numbers = #tpu.dot_dimension_numbers<[1], [0], [0], [1], [0, 0, 1, 1], [], []>, transpose_lhs_hint = false} : vector<2560x128xf32>, vector<128x128xf32>, vector<2560x128xf32> -> vector<2560x128xf32>
    %get3A_40 = arith.constant 0 : index
    %get3A_41 = arith.constant 0 : index
    %get3A_42 = vector.load %arg4[%get3A_40, %get3A_41] : memref<128x128xf32, #tpu.memory_space<vmem>>, vector<128x128xf32>
    %dot_general3A_43 = arith.constant dense<0.000000e+00> : vector<2560x128xf32>
    %dot_general3A_44 = tpu.matmul %get3A_4, %get3A_42, %dot_general3A_43 {dimension_numbers = #tpu.dot_dimension_numbers<[1], [0], [0], [1], [0, 0, 1, 1], [], []>, transpose_lhs_hint = false} : vector<2560x128xf32>, vector<128x128xf32>, vector<2560x128xf32> -> vector<2560x128xf32>
    %add3A_45 = arith.addf %dot_general3A_39, %dot_general3A_44 : vector<2560x128xf32>
    %get3A_46 = arith.constant 0 : index
    %get3A_47 = arith.constant 0 : index
    %get3A_48 = vector.load %arg5[%get3A_46, %get3A_47] : memref<1x128xf32, #tpu.memory_space<vmem>>, vector<1x128xf32>
    %add3A_49 = vector.broadcast %get3A_48 : vector<1x128xf32> to vector<2560x128xf32>
    %add3A_50 = arith.addf %add3A_45, %add3A_49 : vector<2560x128xf32>
    %gt3A = arith.constant 0.000000e+00 : f32
    %gt3A_51 = vector.broadcast %gt3A : f32 to vector<2560x128xf32>
    %gt3A_52 = arith.cmpf ogt, %add3A_50, %gt3A_51 : vector<2560x128xf32>
    %min3A = arith.constant 0.000000e+00 : f32
    %min3A_53 = vector.broadcast %min3A : f32 to vector<2560x128xf32>
    %min3A_54 = arith.minimumf %add3A_50, %min3A_53 : vector<2560x128xf32>
    %exp3A = math.exp %min3A_54 : vector<2560x128xf32>
    %sub3A_55 = arith.constant 1.000000e+00 : f32
    %sub3A_56 = vector.broadcast %sub3A_55 : f32 to vector<2560x128xf32>
    %sub3A_57 = arith.subf %exp3A, %sub3A_56 : vector<2560x128xf32>
    %select_n3A = arith.select %gt3A_52, %add3A_50, %sub3A_57 : vector<2560x128xi1>, vector<2560x128xf32>
    %reduce_sum3A_58 = arith.constant dense<0.000000e+00> : vector<2560xf32>
    %reduce_sum3A_59 = vector.multi_reduction <add>, %select_n3A, %reduce_sum3A_58 [1] : vector<2560x128xf32> to vector<2560xf32>
    %broadcast_in_dim3A_60 = vector.shape_cast %reduce_sum3A_59 : vector<2560xf32> to vector<2560x1xf32>
    %div3A_61 = arith.constant 1.280000e+02 : f32
    %div3A_62 = vector.broadcast %div3A_61 : f32 to vector<2560x1xf32>
    %div3A_63 = arith.divf %broadcast_in_dim3A_60, %div3A_62 : vector<2560x1xf32>
    %sub3A_64 = vector.broadcast %div3A_63 : vector<2560x1xf32> to vector<2560x128xf32>
    %sub3A_65 = arith.subf %select_n3A, %sub3A_64 : vector<2560x128xf32>
    %mul3A_66 = arith.mulf %sub3A_65, %sub3A_65 : vector<2560x128xf32>
    %reduce_sum3A_67 = arith.constant dense<0.000000e+00> : vector<2560xf32>
    %reduce_sum3A_68 = vector.multi_reduction <add>, %mul3A_66, %reduce_sum3A_67 [1] : vector<2560x128xf32> to vector<2560xf32>
    %broadcast_in_dim3A_69 = vector.shape_cast %reduce_sum3A_68 : vector<2560xf32> to vector<2560x1xf32>
    %div3A_70 = arith.constant 1.280000e+02 : f32
    %div3A_71 = vector.broadcast %div3A_70 : f32 to vector<2560x1xf32>
    %div3A_72 = arith.divf %broadcast_in_dim3A_69, %div3A_71 : vector<2560x1xf32>
    %add3A_73 = arith.constant 9.99999974E-6 : f32
    %add3A_74 = vector.broadcast %add3A_73 : f32 to vector<2560x1xf32>
    %add3A_75 = arith.addf %div3A_72, %add3A_74 : vector<2560x1xf32>
    %sqrt3A_76 = math.sqrt %add3A_75 : vector<2560x1xf32>
    %div3A_77 = vector.broadcast %sqrt3A_76 : vector<2560x1xf32> to vector<2560x128xf32>
    %div3A_78 = arith.divf %sub3A_65, %div3A_77 : vector<2560x128xf32>
    %get3A_79 = arith.constant 0 : index
    %get3A_80 = arith.constant 0 : index
    %get3A_81 = vector.load %arg6[%get3A_79, %get3A_80] : memref<1x128xf32, #tpu.memory_space<vmem>>, vector<1x128xf32>
    %mul3A_82 = vector.broadcast %get3A_81 : vector<1x128xf32> to vector<2560x128xf32>
    %mul3A_83 = arith.mulf %div3A_78, %mul3A_82 : vector<2560x128xf32>
    %get3A_84 = arith.constant 0 : index
    %get3A_85 = arith.constant 0 : index
    %get3A_86 = vector.load %arg7[%get3A_84, %get3A_85] : memref<1x128xf32, #tpu.memory_space<vmem>>, vector<1x128xf32>
    %add3A_87 = vector.broadcast %get3A_86 : vector<1x128xf32> to vector<2560x128xf32>
    %add3A_88 = arith.addf %mul3A_83, %add3A_87 : vector<2560x128xf32>
    %get3A_89 = arith.constant 0 : index
    %get3A_90 = arith.constant 0 : index
    %get3A_91 = vector.load %arg8[%get3A_89, %get3A_90] : memref<128x128xf32, #tpu.memory_space<vmem>>, vector<128x128xf32>
    %dot_general3A_92 = arith.constant dense<0.000000e+00> : vector<2560x128xf32>
    %dot_general3A_93 = tpu.matmul %add3A_88, %get3A_91, %dot_general3A_92 {dimension_numbers = #tpu.dot_dimension_numbers<[1], [0], [0], [1], [0, 0, 1, 1], [], []>, transpose_lhs_hint = false} : vector<2560x128xf32>, vector<128x128xf32>, vector<2560x128xf32> -> vector<2560x128xf32>
    %get3A_94 = arith.constant 0 : index
    %get3A_95 = arith.constant 0 : index
    %get3A_96 = vector.load %arg9[%get3A_94, %get3A_95] : memref<1x128xf32, #tpu.memory_space<vmem>>, vector<1x128xf32>
    %add3A_97 = vector.broadcast %get3A_96 : vector<1x128xf32> to vector<2560x128xf32>
    %add3A_98 = arith.addf %dot_general3A_93, %add3A_97 : vector<2560x128xf32>
    %gt3A_99 = arith.constant 0.000000e+00 : f32
    %gt3A_100 = vector.broadcast %gt3A_99 : f32 to vector<2560x128xf32>
    %gt3A_101 = arith.cmpf ogt, %add3A_98, %gt3A_100 : vector<2560x128xf32>
    %min3A_102 = arith.constant 0.000000e+00 : f32
    %min3A_103 = vector.broadcast %min3A_102 : f32 to vector<2560x128xf32>
    %min3A_104 = arith.minimumf %add3A_98, %min3A_103 : vector<2560x128xf32>
    %exp3A_105 = math.exp %min3A_104 : vector<2560x128xf32>
    %sub3A_106 = arith.constant 1.000000e+00 : f32
    %sub3A_107 = vector.broadcast %sub3A_106 : f32 to vector<2560x128xf32>
    %sub3A_108 = arith.subf %exp3A_105, %sub3A_107 : vector<2560x128xf32>
    %select_n3A_109 = arith.select %gt3A_101, %add3A_98, %sub3A_108 : vector<2560x128xi1>, vector<2560x128xf32>
    %swap3A = arith.constant 0 : index
    %swap3A_110 = arith.constant 0 : index
    %swap3A_111 = vector.load %arg10[%swap3A, %swap3A_110] : memref<2560x128xf32, #tpu.memory_space<vmem>>, vector<2560x128xf32>
    tpu.vector_store %arg10[%swap3A, %swap3A_110], %select_n3A_109 {strides = array<i32>} : memref<2560x128xf32, #tpu.memory_space<vmem>>, vector<2560x128xf32>,
    %eq3A = arith.constant 0 : i32
    %eq3A_112 = arith.cmpi eq, %arg0, %eq3A : i32
    %convert_element_type3A = arith.extui %eq3A_112 : i1 to i32
    %cond3A = arith.constant 0 : i32
    %cond3A_113 = arith.cmpi ne, %convert_element_type3A, %cond3A : i32
    scf.if %cond3A_113 {
      %broadcast_in_dim3A_135 = arith.constant 0.000000e+00 : f32
      %broadcast_in_dim3A_136 = vector.broadcast %broadcast_in_dim3A_135 : f32 to vector<1x128xf32>
      %swap3A_137 = arith.constant 0 : index
      %swap3A_138 = arith.constant 0 : index
      %swap3A_139 = vector.load %arg11[%swap3A_137, %swap3A_138] : memref<1x128xf32, #tpu.memory_space<vmem>>, vector<1x128xf32>
      tpu.vector_store %arg11[%swap3A_137, %swap3A_138], %broadcast_in_dim3A_136 {strides = array<i32>} : memref<1x128xf32, #tpu.memory_space<vmem>>, vector<1x128xf32>,
      %broadcast_in_dim3A_140 = arith.constant 0.000000e+00 : f32
      %broadcast_in_dim3A_141 = vector.broadcast %broadcast_in_dim3A_140 : f32 to vector<1x128xf32>
      %swap3A_142 = arith.constant 0 : index
      %swap3A_143 = arith.constant 0 : index
      %swap3A_144 = vector.load %arg12[%swap3A_142, %swap3A_143] : memref<1x128xf32, #tpu.memory_space<vmem>>, vector<1x128xf32>
      tpu.vector_store %arg12[%swap3A_142, %swap3A_143], %broadcast_in_dim3A_141 {strides = array<i32>} : memref<1x128xf32, #tpu.memory_space<vmem>>, vector<1x128xf32>,
    } else {
    }
    %get3A_114 = arith.constant 0 : index
    %get3A_115 = arith.constant 0 : index
    %get3A_116 = vector.load %arg11[%get3A_114, %get3A_115] : memref<1x128xf32, #tpu.memory_space<vmem>>, vector<1x128xf32>
    %reduce_sum3A_117 = arith.constant dense<0.000000e+00> : vector<128xf32>
    %reduce_sum3A_118 = vector.multi_reduction <add>, %select_n3A_109, %reduce_sum3A_117 [0] : vector<2560x128xf32> to vector<128xf32>
    %broadcast_in_dim3A_119 = vector.shape_cast %reduce_sum3A_118 : vector<128xf32> to vector<1x128xf32>
    %add3A_120 = arith.addf %get3A_116, %broadcast_in_dim3A_119 : vector<1x128xf32>
    %swap3A_121 = arith.constant 0 : index
    %swap3A_122 = arith.constant 0 : index
    %swap3A_123 = vector.load %arg11[%swap3A_121, %swap3A_122] : memref<1x128xf32, #tpu.memory_space<vmem>>, vector<1x128xf32>
    tpu.vector_store %arg11[%swap3A_121, %swap3A_122], %add3A_120 {strides = array<i32>} : memref<1x128xf32, #tpu.memory_space<vmem>>, vector<1x128xf32>,
    %get3A_124 = arith.constant 0 : index
    %get3A_125 = arith.constant 0 : index
    %get3A_126 = vector.load %arg12[%get3A_124, %get3A_125] : memref<1x128xf32, #tpu.memory_space<vmem>>, vector<1x128xf32>
    %mul3A_127 = arith.mulf %select_n3A_109, %select_n3A_109 : vector<2560x128xf32>
    %reduce_sum3A_128 = arith.constant dense<0.000000e+00> : vector<128xf32>
    %reduce_sum3A_129 = vector.multi_reduction <add>, %mul3A_127, %reduce_sum3A_128 [0] : vector<2560x128xf32> to vector<128xf32>
    %broadcast_in_dim3A_130 = vector.shape_cast %reduce_sum3A_129 : vector<128xf32> to vector<1x128xf32>
    %add3A_131 = arith.addf %get3A_126, %broadcast_in_dim3A_130 : vector<1x128xf32>
    %swap3A_132 = arith.constant 0 : index
    %swap3A_133 = arith.constant 0 : index
    %swap3A_134 = vector.load %arg12[%swap3A_132, %swap3A_133] : memref<1x128xf32, #tpu.memory_space<vmem>>, vector<1x128xf32>
    tpu.vector_store %arg12[%swap3A_132, %swap3A_133], %add3A_131 {strides = array<i32>} : memref<1x128xf32, #tpu.memory_space<vmem>>, vector<1x128xf32>,
    return
  }
  func.func @transform_0(%arg0: i32) -> (i32, i32) {
    %c0_i32 = arith.constant 0 : i32
    %c0_i32_0 = arith.constant 0 : i32
    return %arg0, %c0_i32 : i32, i32
  }
  func.func @transform_1(%arg0: i32) -> (i32, i32) {
    %c0_i32 = arith.constant 0 : i32
    %c0_i32_0 = arith.constant 0 : i32
    return %arg0, %c0_i32 : i32, i32
  }
  func.func @transform_2(%arg0: i32) -> (i32, i32) {
    %c0_i32 = arith.constant 0 : i32
    %c0_i32_0 = arith.constant 0 : i32
    %c0_i32_1 = arith.constant 0 : i32
    return %c0_i32, %c0_i32_0 : i32, i32
  }
  func.func @transform_3(%arg0: i32) -> (i32, i32) {
    %c0_i32 = arith.constant 0 : i32
    %c0_i32_0 = arith.constant 0 : i32
    %c0_i32_1 = arith.constant 0 : i32
    return %c0_i32, %c0_i32_0 : i32, i32
  }
  func.func @transform_4(%arg0: i32) -> (i32, i32) {
    %c0_i32 = arith.constant 0 : i32
    %c0_i32_0 = arith.constant 0 : i32
    %c0_i32_1 = arith.constant 0 : i32
    return %c0_i32, %c0_i32_0 : i32, i32
  }
  func.func @transform_5(%arg0: i32) -> (i32, i32) {
    %c0_i32 = arith.constant 0 : i32
    %c0_i32_0 = arith.constant 0 : i32
    %c0_i32_1 = arith.constant 0 : i32
    return %c0_i32, %c0_i32_0 : i32, i32
  }
  func.func @transform_6(%arg0: i32) -> (i32, i32) {
    %c0_i32 = arith.constant 0 : i32
    %c0_i32_0 = arith.constant 0 : i32
    %c0_i32_1 = arith.constant 0 : i32
    return %c0_i32, %c0_i32_0 : i32, i32
  }
  func.func @transform_7(%arg0: i32) -> (i32, i32) {
    %c0_i32 = arith.constant 0 : i32
    %c0_i32_0 = arith.constant 0 : i32
    %c0_i32_1 = arith.constant 0 : i32
    return %c0_i32, %c0_i32_0 : i32, i32
  }
  func.func @transform_8(%arg0: i32) -> (i32, i32) {
    %c0_i32 = arith.constant 0 : i32
    %c0_i32_0 = arith.constant 0 : i32
    %c0_i32_1 = arith.constant 0 : i32
    return %c0_i32, %c0_i32_0 : i32, i32
  }
  func.func @transform_9(%arg0: i32) -> (i32, i32) {
    %c0_i32 = arith.constant 0 : i32
    %c0_i32_0 = arith.constant 0 : i32
    return %arg0, %c0_i32 : i32, i32
  }
  func.func @transform_10(%arg0: i32) -> (i32, i32) {
    %c0_i32 = arith.constant 0 : i32
    %c0_i32_0 = arith.constant 0 : i32
    %c0_i32_1 = arith.constant 0 : i32
    return %c0_i32, %c0_i32_0 : i32, i32
  }
  func.func @transform_11(%arg0: i32) -> (i32, i32) {
    %c0_i32 = arith.constant 0 : i32
    %c0_i32_0 = arith.constant 0 : i32
    %c0_i32_1 = arith.constant 0 : i32
    return %c0_i32, %c0_i32_0 : i32, i32
  }
}

module attributes {stable_mosaic.version = 14 : i64} {
  func.func @_edge_body(%arg0: i32, %arg1: memref<2560x128xf32, #tpu.memory_space<vmem>>, %arg2: memref<2560x128xf32, #tpu.memory_space<vmem>>, %arg3: memref<128x128xf32, #tpu.memory_space<vmem>>, %arg4: memref<128x128xf32, #tpu.memory_space<vmem>>, %arg5: memref<1x128xf32, #tpu.memory_space<vmem>>, %arg6: memref<1x128xf32, #tpu.memory_space<vmem>>, %arg7: memref<1x128xf32, #tpu.memory_space<vmem>>, %arg8: memref<128x128xf32, #tpu.memory_space<vmem>>, %arg9: memref<1x128xf32, #tpu.memory_space<vmem>>, %arg10: memref<2560x128xf32, #tpu.memory_space<vmem>>, %arg11: memref<1x128xf32, #tpu.memory_space<vmem>>, %arg12: memref<1x128xf32, #tpu.memory_space<vmem>>) attributes {dimension_semantics = [#tpu.dimension_semantics<arbitrary>], iteration_bounds = array<i64: 32>, scalar_prefetch = 0 : i64, scratch_operands = 0 : i64, tpu.core_type = #tpu.core_type<tc>, window_params = [{transform_indices = @transform_0, window_bounds = array<i64: 2560, 128>}, {transform_indices = @transform_1, window_bounds = array<i64: 2560, 128>}, {pipeline_mode = #tpu.pipeline_mode<synchronous>, transform_indices = @transform_2, window_bounds = array<i64: 128, 128>}, {pipeline_mode = #tpu.pipeline_mode<synchronous>, transform_indices = @transform_3, window_bounds = array<i64: 128, 128>}, {pipeline_mode = #tpu.pipeline_mode<synchronous>, transform_indices = @transform_4, window_bounds = array<i64: 1, 128>}, {pipeline_mode = #tpu.pipeline_mode<synchronous>, transform_indices = @transform_5, window_bounds = array<i64: 1, 128>}, {pipeline_mode = #tpu.pipeline_mode<synchronous>, transform_indices = @transform_6, window_bounds = array<i64: 1, 128>}, {pipeline_mode = #tpu.pipeline_mode<synchronous>, transform_indices = @transform_7, window_bounds = array<i64: 128, 128>}, {pipeline_mode = #tpu.pipeline_mode<synchronous>, transform_indices = @transform_8, window_bounds = array<i64: 1, 128>}, {transform_indices = @transform_9, window_bounds = array<i64: 2560, 128>}, {pipeline_mode = #tpu.pipeline_mode<synchronous>, transform_indices = @transform_10, window_bounds = array<i64: 1, 128>}, {pipeline_mode = #tpu.pipeline_mode<synchronous>, transform_indices = @transform_11, window_bounds = array<i64: 1, 128>}]} {
    %get3A = arith.constant 0 : index
    %get3A_0 = arith.constant 0 : index
    %get3A_1 = vector.load %arg1[%get3A, %get3A_0] : memref<2560x128xf32, #tpu.memory_space<vmem>>, vector<2560x128xf32>
    %get3A_2 = arith.constant 0 : index
    %get3A_3 = arith.constant 0 : index
    %get3A_4 = vector.load %arg2[%get3A_2, %get3A_3] : memref<2560x128xf32, #tpu.memory_space<vmem>>, vector<2560x128xf32>
    %mul3A = arith.mulf %get3A_1, %get3A_4 : vector<2560x128xf32>
    %reduce_sum3A = arith.constant dense<0.000000e+00> : vector<2560xf32>
    %reduce_sum3A_5 = vector.multi_reduction <add>, %mul3A, %reduce_sum3A [1] : vector<2560x128xf32> to vector<2560xf32>
    %broadcast_in_dim3A = vector.shape_cast %reduce_sum3A_5 : vector<2560xf32> to vector<2560x1xf32>
    %sub3A = arith.subf %get3A_1, %get3A_4 : vector<2560x128xf32>
    %mul3A_6 = arith.mulf %sub3A, %sub3A : vector<2560x128xf32>
    %reduce_sum3A_7 = arith.constant dense<0.000000e+00> : vector<2560xf32>
    %reduce_sum3A_8 = vector.multi_reduction <add>, %mul3A_6, %reduce_sum3A_7 [1] : vector<2560x128xf32> to vector<2560xf32>
    %broadcast_in_dim3A_9 = vector.shape_cast %reduce_sum3A_8 : vector<2560xf32> to vector<2560x1xf32>
    %sqrt3A = math.sqrt %broadcast_in_dim3A_9 : vector<2560x1xf32>
    %mul3A_10 = arith.constant 2.000000e+00 : f32
    %mul3A_11 = vector.broadcast %mul3A_10 : f32 to vector<2560x1xf32>
    %mul3A_12 = arith.mulf %mul3A_11, %sqrt3A : vector<2560x1xf32>
    %mul3A_13 = arith.mulf %sqrt3A, %sqrt3A : vector<2560x1xf32>
    %mul3A_14 = arith.mulf %mul3A_13, %sqrt3A : vector<2560x1xf32>
    %div3A = arith.constant 3.000000e+00 : f32
    %div3A_15 = vector.broadcast %div3A : f32 to vector<2560x1xf32>
    %div3A_16 = arith.divf %mul3A_14, %div3A_15 : vector<2560x1xf32>
    %mul3A_17 = arith.mulf %broadcast_in_dim3A, %sqrt3A : vector<2560x1xf32>
    %mul3A_18 = arith.mulf %mul3A_17, %sqrt3A : vector<2560x1xf32>
    %add3A = arith.addf %div3A_16, %mul3A_18 : vector<2560x1xf32>
    %mul3A_19 = arith.constant 2.000000e+00 : f32
    %mul3A_20 = vector.broadcast %mul3A_19 : f32 to vector<2560x1xf32>
    %mul3A_21 = arith.mulf %mul3A_20, %add3A : vector<2560x1xf32>
    %add3A_22 = arith.addf %mul3A_12, %mul3A_21 : vector<2560x1xf32>
    %logistic3A = arith.negf %add3A_22 : vector<2560x1xf32>
    %logistic3A_23 = math.exp %logistic3A : vector<2560x1xf32>
    %logistic3A_24 = arith.constant 1.000000e+00 : f32
    %logistic3A_25 = vector.broadcast %logistic3A_24 : f32 to vector<2560x1xf32>
    %logistic3A_26 = arith.addf %logistic3A_25, %logistic3A_23 : vector<2560x1xf32>
    %logistic3A_27 = arith.divf %logistic3A_25, %logistic3A_26 : vector<2560x1xf32>
    %sub3A_28 = arith.constant 1.000000e+00 : f32
    %sub3A_29 = vector.broadcast %sub3A_28 : f32 to vector<2560x1xf32>
    %sub3A_30 = arith.subf %sub3A_29, %logistic3A_27 : vector<2560x1xf32>
    %add3A_31 = arith.constant 1.000000e+00 : f32
    %add3A_32 = vector.broadcast %add3A_31 : f32 to vector<2560x1xf32>
    %add3A_33 = arith.addf %add3A_32, %sub3A_30 : vector<2560x1xf32>
    %mul3A_34 = vector.broadcast %add3A_33 : vector<2560x1xf32> to vector<2560x128xf32>
    %mul3A_35 = arith.mulf %mul3A_34, %get3A_1 : vector<2560x128xf32>
    %get3A_36 = arith.constant 0 : index
    %get3A_37 = arith.constant 0 : index
    %get3A_38 = vector.load %arg3[%get3A_36, %get3A_37] : memref<128x128xf32, #tpu.memory_space<vmem>>, vector<128x128xf32>
    %dot_general3A = arith.constant dense<0.000000e+00> : vector<2560x128xf32>
    %dot_general3A_39 = tpu.matmul %mul3A_35, %get3A_38, %dot_general3A {dimension_numbers = #tpu.dot_dimension_numbers<[1], [0], [0], [1], [0, 0, 1, 1], [], []>, transpose_lhs_hint = false} : vector<2560x128xf32>, vector<128x128xf32>, vector<2560x128xf32> -> vector<2560x128xf32>
    %get3A_40 = arith.constant 0 : index
    %get3A_41 = arith.constant 0 : index
    %get3A_42 = vector.load %arg4[%get3A_40, %get3A_41] : memref<128x128xf32, #tpu.memory_space<vmem>>, vector<128x128xf32>
    %dot_general3A_43 = arith.constant dense<0.000000e+00> : vector<2560x128xf32>
    %dot_general3A_44 = tpu.matmul %get3A_4, %get3A_42, %dot_general3A_43 {dimension_numbers = #tpu.dot_dimension_numbers<[1], [0], [0], [1], [0, 0, 1, 1], [], []>, transpose_lhs_hint = false} : vector<2560x128xf32>, vector<128x128xf32>, vector<2560x128xf32> -> vector<2560x128xf32>
    %add3A_45 = arith.addf %dot_general3A_39, %dot_general3A_44 : vector<2560x128xf32>
    %get3A_46 = arith.constant 0 : index
    %get3A_47 = arith.constant 0 : index
    %get3A_48 = vector.load %arg5[%get3A_46, %get3A_47] : memref<1x128xf32, #tpu.memory_space<vmem>>, vector<1x128xf32>
    %add3A_49 = vector.broadcast %get3A_48 : vector<1x128xf32> to vector<2560x128xf32>
    %add3A_50 = arith.addf %add3A_45, %add3A_49 : vector<2560x128xf32>
    %gt3A = arith.constant 0.000000e+00 : f32
    %gt3A_51 = vector.broadcast %gt3A : f32 to vector<2560x128xf32>
    %gt3A_52 = arith.cmpf ogt, %add3A_50, %gt3A_51 : vector<2560x128xf32>
    %min3A = arith.constant 0.000000e+00 : f32
    %min3A_53 = vector.broadcast %min3A : f32 to vector<2560x128xf32>
    %min3A_54 = arith.minimumf %add3A_50, %min3A_53 : vector<2560x128xf32>
    %exp3A = math.exp %min3A_54 : vector<2560x128xf32>
    %sub3A_55 = arith.constant 1.000000e+00 : f32
    %sub3A_56 = vector.broadcast %sub3A_55 : f32 to vector<2560x128xf32>
    %sub3A_57 = arith.subf %exp3A, %sub3A_56 : vector<2560x128xf32>
    %select_n3A = arith.select %gt3A_52, %add3A_50, %sub3A_57 : vector<2560x128xi1>, vector<2560x128xf32>
    %reduce_sum3A_58 = arith.constant dense<0.000000e+00> : vector<2560xf32>
    %reduce_sum3A_59 = vector.multi_reduction <add>, %select_n3A, %reduce_sum3A_58 [1] : vector<2560x128xf32> to vector<2560xf32>
    %broadcast_in_dim3A_60 = vector.shape_cast %reduce_sum3A_59 : vector<2560xf32> to vector<2560x1xf32>
    %div3A_61 = arith.constant 1.280000e+02 : f32
    %div3A_62 = vector.broadcast %div3A_61 : f32 to vector<2560x1xf32>
    %div3A_63 = arith.divf %broadcast_in_dim3A_60, %div3A_62 : vector<2560x1xf32>
    %sub3A_64 = vector.broadcast %div3A_63 : vector<2560x1xf32> to vector<2560x128xf32>
    %sub3A_65 = arith.subf %select_n3A, %sub3A_64 : vector<2560x128xf32>
    %mul3A_66 = arith.mulf %sub3A_65, %sub3A_65 : vector<2560x128xf32>
    %reduce_sum3A_67 = arith.constant dense<0.000000e+00> : vector<2560xf32>
    %reduce_sum3A_68 = vector.multi_reduction <add>, %mul3A_66, %reduce_sum3A_67 [1] : vector<2560x128xf32> to vector<2560xf32>
    %broadcast_in_dim3A_69 = vector.shape_cast %reduce_sum3A_68 : vector<2560xf32> to vector<2560x1xf32>
    %div3A_70 = arith.constant 1.280000e+02 : f32
    %div3A_71 = vector.broadcast %div3A_70 : f32 to vector<2560x1xf32>
    %div3A_72 = arith.divf %broadcast_in_dim3A_69, %div3A_71 : vector<2560x1xf32>
    %add3A_73 = arith.constant 9.99999974E-6 : f32
    %add3A_74 = vector.broadcast %add3A_73 : f32 to vector<2560x1xf32>
    %add3A_75 = arith.addf %div3A_72, %add3A_74 : vector<2560x1xf32>
    %sqrt3A_76 = math.sqrt %add3A_75 : vector<2560x1xf32>
    %div3A_77 = vector.broadcast %sqrt3A_76 : vector<2560x1xf32> to vector<2560x128xf32>
    %div3A_78 = arith.divf %sub3A_65, %div3A_77 : vector<2560x128xf32>
    %get3A_79 = arith.constant 0 : index
    %get3A_80 = arith.constant 0 : index
    %get3A_81 = vector.load %arg6[%get3A_79, %get3A_80] : memref<1x128xf32, #tpu.memory_space<vmem>>, vector<1x128xf32>
    %mul3A_82 = vector.broadcast %get3A_81 : vector<1x128xf32> to vector<2560x128xf32>
    %mul3A_83 = arith.mulf %div3A_78, %mul3A_82 : vector<2560x128xf32>
    %get3A_84 = arith.constant 0 : index
    %get3A_85 = arith.constant 0 : index
    %get3A_86 = vector.load %arg7[%get3A_84, %get3A_85] : memref<1x128xf32, #tpu.memory_space<vmem>>, vector<1x128xf32>
    %add3A_87 = vector.broadcast %get3A_86 : vector<1x128xf32> to vector<2560x128xf32>
    %add3A_88 = arith.addf %mul3A_83, %add3A_87 : vector<2560x128xf32>
    %get3A_89 = arith.constant 0 : index
    %get3A_90 = arith.constant 0 : index
    %get3A_91 = vector.load %arg8[%get3A_89, %get3A_90] : memref<128x128xf32, #tpu.memory_space<vmem>>, vector<128x128xf32>
    %dot_general3A_92 = arith.constant dense<0.000000e+00> : vector<2560x128xf32>
    %dot_general3A_93 = tpu.matmul %add3A_88, %get3A_91, %dot_general3A_92 {dimension_numbers = #tpu.dot_dimension_numbers<[1], [0], [0], [1], [0, 0, 1, 1], [], []>, transpose_lhs_hint = false} : vector<2560x128xf32>, vector<128x128xf32>, vector<2560x128xf32> -> vector<2560x128xf32>
    %get3A_94 = arith.constant 0 : index
    %get3A_95 = arith.constant 0 : index
    %get3A_96 = vector.load %arg9[%get3A_94, %get3A_95] : memref<1x128xf32, #tpu.memory_space<vmem>>, vector<1x128xf32>
    %add3A_97 = vector.broadcast %get3A_96 : vector<1x128xf32> to vector<2560x128xf32>
    %add3A_98 = arith.addf %dot_general3A_93, %add3A_97 : vector<2560x128xf32>
    %gt3A_99 = arith.constant 0.000000e+00 : f32
    %gt3A_100 = vector.broadcast %gt3A_99 : f32 to vector<2560x128xf32>
    %gt3A_101 = arith.cmpf ogt, %add3A_98, %gt3A_100 : vector<2560x128xf32>
    %min3A_102 = arith.constant 0.000000e+00 : f32
    %min3A_103 = vector.broadcast %min3A_102 : f32 to vector<2560x128xf32>
    %min3A_104 = arith.minimumf %add3A_98, %min3A_103 : vector<2560x128xf32>
    %exp3A_105 = math.exp %min3A_104 : vector<2560x128xf32>
    %sub3A_106 = arith.constant 1.000000e+00 : f32
    %sub3A_107 = vector.broadcast %sub3A_106 : f32 to vector<2560x128xf32>
    %sub3A_108 = arith.subf %exp3A_105, %sub3A_107 : vector<2560x128xf32>
    %select_n3A_109 = arith.select %gt3A_101, %add3A_98, %sub3A_108 : vector<2560x128xi1>, vector<2560x128xf32>
    %swap3A = arith.constant 0 : index
    %swap3A_110 = arith.constant 0 : index
    %swap3A_111 = vector.load %arg10[%swap3A, %swap3A_110] : memref<2560x128xf32, #tpu.memory_space<vmem>>, vector<2560x128xf32>
    tpu.vector_store %arg10[%swap3A, %swap3A_110], %select_n3A_109 {strides = array<i32>} : memref<2560x128xf32, #tpu.memory_space<vmem>>, vector<2560x128xf32>,
    %eq3A = arith.constant 0 : i32
    %eq3A_112 = arith.cmpi eq, %arg0, %eq3A : i32
    %convert_element_type3A = arith.extui %eq3A_112 : i1 to i32
    %cond3A = arith.constant 0 : i32
    %cond3A_113 = arith.cmpi ne, %convert_element_type3A, %cond3A : i32
    scf.if %cond3A_113 {
      %broadcast_in_dim3A_135 = arith.constant 0.000000e+00 : f32
      %broadcast_in_dim3A_136 = vector.broadcast %broadcast_in_dim3A_135 : f32 to vector<1x128xf32>
      %swap3A_137 = arith.constant 0 : index
      %swap3A_138 = arith.constant 0 : index
      %swap3A_139 = vector.load %arg11[%swap3A_137, %swap3A_138] : memref<1x128xf32, #tpu.memory_space<vmem>>, vector<1x128xf32>
      tpu.vector_store %arg11[%swap3A_137, %swap3A_138], %broadcast_in_dim3A_136 {strides = array<i32>} : memref<1x128xf32, #tpu.memory_space<vmem>>, vector<1x128xf32>,
      %broadcast_in_dim3A_140 = arith.constant 0.000000e+00 : f32
      %broadcast_in_dim3A_141 = vector.broadcast %broadcast_in_dim3A_140 : f32 to vector<1x128xf32>
      %swap3A_142 = arith.constant 0 : index
      %swap3A_143 = arith.constant 0 : index
      %swap3A_144 = vector.load %arg12[%swap3A_142, %swap3A_143] : memref<1x128xf32, #tpu.memory_space<vmem>>, vector<1x128xf32>
      tpu.vector_store %arg12[%swap3A_142, %swap3A_143], %broadcast_in_dim3A_141 {strides = array<i32>} : memref<1x128xf32, #tpu.memory_space<vmem>>, vector<1x128xf32>,
    } else {
    }
    %get3A_114 = arith.constant 0 : index
    %get3A_115 = arith.constant 0 : index
    %get3A_116 = vector.load %arg11[%get3A_114, %get3A_115] : memref<1x128xf32, #tpu.memory_space<vmem>>, vector<1x128xf32>
    %reduce_sum3A_117 = arith.constant dense<0.000000e+00> : vector<128xf32>
    %reduce_sum3A_118 = vector.multi_reduction <add>, %select_n3A_109, %reduce_sum3A_117 [0] : vector<2560x128xf32> to vector<128xf32>
    %broadcast_in_dim3A_119 = vector.shape_cast %reduce_sum3A_118 : vector<128xf32> to vector<1x128xf32>
    %add3A_120 = arith.addf %get3A_116, %broadcast_in_dim3A_119 : vector<1x128xf32>
    %swap3A_121 = arith.constant 0 : index
    %swap3A_122 = arith.constant 0 : index
    %swap3A_123 = vector.load %arg11[%swap3A_121, %swap3A_122] : memref<1x128xf32, #tpu.memory_space<vmem>>, vector<1x128xf32>
    tpu.vector_store %arg11[%swap3A_121, %swap3A_122], %add3A_120 {strides = array<i32>} : memref<1x128xf32, #tpu.memory_space<vmem>>, vector<1x128xf32>,
    %get3A_124 = arith.constant 0 : index
    %get3A_125 = arith.constant 0 : index
    %get3A_126 = vector.load %arg12[%get3A_124, %get3A_125] : memref<1x128xf32, #tpu.memory_space<vmem>>, vector<1x128xf32>
    %mul3A_127 = arith.mulf %select_n3A_109, %select_n3A_109 : vector<2560x128xf32>
    %reduce_sum3A_128 = arith.constant dense<0.000000e+00> : vector<128xf32>
    %reduce_sum3A_129 = vector.multi_reduction <add>, %mul3A_127, %reduce_sum3A_128 [0] : vector<2560x128xf32> to vector<128xf32>
    %broadcast_in_dim3A_130 = vector.shape_cast %reduce_sum3A_129 : vector<128xf32> to vector<1x128xf32>
    %add3A_131 = arith.addf %get3A_126, %broadcast_in_dim3A_130 : vector<1x128xf32>
    %swap3A_132 = arith.constant 0 : index
    %swap3A_133 = arith.constant 0 : index
    %swap3A_134 = vector.load %arg12[%swap3A_132, %swap3A_133] : memref<1x128xf32, #tpu.memory_space<vmem>>, vector<1x128xf32>
    tpu.vector_store %arg12[%swap3A_132, %swap3A_133], %add3A_131 {strides = array<i32>} : memref<1x128xf32, #tpu.memory_space<vmem>>, vector<1x128xf32>,
    return
  }
  func.func @transform_0(%arg0: i32) -> (i32, i32) {
    %c0_i32 = arith.constant 0 : i32
    %c0_i32_0 = arith.constant 0 : i32
    return %arg0, %c0_i32 : i32, i32
  }
  func.func @transform_1(%arg0: i32) -> (i32, i32) {
    %c0_i32 = arith.constant 0 : i32
    %c0_i32_0 = arith.constant 0 : i32
    return %arg0, %c0_i32 : i32, i32
  }
  func.func @transform_2(%arg0: i32) -> (i32, i32) {
    %c0_i32 = arith.constant 0 : i32
    %c0_i32_0 = arith.constant 0 : i32
    %c0_i32_1 = arith.constant 0 : i32
    return %c0_i32, %c0_i32_0 : i32, i32
  }
  func.func @transform_3(%arg0: i32) -> (i32, i32) {
    %c0_i32 = arith.constant 0 : i32
    %c0_i32_0 = arith.constant 0 : i32
    %c0_i32_1 = arith.constant 0 : i32
    return %c0_i32, %c0_i32_0 : i32, i32
  }
  func.func @transform_4(%arg0: i32) -> (i32, i32) {
    %c0_i32 = arith.constant 0 : i32
    %c0_i32_0 = arith.constant 0 : i32
    %c0_i32_1 = arith.constant 0 : i32
    return %c0_i32, %c0_i32_0 : i32, i32
  }
  func.func @transform_5(%arg0: i32) -> (i32, i32) {
    %c0_i32 = arith.constant 0 : i32
    %c0_i32_0 = arith.constant 0 : i32
    %c0_i32_1 = arith.constant 0 : i32
    return %c0_i32, %c0_i32_0 : i32, i32
  }
  func.func @transform_6(%arg0: i32) -> (i32, i32) {
    %c0_i32 = arith.constant 0 : i32
    %c0_i32_0 = arith.constant 0 : i32
    %c0_i32_1 = arith.constant 0 : i32
    return %c0_i32, %c0_i32_0 : i32, i32
  }
  func.func @transform_7(%arg0: i32) -> (i32, i32) {
    %c0_i32 = arith.constant 0 : i32
    %c0_i32_0 = arith.constant 0 : i32
    %c0_i32_1 = arith.constant 0 : i32
    return %c0_i32, %c0_i32_0 : i32, i32
  }
  func.func @transform_8(%arg0: i32) -> (i32, i32) {
    %c0_i32 = arith.constant 0 : i32
    %c0_i32_0 = arith.constant 0 : i32
    %c0_i32_1 = arith.constant 0 : i32
    return %c0_i32, %c0_i32_0 : i32, i32
  }
  func.func @transform_9(%arg0: i32) -> (i32, i32) {
    %c0_i32 = arith.constant 0 : i32
    %c0_i32_0 = arith.constant 0 : i32
    return %arg0, %c0_i32 : i32, i32
  }
  func.func @transform_10(%arg0: i32) -> (i32, i32) {
    %c0_i32 = arith.constant 0 : i32
    %c0_i32_0 = arith.constant 0 : i32
    %c0_i32_1 = arith.constant 0 : i32
    return %c0_i32, %c0_i32_0 : i32, i32
  }
  func.func @transform_11(%arg0: i32) -> (i32, i32) {
    %c0_i32 = arith.constant 0 : i32
    %c0_i32_0 = arith.constant 0 : i32
    %c0_i32_1 = arith.constant 0 : i32
    return %c0_i32, %c0_i32_0 : i32, i32
  }
}

module attributes {stable_mosaic.version = 14 : i64} {
  func.func @_edge_body(%arg0: i32, %arg1: memref<2560x128xf32, #tpu.memory_space<vmem>>, %arg2: memref<2560x128xf32, #tpu.memory_space<vmem>>, %arg3: memref<128x128xf32, #tpu.memory_space<vmem>>, %arg4: memref<128x128xf32, #tpu.memory_space<vmem>>, %arg5: memref<1x128xf32, #tpu.memory_space<vmem>>, %arg6: memref<1x128xf32, #tpu.memory_space<vmem>>, %arg7: memref<1x128xf32, #tpu.memory_space<vmem>>, %arg8: memref<128x128xf32, #tpu.memory_space<vmem>>, %arg9: memref<1x128xf32, #tpu.memory_space<vmem>>, %arg10: memref<2560x128xf32, #tpu.memory_space<vmem>>, %arg11: memref<1x128xf32, #tpu.memory_space<vmem>>, %arg12: memref<1x128xf32, #tpu.memory_space<vmem>>) attributes {dimension_semantics = [#tpu.dimension_semantics<arbitrary>], iteration_bounds = array<i64: 45>, scalar_prefetch = 0 : i64, scratch_operands = 0 : i64, tpu.core_type = #tpu.core_type<tc>, window_params = [{transform_indices = @transform_0, window_bounds = array<i64: 2560, 128>}, {transform_indices = @transform_1, window_bounds = array<i64: 2560, 128>}, {pipeline_mode = #tpu.pipeline_mode<synchronous>, transform_indices = @transform_2, window_bounds = array<i64: 128, 128>}, {pipeline_mode = #tpu.pipeline_mode<synchronous>, transform_indices = @transform_3, window_bounds = array<i64: 128, 128>}, {pipeline_mode = #tpu.pipeline_mode<synchronous>, transform_indices = @transform_4, window_bounds = array<i64: 1, 128>}, {pipeline_mode = #tpu.pipeline_mode<synchronous>, transform_indices = @transform_5, window_bounds = array<i64: 1, 128>}, {pipeline_mode = #tpu.pipeline_mode<synchronous>, transform_indices = @transform_6, window_bounds = array<i64: 1, 128>}, {pipeline_mode = #tpu.pipeline_mode<synchronous>, transform_indices = @transform_7, window_bounds = array<i64: 128, 128>}, {pipeline_mode = #tpu.pipeline_mode<synchronous>, transform_indices = @transform_8, window_bounds = array<i64: 1, 128>}, {transform_indices = @transform_9, window_bounds = array<i64: 2560, 128>}, {pipeline_mode = #tpu.pipeline_mode<synchronous>, transform_indices = @transform_10, window_bounds = array<i64: 1, 128>}, {pipeline_mode = #tpu.pipeline_mode<synchronous>, transform_indices = @transform_11, window_bounds = array<i64: 1, 128>}]} {
    %get3A = arith.constant 0 : index
    %get3A_0 = arith.constant 0 : index
    %get3A_1 = vector.load %arg1[%get3A, %get3A_0] : memref<2560x128xf32, #tpu.memory_space<vmem>>, vector<2560x128xf32>
    %get3A_2 = arith.constant 0 : index
    %get3A_3 = arith.constant 0 : index
    %get3A_4 = vector.load %arg2[%get3A_2, %get3A_3] : memref<2560x128xf32, #tpu.memory_space<vmem>>, vector<2560x128xf32>
    %mul3A = arith.mulf %get3A_1, %get3A_4 : vector<2560x128xf32>
    %reduce_sum3A = arith.constant dense<0.000000e+00> : vector<2560xf32>
    %reduce_sum3A_5 = vector.multi_reduction <add>, %mul3A, %reduce_sum3A [1] : vector<2560x128xf32> to vector<2560xf32>
    %broadcast_in_dim3A = vector.shape_cast %reduce_sum3A_5 : vector<2560xf32> to vector<2560x1xf32>
    %sub3A = arith.subf %get3A_1, %get3A_4 : vector<2560x128xf32>
    %mul3A_6 = arith.mulf %sub3A, %sub3A : vector<2560x128xf32>
    %reduce_sum3A_7 = arith.constant dense<0.000000e+00> : vector<2560xf32>
    %reduce_sum3A_8 = vector.multi_reduction <add>, %mul3A_6, %reduce_sum3A_7 [1] : vector<2560x128xf32> to vector<2560xf32>
    %broadcast_in_dim3A_9 = vector.shape_cast %reduce_sum3A_8 : vector<2560xf32> to vector<2560x1xf32>
    %sqrt3A = math.sqrt %broadcast_in_dim3A_9 : vector<2560x1xf32>
    %mul3A_10 = arith.constant 2.000000e+00 : f32
    %mul3A_11 = vector.broadcast %mul3A_10 : f32 to vector<2560x1xf32>
    %mul3A_12 = arith.mulf %mul3A_11, %sqrt3A : vector<2560x1xf32>
    %mul3A_13 = arith.mulf %sqrt3A, %sqrt3A : vector<2560x1xf32>
    %mul3A_14 = arith.mulf %mul3A_13, %sqrt3A : vector<2560x1xf32>
    %div3A = arith.constant 3.000000e+00 : f32
    %div3A_15 = vector.broadcast %div3A : f32 to vector<2560x1xf32>
    %div3A_16 = arith.divf %mul3A_14, %div3A_15 : vector<2560x1xf32>
    %mul3A_17 = arith.mulf %broadcast_in_dim3A, %sqrt3A : vector<2560x1xf32>
    %mul3A_18 = arith.mulf %mul3A_17, %sqrt3A : vector<2560x1xf32>
    %add3A = arith.addf %div3A_16, %mul3A_18 : vector<2560x1xf32>
    %mul3A_19 = arith.constant 2.000000e+00 : f32
    %mul3A_20 = vector.broadcast %mul3A_19 : f32 to vector<2560x1xf32>
    %mul3A_21 = arith.mulf %mul3A_20, %add3A : vector<2560x1xf32>
    %add3A_22 = arith.addf %mul3A_12, %mul3A_21 : vector<2560x1xf32>
    %logistic3A = arith.negf %add3A_22 : vector<2560x1xf32>
    %logistic3A_23 = math.exp %logistic3A : vector<2560x1xf32>
    %logistic3A_24 = arith.constant 1.000000e+00 : f32
    %logistic3A_25 = vector.broadcast %logistic3A_24 : f32 to vector<2560x1xf32>
    %logistic3A_26 = arith.addf %logistic3A_25, %logistic3A_23 : vector<2560x1xf32>
    %logistic3A_27 = arith.divf %logistic3A_25, %logistic3A_26 : vector<2560x1xf32>
    %sub3A_28 = arith.constant 1.000000e+00 : f32
    %sub3A_29 = vector.broadcast %sub3A_28 : f32 to vector<2560x1xf32>
    %sub3A_30 = arith.subf %sub3A_29, %logistic3A_27 : vector<2560x1xf32>
    %add3A_31 = arith.constant 1.000000e+00 : f32
    %add3A_32 = vector.broadcast %add3A_31 : f32 to vector<2560x1xf32>
    %add3A_33 = arith.addf %add3A_32, %sub3A_30 : vector<2560x1xf32>
    %mul3A_34 = vector.broadcast %add3A_33 : vector<2560x1xf32> to vector<2560x128xf32>
    %mul3A_35 = arith.mulf %mul3A_34, %get3A_1 : vector<2560x128xf32>
    %get3A_36 = arith.constant 0 : index
    %get3A_37 = arith.constant 0 : index
    %get3A_38 = vector.load %arg3[%get3A_36, %get3A_37] : memref<128x128xf32, #tpu.memory_space<vmem>>, vector<128x128xf32>
    %dot_general3A = arith.constant dense<0.000000e+00> : vector<2560x128xf32>
    %dot_general3A_39 = tpu.matmul %mul3A_35, %get3A_38, %dot_general3A {dimension_numbers = #tpu.dot_dimension_numbers<[1], [0], [0], [1], [0, 0, 1, 1], [], []>, transpose_lhs_hint = false} : vector<2560x128xf32>, vector<128x128xf32>, vector<2560x128xf32> -> vector<2560x128xf32>
    %get3A_40 = arith.constant 0 : index
    %get3A_41 = arith.constant 0 : index
    %get3A_42 = vector.load %arg4[%get3A_40, %get3A_41] : memref<128x128xf32, #tpu.memory_space<vmem>>, vector<128x128xf32>
    %dot_general3A_43 = arith.constant dense<0.000000e+00> : vector<2560x128xf32>
    %dot_general3A_44 = tpu.matmul %get3A_4, %get3A_42, %dot_general3A_43 {dimension_numbers = #tpu.dot_dimension_numbers<[1], [0], [0], [1], [0, 0, 1, 1], [], []>, transpose_lhs_hint = false} : vector<2560x128xf32>, vector<128x128xf32>, vector<2560x128xf32> -> vector<2560x128xf32>
    %add3A_45 = arith.addf %dot_general3A_39, %dot_general3A_44 : vector<2560x128xf32>
    %get3A_46 = arith.constant 0 : index
    %get3A_47 = arith.constant 0 : index
    %get3A_48 = vector.load %arg5[%get3A_46, %get3A_47] : memref<1x128xf32, #tpu.memory_space<vmem>>, vector<1x128xf32>
    %add3A_49 = vector.broadcast %get3A_48 : vector<1x128xf32> to vector<2560x128xf32>
    %add3A_50 = arith.addf %add3A_45, %add3A_49 : vector<2560x128xf32>
    %gt3A = arith.constant 0.000000e+00 : f32
    %gt3A_51 = vector.broadcast %gt3A : f32 to vector<2560x128xf32>
    %gt3A_52 = arith.cmpf ogt, %add3A_50, %gt3A_51 : vector<2560x128xf32>
    %min3A = arith.constant 0.000000e+00 : f32
    %min3A_53 = vector.broadcast %min3A : f32 to vector<2560x128xf32>
    %min3A_54 = arith.minimumf %add3A_50, %min3A_53 : vector<2560x128xf32>
    %exp3A = math.exp %min3A_54 : vector<2560x128xf32>
    %sub3A_55 = arith.constant 1.000000e+00 : f32
    %sub3A_56 = vector.broadcast %sub3A_55 : f32 to vector<2560x128xf32>
    %sub3A_57 = arith.subf %exp3A, %sub3A_56 : vector<2560x128xf32>
    %select_n3A = arith.select %gt3A_52, %add3A_50, %sub3A_57 : vector<2560x128xi1>, vector<2560x128xf32>
    %reduce_sum3A_58 = arith.constant dense<0.000000e+00> : vector<2560xf32>
    %reduce_sum3A_59 = vector.multi_reduction <add>, %select_n3A, %reduce_sum3A_58 [1] : vector<2560x128xf32> to vector<2560xf32>
    %broadcast_in_dim3A_60 = vector.shape_cast %reduce_sum3A_59 : vector<2560xf32> to vector<2560x1xf32>
    %div3A_61 = arith.constant 1.280000e+02 : f32
    %div3A_62 = vector.broadcast %div3A_61 : f32 to vector<2560x1xf32>
    %div3A_63 = arith.divf %broadcast_in_dim3A_60, %div3A_62 : vector<2560x1xf32>
    %sub3A_64 = vector.broadcast %div3A_63 : vector<2560x1xf32> to vector<2560x128xf32>
    %sub3A_65 = arith.subf %select_n3A, %sub3A_64 : vector<2560x128xf32>
    %mul3A_66 = arith.mulf %sub3A_65, %sub3A_65 : vector<2560x128xf32>
    %reduce_sum3A_67 = arith.constant dense<0.000000e+00> : vector<2560xf32>
    %reduce_sum3A_68 = vector.multi_reduction <add>, %mul3A_66, %reduce_sum3A_67 [1] : vector<2560x128xf32> to vector<2560xf32>
    %broadcast_in_dim3A_69 = vector.shape_cast %reduce_sum3A_68 : vector<2560xf32> to vector<2560x1xf32>
    %div3A_70 = arith.constant 1.280000e+02 : f32
    %div3A_71 = vector.broadcast %div3A_70 : f32 to vector<2560x1xf32>
    %div3A_72 = arith.divf %broadcast_in_dim3A_69, %div3A_71 : vector<2560x1xf32>
    %add3A_73 = arith.constant 9.99999974E-6 : f32
    %add3A_74 = vector.broadcast %add3A_73 : f32 to vector<2560x1xf32>
    %add3A_75 = arith.addf %div3A_72, %add3A_74 : vector<2560x1xf32>
    %sqrt3A_76 = math.sqrt %add3A_75 : vector<2560x1xf32>
    %div3A_77 = vector.broadcast %sqrt3A_76 : vector<2560x1xf32> to vector<2560x128xf32>
    %div3A_78 = arith.divf %sub3A_65, %div3A_77 : vector<2560x128xf32>
    %get3A_79 = arith.constant 0 : index
    %get3A_80 = arith.constant 0 : index
    %get3A_81 = vector.load %arg6[%get3A_79, %get3A_80] : memref<1x128xf32, #tpu.memory_space<vmem>>, vector<1x128xf32>
    %mul3A_82 = vector.broadcast %get3A_81 : vector<1x128xf32> to vector<2560x128xf32>
    %mul3A_83 = arith.mulf %div3A_78, %mul3A_82 : vector<2560x128xf32>
    %get3A_84 = arith.constant 0 : index
    %get3A_85 = arith.constant 0 : index
    %get3A_86 = vector.load %arg7[%get3A_84, %get3A_85] : memref<1x128xf32, #tpu.memory_space<vmem>>, vector<1x128xf32>
    %add3A_87 = vector.broadcast %get3A_86 : vector<1x128xf32> to vector<2560x128xf32>
    %add3A_88 = arith.addf %mul3A_83, %add3A_87 : vector<2560x128xf32>
    %get3A_89 = arith.constant 0 : index
    %get3A_90 = arith.constant 0 : index
    %get3A_91 = vector.load %arg8[%get3A_89, %get3A_90] : memref<128x128xf32, #tpu.memory_space<vmem>>, vector<128x128xf32>
    %dot_general3A_92 = arith.constant dense<0.000000e+00> : vector<2560x128xf32>
    %dot_general3A_93 = tpu.matmul %add3A_88, %get3A_91, %dot_general3A_92 {dimension_numbers = #tpu.dot_dimension_numbers<[1], [0], [0], [1], [0, 0, 1, 1], [], []>, transpose_lhs_hint = false} : vector<2560x128xf32>, vector<128x128xf32>, vector<2560x128xf32> -> vector<2560x128xf32>
    %get3A_94 = arith.constant 0 : index
    %get3A_95 = arith.constant 0 : index
    %get3A_96 = vector.load %arg9[%get3A_94, %get3A_95] : memref<1x128xf32, #tpu.memory_space<vmem>>, vector<1x128xf32>
    %add3A_97 = vector.broadcast %get3A_96 : vector<1x128xf32> to vector<2560x128xf32>
    %add3A_98 = arith.addf %dot_general3A_93, %add3A_97 : vector<2560x128xf32>
    %gt3A_99 = arith.constant 0.000000e+00 : f32
    %gt3A_100 = vector.broadcast %gt3A_99 : f32 to vector<2560x128xf32>
    %gt3A_101 = arith.cmpf ogt, %add3A_98, %gt3A_100 : vector<2560x128xf32>
    %min3A_102 = arith.constant 0.000000e+00 : f32
    %min3A_103 = vector.broadcast %min3A_102 : f32 to vector<2560x128xf32>
    %min3A_104 = arith.minimumf %add3A_98, %min3A_103 : vector<2560x128xf32>
    %exp3A_105 = math.exp %min3A_104 : vector<2560x128xf32>
    %sub3A_106 = arith.constant 1.000000e+00 : f32
    %sub3A_107 = vector.broadcast %sub3A_106 : f32 to vector<2560x128xf32>
    %sub3A_108 = arith.subf %exp3A_105, %sub3A_107 : vector<2560x128xf32>
    %select_n3A_109 = arith.select %gt3A_101, %add3A_98, %sub3A_108 : vector<2560x128xi1>, vector<2560x128xf32>
    %swap3A = arith.constant 0 : index
    %swap3A_110 = arith.constant 0 : index
    %swap3A_111 = vector.load %arg10[%swap3A, %swap3A_110] : memref<2560x128xf32, #tpu.memory_space<vmem>>, vector<2560x128xf32>
    tpu.vector_store %arg10[%swap3A, %swap3A_110], %select_n3A_109 {strides = array<i32>} : memref<2560x128xf32, #tpu.memory_space<vmem>>, vector<2560x128xf32>,
    %eq3A = arith.constant 0 : i32
    %eq3A_112 = arith.cmpi eq, %arg0, %eq3A : i32
    %convert_element_type3A = arith.extui %eq3A_112 : i1 to i32
    %cond3A = arith.constant 0 : i32
    %cond3A_113 = arith.cmpi ne, %convert_element_type3A, %cond3A : i32
    scf.if %cond3A_113 {
      %broadcast_in_dim3A_135 = arith.constant 0.000000e+00 : f32
      %broadcast_in_dim3A_136 = vector.broadcast %broadcast_in_dim3A_135 : f32 to vector<1x128xf32>
      %swap3A_137 = arith.constant 0 : index
      %swap3A_138 = arith.constant 0 : index
      %swap3A_139 = vector.load %arg11[%swap3A_137, %swap3A_138] : memref<1x128xf32, #tpu.memory_space<vmem>>, vector<1x128xf32>
      tpu.vector_store %arg11[%swap3A_137, %swap3A_138], %broadcast_in_dim3A_136 {strides = array<i32>} : memref<1x128xf32, #tpu.memory_space<vmem>>, vector<1x128xf32>,
      %broadcast_in_dim3A_140 = arith.constant 0.000000e+00 : f32
      %broadcast_in_dim3A_141 = vector.broadcast %broadcast_in_dim3A_140 : f32 to vector<1x128xf32>
      %swap3A_142 = arith.constant 0 : index
      %swap3A_143 = arith.constant 0 : index
      %swap3A_144 = vector.load %arg12[%swap3A_142, %swap3A_143] : memref<1x128xf32, #tpu.memory_space<vmem>>, vector<1x128xf32>
      tpu.vector_store %arg12[%swap3A_142, %swap3A_143], %broadcast_in_dim3A_141 {strides = array<i32>} : memref<1x128xf32, #tpu.memory_space<vmem>>, vector<1x128xf32>,
    } else {
    }
    %get3A_114 = arith.constant 0 : index
    %get3A_115 = arith.constant 0 : index
    %get3A_116 = vector.load %arg11[%get3A_114, %get3A_115] : memref<1x128xf32, #tpu.memory_space<vmem>>, vector<1x128xf32>
    %reduce_sum3A_117 = arith.constant dense<0.000000e+00> : vector<128xf32>
    %reduce_sum3A_118 = vector.multi_reduction <add>, %select_n3A_109, %reduce_sum3A_117 [0] : vector<2560x128xf32> to vector<128xf32>
    %broadcast_in_dim3A_119 = vector.shape_cast %reduce_sum3A_118 : vector<128xf32> to vector<1x128xf32>
    %add3A_120 = arith.addf %get3A_116, %broadcast_in_dim3A_119 : vector<1x128xf32>
    %swap3A_121 = arith.constant 0 : index
    %swap3A_122 = arith.constant 0 : index
    %swap3A_123 = vector.load %arg11[%swap3A_121, %swap3A_122] : memref<1x128xf32, #tpu.memory_space<vmem>>, vector<1x128xf32>
    tpu.vector_store %arg11[%swap3A_121, %swap3A_122], %add3A_120 {strides = array<i32>} : memref<1x128xf32, #tpu.memory_space<vmem>>, vector<1x128xf32>,
    %get3A_124 = arith.constant 0 : index
    %get3A_125 = arith.constant 0 : index
    %get3A_126 = vector.load %arg12[%get3A_124, %get3A_125] : memref<1x128xf32, #tpu.memory_space<vmem>>, vector<1x128xf32>
    %mul3A_127 = arith.mulf %select_n3A_109, %select_n3A_109 : vector<2560x128xf32>
    %reduce_sum3A_128 = arith.constant dense<0.000000e+00> : vector<128xf32>
    %reduce_sum3A_129 = vector.multi_reduction <add>, %mul3A_127, %reduce_sum3A_128 [0] : vector<2560x128xf32> to vector<128xf32>
    %broadcast_in_dim3A_130 = vector.shape_cast %reduce_sum3A_129 : vector<128xf32> to vector<1x128xf32>
    %add3A_131 = arith.addf %get3A_126, %broadcast_in_dim3A_130 : vector<1x128xf32>
    %swap3A_132 = arith.constant 0 : index
    %swap3A_133 = arith.constant 0 : index
    %swap3A_134 = vector.load %arg12[%swap3A_132, %swap3A_133] : memref<1x128xf32, #tpu.memory_space<vmem>>, vector<1x128xf32>
    tpu.vector_store %arg12[%swap3A_132, %swap3A_133], %add3A_131 {strides = array<i32>} : memref<1x128xf32, #tpu.memory_space<vmem>>, vector<1x128xf32>,
    return
  }
  func.func @transform_0(%arg0: i32) -> (i32, i32) {
    %c0_i32 = arith.constant 0 : i32
    %c0_i32_0 = arith.constant 0 : i32
    return %arg0, %c0_i32 : i32, i32
  }
  func.func @transform_1(%arg0: i32) -> (i32, i32) {
    %c0_i32 = arith.constant 0 : i32
    %c0_i32_0 = arith.constant 0 : i32
    return %arg0, %c0_i32 : i32, i32
  }
  func.func @transform_2(%arg0: i32) -> (i32, i32) {
    %c0_i32 = arith.constant 0 : i32
    %c0_i32_0 = arith.constant 0 : i32
    %c0_i32_1 = arith.constant 0 : i32
    return %c0_i32, %c0_i32_0 : i32, i32
  }
  func.func @transform_3(%arg0: i32) -> (i32, i32) {
    %c0_i32 = arith.constant 0 : i32
    %c0_i32_0 = arith.constant 0 : i32
    %c0_i32_1 = arith.constant 0 : i32
    return %c0_i32, %c0_i32_0 : i32, i32
  }
  func.func @transform_4(%arg0: i32) -> (i32, i32) {
    %c0_i32 = arith.constant 0 : i32
    %c0_i32_0 = arith.constant 0 : i32
    %c0_i32_1 = arith.constant 0 : i32
    return %c0_i32, %c0_i32_0 : i32, i32
  }
  func.func @transform_5(%arg0: i32) -> (i32, i32) {
    %c0_i32 = arith.constant 0 : i32
    %c0_i32_0 = arith.constant 0 : i32
    %c0_i32_1 = arith.constant 0 : i32
    return %c0_i32, %c0_i32_0 : i32, i32
  }
  func.func @transform_6(%arg0: i32) -> (i32, i32) {
    %c0_i32 = arith.constant 0 : i32
    %c0_i32_0 = arith.constant 0 : i32
    %c0_i32_1 = arith.constant 0 : i32
    return %c0_i32, %c0_i32_0 : i32, i32
  }
  func.func @transform_7(%arg0: i32) -> (i32, i32) {
    %c0_i32 = arith.constant 0 : i32
    %c0_i32_0 = arith.constant 0 : i32
    %c0_i32_1 = arith.constant 0 : i32
    return %c0_i32, %c0_i32_0 : i32, i32
  }
  func.func @transform_8(%arg0: i32) -> (i32, i32) {
    %c0_i32 = arith.constant 0 : i32
    %c0_i32_0 = arith.constant 0 : i32
    %c0_i32_1 = arith.constant 0 : i32
    return %c0_i32, %c0_i32_0 : i32, i32
  }
  func.func @transform_9(%arg0: i32) -> (i32, i32) {
    %c0_i32 = arith.constant 0 : i32
    %c0_i32_0 = arith.constant 0 : i32
    return %arg0, %c0_i32 : i32, i32
  }
  func.func @transform_10(%arg0: i32) -> (i32, i32) {
    %c0_i32 = arith.constant 0 : i32
    %c0_i32_0 = arith.constant 0 : i32
    %c0_i32_1 = arith.constant 0 : i32
    return %c0_i32, %c0_i32_0 : i32, i32
  }
  func.func @transform_11(%arg0: i32) -> (i32, i32) {
    %c0_i32 = arith.constant 0 : i32
    %c0_i32_0 = arith.constant 0 : i32
    %c0_i32_1 = arith.constant 0 : i32
    return %c0_i32, %c0_i32_0 : i32, i32
  }
}

module attributes {stable_mosaic.version = 14 : i64} {
  func.func @_final_body(%arg0: i32, %arg1: memref<2x2000x128xf32, #tpu.memory_space<vmem>>, %arg2: memref<2x2000x128xf32, #tpu.memory_space<vmem>>, %arg3: memref<2x2000x128xf32, #tpu.memory_space<vmem>>, %arg4: memref<2x2000x128xf32, #tpu.memory_space<vmem>>, %arg5: memref<1x128xf32, #tpu.memory_space<vmem>>, %arg6: memref<1x128xf32, #tpu.memory_space<vmem>>, %arg7: memref<1x128xf32, #tpu.memory_space<vmem>>, %arg8: memref<1x128xf32, #tpu.memory_space<vmem>>, %arg9: memref<128x128xf32, #tpu.memory_space<vmem>>, %arg10: memref<1x128xf32, #tpu.memory_space<vmem>>, %arg11: memref<2000x128xf32, #tpu.memory_space<vmem>>, %arg12: memref<2000x128xf32, #tpu.memory_space<vmem>>) attributes {dimension_semantics = [#tpu.dimension_semantics<arbitrary>], iteration_bounds = array<i64: 5>, scalar_prefetch = 0 : i64, scratch_operands = 0 : i64, tpu.core_type = #tpu.core_type<tc>, window_params = [{transform_indices = @transform_0, window_bounds = array<i64: 2, 2000, 128>}, {transform_indices = @transform_1, window_bounds = array<i64: 2, 2000, 128>}, {transform_indices = @transform_2, window_bounds = array<i64: 2, 2000, 128>}, {transform_indices = @transform_3, window_bounds = array<i64: 2, 2000, 128>}, {pipeline_mode = #tpu.pipeline_mode<synchronous>, transform_indices = @transform_4, window_bounds = array<i64: 1, 128>}, {pipeline_mode = #tpu.pipeline_mode<synchronous>, transform_indices = @transform_5, window_bounds = array<i64: 1, 128>}, {pipeline_mode = #tpu.pipeline_mode<synchronous>, transform_indices = @transform_6, window_bounds = array<i64: 1, 128>}, {pipeline_mode = #tpu.pipeline_mode<synchronous>, transform_indices = @transform_7, window_bounds = array<i64: 1, 128>}, {pipeline_mode = #tpu.pipeline_mode<synchronous>, transform_indices = @transform_8, window_bounds = array<i64: 128, 128>}, {pipeline_mode = #tpu.pipeline_mode<synchronous>, transform_indices = @transform_9, window_bounds = array<i64: 1, 128>}, {transform_indices = @transform_10, window_bounds = array<i64: 2000, 128>}, {transform_indices = @transform_11, window_bounds = array<i64: 2000, 128>}]} {
    %get3A = arith.constant 0 : index
    %get3A_0 = arith.constant 0 : index
    %get3A_1 = arith.constant 0 : index
    %get3A_2 = vector.load %arg1[%get3A, %get3A_0, %get3A_1] : memref<2x2000x128xf32, #tpu.memory_space<vmem>>, vector<1x2000x128xf32>
    %get3A_3 = vector.shape_cast %get3A_2 : vector<1x2000x128xf32> to vector<2000x128xf32>
    %get3A_4 = arith.constant 1 : index
    %get3A_5 = arith.constant 0 : index
    %get3A_6 = arith.constant 0 : index
    %get3A_7 = vector.load %arg1[%get3A_4, %get3A_5, %get3A_6] : memref<2x2000x128xf32, #tpu.memory_space<vmem>>, vector<1x2000x128xf32>
    %get3A_8 = vector.shape_cast %get3A_7 : vector<1x2000x128xf32> to vector<2000x128xf32>
    %add3A = arith.addf %get3A_3, %get3A_8 : vector<2000x128xf32>
    %get3A_9 = arith.constant 0 : index
    %get3A_10 = arith.constant 0 : index
    %get3A_11 = arith.constant 0 : index
    %get3A_12 = vector.load %arg2[%get3A_9, %get3A_10, %get3A_11] : memref<2x2000x128xf32, #tpu.memory_space<vmem>>, vector<1x2000x128xf32>
    %get3A_13 = vector.shape_cast %get3A_12 : vector<1x2000x128xf32> to vector<2000x128xf32>
    %add3A_14 = arith.addf %add3A, %get3A_13 : vector<2000x128xf32>
    %get3A_15 = arith.constant 1 : index
    %get3A_16 = arith.constant 0 : index
    %get3A_17 = arith.constant 0 : index
    %get3A_18 = vector.load %arg2[%get3A_15, %get3A_16, %get3A_17] : memref<2x2000x128xf32, #tpu.memory_space<vmem>>, vector<1x2000x128xf32>
    %get3A_19 = vector.shape_cast %get3A_18 : vector<1x2000x128xf32> to vector<2000x128xf32>
    %add3A_20 = arith.addf %add3A_14, %get3A_19 : vector<2000x128xf32>
    %get3A_21 = arith.constant 0 : index
    %get3A_22 = arith.constant 0 : index
    %get3A_23 = arith.constant 0 : index
    %get3A_24 = vector.load %arg3[%get3A_21, %get3A_22, %get3A_23] : memref<2x2000x128xf32, #tpu.memory_space<vmem>>, vector<1x2000x128xf32>
    %get3A_25 = vector.shape_cast %get3A_24 : vector<1x2000x128xf32> to vector<2000x128xf32>
    %add3A_26 = arith.addf %add3A_20, %get3A_25 : vector<2000x128xf32>
    %get3A_27 = arith.constant 1 : index
    %get3A_28 = arith.constant 0 : index
    %get3A_29 = arith.constant 0 : index
    %get3A_30 = vector.load %arg3[%get3A_27, %get3A_28, %get3A_29] : memref<2x2000x128xf32, #tpu.memory_space<vmem>>, vector<1x2000x128xf32>
    %get3A_31 = vector.shape_cast %get3A_30 : vector<1x2000x128xf32> to vector<2000x128xf32>
    %add3A_32 = arith.addf %add3A_26, %get3A_31 : vector<2000x128xf32>
    %get3A_33 = arith.constant 0 : index
    %get3A_34 = arith.constant 0 : index
    %get3A_35 = arith.constant 0 : index
    %get3A_36 = vector.load %arg4[%get3A_33, %get3A_34, %get3A_35] : memref<2x2000x128xf32, #tpu.memory_space<vmem>>, vector<1x2000x128xf32>
    %get3A_37 = vector.shape_cast %get3A_36 : vector<1x2000x128xf32> to vector<2000x128xf32>
    %get3A_38 = arith.constant 1 : index
    %get3A_39 = arith.constant 0 : index
    %get3A_40 = arith.constant 0 : index
    %get3A_41 = vector.load %arg4[%get3A_38, %get3A_39, %get3A_40] : memref<2x2000x128xf32, #tpu.memory_space<vmem>>, vector<1x2000x128xf32>
    %get3A_42 = vector.shape_cast %get3A_41 : vector<1x2000x128xf32> to vector<2000x128xf32>
    %add3A_43 = arith.addf %get3A_37, %get3A_42 : vector<2000x128xf32>
    %get3A_44 = arith.constant 0 : index
    %get3A_45 = arith.constant 0 : index
    %get3A_46 = vector.load %arg5[%get3A_44, %get3A_45] : memref<1x128xf32, #tpu.memory_space<vmem>>, vector<1x128xf32>
    %div3A = arith.constant 3.200000e+05 : f32
    %div3A_47 = vector.broadcast %div3A : f32 to vector<1x128xf32>
    %div3A_48 = arith.divf %get3A_46, %div3A_47 : vector<1x128xf32>
    %get3A_49 = arith.constant 0 : index
    %get3A_50 = arith.constant 0 : index
    %get3A_51 = vector.load %arg6[%get3A_49, %get3A_50] : memref<1x128xf32, #tpu.memory_space<vmem>>, vector<1x128xf32>
    %div3A_52 = arith.constant 3.200000e+05 : f32
    %div3A_53 = vector.broadcast %div3A_52 : f32 to vector<1x128xf32>
    %div3A_54 = arith.divf %get3A_51, %div3A_53 : vector<1x128xf32>
    %mul3A = arith.mulf %div3A_48, %div3A_48 : vector<1x128xf32>
    %sub3A = arith.subf %div3A_54, %mul3A : vector<1x128xf32>
    %get3A_55 = arith.constant 0 : index
    %get3A_56 = arith.constant 0 : index
    %get3A_57 = vector.load %arg7[%get3A_55, %get3A_56] : memref<1x128xf32, #tpu.memory_space<vmem>>, vector<1x128xf32>
    %add3A_58 = arith.constant 9.99999974E-6 : f32
    %add3A_59 = vector.broadcast %add3A_58 : f32 to vector<1x128xf32>
    %add3A_60 = arith.addf %sub3A, %add3A_59 : vector<1x128xf32>
    %sqrt3A = math.sqrt %add3A_60 : vector<1x128xf32>
    %div3A_61 = arith.divf %get3A_57, %sqrt3A : vector<1x128xf32>
    %get3A_62 = arith.constant 0 : index
    %get3A_63 = arith.constant 0 : index
    %get3A_64 = vector.load %arg8[%get3A_62, %get3A_63] : memref<1x128xf32, #tpu.memory_space<vmem>>, vector<1x128xf32>
    %mul3A_65 = arith.mulf %div3A_48, %div3A_61 : vector<1x128xf32>
    %sub3A_66 = arith.subf %get3A_64, %mul3A_65 : vector<1x128xf32>
    %get3A_67 = arith.constant 0 : index
    %get3A_68 = arith.constant 0 : index
    %get3A_69 = vector.load %arg9[%get3A_67, %get3A_68] : memref<128x128xf32, #tpu.memory_space<vmem>>, vector<128x128xf32>
    %dot_general3A = arith.constant dense<0.000000e+00> : vector<1x128xf32>
    %dot_general3A_70 = tpu.matmul %sub3A_66, %get3A_69, %dot_general3A {dimension_numbers = #tpu.dot_dimension_numbers<[1], [0], [0], [1], [0, 0, 1, 1], [], []>, transpose_lhs_hint = false} : vector<1x128xf32>, vector<128x128xf32>, vector<1x128xf32> -> vector<1x128xf32>
    %mul3A_71 = vector.broadcast %div3A_61 : vector<1x128xf32> to vector<2000x128xf32>
    %mul3A_72 = arith.mulf %add3A_32, %mul3A_71 : vector<2000x128xf32>
    %get3A_73 = arith.constant 0 : index
    %get3A_74 = arith.constant 0 : index
    %get3A_75 = vector.load %arg9[%get3A_73, %get3A_74] : memref<128x128xf32, #tpu.memory_space<vmem>>, vector<128x128xf32>
    %dot_general3A_76 = arith.constant dense<0.000000e+00> : vector<2000x128xf32>
    %dot_general3A_77 = tpu.matmul %mul3A_72, %get3A_75, %dot_general3A_76 {dimension_numbers = #tpu.dot_dimension_numbers<[1], [0], [0], [1], [0, 0, 1, 1], [], []>, transpose_lhs_hint = false} : vector<2000x128xf32>, vector<128x128xf32>, vector<2000x128xf32> -> vector<2000x128xf32>
    %mul3A_78 = vector.broadcast %dot_general3A_70 : vector<1x128xf32> to vector<2000x128xf32>
    %mul3A_79 = arith.mulf %add3A_43, %mul3A_78 : vector<2000x128xf32>
    %add3A_80 = arith.addf %dot_general3A_77, %mul3A_79 : vector<2000x128xf32>
    %get3A_81 = arith.constant 0 : index
    %get3A_82 = arith.constant 0 : index
    %get3A_83 = vector.load %arg10[%get3A_81, %get3A_82] : memref<1x128xf32, #tpu.memory_space<vmem>>, vector<1x128xf32>
    %add3A_84 = vector.broadcast %get3A_83 : vector<1x128xf32> to vector<2000x128xf32>
    %add3A_85 = arith.addf %add3A_80, %add3A_84 : vector<2000x128xf32>
    %mul3A_86 = arith.mulf %add3A_85, %add3A_85 : vector<2000x128xf32>
    %reduce_sum3A = arith.constant dense<0.000000e+00> : vector<2000xf32>
    %reduce_sum3A_87 = vector.multi_reduction <add>, %mul3A_86, %reduce_sum3A [1] : vector<2000x128xf32> to vector<2000xf32>
    %broadcast_in_dim3A = vector.shape_cast %reduce_sum3A_87 : vector<2000xf32> to vector<2000x1xf32>
    %sqrt3A_88 = math.sqrt %broadcast_in_dim3A : vector<2000x1xf32>
    %max3A = arith.constant 1.000000e-15 : f32
    %max3A_89 = vector.broadcast %max3A : f32 to vector<2000x1xf32>
    %max3A_90 = arith.maximumf %sqrt3A_88, %max3A_89 : vector<2000x1xf32>
    %tanh3A = math.tanh %max3A_90 : vector<2000x1xf32>
    %mul3A_91 = vector.broadcast %tanh3A : vector<2000x1xf32> to vector<2000x128xf32>
    %mul3A_92 = arith.mulf %mul3A_91, %add3A_85 : vector<2000x128xf32>
    %div3A_93 = vector.broadcast %max3A_90 : vector<2000x1xf32> to vector<2000x128xf32>
    %div3A_94 = arith.divf %mul3A_92, %div3A_93 : vector<2000x128xf32>
    %mul3A_95 = arith.mulf %div3A_94, %div3A_94 : vector<2000x128xf32>
    %reduce_sum3A_96 = arith.constant dense<0.000000e+00> : vector<2000xf32>
    %reduce_sum3A_97 = vector.multi_reduction <add>, %mul3A_95, %reduce_sum3A_96 [1] : vector<2000x128xf32> to vector<2000xf32>
    %broadcast_in_dim3A_98 = vector.shape_cast %reduce_sum3A_97 : vector<2000xf32> to vector<2000x1xf32>
    %sqrt3A_99 = math.sqrt %broadcast_in_dim3A_98 : vector<2000x1xf32>
    %max3A_100 = arith.constant 1.000000e-15 : f32
    %max3A_101 = vector.broadcast %max3A_100 : f32 to vector<2000x1xf32>
    %max3A_102 = arith.maximumf %sqrt3A_99, %max3A_101 : vector<2000x1xf32>
    %gt3A = arith.constant 0.999989986 : f32
    %gt3A_103 = vector.broadcast %gt3A : f32 to vector<2000x1xf32>
    %gt3A_104 = arith.cmpf ogt, %max3A_102, %gt3A_103 : vector<2000x1xf32>
    %div3A_105 = vector.broadcast %max3A_102 : vector<2000x1xf32> to vector<2000x128xf32>
    %div3A_106 = arith.divf %div3A_94, %div3A_105 : vector<2000x128xf32>
    %mul3A_107 = arith.constant 0.999989986 : f32
    %mul3A_108 = vector.broadcast %mul3A_107 : f32 to vector<2000x128xf32>
    %mul3A_109 = arith.mulf %div3A_106, %mul3A_108 : vector<2000x128xf32>
    %broadcast_in_dim3A_110 = vector.shape_cast %gt3A_104 : vector<2000x1xi1> to vector<2000x1xi1>
    %broadcast_in_dim3A_111 = vector.broadcast %broadcast_in_dim3A_110 : vector<2000x1xi1> to vector<2000x128xi1>
    %select_n3A = arith.select %broadcast_in_dim3A_111, %mul3A_109, %div3A_94 : vector<2000x128xi1>, vector<2000x128xf32>
    %mul3A_112 = arith.mulf %select_n3A, %select_n3A : vector<2000x128xf32>
    %reduce_sum3A_113 = arith.constant dense<0.000000e+00> : vector<2000xf32>
    %reduce_sum3A_114 = vector.multi_reduction <add>, %mul3A_112, %reduce_sum3A_113 [1] : vector<2000x128xf32> to vector<2000xf32>
    %broadcast_in_dim3A_115 = vector.shape_cast %reduce_sum3A_114 : vector<2000xf32> to vector<2000x1xf32>
    %sqrt3A_116 = math.sqrt %broadcast_in_dim3A_115 : vector<2000x1xf32>
    %max3A_117 = arith.constant 1.000000e-15 : f32
    %max3A_118 = vector.broadcast %max3A_117 : f32 to vector<2000x1xf32>
    %max3A_119 = arith.maximumf %sqrt3A_116, %max3A_118 : vector<2000x1xf32>
    %log1p3A = math.log1p %max3A_119 : vector<2000x1xf32>
    %neg3A = arith.constant 0.000000e+00 : f32
    %neg3A_120 = vector.broadcast %neg3A : f32 to vector<2000x1xf32>
    %neg3A_121 = arith.subf %neg3A_120, %max3A_119 : vector<2000x1xf32>
    %log1p3A_122 = math.log1p %neg3A_121 : vector<2000x1xf32>
    %sub3A_123 = arith.subf %log1p3A, %log1p3A_122 : vector<2000x1xf32>
    %mul3A_124 = arith.constant 5.000000e-01 : f32
    %mul3A_125 = vector.broadcast %mul3A_124 : f32 to vector<2000x1xf32>
    %mul3A_126 = arith.mulf %mul3A_125, %sub3A_123 : vector<2000x1xf32>
    %div3A_127 = arith.divf %mul3A_126, %max3A_119 : vector<2000x1xf32>
    %mul3A_128 = vector.broadcast %div3A_127 : vector<2000x1xf32> to vector<2000x128xf32>
    %mul3A_129 = arith.mulf %mul3A_128, %select_n3A : vector<2000x128xf32>
    %gt3A_130 = arith.constant 0.000000e+00 : f32
    %gt3A_131 = vector.broadcast %gt3A_130 : f32 to vector<2000x128xf32>
    %gt3A_132 = arith.cmpf ogt, %mul3A_129, %gt3A_131 : vector<2000x128xf32>
    %min3A = arith.constant 0.000000e+00 : f32
    %min3A_133 = vector.broadcast %min3A : f32 to vector<2000x128xf32>
    %min3A_134 = arith.minimumf %mul3A_129, %min3A_133 : vector<2000x128xf32>
    %exp3A = math.exp %min3A_134 : vector<2000x128xf32>
    %sub3A_135 = arith.constant 1.000000e+00 : f32
    %sub3A_136 = vector.broadcast %sub3A_135 : f32 to vector<2000x128xf32>
    %sub3A_137 = arith.subf %exp3A, %sub3A_136 : vector<2000x128xf32>
    %mul3A_138 = arith.constant 1.67326319 : f32
    %mul3A_139 = vector.broadcast %mul3A_138 : f32 to vector<2000x128xf32>
    %mul3A_140 = arith.mulf %mul3A_139, %sub3A_137 : vector<2000x128xf32>
    %select_n3A_141 = arith.select %gt3A_132, %mul3A_129, %mul3A_140 : vector<2000x128xi1>, vector<2000x128xf32>
    %mul3A_142 = arith.constant 1.05070102 : f32
    %mul3A_143 = vector.broadcast %mul3A_142 : f32 to vector<2000x128xf32>
    %mul3A_144 = arith.mulf %mul3A_143, %select_n3A_141 : vector<2000x128xf32>
    %get3A_145 = arith.constant 0 : index
    %get3A_146 = arith.constant 0 : index
    %get3A_147 = vector.load %arg11[%get3A_145, %get3A_146] : memref<2000x128xf32, #tpu.memory_space<vmem>>, vector<2000x128xf32>
    %add3A_148 = arith.addf %mul3A_144, %get3A_147 : vector<2000x128xf32>
    %swap3A = arith.constant 0 : index
    %swap3A_149 = arith.constant 0 : index
    %swap3A_150 = vector.load %arg12[%swap3A, %swap3A_149] : memref<2000x128xf32, #tpu.memory_space<vmem>>, vector<2000x128xf32>
    tpu.vector_store %arg12[%swap3A, %swap3A_149], %add3A_148 {strides = array<i32>} : memref<2000x128xf32, #tpu.memory_space<vmem>>, vector<2000x128xf32>,
    return
  }
  func.func @transform_0(%arg0: i32) -> (i32, i32, i32) {
    %c0_i32 = arith.constant 0 : i32
    %c0_i32_0 = arith.constant 0 : i32
    %c0_i32_1 = arith.constant 0 : i32
    return %c0_i32, %arg0, %c0_i32_0 : i32, i32, i32
  }
  func.func @transform_1(%arg0: i32) -> (i32, i32, i32) {
    %c0_i32 = arith.constant 0 : i32
    %c0_i32_0 = arith.constant 0 : i32
    %c0_i32_1 = arith.constant 0 : i32
    return %c0_i32, %arg0, %c0_i32_0 : i32, i32, i32
  }
  func.func @transform_2(%arg0: i32) -> (i32, i32, i32) {
    %c0_i32 = arith.constant 0 : i32
    %c0_i32_0 = arith.constant 0 : i32
    %c0_i32_1 = arith.constant 0 : i32
    return %c0_i32, %arg0, %c0_i32_0 : i32, i32, i32
  }
  func.func @transform_3(%arg0: i32) -> (i32, i32, i32) {
    %c0_i32 = arith.constant 0 : i32
    %c0_i32_0 = arith.constant 0 : i32
    %c0_i32_1 = arith.constant 0 : i32
    return %c0_i32, %arg0, %c0_i32_0 : i32, i32, i32
  }
  func.func @transform_4(%arg0: i32) -> (i32, i32) {
    %c0_i32 = arith.constant 0 : i32
    %c0_i32_0 = arith.constant 0 : i32
    %c0_i32_1 = arith.constant 0 : i32
    return %c0_i32, %c0_i32_0 : i32, i32
  }
  func.func @transform_5(%arg0: i32) -> (i32, i32) {
    %c0_i32 = arith.constant 0 : i32
    %c0_i32_0 = arith.constant 0 : i32
    %c0_i32_1 = arith.constant 0 : i32
    return %c0_i32, %c0_i32_0 : i32, i32
  }
  func.func @transform_6(%arg0: i32) -> (i32, i32) {
    %c0_i32 = arith.constant 0 : i32
    %c0_i32_0 = arith.constant 0 : i32
    %c0_i32_1 = arith.constant 0 : i32
    return %c0_i32, %c0_i32_0 : i32, i32
  }
  func.func @transform_7(%arg0: i32) -> (i32, i32) {
    %c0_i32 = arith.constant 0 : i32
    %c0_i32_0 = arith.constant 0 : i32
    %c0_i32_1 = arith.constant 0 : i32
    return %c0_i32, %c0_i32_0 : i32, i32
  }
  func.func @transform_8(%arg0: i32) -> (i32, i32) {
    %c0_i32 = arith.constant 0 : i32
    %c0_i32_0 = arith.constant 0 : i32
    %c0_i32_1 = arith.constant 0 : i32
    return %c0_i32, %c0_i32_0 : i32, i32
  }
  func.func @transform_9(%arg0: i32) -> (i32, i32) {
    %c0_i32 = arith.constant 0 : i32
    %c0_i32_0 = arith.constant 0 : i32
    %c0_i32_1 = arith.constant 0 : i32
    return %c0_i32, %c0_i32_0 : i32, i32
  }
  func.func @transform_10(%arg0: i32) -> (i32, i32) {
    %c0_i32 = arith.constant 0 : i32
    %c0_i32_0 = arith.constant 0 : i32
    return %arg0, %c0_i32 : i32, i32
  }
  func.func @transform_11(%arg0: i32) -> (i32, i32) {
    %c0_i32 = arith.constant 0 : i32
    %c0_i32_0 = arith.constant 0 : i32
    return %arg0, %c0_i32 : i32, i32
  }
}

</mosaic_0001>

<sc_bundles>
// kernel: kernel.14.cloned.1.call-start
scs
__scs_entry_jumppad:
0x0: {  	(pc) =	sbr.rel $0x88, $3  }
0x1: {  	(tag) =	ssettag $0x0;
	lr =	simm.s32 $0x1  }
0x2: {  	[smem:$0x3F95] =	sst lr;
	_ =	strace $0xD0000000  }
0x3: {  	_ = 	snop  }
0x4: {  	_ = 	snop  }
0x5: {  	_ = 	snop  }
0x6: {  	_ = 	snop  }
0x7: {  	_ = 	snop  }
__scs_overlays_trampoline_lowered:
0x8: {  	[smem:$0x3FA4] =	sst s0  }
0x9: {  	[smem:$0x3FA5] =	sst s1  }
0xa: {  	[smem:$0x3FA6] =	sst s2  }
0xb: {  	[smem:$0x3FA7] =	sst s3  }
0xc: {  	[smem:$0x3FA8] =	sst s4  }
0xd: {  	[smem:$0x3FA9] =	sst s5  }
0xe: {  	[smem:$0x3FAA] =	sst s6  }
0xf: {  	[smem:$0x3FAB] =	sst s7  }
0x10: {  	[smem:$0x3FAC] =	sst s8  }
0x11: {  	[smem:$0x3FAD] =	sst s9;
	s0 =	simm.s32 @!p0 $0x0  }
0x12: {  	s1 =	sld [smem:$0x3F93];
	s0 =	simm.s32 @p0 $0x1  }
0x13: {  	[smem:$0x3FAE] =	sst s0;
	s0 =	simm.s32 @!p1 $0x0  }
0x14: {  	s2 =	sld [smem:$0x3F92];
	s0 =	simm.s32 @p1 $0x1  }
0x15: {  	[smem:$0x3FAF] =	sst s0;
	s0 =	simm.s32 @!p2 $0x0  }
0x16: {  	s3 =	sld [smem:$0x3FDB];
	s0 =	simm.s32 @p2 $0x1  }
0x17: {  	s4 =	simm.s32 $0x1BF5;
	[smem:$0x3FB1] =	sst s0  }
0x18: {  	s0 =	sld [smem:$0x3F94];
	_ =	swait.ge [sflag:s4], $0x0  }
0x19: {  	s7 =	sld [smem:$0x3F95]  }
0x1a: {  	s8 =	sadd.s32 $0xFFFFE003, lr  }
0x1b: {  	s9 =	sadd.s32 $0xFFFFFEF7, lr;
	s5 =	simm.s32 $0xFFFFFFFF;
	p2 =	slt.u32 s8, $0xFFFFF086  }
0x1c: {  	p1 =	slt.u32 s9, $0xF7A;
	s5 =	simm.s32 @!p2 $0x0  }
0x1d: {  	s5 =	simm.s32 @p1 $0x1;
	p0 =	seq.s32 s7, s2  }
0x1e: {  	s7 =	smul.u32 @!p0 $0xF7A, s2;
	p2 =	seq.s32 @!p0 s5, $0x0  }
0x1f: {  	s9 =	smul.u32 $0xF7A, s1;
	s8 =	simm.s32 @!p0 $0x1BF5;
	p2 =	por !p2, p0  }
0x20: {  	[sflag:s8] =	ssyncset.s32 @!p0 $0xFFFFF086;
	s6 =	sadd.s32 @!p0 s3, s7;
	s7 =	simm.s32 @!p0 $0x108  }
0x21: {  	s3 =	sadd.s32 s3, s9;
	s6 =	sadd.s32 @!p0 $0x88, s6;
	s7 =	simm.s32 @p2 $0x1082  }
0x22: {  	[simem:s7], [sflag:s8] =	dma.local @!p0 [hbm:s6], $0xF7A  }
0x23: {  	s9 =	sor.u32 $0xD0000000, s2;
	s6 =	simm.s32 $0x108;
	_ =	swait.ge @!p0 [sflag:s8], $0x0  }
0x24: {  	s3 =	sadd.s32 $0x88, s3;
	s6 =	simm.s32 @!p1 $0x1082;
	[sflag:s4] =	ssyncset.s32 $0xFFFFF086  }
0x25: {  	[simem:s6], [sflag:s4] =	dma.local [hbm:s3], $0xF7A  }
0x26: {  	[smem:$0x3F95] =	sst s1;
	(tag) =	ssettag s2;
	_ =	strace s9  }
0x27: {  	s1 =	sld [smem:$0x3FA5]  }
0x28: {  	s2 =	sld [smem:$0x3FA6]  }
0x29: {  	s4 =	sld [smem:$0x3FA8]  }
0x2a: {  	p0 =	seq.s32 s5, $0x0;
	s5 =	sld [smem:$0x3FA9]  }
0x2b: {  	s6 =	sld [smem:$0x3FAA]  }
0x2c: {  	s7 =	sld [smem:$0x3FAB]  }
0x2d: {  	s3 =	simm.s32 $0x108;
	s8 =	sld [smem:$0x3FAC]  }
0x2e: {  	s3 =	simm.s32 @!p0 $0x1082;
	s9 =	sld [smem:$0x3FAD]  }
0x2f: {  	lr =	sadd.s32 s0, s3;
	s0 =	sld [smem:$0x3FA4]  }
0x30: {  	s3 =	sld [smem:$0x3FA7]  }
0x31: {  	[smem:$0x3FB0] =	sst s10  }
0x32: {  	s10 =	sld [smem:$0x3FAE];
	_ =	sdelay $0x3  }
0x33: {  	p0 =	seq.s32 s10, $0x1;
	s10 =	sld [smem:$0x3FB0];
	_ =	sdelay $0x3  }
0x34: {  	[smem:$0x3FB0] =	sst s10  }
0x35: {  	s10 =	sld [smem:$0x3FAF];
	_ =	sdelay $0x3  }
0x36: {  	p1 =	seq.s32 s10, $0x1;
	s10 =	sld [smem:$0x3FB0];
	_ =	sdelay $0x3  }
0x37: {  	[smem:$0x3FB0] =	sst s10  }
0x38: {  	s10 =	sld [smem:$0x3FB1]  }
0x39: {  	_ = 	snop;
	(pc) =	sbr.ind lr, $3  }
0x3a: {  	_ = 	snop  }
0x3b: {  	_ = 	snop  }
0x3c: {  	p2 =	seq.s32 s10, $0x1;
	s10 =	sld [smem:$0x3FB0]  }
0x3d: {  	_ =	shalt  }
0x3e: {  	_ =	shalt  }
0x3f: {  	_ =	shalt  }
0x40: {  	_ =	shalt  }
0x41: {  	_ =	shalt  }
0x42: {  	_ =	shalt  }
0x43: {  	_ =	shalt  }
0x44: {  	_ =	shalt  }
0x45: {  	_ =	shalt  }
0x46: {  	_ =	shalt  }
0x47: {  	_ =	shalt  }
0x48: {  	_ =	shalt  }
0x49: {  	_ =	shalt  }
0x4a: {  	_ =	shalt  }
0x4b: {  	_ =	shalt  }
0x4c: {  	_ =	shalt  }
0x4d: {  	_ =	shalt  }
0x4e: {  	_ =	shalt  }
0x4f: {  	_ =	shalt  }
0x50: {  	_ =	shalt  }
0x51: {  	_ =	shalt  }
0x52: {  	_ =	shalt  }
0x53: {  	_ =	shalt  }
0x54: {  	_ =	shalt  }
0x55: {  	_ =	shalt  }
0x56: {  	_ =	shalt  }
0x57: {  	_ =	shalt  }
0x58: {  	_ =	shalt  }
0x59: {  	_ =	shalt  }
0x5a: {  	_ =	shalt  }
0x5b: {  	_ =	shalt  }
0x5c: {  	_ =	shalt  }
0x5d: {  	_ =	shalt  }
0x5e: {  	_ =	shalt  }
0x5f: {  	_ =	shalt  }
0x60: {  	_ =	shalt  }
0x61: {  	_ =	shalt  }
0x62: {  	_ =	shalt  }
0x63: {  	_ =	shalt  }
0x64: {  	_ =	shalt  }
0x65: {  	_ =	shalt  }
0x66: {  	_ =	shalt  }
0x67: {  	_ =	shalt  }
0x68: {  	_ =	shalt  }
0x69: {  	_ =	shalt  }
0x6a: {  	_ =	shalt  }
0x6b: {  	_ =	shalt  }
0x6c: {  	_ =	shalt  }
0x6d: {  	_ =	shalt  }
0x6e: {  	_ =	shalt  }
0x6f: {  	_ =	shalt  }
0x70: {  	_ =	shalt  }
0x71: {  	_ =	shalt  }
0x72: {  	_ =	shalt  }
0x73: {  	_ =	shalt  }
0x74: {  	_ =	shalt  }
0x75: {  	_ =	shalt  }
0x76: {  	_ =	shalt  }
0x77: {  	_ =	shalt  }
0x78: {  	_ =	shalt  }
0x79: {  	_ =	shalt  }
0x7a: {  	_ =	shalt  }
0x7b: {  	_ =	shalt  }
0x7c: {  	_ =	shalt  }
0x7d: {  	_ =	shalt  }
0x7e: {  	_ =	shalt  }
0x7f: {  	_ =	shalt  }
0x80: {  	_ =	shalt  }
0x81: {  	_ =	shalt  }
0x82: {  	_ =	shalt  }
0x83: {  	_ =	shalt  }
0x84: {  	_ =	shalt  }
0x85: {  	_ =	shalt  }
0x86: {  	_ =	shalt  }
0x87: {  	_ =	shalt  }
.Lfunc_end0:
.L_simem_size_0:
called_computation_lowered:
.L_overlay_start_0:
0x88: {  	s2 =	sld [smem:$0x3FD9]  }
0x89: {  	s3 =	sld [smem:$0x3FFE];
	_ =	sdelay $0x1  }
0x8a: {  	s1 =	srdreg.scid  }
0x8b: {  	s0 =	sand.u32 $0x1, s1  }
0x8c: {  	s17 =	sshll.u32 s0, $0xA;
	s2 =	sadd.s32 s3, s2  }
0x8d: {  	s2 =	sadd.s32 s2, s17  }
0x8e: {  	[smem:$0x3FBC] =	sst s2  }
0x8f: {  	_ = 	snop  }
0x90: {  	s2 =	sld [smem:$0x3FD0];
	(tm) =	ssettm $0x1  }
0x91: {  	s18 =	sld [smem:$0x3FFB];
	_ =	sdelay $0x3  }
0x92: {  	_ =	strace s18  }
0x93: {  	s3 =	sld [smem:$0x3FFC];
	_ =	sdelay $0x3  }
0x94: {  	_ =	strace s3  }
0x95: {  	s3 =	sld [smem:$0x3FFD];
	_ =	sdelay $0x3  }
0x96: {  	_ =	strace s3  }
0x97: {  	_ =	strace $0x8FFFFFFF  }
0x98: {  	s19 =	sld [smem:$0x3FDB];
	_ =	sdelay $0x1  }
0x99: {  	s4 =	simm.s32 $_scs_section_size  }
0x9a: {  	s5 =	simm.s32 $_size__tile_overlayer_lowered;
	s6 =	simm.s32 $_tile_overlayer_lowered  }
0x9b: {  	s22 =	simm.s32 $0x1BFF;
	s21 =	sshll.u32 s6, $0x1;
	s3 =	sadd.s32 s4, s19  }
0x9c: {  	s7 =	simm.s32 $0x0;
	s20 =	sshll.u32 s5, $0x1;
	s5 =	sadd.s32 s21, s3  }
0x9d: {  	[timem:s7], [sflag:s22] =	dma.local [hbm:s5], s20  }
0x9e: {  	_ =	swait.ge [sflag:s22], s20  }
0x9f: {  	s4 =	ssub.s32 $0x0, s20;
	[sflag:s22] =	ssyncset.done $0x0  }
0xa0: {  	[sflag:s22] =	ssyncadd.s32 s4;
	_ =	sdelay $0x1  }
0xa1: {  	s23 =	simm.s32 $0x1B8B  }
0xa2: {  	_ =	swait.ge [sflag:s23], $0x1  }
0xa3: {  	[sflag:s23] =	ssyncset.done $0x0  }
0xa4: {  	s25 =	simm.s32 $0x1B8E;
	s24 =	sld [smem:$0x3FFE];
	[sflag:s23] =	ssyncadd.s32 $0xFFFFFFFF  }
0xa5: {  	s26 =	simm.s32 $execute0_lowered;
	[smem:$0x3FD2] =	sst s25  }
0xa6: {  	s5 =	sshll.u32 s26, $0x1;
	_ =	strace $0x80000046;
	[dreg:$0x1] =	wrdreg $0xFFFFFFFF  }
0xa7: {  	s28 =	simm.s32 $_size_execute0_lowered;
	s3 =	sadd.s32 s3, s5;
	[dreg:$0x0] =	wrdreg $0x0  }
0xa8: {  	s5 =	sshll.u32 s28, $0x1;
	[dreg:$0x2] =	wrdreg s3  }
0xa9: {  	[dreg:$0x3] =	wrdreg s5  }
0xaa: {  	[dreg:$0x4] =	wrdreg $0xC0  }
0xab: {  	_ =	task [dreg:s7], $0x5FFFF  }
0xac: {  	[dreg:$0x1] =	wrdreg $0xFFFFFFFF  }
0xad: {  	[dreg:$0x0] =	wrdreg $0x60  }
0xae: {  	[dreg:$0x2] =	wrdreg s2  }
0xaf: {  	[dreg:$0x3] =	wrdreg s24  }
0xb0: {  	[dreg:$0x4] =	wrdreg $0xB  }
0xb1: {  	_ =	task.clear_ibuf [dreg:s7], $0x5FFFF;
	_ =	strace $0x90000046  }
0xb2: {  	s29 =	simm.s32 $0xB;
	_ =	strace $0x80000048  }
0xb3: {  	_ =	swait.ge [sflag:s29], $0x1  }
0xb4: {  	[sflag:s29] =	ssyncadd.s32 $0xFFFFFFFF  }
0xb5: {  	_ =	strace $0x90000048  }
0xb6: {  	_ =	sfence  }
0xb7: {  	s30 =	sld [smem:$0x0];
	_ =	sdelay $0x2  }
0xb8: {  	s31 =	sshll.u32 s1, $0xD;
	s1 =	sshrl.u32 s1, $0x2  }
0xb9: {  	s3 =	sand.u32 $0x4000, s31;
	s1 =	sadd.s32 s1, s30  }
0xba: {  	s0 =	sor.u32 s3, s0;
	s1 =	sshll.u32 s1, $0x11  }
0xbb: {  	s0 =	sor.u32 s1, s0  }
0xbc: {  	s0 =	sadd.s32 $0x8F2B, s0  }
0xbd: {  	[sflag:s0] =	ssyncadd.remote.s32 $0x1  }
0xbe: {  	_ =	sfence.sel $0xFFFF  }
0xbf: {  	[dreg:$0x0] =	wrdreg $0xFFFFFFFF;
	(pc) =	sbr.abs _section_cstart, $3  }
0xc0: {  	[dreg:$0x1] =	wrdreg $0xFFFFFFFF  }
0xc1: {  	_ =	task.clear_ibuf [dreg:s7], $0x2FFFF;
	_ =	strace $0x9FFFFFFF  }
0xc2: {  	(tm) =	ssettm $0x7FFFFFFF  }
0xc3: {  	_ =	shalt  }
tec
execute0_lowered:
.L_overlay_start_1:
0x0: {  	(tag) =	ssettag $0x1  }
0x1: {  	s1 =	rddreg [dreg:$0x0]  }
0x2: {  	s0 =	rddreg [dreg:$0x1];
	s2 =	simm.s32 $0x0  }
0x3: {  	s3 =	srdreg.scid;
	s16 =	stileid.u32;
	s17 =	simm.s32 $0x180  }
0x4: {  	s18 =	simm.s32 $0x1;
	s19 =	simm.s32 $0x200;
	s20 =	simm.s32 $0x4200  }
0x5: {  	s21 =	simm.s32 $0x3;
	s22 =	simm.s32 $0x2;
	s23 =	simm.s32 $0x8200  }
0x6: {  	s28 =	simm.s32 $0x6;
	s29 =	simm.s32 $0x0;
	[smem:$0x7FF] =	sst s2  }
0x7: {  	s12 =	sadd.s32 $0x5E00, s0;
	s14 =	sadd.s32 $0xFC00, s0;
	s3 =	sand.u32 $0x1, s3  }
0x8: {  	s4 =	sadd.s32 $0x19A00, s0;
	s13 =	sshll.u32 s16, $0xB;
	_ =	strace $0x80000047  }
0x9: {  	s6 =	ssub.s32 $0x2, s3;
	s5 =	sshll.u32 s3, $0x4;
	s30 =	sshll.u32 s3, $0xF  }
0xa: {  	s3 =	sshll.u32 s3, $0x8;
	s7 =	sshrl.u32 s6, $0x1;
	s10 =	sor.u32 s16, s5  }
0xb: {  	s5 =	sadd.s32 $0x159A00, s0;
	s15 =	sadd.s32 s3, s12;
	s16 =	sshll.u32 s16, $0x4  }
0xc: {  	s31 =	sadd.s32 s3, s14;
	s24 =	ssub.s32 s6, s7;
	s8 =	sshll.u32 s10, $0x4  }
0xd: {  	s10 =	sshll.u32 s10, $0xB;
	s25 =	sadd.s32 s12, s8;
	s26 =	sadd.s32 s14, s8  }
.Ltmp0:
0xe: {  	s9 =	sor.u32 $0x200, s8;
	[dreg:$0x3] =	wrdreg s25;
	(pc) =	sbr.rel .LBB2_1-.Ltmp0, $4  }
0xf: {  	s11 =	smax.u32 s24, $0x1;
	s24 =	simm.s32 $0xC200;
	[dreg:$0x4] =	wrdreg s26  }
0x10: {  	s8 =	sadd.s32 s12, s9;
	s9 =	sadd.s32 s14, s9;
	s12 =	sor.u32 s13, s30  }
0x11: {  	s13 =	sadd.s32 s16, s15;
	s14 =	sadd.s32 s16, s31;
	s15 =	simm.s32 $0x80  }
0x12: {  	s16 =	simm.s32 $0x100;
	s25 =	simm.s32 $0x4;
	s26 =	simm.s32 $0x5  }
.LBB2_7:
0x13: {  	_ =	swait.ge [sflag:s26], $0x4000  }
0x14: {  	[sflag:s26] =	ssyncset.done $0x0  }
0x15: {  	[sflag:s26] =	ssyncadd.s32 $0xFFFFC000  }
0x16: {  	_ =	swait.ge [sflag:s26], $0x4000  }
0x17: {  	[sflag:s26] =	ssyncset.done $0x0  }
0x18: {  	s29 =	sadd.s32 $0x1, s29;
	[sflag:s26] =	ssyncadd.s32 $0xFFFFC000  }
0x19: {  	p0 =	sne.s32 s29, s11;
	_ =	swait.ge [sflag:s28], $0x4000  }
.Ltmp1:
0x1a: {  	[sflag:s28] =	ssyncset.done $0x0;
	(pc) =	sbr.rel @!p0 .LBB2_8-.Ltmp1, $4  }
0x1b: {  	[sflag:s28] =	ssyncadd.s32 $0xFFFFC000  }
0x1c: {  	_ =	swait.ge [sflag:s28], $0x4000  }
0x1d: {  	[sflag:s28] =	ssyncset.done $0x0  }
0x1e: {  	[sflag:s28] =	ssyncadd.s32 $0xFFFFC000  }
.LBB2_1:
0x1f: {  	s0 =	rddreg [dreg:$0x3]  }
0x20: {  	[tilespmem:s2], [sflag:$0x1] =	stream.linear.gather [hbm4b:s0+s2], $0x80, $0x38;
	[tilespmem:$0x10200] =	vst v63  }
0x21: {  	s7 =	rddreg [dreg:$0x4]  }
0x22: {  	[tilespmem:s15], [sflag:$0x1] =	stream.linear.gather [hbm4b:s7+s2], $0x80, $0x38;
	[tilespmem:$0x10200] =	vst v63  }
0x23: {  	_ = 	snop  }
0x24: {  	[tilespmem:s16], [sflag:$0x2] =	stream.linear.gather [hbm4b:s8+s2], $0x80, $0x38;
	[tilespmem:$0x10200] =	vst v63  }
0x25: {  	s30 =	simm.s32 $0x0;
	s31 =	smov.u32 s12;
	s0 =	simm.s32 $0x0  }
0x26: {  	[tilespmem:s17], [sflag:$0x2] =	stream.linear.gather [hbm4b:s9+s2], $0x80, $0x38;
	[tilespmem:$0x10200] =	vst v63  }
.LBB2_2:
0x27: {  	p0 =	seq.s32 s30, $0x0  }
0x28: {  	s3 =	simm.s32 @!p0 $0x5  }
0x29: {  	_ =	swait.ge @!p0 [sflag:s3], $0x4000  }
0x2a: {  	[sflag:s3] =	ssyncset.done @!p0 $0x0  }
0x2b: {  	[sflag:s3] =	ssyncadd.s32 @!p0 $0xFFFFC000  }
0x2c: {  	_ =	swait.ge @!p0 [sflag:s3], $0x4000  }
0x2d: {  	[sflag:s3] =	ssyncset.done @!p0 $0x0  }
0x2e: {  	[sflag:s3] =	ssyncadd.s32 @!p0 $0xFFFFC000  }
0x2f: {  	_ =	swait.ge [sflag:s18], $0x80  }
0x30: {  	[sflag:s18] =	ssyncset.done $0x0  }
0x31: {  	[sflag:s18] =	ssyncadd.s32 $0xFFFFFF80  }
0x32: {  	_ =	swait.ge [sflag:s18], $0x80  }
0x33: {  	[sflag:s18] =	ssyncset.done $0x0  }
0x34: {  	[sflag:s18] =	ssyncadd.s32 $0xFFFFFF80  }
0x35: {  	[tilespmem:s19], [sflag:$0x3] =	stream.indirect.gather [hbm4b:s1+s15], $0x80, s2, s15, $0xb8;
	[tilespmem:$0x10200] =	vst v63  }
0x36: {  	_ = 	snop  }
0x37: {  	[tilespmem:s20], [sflag:$0x3] =	stream.indirect.gather [hbm4b:s1+s15], $0x80, s15, s15, $0xb8;
	[tilespmem:$0x10200] =	vst v63  }
0x38: {  	_ =	swait.ge [sflag:s21], $0x4000  }
0x39: {  	[sflag:s21] =	ssyncset.done $0x0  }
0x3a: {  	[sflag:s21] =	ssyncadd.s32 $0xFFFFC000  }
0x3b: {  	_ =	swait.ge [sflag:s21], $0x4000  }
0x3c: {  	p0 =	seq.s32 s30, $0x2400;
	[sflag:s21] =	ssyncset.done $0x0  }
0x3d: {  	s6 =	sadd.s32 s31, s4;
	p1 =	seq.s32 @!p0 s30, $0x0;
	[sflag:s21] =	ssyncadd.s32 $0xFFFFC000  }
0x3e: {  	[hbm4b:s6+s2] =	stream.linear.scatter [tilespmem:s19], [sflag:$0x5], $0x4000, $0x38;
	[tilespmem:$0x10200] =	vst v63  }
0x3f: {  	s7 =	sadd.s32 s31, s5;
	s3 =	sadd.s32 @!p0 s30, s13;
	p1 =	por p0, !p1  }
0x40: {  	[hbm4b:s7+s2] =	stream.linear.scatter [tilespmem:s20], [sflag:$0x5], $0x4000, $0x38;
	[tilespmem:$0x10200] =	vst v63  }
.Ltmp2:
0x41: {  	s3 =	sadd.s32 @!p0 $0x400, s3;
	s6 =	simm.s32 @!p0 $0x0;
	(pc) =	sbr.rel @!p1 .LBB2_3-.Ltmp2, $4  }
0x42: {  	[tilespmem:s6], [sflag:$0x1] =	stream.linear.gather @!p0 [hbm4b:s3+s6], $0x80, $0x38;
	[tilespmem:$0x10200] =	vst v63  }
0x43: {  	s3 =	sadd.s32 @!p0 s30, s14  }
0x44: {  	s7 =	simm.s32 @!p0 $0x80;
	s3 =	sadd.s32 @!p0 $0x400, s3  }
0x45: {  	[tilespmem:s7], [sflag:$0x1] =	stream.linear.gather @!p0 [hbm4b:s3+s6], $0x80, $0x38;
	[tilespmem:$0x10200] =	vst v63  }
0x46: {  	_ =	swait.ge [sflag:s28], $0x4000  }
.Ltmp3:
0x47: {  	[sflag:s28] =	ssyncset.done $0x0;
	(pc) =	sbr.rel .LBB2_5-.Ltmp3, $4  }
0x48: {  	[sflag:s28] =	ssyncadd.s32 $0xFFFFC000  }
0x49: {  	_ =	swait.ge [sflag:s28], $0x4000  }
0x4a: {  	[sflag:s28] =	ssyncset.done $0x0  }
0x4b: {  	s3 =	sadd.s32 $0x10000, s31;
	[sflag:s28] =	ssyncadd.s32 $0xFFFFC000  }
.LBB2_3:
0x4c: {  	s3 =	sshll.u32 s0, $0x11  }
0x4d: {  	s3 =	sor.u32 s10, s3  }
0x4e: {  	s3 =	sor.u32 @!p0 $0x10000, s3  }
.LBB2_5:
0x4f: {  	_ =	swait.ge [sflag:s22], $0x80  }
0x50: {  	[sflag:s22] =	ssyncset.done $0x0  }
0x51: {  	[sflag:s22] =	ssyncadd.s32 $0xFFFFFF80  }
0x52: {  	_ =	swait.ge [sflag:s22], $0x80  }
0x53: {  	[sflag:s22] =	ssyncset.done $0x0  }
0x54: {  	[sflag:s22] =	ssyncadd.s32 $0xFFFFFF80  }
0x55: {  	[tilespmem:s23], [sflag:$0x4] =	stream.indirect.gather [hbm4b:s1+s15], $0x80, s16, s15, $0xb8;
	[tilespmem:$0x10200] =	vst v63  }
0x56: {  	_ = 	snop  }
0x57: {  	[tilespmem:s24], [sflag:$0x4] =	stream.indirect.gather [hbm4b:s1+s15], $0x80, s17, s15, $0xb8;
	[tilespmem:$0x10200] =	vst v63  }
0x58: {  	_ =	swait.ge [sflag:s25], $0x4000  }
0x59: {  	[sflag:s25] =	ssyncset.done $0x0  }
0x5a: {  	[sflag:s25] =	ssyncadd.s32 $0xFFFFC000  }
0x5b: {  	_ =	swait.ge [sflag:s25], $0x4000  }
.Ltmp4:
0x5c: {  	[sflag:s25] =	ssyncset.done $0x0;
	(pc) =	sbr.rel @p0 .LBB2_7-.Ltmp4, $4  }
0x5d: {  	s6 =	sadd.s32 s4, s3;
	[sflag:s25] =	ssyncadd.s32 $0xFFFFC000  }
0x5e: {  	[hbm4b:s6+s2] =	stream.linear.scatter [tilespmem:s23], [sflag:$0x6], $0x4000, $0x38;
	[tilespmem:$0x10200] =	vst v63  }
0x5f: {  	s7 =	sadd.s32 s5, s3  }
0x60: {  	[hbm4b:s7+s2] =	stream.linear.scatter [tilespmem:s24], [sflag:$0x6], $0x4000, $0x38;
	[tilespmem:$0x10200] =	vst v63  }
.Ltmp5:
0x61: {  	s3 =	sadd.s32 s30, s13;
	(pc) =	sbr.rel .LBB2_2-.Ltmp5, $4  }
0x62: {  	s7 =	sadd.s32 s30, s14;
	s0 =	sadd.s32 $0x1, s0;
	s3 =	sadd.s32 $0x600, s3  }
0x63: {  	[tilespmem:s16], [sflag:$0x2] =	stream.linear.gather [hbm4b:s3+s2], $0x80, $0x38;
	[tilespmem:$0x10200] =	vst v63  }
0x64: {  	s31 =	sadd.s32 $0x20000, s31;
	s30 =	sadd.s32 $0x400, s30;
	s3 =	sadd.s32 $0x600, s7  }
0x65: {  	[tilespmem:s17], [sflag:$0x2] =	stream.linear.gather [hbm4b:s3+s2], $0x80, $0x38;
	[tilespmem:$0x10200] =	vst v63  }
.LBB2_8:
0x66: {  	_ =	sfence.sel $0x180000  }
0x67: {  	[bflag:$0x0] =	sbarrier.arrive $0xFFFF  }
0x68: {  	_ =	strace $0x90000047  }
0x69: {  	s0 =	stileid.u32;
	[bflag:$0x2] =	sbarrier.arrive $0xFFFF  }
0x6a: {  	p0 =	sne.s32 s0, $0x0;
	s0 =	rddreg [dreg:$0x2]  }
0x6b: {  	s0 =	sadd.s32 @!p0 $0x100000, s0  }
0x6c: {  	[sflag:s0] =	ssyncadd.tile.s32 @!p0 $0x1;
	_ =	shalt  }
.Lfunc_end2:
_tile_overlayer_lowered:
.L_overlay_start_2:
0x6d: {  	(tag) =	ssettag $0x2  }
0x6e: {  	s0 =	rddreg [dreg:$0x0];
	s2 =	stileid.u32  }
0x6f: {  	s1 =	rddreg [dreg:$0x1];
	p0 =	sne.s32 s2, $0x0  }
0x70: {  	s3 =	rddreg [dreg:$0x2];
	[bflag:$0x3] =	sbarrier.arrive $0xFFFF;
	s2 =	simm.s32 @!p0 $0x1C07  }
0x71: {  	[timem:s3], [sflag:s2] =	dma.local @!p0 [hbm:s0], s1  }
0x72: {  	s0 =	simm.s32 @!p0 $0x7  }
0x73: {  	_ =	swait.ge @!p0 [sflag:s0], s1  }
0x74: {  	s1 =	ssub.s32 @!p0 $0x0, s1;
	[sflag:s0] =	ssyncset.done @!p0 $0x0  }
0x75: {  	[sflag:s0] =	ssyncadd.s32 @!p0 s1  }
0x76: {  	[bflag:$0x3] =	sbarrier.arrive $0xFFFF  }
0x77: {  	_ =	shalt  }

// kernel: kernel.17.cloned.1.call-start
scs
__scs_entry_jumppad:
0x0: {  	(pc) =	sbr.rel $0x88, $3  }
0x1: {  	(tag) =	ssettag $0x0;
	lr =	simm.s32 $0x1  }
0x2: {  	[smem:$0x3F95] =	sst lr;
	_ =	strace $0xD0000000  }
0x3: {  	_ = 	snop  }
0x4: {  	_ = 	snop  }
0x5: {  	_ = 	snop  }
0x6: {  	_ = 	snop  }
0x7: {  	_ = 	snop  }
__scs_overlays_trampoline_lowered:
0x8: {  	[smem:$0x3FA4] =	sst s0  }
0x9: {  	[smem:$0x3FA5] =	sst s1  }
0xa: {  	[smem:$0x3FA6] =	sst s2  }
0xb: {  	[smem:$0x3FA7] =	sst s3  }
0xc: {  	[smem:$0x3FA8] =	sst s4  }
0xd: {  	[smem:$0x3FA9] =	sst s5  }
0xe: {  	[smem:$0x3FAA] =	sst s6  }
0xf: {  	[smem:$0x3FAB] =	sst s7  }
0x10: {  	[smem:$0x3FAC] =	sst s8  }
0x11: {  	[smem:$0x3FAD] =	sst s9;
	s0 =	simm.s32 @!p0 $0x0  }
0x12: {  	s1 =	sld [smem:$0x3F93];
	s0 =	simm.s32 @p0 $0x1  }
0x13: {  	[smem:$0x3FAE] =	sst s0;
	s0 =	simm.s32 @!p1 $0x0  }
0x14: {  	s2 =	sld [smem:$0x3F92];
	s0 =	simm.s32 @p1 $0x1  }
0x15: {  	[smem:$0x3FAF] =	sst s0;
	s0 =	simm.s32 @!p2 $0x0  }
0x16: {  	s3 =	sld [smem:$0x3FDB];
	s0 =	simm.s32 @p2 $0x1  }
0x17: {  	s4 =	simm.s32 $0x1BF5;
	[smem:$0x3FB1] =	sst s0  }
0x18: {  	s0 =	sld [smem:$0x3F94];
	_ =	swait.ge [sflag:s4], $0x0  }
0x19: {  	s7 =	sld [smem:$0x3F95]  }
0x1a: {  	s8 =	sadd.s32 $0xFFFFE003, lr  }
0x1b: {  	s9 =	sadd.s32 $0xFFFFFEF7, lr;
	s5 =	simm.s32 $0xFFFFFFFF;
	p2 =	slt.u32 s8, $0xFFFFF086  }
0x1c: {  	p1 =	slt.u32 s9, $0xF7A;
	s5 =	simm.s32 @!p2 $0x0  }
0x1d: {  	s5 =	simm.s32 @p1 $0x1;
	p0 =	seq.s32 s7, s2  }
0x1e: {  	s7 =	smul.u32 @!p0 $0xF7A, s2;
	p2 =	seq.s32 @!p0 s5, $0x0  }
0x1f: {  	s9 =	smul.u32 $0xF7A, s1;
	s8 =	simm.s32 @!p0 $0x1BF5;
	p2 =	por !p2, p0  }
0x20: {  	[sflag:s8] =	ssyncset.s32 @!p0 $0xFFFFF086;
	s6 =	sadd.s32 @!p0 s3, s7;
	s7 =	simm.s32 @!p0 $0x108  }
0x21: {  	s3 =	sadd.s32 s3, s9;
	s6 =	sadd.s32 @!p0 $0x88, s6;
	s7 =	simm.s32 @p2 $0x1082  }
0x22: {  	[simem:s7], [sflag:s8] =	dma.local @!p0 [hbm:s6], $0xF7A  }
0x23: {  	s9 =	sor.u32 $0xD0000000, s2;
	s6 =	simm.s32 $0x108;
	_ =	swait.ge @!p0 [sflag:s8], $0x0  }
0x24: {  	s3 =	sadd.s32 $0x88, s3;
	s6 =	simm.s32 @!p1 $0x1082;
	[sflag:s4] =	ssyncset.s32 $0xFFFFF086  }
0x25: {  	[simem:s6], [sflag:s4] =	dma.local [hbm:s3], $0xF7A  }
0x26: {  	[smem:$0x3F95] =	sst s1;
	(tag) =	ssettag s2;
	_ =	strace s9  }
0x27: {  	s1 =	sld [smem:$0x3FA5]  }
0x28: {  	s2 =	sld [smem:$0x3FA6]  }
0x29: {  	s4 =	sld [smem:$0x3FA8]  }
0x2a: {  	p0 =	seq.s32 s5, $0x0;
	s5 =	sld [smem:$0x3FA9]  }
0x2b: {  	s6 =	sld [smem:$0x3FAA]  }
0x2c: {  	s7 =	sld [smem:$0x3FAB]  }
0x2d: {  	s3 =	simm.s32 $0x108;
	s8 =	sld [smem:$0x3FAC]  }
0x2e: {  	s3 =	simm.s32 @!p0 $0x1082;
	s9 =	sld [smem:$0x3FAD]  }
0x2f: {  	lr =	sadd.s32 s0, s3;
	s0 =	sld [smem:$0x3FA4]  }
0x30: {  	s3 =	sld [smem:$0x3FA7]  }
0x31: {  	[smem:$0x3FB0] =	sst s10  }
0x32: {  	s10 =	sld [smem:$0x3FAE];
	_ =	sdelay $0x3  }
0x33: {  	p0 =	seq.s32 s10, $0x1;
	s10 =	sld [smem:$0x3FB0];
	_ =	sdelay $0x3  }
0x34: {  	[smem:$0x3FB0] =	sst s10  }
0x35: {  	s10 =	sld [smem:$0x3FAF];
	_ =	sdelay $0x3  }
0x36: {  	p1 =	seq.s32 s10, $0x1;
	s10 =	sld [smem:$0x3FB0];
	_ =	sdelay $0x3  }
0x37: {  	[smem:$0x3FB0] =	sst s10  }
0x38: {  	s10 =	sld [smem:$0x3FB1]  }
0x39: {  	_ = 	snop;
	(pc) =	sbr.ind lr, $3  }
0x3a: {  	_ = 	snop  }
0x3b: {  	_ = 	snop  }
0x3c: {  	p2 =	seq.s32 s10, $0x1;
	s10 =	sld [smem:$0x3FB0]  }
0x3d: {  	_ =	shalt  }
0x3e: {  	_ =	shalt  }
0x3f: {  	_ =	shalt  }
0x40: {  	_ =	shalt  }
0x41: {  	_ =	shalt  }
0x42: {  	_ =	shalt  }
0x43: {  	_ =	shalt  }
0x44: {  	_ =	shalt  }
0x45: {  	_ =	shalt  }
0x46: {  	_ =	shalt  }
0x47: {  	_ =	shalt  }
0x48: {  	_ =	shalt  }
0x49: {  	_ =	shalt  }
0x4a: {  	_ =	shalt  }
0x4b: {  	_ =	shalt  }
0x4c: {  	_ =	shalt  }
0x4d: {  	_ =	shalt  }
0x4e: {  	_ =	shalt  }
0x4f: {  	_ =	shalt  }
0x50: {  	_ =	shalt  }
0x51: {  	_ =	shalt  }
0x52: {  	_ =	shalt  }
0x53: {  	_ =	shalt  }
0x54: {  	_ =	shalt  }
0x55: {  	_ =	shalt  }
0x56: {  	_ =	shalt  }
0x57: {  	_ =	shalt  }
0x58: {  	_ =	shalt  }
0x59: {  	_ =	shalt  }
0x5a: {  	_ =	shalt  }
0x5b: {  	_ =	shalt  }
0x5c: {  	_ =	shalt  }
0x5d: {  	_ =	shalt  }
0x5e: {  	_ =	shalt  }
0x5f: {  	_ =	shalt  }
0x60: {  	_ =	shalt  }
0x61: {  	_ =	shalt  }
0x62: {  	_ =	shalt  }
0x63: {  	_ =	shalt  }
0x64: {  	_ =	shalt  }
0x65: {  	_ =	shalt  }
0x66: {  	_ =	shalt  }
0x67: {  	_ =	shalt  }
0x68: {  	_ =	shalt  }
0x69: {  	_ =	shalt  }
0x6a: {  	_ =	shalt  }
0x6b: {  	_ =	shalt  }
0x6c: {  	_ =	shalt  }
0x6d: {  	_ =	shalt  }
0x6e: {  	_ =	shalt  }
0x6f: {  	_ =	shalt  }
0x70: {  	_ =	shalt  }
0x71: {  	_ =	shalt  }
0x72: {  	_ =	shalt  }
0x73: {  	_ =	shalt  }
0x74: {  	_ =	shalt  }
0x75: {  	_ =	shalt  }
0x76: {  	_ =	shalt  }
0x77: {  	_ =	shalt  }
0x78: {  	_ =	shalt  }
0x79: {  	_ =	shalt  }
0x7a: {  	_ =	shalt  }
0x7b: {  	_ =	shalt  }
0x7c: {  	_ =	shalt  }
0x7d: {  	_ =	shalt  }
0x7e: {  	_ =	shalt  }
0x7f: {  	_ =	shalt  }
0x80: {  	_ =	shalt  }
0x81: {  	_ =	shalt  }
0x82: {  	_ =	shalt  }
0x83: {  	_ =	shalt  }
0x84: {  	_ =	shalt  }
0x85: {  	_ =	shalt  }
0x86: {  	_ =	shalt  }
0x87: {  	_ =	shalt  }
.Lfunc_end0:
.L_simem_size_0:
called_computation.1_lowered:
.L_overlay_start_0:
0x88: {  	s2 =	sld [smem:$0x3FD9]  }
0x89: {  	s3 =	sld [smem:$0x3FFE];
	_ =	sdelay $0x1  }
0x8a: {  	s1 =	srdreg.scid  }
0x8b: {  	s0 =	sand.u32 $0x1, s1  }
0x8c: {  	s17 =	sshll.u32 s0, $0xA;
	s2 =	sadd.s32 s3, s2  }
0x8d: {  	s2 =	sadd.s32 s2, s17  }
0x8e: {  	[smem:$0x3FBC] =	sst s2  }
0x8f: {  	_ = 	snop  }
0x90: {  	s18 =	sld [smem:$0x3FD0];
	(tm) =	ssettm $0x1  }
0x91: {  	s19 =	sld [smem:$0x3FFB];
	_ =	sdelay $0x3  }
0x92: {  	_ =	strace s19  }
0x93: {  	s2 =	sld [smem:$0x3FFC];
	_ =	sdelay $0x3  }
0x94: {  	_ =	strace s2  }
0x95: {  	s2 =	sld [smem:$0x3FFD];
	_ =	sdelay $0x3  }
0x96: {  	_ =	strace s2  }
0x97: {  	_ =	strace $0x8FFFFFFF  }
0x98: {  	s20 =	sld [smem:$0x3FDB];
	_ =	sdelay $0x1  }
0x99: {  	s4 =	simm.s32 $_scs_section_size  }
0x9a: {  	s5 =	simm.s32 $_size__tile_overlayer_lowered;
	s6 =	simm.s32 $_tile_overlayer_lowered  }
0x9b: {  	s7 =	simm.s32 $0x1BFF;
	s21 =	sshll.u32 s6, $0x1;
	s4 =	sadd.s32 s4, s20  }
0x9c: {  	s22 =	simm.s32 $0x0;
	s5 =	sshll.u32 s5, $0x1;
	s6 =	sadd.s32 s21, s4  }
0x9d: {  	[timem:s22], [sflag:s7] =	dma.local [hbm:s6], s5  }
0x9e: {  	_ =	swait.ge [sflag:s7], s5  }
0x9f: {  	s5 =	ssub.s32 $0x0, s5;
	[sflag:s7] =	ssyncset.done $0x0  }
0xa0: {  	[sflag:s7] =	ssyncadd.s32 s5;
	_ =	sdelay $0x1  }
0xa1: {  	s23 =	simm.s32 $0x1B8B  }
0xa2: {  	_ =	swait.ge [sflag:s23], $0x1  }
0xa3: {  	[sflag:s23] =	ssyncset.done $0x0  }
0xa4: {  	[sflag:s23] =	ssyncadd.s32 $0xFFFFFFFF  }
0xa5: {  	s5 =	sld [smem:$0x0]  }
0xa6: {  	s6 =	sand.u32 $0xFFFFFFFE, s1  }
0xa7: {  	p0 =	sne.s32 s1, s6  }
0xa8: {  	s6 =	sshll.u32 @p0 s6, $0xE  }
0xa9: {  	s6 =	sadd.s32 @p0 $0x11B8D, s6;
	s7 =	sshll.u32 @p0 s5, $0x11  }
0xaa: {  	s6 =	sor.u32 @p0 s7, s6  }
0xab: {  	[sflag:s6] =	ssyncadd.remote.s32 @p0 $0x1;
	_ =	sdelay $0x1  }
0xac: {  	s6 =	simm.s32 @p0 $0x1B8D  }
0xad: {  	_ =	swait.eq @p0 [sflag:s6], $0x1  }
0xae: {  	[sflag:s6] =	ssyncadd.s32 @p0 $0xFFFFFFFF  }
0xaf: {  	s7 =	sshll.u32 @!p0 s1, $0xE  }
0xb0: {  	s7 =	sor.u32 @!p0 $0x4000, s7;
	s6 =	simm.s32 @!p0 $0x1B8D  }
0xb1: {  	s5 =	sshll.u32 @!p0 s5, $0x11;
	s7 =	sadd.s32 @!p0 $0x11B8D, s7;
	_ =	swait.eq @!p0 [sflag:s6], $0x1  }
0xb2: {  	s5 =	sor.u32 @!p0 s5, s7;
	[sflag:s6] =	ssyncadd.s32 @!p0 $0xFFFFFFFF  }
0xb3: {  	s25 =	simm.s32 $0x1B8E;
	s24 =	sld [smem:$0x3FFE];
	[sflag:s5] =	ssyncadd.remote.s32 @!p0 $0x1  }
0xb4: {  	s26 =	simm.s32 $execute0_lowered;
	[smem:$0x3FD2] =	sst s25  }
0xb5: {  	s6 =	sshll.u32 s26, $0x1;
	_ =	strace $0x80000049;
	[dreg:$0x1] =	wrdreg $0xFFFFFFFF  }
0xb6: {  	s28 =	simm.s32 $_size_execute0_lowered;
	s4 =	sadd.s32 s4, s6;
	[dreg:$0x0] =	wrdreg $0x0  }
0xb7: {  	s6 =	sshll.u32 s28, $0x1;
	[dreg:$0x2] =	wrdreg s4  }
0xb8: {  	[dreg:$0x3] =	wrdreg s6  }
0xb9: {  	[dreg:$0x4] =	wrdreg $0xC0  }
0xba: {  	_ =	task [dreg:s22], $0x5FFFF  }
0xbb: {  	[dreg:$0x1] =	wrdreg $0xFFFFFFFF  }
0xbc: {  	[dreg:$0x0] =	wrdreg $0x60  }
0xbd: {  	[dreg:$0x2] =	wrdreg s18  }
0xbe: {  	[dreg:$0x3] =	wrdreg s24  }
0xbf: {  	[dreg:$0x4] =	wrdreg $0xC  }
0xc0: {  	_ =	task.clear_ibuf [dreg:s22], $0x5FFFF;
	_ =	strace $0x90000049  }
0xc1: {  	s29 =	simm.s32 $0xC;
	_ =	strace $0x8000004B  }
0xc2: {  	_ =	swait.ge [sflag:s29], $0x1  }
0xc3: {  	[sflag:s29] =	ssyncadd.s32 $0xFFFFFFFF  }
0xc4: {  	_ =	strace $0x9000004B  }
0xc5: {  	_ =	sfence  }
0xc6: {  	s30 =	sld [smem:$0x0];
	_ =	sdelay $0x2  }
0xc7: {  	s31 =	sshll.u32 s1, $0xD;
	s1 =	sshrl.u32 s1, $0x2  }
0xc8: {  	s4 =	sand.u32 $0x4000, s31;
	s1 =	sadd.s32 s1, s30  }
0xc9: {  	s0 =	sor.u32 s4, s0;
	s1 =	sshll.u32 s1, $0x11  }
0xca: {  	s0 =	sor.u32 s1, s0  }
0xcb: {  	s0 =	sadd.s32 $0x8F2B, s0  }
0xcc: {  	[sflag:s0] =	ssyncadd.remote.s32 $0x1  }
0xcd: {  	_ =	sfence.sel $0xFFFF  }
0xce: {  	[dreg:$0x0] =	wrdreg $0xFFFFFFFF;
	(pc) =	sbr.abs _section_cstart, $3  }
0xcf: {  	[dreg:$0x1] =	wrdreg $0xFFFFFFFF  }
0xd0: {  	_ =	task.clear_ibuf [dreg:s22], $0x2FFFF;
	_ =	strace $0x9FFFFFFF  }
0xd1: {  	(tm) =	ssettm $0x7FFFFFFF  }
tec
execute0_lowered:
.L_overlay_start_1:
0x0: {  	(tag) =	ssettag $0x1  }
0x1: {  	s1 =	rddreg [dreg:$0x0]  }
0x2: {  	s0 =	rddreg [dreg:$0x1];
	s2 =	simm.s32 $0x0;
	s3 =	srdreg.scid  }
0x3: {  	s16 =	stileid.u32;
	s17 =	simm.s32 $0x180;
	s18 =	simm.s32 $0x1  }
0x4: {  	s19 =	simm.s32 $0x200;
	s20 =	simm.s32 $0x4200;
	s21 =	simm.s32 $0x3  }
0x5: {  	s22 =	simm.s32 $0x2;
	s28 =	simm.s32 $0x6;
	s29 =	simm.s32 $0x0  }
0x6: {  	[smem:$0x7FF] =	sst s2;
	s3 =	sand.u32 $0x1, s3;
	s12 =	sadd.s32 $0x5E00, s0  }
0x7: {  	s14 =	sadd.s32 $0xFC00, s0;
	s5 =	sadd.s32 $0x479A00, s0;
	s13 =	sshll.u32 s16, $0xB  }
0x8: {  	_ =	strace $0x8000004A;
	s4 =	sshll.u32 s3, $0x4;
	s6 =	ssub.s32 $0x2, s3  }
0x9: {  	s30 =	sshll.u32 s3, $0xF;
	s3 =	sshll.u32 s3, $0x8;
	s10 =	sor.u32 s16, s4  }
0xa: {  	s4 =	sadd.s32 $0x299A00, s0;
	s7 =	sshrl.u32 s6, $0x1;
	s15 =	sadd.s32 s3, s12  }
0xb: {  	s16 =	sshll.u32 s16, $0x4;
	s31 =	sadd.s32 s3, s14;
	s8 =	sshll.u32 s10, $0x4  }
0xc: {  	s23 =	ssub.s32 s6, s7;
	s10 =	sshll.u32 s10, $0xB;
	s24 =	sor.u32 $0x2800, s8  }
0xd: {  	s9 =	sor.u32 $0x2A00, s8;
	s11 =	smax.u32 s23, $0x1;
	s23 =	simm.s32 $0x8200  }
.Ltmp0:
0xe: {  	s25 =	sadd.s32 s12, s24;
	s26 =	sadd.s32 s14, s24;
	(pc) =	sbr.rel .LBB2_1-.Ltmp0, $4  }
0xf: {  	s8 =	sadd.s32 s12, s9;
	s9 =	sadd.s32 s14, s9;
	s12 =	sor.u32 s13, s30  }
0x10: {  	s13 =	sadd.s32 s16, s15;
	s14 =	sadd.s32 s16, s31;
	s15 =	simm.s32 $0x80  }
0x11: {  	s16 =	simm.s32 $0x100;
	s24 =	simm.s32 $0xC200;
	[dreg:$0x3] =	wrdreg s25  }
0x12: {  	[dreg:$0x4] =	wrdreg s26;
	s25 =	simm.s32 $0x4;
	s26 =	simm.s32 $0x5  }
.LBB2_7:
0x13: {  	_ =	swait.ge [sflag:s26], $0x4000  }
0x14: {  	[sflag:s26] =	ssyncset.done $0x0  }
0x15: {  	[sflag:s26] =	ssyncadd.s32 $0xFFFFC000  }
0x16: {  	_ =	swait.ge [sflag:s26], $0x4000  }
0x17: {  	[sflag:s26] =	ssyncset.done $0x0  }
0x18: {  	s29 =	sadd.s32 $0x1, s29;
	[sflag:s26] =	ssyncadd.s32 $0xFFFFC000  }
0x19: {  	p0 =	sne.s32 s29, s11;
	_ =	swait.ge [sflag:s28], $0x4000  }
.Ltmp1:
0x1a: {  	[sflag:s28] =	ssyncset.done $0x0;
	(pc) =	sbr.rel @!p0 .LBB2_8-.Ltmp1, $4  }
0x1b: {  	[sflag:s28] =	ssyncadd.s32 $0xFFFFC000  }
0x1c: {  	_ =	swait.ge [sflag:s28], $0x4000  }
0x1d: {  	[sflag:s28] =	ssyncset.done $0x0  }
0x1e: {  	[sflag:s28] =	ssyncadd.s32 $0xFFFFC000  }
.LBB2_1:
0x1f: {  	s0 =	rddreg [dreg:$0x3]  }
0x20: {  	[tilespmem:s2], [sflag:$0x1] =	stream.linear.gather [hbm4b:s0+s2], $0x80, $0x38;
	[tilespmem:$0x10200] =	vst v63  }
0x21: {  	s7 =	rddreg [dreg:$0x4]  }
0x22: {  	[tilespmem:s15], [sflag:$0x1] =	stream.linear.gather [hbm4b:s7+s2], $0x80, $0x38;
	[tilespmem:$0x10200] =	vst v63  }
0x23: {  	_ = 	snop  }
0x24: {  	[tilespmem:s16], [sflag:$0x2] =	stream.linear.gather [hbm4b:s8+s2], $0x80, $0x38;
	[tilespmem:$0x10200] =	vst v63  }
0x25: {  	s30 =	simm.s32 $0x0;
	s31 =	smov.u32 s12;
	s0 =	simm.s32 $0x0  }
0x26: {  	[tilespmem:s17], [sflag:$0x2] =	stream.linear.gather [hbm4b:s9+s2], $0x80, $0x38;
	[tilespmem:$0x10200] =	vst v63  }
.LBB2_2:
0x27: {  	p0 =	seq.s32 s30, $0x0  }
0x28: {  	s3 =	simm.s32 @!p0 $0x5  }
0x29: {  	_ =	swait.ge @!p0 [sflag:s3], $0x4000  }
0x2a: {  	[sflag:s3] =	ssyncset.done @!p0 $0x0  }
0x2b: {  	[sflag:s3] =	ssyncadd.s32 @!p0 $0xFFFFC000  }
0x2c: {  	_ =	swait.ge @!p0 [sflag:s3], $0x4000  }
0x2d: {  	[sflag:s3] =	ssyncset.done @!p0 $0x0  }
0x2e: {  	[sflag:s3] =	ssyncadd.s32 @!p0 $0xFFFFC000  }
0x2f: {  	_ =	swait.ge [sflag:s18], $0x80  }
0x30: {  	[sflag:s18] =	ssyncset.done $0x0  }
0x31: {  	[sflag:s18] =	ssyncadd.s32 $0xFFFFFF80  }
0x32: {  	_ =	swait.ge [sflag:s18], $0x80  }
0x33: {  	[sflag:s18] =	ssyncset.done $0x0  }
0x34: {  	[sflag:s18] =	ssyncadd.s32 $0xFFFFFF80  }
0x35: {  	[tilespmem:s19], [sflag:$0x3] =	stream.indirect.gather [hbm4b:s1+s15], $0x80, s2, s15, $0xb8;
	[tilespmem:$0x10200] =	vst v63  }
0x36: {  	_ = 	snop  }
0x37: {  	[tilespmem:s20], [sflag:$0x3] =	stream.indirect.gather [hbm4b:s1+s15], $0x80, s15, s15, $0xb8;
	[tilespmem:$0x10200] =	vst v63  }
0x38: {  	_ =	swait.ge [sflag:s21], $0x4000  }
0x39: {  	[sflag:s21] =	ssyncset.done $0x0  }
0x3a: {  	[sflag:s21] =	ssyncadd.s32 $0xFFFFC000  }
0x3b: {  	_ =	swait.ge [sflag:s21], $0x4000  }
0x3c: {  	p0 =	seq.s32 s30, $0x3800;
	[sflag:s21] =	ssyncset.done $0x0  }
0x3d: {  	s6 =	sadd.s32 s31, s4;
	p1 =	seq.s32 @!p0 s30, $0x0;
	[sflag:s21] =	ssyncadd.s32 $0xFFFFC000  }
0x3e: {  	[hbm4b:s6+s2] =	stream.linear.scatter [tilespmem:s19], [sflag:$0x5], $0x4000, $0x38;
	[tilespmem:$0x10200] =	vst v63  }
0x3f: {  	s7 =	sadd.s32 s31, s5;
	s3 =	sadd.s32 @!p0 s30, s13;
	p1 =	por p0, !p1  }
0x40: {  	[hbm4b:s7+s2] =	stream.linear.scatter [tilespmem:s20], [sflag:$0x5], $0x4000, $0x38;
	[tilespmem:$0x10200] =	vst v63  }
.Ltmp2:
0x41: {  	s3 =	sadd.s32 @!p0 $0x2C00, s3;
	s6 =	simm.s32 @!p0 $0x0;
	(pc) =	sbr.rel @!p1 .LBB2_3-.Ltmp2, $4  }
0x42: {  	[tilespmem:s6], [sflag:$0x1] =	stream.linear.gather @!p0 [hbm4b:s3+s6], $0x80, $0x38;
	[tilespmem:$0x10200] =	vst v63  }
0x43: {  	s3 =	sadd.s32 @!p0 s30, s14  }
0x44: {  	s7 =	simm.s32 @!p0 $0x80;
	s3 =	sadd.s32 @!p0 $0x2C00, s3  }
0x45: {  	[tilespmem:s7], [sflag:$0x1] =	stream.linear.gather @!p0 [hbm4b:s3+s6], $0x80, $0x38;
	[tilespmem:$0x10200] =	vst v63  }
0x46: {  	_ =	swait.ge [sflag:s28], $0x4000  }
.Ltmp3:
0x47: {  	[sflag:s28] =	ssyncset.done $0x0;
	(pc) =	sbr.rel .LBB2_5-.Ltmp3, $4  }
0x48: {  	[sflag:s28] =	ssyncadd.s32 $0xFFFFC000  }
0x49: {  	_ =	swait.ge [sflag:s28], $0x4000  }
0x4a: {  	[sflag:s28] =	ssyncset.done $0x0  }
0x4b: {  	s3 =	sadd.s32 $0x10000, s31;
	[sflag:s28] =	ssyncadd.s32 $0xFFFFC000  }
.LBB2_3:
0x4c: {  	s3 =	sshll.u32 s0, $0x11  }
0x4d: {  	s3 =	sor.u32 s10, s3  }
0x4e: {  	s3 =	sor.u32 @!p0 $0x10000, s3  }
.LBB2_5:
0x4f: {  	_ =	swait.ge [sflag:s22], $0x80  }
0x50: {  	[sflag:s22] =	ssyncset.done $0x0  }
0x51: {  	[sflag:s22] =	ssyncadd.s32 $0xFFFFFF80  }
0x52: {  	_ =	swait.ge [sflag:s22], $0x80  }
0x53: {  	[sflag:s22] =	ssyncset.done $0x0  }
0x54: {  	[sflag:s22] =	ssyncadd.s32 $0xFFFFFF80  }
0x55: {  	[tilespmem:s23], [sflag:$0x4] =	stream.indirect.gather [hbm4b:s1+s15], $0x80, s16, s15, $0xb8;
	[tilespmem:$0x10200] =	vst v63  }
0x56: {  	_ = 	snop  }
0x57: {  	[tilespmem:s24], [sflag:$0x4] =	stream.indirect.gather [hbm4b:s1+s15], $0x80, s17, s15, $0xb8;
	[tilespmem:$0x10200] =	vst v63  }
0x58: {  	_ =	swait.ge [sflag:s25], $0x4000  }
0x59: {  	[sflag:s25] =	ssyncset.done $0x0  }
0x5a: {  	[sflag:s25] =	ssyncadd.s32 $0xFFFFC000  }
0x5b: {  	_ =	swait.ge [sflag:s25], $0x4000  }
.Ltmp4:
0x5c: {  	[sflag:s25] =	ssyncset.done $0x0;
	(pc) =	sbr.rel @p0 .LBB2_7-.Ltmp4, $4  }
0x5d: {  	s6 =	sadd.s32 s4, s3;
	[sflag:s25] =	ssyncadd.s32 $0xFFFFC000  }
0x5e: {  	[hbm4b:s6+s2] =	stream.linear.scatter [tilespmem:s23], [sflag:$0x6], $0x4000, $0x38;
	[tilespmem:$0x10200] =	vst v63  }
0x5f: {  	s7 =	sadd.s32 s5, s3  }
0x60: {  	[hbm4b:s7+s2] =	stream.linear.scatter [tilespmem:s24], [sflag:$0x6], $0x4000, $0x38;
	[tilespmem:$0x10200] =	vst v63  }
.Ltmp5:
0x61: {  	s3 =	sadd.s32 s30, s13;
	(pc) =	sbr.rel .LBB2_2-.Ltmp5, $4  }
0x62: {  	s7 =	sadd.s32 s30, s14;
	s0 =	sadd.s32 $0x1, s0;
	s3 =	sadd.s32 $0x2E00, s3  }
0x63: {  	[tilespmem:s16], [sflag:$0x2] =	stream.linear.gather [hbm4b:s3+s2], $0x80, $0x38;
	[tilespmem:$0x10200] =	vst v63  }
0x64: {  	s31 =	sadd.s32 $0x20000, s31;
	s30 =	sadd.s32 $0x400, s30;
	s3 =	sadd.s32 $0x2E00, s7  }
0x65: {  	[tilespmem:s17], [sflag:$0x2] =	stream.linear.gather [hbm4b:s3+s2], $0x80, $0x38;
	[tilespmem:$0x10200] =	vst v63  }
.LBB2_8:
0x66: {  	_ =	sfence.sel $0x180000  }
0x67: {  	[bflag:$0x0] =	sbarrier.arrive $0xFFFF  }
0x68: {  	_ =	strace $0x9000004A  }
0x69: {  	s0 =	stileid.u32;
	[bflag:$0x2] =	sbarrier.arrive $0xFFFF  }
0x6a: {  	p0 =	sne.s32 s0, $0x0;
	s0 =	rddreg [dreg:$0x2]  }
0x6b: {  	s0 =	sadd.s32 @!p0 $0x100000, s0  }
0x6c: {  	[sflag:s0] =	ssyncadd.tile.s32 @!p0 $0x1;
	_ =	shalt  }
.Lfunc_end2:
_tile_overlayer_lowered:
.L_overlay_start_2:
0x6d: {  	(tag) =	ssettag $0x2  }
0x6e: {  	s0 =	rddreg [dreg:$0x0];
	s2 =	stileid.u32  }
0x6f: {  	s1 =	rddreg [dreg:$0x1];
	p0 =	sne.s32 s2, $0x0  }
0x70: {  	s3 =	rddreg [dreg:$0x2];
	[bflag:$0x3] =	sbarrier.arrive $0xFFFF;
	s2 =	simm.s32 @!p0 $0x1C07  }
0x71: {  	[timem:s3], [sflag:s2] =	dma.local @!p0 [hbm:s0], s1  }
0x72: {  	s0 =	simm.s32 @!p0 $0x7  }
0x73: {  	_ =	swait.ge @!p0 [sflag:s0], s1  }
0x74: {  	s1 =	ssub.s32 @!p0 $0x0, s1;
	[sflag:s0] =	ssyncset.done @!p0 $0x0  }
0x75: {  	[sflag:s0] =	ssyncadd.s32 @!p0 s1  }
0x76: {  	[bflag:$0x3] =	sbarrier.arrive $0xFFFF  }
0x77: {  	_ =	shalt  }

// kernel: kernel.20.cloned.1.call-start
scs
__scs_entry_jumppad:
0x0: {  	(pc) =	sbr.rel $0x88, $3  }
0x1: {  	(tag) =	ssettag $0x0;
	lr =	simm.s32 $0x1  }
0x2: {  	[smem:$0x3F95] =	sst lr;
	_ =	strace $0xD0000000  }
0x3: {  	_ = 	snop  }
0x4: {  	_ = 	snop  }
0x5: {  	_ = 	snop  }
0x6: {  	_ = 	snop  }
0x7: {  	_ = 	snop  }
__scs_overlays_trampoline_lowered:
0x8: {  	[smem:$0x3FA4] =	sst s0  }
0x9: {  	[smem:$0x3FA5] =	sst s1  }
0xa: {  	[smem:$0x3FA6] =	sst s2  }
0xb: {  	[smem:$0x3FA7] =	sst s3  }
0xc: {  	[smem:$0x3FA8] =	sst s4  }
0xd: {  	[smem:$0x3FA9] =	sst s5  }
0xe: {  	[smem:$0x3FAA] =	sst s6  }
0xf: {  	[smem:$0x3FAB] =	sst s7  }
0x10: {  	[smem:$0x3FAC] =	sst s8  }
0x11: {  	[smem:$0x3FAD] =	sst s9;
	s0 =	simm.s32 @!p0 $0x0  }
0x12: {  	s1 =	sld [smem:$0x3F93];
	s0 =	simm.s32 @p0 $0x1  }
0x13: {  	[smem:$0x3FAE] =	sst s0;
	s0 =	simm.s32 @!p1 $0x0  }
0x14: {  	s2 =	sld [smem:$0x3F92];
	s0 =	simm.s32 @p1 $0x1  }
0x15: {  	[smem:$0x3FAF] =	sst s0;
	s0 =	simm.s32 @!p2 $0x0  }
0x16: {  	s3 =	sld [smem:$0x3FDB];
	s0 =	simm.s32 @p2 $0x1  }
0x17: {  	s4 =	simm.s32 $0x1BF5;
	[smem:$0x3FB1] =	sst s0  }
0x18: {  	s0 =	sld [smem:$0x3F94];
	_ =	swait.ge [sflag:s4], $0x0  }
0x19: {  	s7 =	sld [smem:$0x3F95]  }
0x1a: {  	s8 =	sadd.s32 $0xFFFFE003, lr  }
0x1b: {  	s9 =	sadd.s32 $0xFFFFFEF7, lr;
	s5 =	simm.s32 $0xFFFFFFFF;
	p2 =	slt.u32 s8, $0xFFFFF086  }
0x1c: {  	p1 =	slt.u32 s9, $0xF7A;
	s5 =	simm.s32 @!p2 $0x0  }
0x1d: {  	s5 =	simm.s32 @p1 $0x1;
	p0 =	seq.s32 s7, s2  }
0x1e: {  	s7 =	smul.u32 @!p0 $0xF7A, s2;
	p2 =	seq.s32 @!p0 s5, $0x0  }
0x1f: {  	s9 =	smul.u32 $0xF7A, s1;
	s8 =	simm.s32 @!p0 $0x1BF5;
	p2 =	por !p2, p0  }
0x20: {  	[sflag:s8] =	ssyncset.s32 @!p0 $0xFFFFF086;
	s6 =	sadd.s32 @!p0 s3, s7;
	s7 =	simm.s32 @!p0 $0x108  }
0x21: {  	s3 =	sadd.s32 s3, s9;
	s6 =	sadd.s32 @!p0 $0x88, s6;
	s7 =	simm.s32 @p2 $0x1082  }
0x22: {  	[simem:s7], [sflag:s8] =	dma.local @!p0 [hbm:s6], $0xF7A  }
0x23: {  	s9 =	sor.u32 $0xD0000000, s2;
	s6 =	simm.s32 $0x108;
	_ =	swait.ge @!p0 [sflag:s8], $0x0  }
0x24: {  	s3 =	sadd.s32 $0x88, s3;
	s6 =	simm.s32 @!p1 $0x1082;
	[sflag:s4] =	ssyncset.s32 $0xFFFFF086  }
0x25: {  	[simem:s6], [sflag:s4] =	dma.local [hbm:s3], $0xF7A  }
0x26: {  	[smem:$0x3F95] =	sst s1;
	(tag) =	ssettag s2;
	_ =	strace s9  }
0x27: {  	s1 =	sld [smem:$0x3FA5]  }
0x28: {  	s2 =	sld [smem:$0x3FA6]  }
0x29: {  	s4 =	sld [smem:$0x3FA8]  }
0x2a: {  	p0 =	seq.s32 s5, $0x0;
	s5 =	sld [smem:$0x3FA9]  }
0x2b: {  	s6 =	sld [smem:$0x3FAA]  }
0x2c: {  	s7 =	sld [smem:$0x3FAB]  }
0x2d: {  	s3 =	simm.s32 $0x108;
	s8 =	sld [smem:$0x3FAC]  }
0x2e: {  	s3 =	simm.s32 @!p0 $0x1082;
	s9 =	sld [smem:$0x3FAD]  }
0x2f: {  	lr =	sadd.s32 s0, s3;
	s0 =	sld [smem:$0x3FA4]  }
0x30: {  	s3 =	sld [smem:$0x3FA7]  }
0x31: {  	[smem:$0x3FB0] =	sst s10  }
0x32: {  	s10 =	sld [smem:$0x3FAE];
	_ =	sdelay $0x3  }
0x33: {  	p0 =	seq.s32 s10, $0x1;
	s10 =	sld [smem:$0x3FB0];
	_ =	sdelay $0x3  }
0x34: {  	[smem:$0x3FB0] =	sst s10  }
0x35: {  	s10 =	sld [smem:$0x3FAF];
	_ =	sdelay $0x3  }
0x36: {  	p1 =	seq.s32 s10, $0x1;
	s10 =	sld [smem:$0x3FB0];
	_ =	sdelay $0x3  }
0x37: {  	[smem:$0x3FB0] =	sst s10  }
0x38: {  	s10 =	sld [smem:$0x3FB1]  }
0x39: {  	_ = 	snop;
	(pc) =	sbr.ind lr, $3  }
0x3a: {  	_ = 	snop  }
0x3b: {  	_ = 	snop  }
0x3c: {  	p2 =	seq.s32 s10, $0x1;
	s10 =	sld [smem:$0x3FB0]  }
0x3d: {  	_ =	shalt  }
0x3e: {  	_ =	shalt  }
0x3f: {  	_ =	shalt  }
0x40: {  	_ =	shalt  }
0x41: {  	_ =	shalt  }
0x42: {  	_ =	shalt  }
0x43: {  	_ =	shalt  }
0x44: {  	_ =	shalt  }
0x45: {  	_ =	shalt  }
0x46: {  	_ =	shalt  }
0x47: {  	_ =	shalt  }
0x48: {  	_ =	shalt  }
0x49: {  	_ =	shalt  }
0x4a: {  	_ =	shalt  }
0x4b: {  	_ =	shalt  }
0x4c: {  	_ =	shalt  }
0x4d: {  	_ =	shalt  }
0x4e: {  	_ =	shalt  }
0x4f: {  	_ =	shalt  }
0x50: {  	_ =	shalt  }
0x51: {  	_ =	shalt  }
0x52: {  	_ =	shalt  }
0x53: {  	_ =	shalt  }
0x54: {  	_ =	shalt  }
0x55: {  	_ =	shalt  }
0x56: {  	_ =	shalt  }
0x57: {  	_ =	shalt  }
0x58: {  	_ =	shalt  }
0x59: {  	_ =	shalt  }
0x5a: {  	_ =	shalt  }
0x5b: {  	_ =	shalt  }
0x5c: {  	_ =	shalt  }
0x5d: {  	_ =	shalt  }
0x5e: {  	_ =	shalt  }
0x5f: {  	_ =	shalt  }
0x60: {  	_ =	shalt  }
0x61: {  	_ =	shalt  }
0x62: {  	_ =	shalt  }
0x63: {  	_ =	shalt  }
0x64: {  	_ =	shalt  }
0x65: {  	_ =	shalt  }
0x66: {  	_ =	shalt  }
0x67: {  	_ =	shalt  }
0x68: {  	_ =	shalt  }
0x69: {  	_ =	shalt  }
0x6a: {  	_ =	shalt  }
0x6b: {  	_ =	shalt  }
0x6c: {  	_ =	shalt  }
0x6d: {  	_ =	shalt  }
0x6e: {  	_ =	shalt  }
0x6f: {  	_ =	shalt  }
0x70: {  	_ =	shalt  }
0x71: {  	_ =	shalt  }
0x72: {  	_ =	shalt  }
0x73: {  	_ =	shalt  }
0x74: {  	_ =	shalt  }
0x75: {  	_ =	shalt  }
0x76: {  	_ =	shalt  }
0x77: {  	_ =	shalt  }
0x78: {  	_ =	shalt  }
0x79: {  	_ =	shalt  }
0x7a: {  	_ =	shalt  }
0x7b: {  	_ =	shalt  }
0x7c: {  	_ =	shalt  }
0x7d: {  	_ =	shalt  }
0x7e: {  	_ =	shalt  }
0x7f: {  	_ =	shalt  }
0x80: {  	_ =	shalt  }
0x81: {  	_ =	shalt  }
0x82: {  	_ =	shalt  }
0x83: {  	_ =	shalt  }
0x84: {  	_ =	shalt  }
0x85: {  	_ =	shalt  }
0x86: {  	_ =	shalt  }
0x87: {  	_ =	shalt  }
.Lfunc_end0:
.L_simem_size_0:
called_computation.2_lowered:
.L_overlay_start_0:
0x88: {  	s2 =	sld [smem:$0x3FD9]  }
0x89: {  	s3 =	sld [smem:$0x3FFE];
	_ =	sdelay $0x1  }
0x8a: {  	s1 =	srdreg.scid  }
0x8b: {  	s0 =	sand.u32 $0x1, s1  }
0x8c: {  	s17 =	sshll.u32 s0, $0xA;
	s2 =	sadd.s32 s3, s2  }
0x8d: {  	s2 =	sadd.s32 s2, s17  }
0x8e: {  	[smem:$0x3FBC] =	sst s2  }
0x8f: {  	_ = 	snop  }
0x90: {  	s18 =	sld [smem:$0x3FD0];
	(tm) =	ssettm $0x1  }
0x91: {  	s19 =	sld [smem:$0x3FFB];
	_ =	sdelay $0x3  }
0x92: {  	_ =	strace s19  }
0x93: {  	s2 =	sld [smem:$0x3FFC];
	_ =	sdelay $0x3  }
0x94: {  	_ =	strace s2  }
0x95: {  	s2 =	sld [smem:$0x3FFD];
	_ =	sdelay $0x3  }
0x96: {  	_ =	strace s2  }
0x97: {  	_ =	strace $0x8FFFFFFF  }
0x98: {  	s20 =	sld [smem:$0x3FDB];
	_ =	sdelay $0x1  }
0x99: {  	s4 =	simm.s32 $_scs_section_size  }
0x9a: {  	s5 =	simm.s32 $_size__tile_overlayer_lowered;
	s6 =	simm.s32 $_tile_overlayer_lowered  }
0x9b: {  	s7 =	simm.s32 $0x1BFF;
	s21 =	sshll.u32 s6, $0x1;
	s4 =	sadd.s32 s4, s20  }
0x9c: {  	s22 =	simm.s32 $0x0;
	s5 =	sshll.u32 s5, $0x1;
	s6 =	sadd.s32 s21, s4  }
0x9d: {  	[timem:s22], [sflag:s7] =	dma.local [hbm:s6], s5  }
0x9e: {  	_ =	swait.ge [sflag:s7], s5  }
0x9f: {  	s5 =	ssub.s32 $0x0, s5;
	[sflag:s7] =	ssyncset.done $0x0  }
0xa0: {  	[sflag:s7] =	ssyncadd.s32 s5;
	_ =	sdelay $0x1  }
0xa1: {  	s23 =	simm.s32 $0x1B8B  }
0xa2: {  	_ =	swait.ge [sflag:s23], $0x1  }
0xa3: {  	[sflag:s23] =	ssyncset.done $0x0  }
0xa4: {  	[sflag:s23] =	ssyncadd.s32 $0xFFFFFFFF  }
0xa5: {  	s5 =	sld [smem:$0x0]  }
0xa6: {  	s6 =	sand.u32 $0xFFFFFFFE, s1  }
0xa7: {  	p0 =	sne.s32 s1, s6  }
0xa8: {  	s6 =	sshll.u32 @p0 s6, $0xE  }
0xa9: {  	s6 =	sadd.s32 @p0 $0x11B8D, s6;
	s7 =	sshll.u32 @p0 s5, $0x11  }
0xaa: {  	s6 =	sor.u32 @p0 s7, s6  }
0xab: {  	[sflag:s6] =	ssyncadd.remote.s32 @p0 $0x1;
	_ =	sdelay $0x1  }
0xac: {  	s6 =	simm.s32 @p0 $0x1B8D  }
0xad: {  	_ =	swait.eq @p0 [sflag:s6], $0x1  }
0xae: {  	[sflag:s6] =	ssyncadd.s32 @p0 $0xFFFFFFFF  }
0xaf: {  	s7 =	sshll.u32 @!p0 s1, $0xE  }
0xb0: {  	s7 =	sor.u32 @!p0 $0x4000, s7;
	s6 =	simm.s32 @!p0 $0x1B8D  }
0xb1: {  	s5 =	sshll.u32 @!p0 s5, $0x11;
	s7 =	sadd.s32 @!p0 $0x11B8D, s7;
	_ =	swait.eq @!p0 [sflag:s6], $0x1  }
0xb2: {  	s5 =	sor.u32 @!p0 s5, s7;
	[sflag:s6] =	ssyncadd.s32 @!p0 $0xFFFFFFFF  }
0xb3: {  	s25 =	simm.s32 $0x1B8E;
	s24 =	sld [smem:$0x3FFE];
	[sflag:s5] =	ssyncadd.remote.s32 @!p0 $0x1  }
0xb4: {  	s26 =	simm.s32 $execute0_lowered;
	[smem:$0x3FD2] =	sst s25  }
0xb5: {  	s6 =	sshll.u32 s26, $0x1;
	_ =	strace $0x8000004C;
	[dreg:$0x1] =	wrdreg $0xFFFFFFFF  }
0xb6: {  	s28 =	simm.s32 $_size_execute0_lowered;
	s4 =	sadd.s32 s4, s6;
	[dreg:$0x0] =	wrdreg $0x0  }
0xb7: {  	s6 =	sshll.u32 s28, $0x1;
	[dreg:$0x2] =	wrdreg s4  }
0xb8: {  	[dreg:$0x3] =	wrdreg s6  }
0xb9: {  	[dreg:$0x4] =	wrdreg $0xC0  }
0xba: {  	_ =	task [dreg:s22], $0x5FFFF  }
0xbb: {  	[dreg:$0x1] =	wrdreg $0xFFFFFFFF  }
0xbc: {  	[dreg:$0x0] =	wrdreg $0x60  }
0xbd: {  	[dreg:$0x2] =	wrdreg s18  }
0xbe: {  	[dreg:$0x3] =	wrdreg s24  }
0xbf: {  	[dreg:$0x4] =	wrdreg $0xA  }
0xc0: {  	_ =	task.clear_ibuf [dreg:s22], $0x5FFFF;
	_ =	strace $0x9000004C  }
0xc1: {  	s29 =	simm.s32 $0xA;
	_ =	strace $0x8000004E  }
0xc2: {  	_ =	swait.ge [sflag:s29], $0x1  }
0xc3: {  	[sflag:s29] =	ssyncadd.s32 $0xFFFFFFFF  }
0xc4: {  	_ =	strace $0x9000004E  }
0xc5: {  	_ =	sfence  }
0xc6: {  	s30 =	sld [smem:$0x0];
	_ =	sdelay $0x2  }
0xc7: {  	s31 =	sshll.u32 s1, $0xD;
	s1 =	sshrl.u32 s1, $0x2  }
0xc8: {  	s4 =	sand.u32 $0x4000, s31;
	s1 =	sadd.s32 s1, s30  }
0xc9: {  	s0 =	sor.u32 s4, s0;
	s1 =	sshll.u32 s1, $0x11  }
0xca: {  	s0 =	sor.u32 s1, s0  }
0xcb: {  	s0 =	sadd.s32 $0x8F2B, s0  }
0xcc: {  	[sflag:s0] =	ssyncadd.remote.s32 $0x1  }
0xcd: {  	_ =	sfence.sel $0xFFFF  }
0xce: {  	[dreg:$0x0] =	wrdreg $0xFFFFFFFF;
	(pc) =	sbr.abs _section_cstart, $3  }
0xcf: {  	[dreg:$0x1] =	wrdreg $0xFFFFFFFF  }
0xd0: {  	_ =	task.clear_ibuf [dreg:s22], $0x2FFFF;
	_ =	strace $0x9FFFFFFF  }
0xd1: {  	(tm) =	ssettm $0x7FFFFFFF  }
tec
execute0_lowered:
.L_overlay_start_1:
0x0: {  	(tag) =	ssettag $0x1  }
0x1: {  	s1 =	rddreg [dreg:$0x0]  }
0x2: {  	s0 =	rddreg [dreg:$0x1];
	s2 =	srdreg.scid  }
0x3: {  	s3 =	simm.s32 $0x0;
	s13 =	stileid.u32;
	s28 =	simm.s32 $0x8200  }
0x4: {  	s29 =	simm.s32 $0xC200;
	s30 =	simm.s32 $0x4;
	s31 =	simm.s32 $0x5  }
0x5: {  	s2 =	sand.u32 $0x1, s2;
	[smem:$0x7FF] =	sst s3;
	s6 =	sadd.s32 $0x5E00, s0  }
0x6: {  	s7 =	sadd.s32 $0xFC00, s0;
	s5 =	sadd.s32 $0x81BA00, s0;
	s21 =	sshll.u32 s13, $0x4  }
0x7: {  	s16 =	sshll.u32 s13, $0xB;
	s4 =	sshll.u32 s2, $0x4;
	_ =	strace $0x8000004D  }
0x8: {  	s9 =	ssub.s32 $0x2, s2;
	s14 =	sor.u32 $0x1C0000, s16;
	s23 =	sor.u32 $0x9C00, s21  }
0x9: {  	s26 =	sshll.u32 s2, $0x8;
	s2 =	sshll.u32 s2, $0xF;
	s8 =	sor.u32 s13, s4  }
0xa: {  	s4 =	sadd.s32 $0x659A00, s0;
	s11 =	sshrl.u32 s9, $0x1;
	s24 =	sadd.s32 s6, s23  }
0xb: {  	s25 =	sadd.s32 s7, s23;
	s0 =	sadd.s32 s26, s7;
	s23 =	simm.s32 $0x200  }
0xc: {  	s10 =	sshll.u32 s8, $0x4;
	s18 =	ssub.s32 s9, s11;
	[dreg:$0x7] =	wrdreg s24  }
0xd: {  	[dreg:$0x8] =	wrdreg s25;
	s13 =	sadd.s32 s4, s14;
	s14 =	sadd.s32 s5, s14  }
0xe: {  	s24 =	simm.s32 $0x4200;
	p0 =	sgt.u32 s8, $0x3;
	s25 =	simm.s32 $0x3  }
0xf: {  	s12 =	sor.u32 $0x6400, s10;
	s10 =	sor.u32 $0x6600, s10;
	s15 =	smax.u32 s18, $0x1  }
0x10: {  	s18 =	sadd.s32 s21, s0;
	s0 =	simm.s32 $0x6;
	s19 =	sadd.s32 s6, s12  }
0x11: {  	s20 =	sadd.s32 s7, s12;
	s22 =	sadd.s32 s6, s10;
	[dreg:$0x3] =	wrdreg s19  }
.Ltmp0:
0x12: {  	s10 =	sadd.s32 s7, s10;
	[dreg:$0x4] =	wrdreg s20;
	(pc) =	sbr.rel .LBB2_1-.Ltmp0, $4  }
0x13: {  	s6 =	sadd.s32 s26, s6;
	s7 =	sor.u32 s16, s2;
	[dreg:$0x5] =	wrdreg s22  }
0x14: {  	s26 =	simm.s32 $0x2;
	s2 =	simm.s32 $0x0;
	[dreg:$0x6] =	wrdreg s10  }
0x15: {  	s10 =	sshll.u32 s8, $0xB;
	s17 =	sadd.s32 s21, s6;
	s19 =	simm.s32 $0x80  }
0x16: {  	s20 =	simm.s32 $0x100;
	s21 =	simm.s32 $0x180;
	s22 =	simm.s32 $0x1  }
.LBB2_7:
0x17: {  	_ =	swait.ge [sflag:s31], $0x4000  }
0x18: {  	[sflag:s31] =	ssyncset.done $0x0  }
0x19: {  	[sflag:s31] =	ssyncadd.s32 $0xFFFFC000  }
0x1a: {  	_ =	swait.ge [sflag:s31], $0x4000  }
0x1b: {  	[sflag:s31] =	ssyncset.done $0x0  }
0x1c: {  	[sflag:s31] =	ssyncadd.s32 $0xFFFFC000  }
0x1d: {  	_ =	swait.ge [sflag:s0], $0x4000  }
0x1e: {  	[sflag:s0] =	ssyncset.done $0x0  }
0x1f: {  	[sflag:s0] =	ssyncadd.s32 $0xFFFFC000  }
0x20: {  	_ =	swait.ge [sflag:s0], $0x4000  }
0x21: {  	[sflag:s0] =	ssyncset.done $0x0  }
0x22: {  	s6 =	simm.s32 @!p0 $0x0;
	s8 =	rddreg [dreg:$0x7];
	[sflag:s0] =	ssyncadd.s32 $0xFFFFC000  }
0x23: {  	[tilespmem:s6], [sflag:$0x7] =	stream.linear.gather @!p0 [hbm4b:s8+s6], $0x80, $0x38;
	[tilespmem:$0x10200] =	vst v63  }
0x24: {  	s8 =	simm.s32 @!p0 $0x7  }
0x25: {  	_ =	swait.ge @!p0 [sflag:s8], $0x80  }
0x26: {  	[sflag:s8] =	ssyncset.done @!p0 $0x0  }
0x27: {  	s9 =	simm.s32 @!p0 $0x80;
	s11 =	rddreg [dreg:$0x8];
	[sflag:s8] =	ssyncadd.s32 @!p0 $0xFFFFFF80  }
0x28: {  	[tilespmem:s9], [sflag:$0x7] =	stream.linear.gather @!p0 [hbm4b:s11+s6], $0x80, $0x38;
	[tilespmem:$0x10200] =	vst v63  }
0x29: {  	_ =	swait.ge @!p0 [sflag:s8], $0x80  }
0x2a: {  	[sflag:s8] =	ssyncset.done @!p0 $0x0  }
0x2b: {  	s11 =	simm.s32 @!p0 $0x200;
	[sflag:s8] =	ssyncadd.s32 @!p0 $0xFFFFFF80  }
0x2c: {  	[tilespmem:s11], [sflag:$0x3] =	stream.indirect.gather @!p0 [hbm4b:s1+s9], $0x80, s6, s9, $0xb8;
	[tilespmem:$0x10200] =	vst v63  }
0x2d: {  	s12 =	simm.s32 @!p0 $0x4200  }
0x2e: {  	[tilespmem:s12], [sflag:$0x3] =	stream.indirect.gather @!p0 [hbm4b:s1+s9], $0x80, s9, s9, $0xb8;
	[tilespmem:$0x10200] =	vst v63  }
0x2f: {  	s9 =	simm.s32 @!p0 $0x3  }
0x30: {  	_ =	swait.ge @!p0 [sflag:s9], $0x4000  }
0x31: {  	[sflag:s9] =	ssyncset.done @!p0 $0x0  }
0x32: {  	[sflag:s9] =	ssyncadd.s32 @!p0 $0xFFFFC000  }
0x33: {  	_ =	swait.ge @!p0 [sflag:s9], $0x4000  }
0x34: {  	[sflag:s9] =	ssyncset.done @!p0 $0x0  }
0x35: {  	[sflag:s9] =	ssyncadd.s32 @!p0 $0xFFFFC000  }
0x36: {  	[hbm4b:s13+s6] =	stream.linear.scatter @!p0 [tilespmem:s11], [sflag:$0x7], $0x4000, $0x38;
	[tilespmem:$0x10200] =	vst v63  }
0x37: {  	s2 =	sadd.s32 $0x1, s2;
	_ =	swait.ge @!p0 [sflag:s8], $0x4000  }
0x38: {  	p1 =	sne.s32 s2, s15;
	[sflag:s8] =	ssyncset.done @!p0 $0x0  }
.Ltmp1:
0x39: {  	[sflag:s8] =	ssyncadd.s32 @!p0 $0xFFFFC000;
	(pc) =	sbr.rel @!p1 .LBB2_8-.Ltmp1, $4  }
0x3a: {  	[hbm4b:s14+s6] =	stream.linear.scatter @!p0 [tilespmem:s12], [sflag:$0x7], $0x4000, $0x38;
	[tilespmem:$0x10200] =	vst v63  }
0x3b: {  	_ =	swait.ge @!p0 [sflag:s8], $0x4000  }
0x3c: {  	[sflag:s8] =	ssyncset.done @!p0 $0x0  }
0x3d: {  	[sflag:s8] =	ssyncadd.s32 @!p0 $0xFFFFC000  }
.LBB2_1:
0x3e: {  	s6 =	rddreg [dreg:$0x3]  }
0x3f: {  	[tilespmem:s3], [sflag:$0x1] =	stream.linear.gather [hbm4b:s6+s3], $0x80, $0x38;
	[tilespmem:$0x10200] =	vst v63  }
0x40: {  	s11 =	rddreg [dreg:$0x4]  }
0x41: {  	[tilespmem:s19], [sflag:$0x1] =	stream.linear.gather [hbm4b:s11+s3], $0x80, $0x38;
	[tilespmem:$0x10200] =	vst v63  }
0x42: {  	s12 =	rddreg [dreg:$0x5]  }
0x43: {  	[tilespmem:s20], [sflag:$0x2] =	stream.linear.gather [hbm4b:s12+s3], $0x80, $0x38;
	[tilespmem:$0x10200] =	vst v63  }
0x44: {  	s16 =	rddreg [dreg:$0x6]  }
0x45: {  	[tilespmem:s21], [sflag:$0x2] =	stream.linear.gather [hbm4b:s16+s3], $0x80, $0x38;
	[tilespmem:$0x10200] =	vst v63  }
0x46: {  	s8 =	simm.s32 $0x0;
	s6 =	simm.s32 $0x0;
	s16 =	smov.u32 s7  }
.LBB2_2:
0x47: {  	p1 =	seq.s32 s6, $0x0  }
0x48: {  	s9 =	simm.s32 @!p1 $0x5  }
0x49: {  	_ =	swait.ge @!p1 [sflag:s9], $0x4000  }
0x4a: {  	[sflag:s9] =	ssyncset.done @!p1 $0x0  }
0x4b: {  	[sflag:s9] =	ssyncadd.s32 @!p1 $0xFFFFC000  }
0x4c: {  	_ =	swait.ge @!p1 [sflag:s9], $0x4000  }
0x4d: {  	[sflag:s9] =	ssyncset.done @!p1 $0x0  }
0x4e: {  	[sflag:s9] =	ssyncadd.s32 @!p1 $0xFFFFC000  }
0x4f: {  	_ =	swait.ge [sflag:s22], $0x80  }
0x50: {  	[sflag:s22] =	ssyncset.done $0x0  }
0x51: {  	[sflag:s22] =	ssyncadd.s32 $0xFFFFFF80  }
0x52: {  	_ =	swait.ge [sflag:s22], $0x80  }
0x53: {  	[sflag:s22] =	ssyncset.done $0x0  }
0x54: {  	[sflag:s22] =	ssyncadd.s32 $0xFFFFFF80  }
0x55: {  	[tilespmem:s23], [sflag:$0x3] =	stream.indirect.gather [hbm4b:s1+s19], $0x80, s3, s19, $0xb8;
	[tilespmem:$0x10200] =	vst v63  }
0x56: {  	_ = 	snop  }
0x57: {  	[tilespmem:s24], [sflag:$0x3] =	stream.indirect.gather [hbm4b:s1+s19], $0x80, s19, s19, $0xb8;
	[tilespmem:$0x10200] =	vst v63  }
0x58: {  	_ =	swait.ge [sflag:s25], $0x4000  }
0x59: {  	[sflag:s25] =	ssyncset.done $0x0  }
0x5a: {  	[sflag:s25] =	ssyncadd.s32 $0xFFFFC000  }
0x5b: {  	_ =	swait.ge [sflag:s25], $0x4000  }
0x5c: {  	p1 =	seq.s32 s6, $0x3400;
	[sflag:s25] =	ssyncset.done $0x0  }
0x5d: {  	s11 =	sadd.s32 s16, s4;
	p2 =	seq.s32 @!p1 s6, $0x0;
	[sflag:s25] =	ssyncadd.s32 $0xFFFFC000  }
0x5e: {  	[hbm4b:s11+s3] =	stream.linear.scatter [tilespmem:s23], [sflag:$0x5], $0x4000, $0x38;
	[tilespmem:$0x10200] =	vst v63  }
0x5f: {  	s12 =	sadd.s32 s16, s5;
	s9 =	sadd.s32 @!p1 s6, s17;
	p2 =	por p1, !p2  }
0x60: {  	[hbm4b:s12+s3] =	stream.linear.scatter [tilespmem:s24], [sflag:$0x5], $0x4000, $0x38;
	[tilespmem:$0x10200] =	vst v63  }
.Ltmp2:
0x61: {  	s9 =	sadd.s32 @!p1 $0x6800, s9;
	s11 =	simm.s32 @!p1 $0x0;
	(pc) =	sbr.rel @!p2 .LBB2_3-.Ltmp2, $4  }
0x62: {  	[tilespmem:s11], [sflag:$0x1] =	stream.linear.gather @!p1 [hbm4b:s9+s11], $0x80, $0x38;
	[tilespmem:$0x10200] =	vst v63  }
0x63: {  	s9 =	sadd.s32 @!p1 s6, s18  }
0x64: {  	s12 =	simm.s32 @!p1 $0x80;
	s9 =	sadd.s32 @!p1 $0x6800, s9  }
0x65: {  	[tilespmem:s12], [sflag:$0x1] =	stream.linear.gather @!p1 [hbm4b:s9+s11], $0x80, $0x38;
	[tilespmem:$0x10200] =	vst v63  }
0x66: {  	_ =	swait.ge [sflag:s0], $0x4000  }
.Ltmp3:
0x67: {  	[sflag:s0] =	ssyncset.done $0x0;
	(pc) =	sbr.rel .LBB2_5-.Ltmp3, $4  }
0x68: {  	[sflag:s0] =	ssyncadd.s32 $0xFFFFC000  }
0x69: {  	_ =	swait.ge [sflag:s0], $0x4000  }
0x6a: {  	[sflag:s0] =	ssyncset.done $0x0  }
0x6b: {  	s9 =	sadd.s32 $0x10000, s16;
	[sflag:s0] =	ssyncadd.s32 $0xFFFFC000  }
.LBB2_3:
0x6c: {  	s9 =	sshll.u32 s8, $0x11  }
0x6d: {  	s9 =	sor.u32 s10, s9  }
0x6e: {  	s9 =	sor.u32 @!p1 $0x10000, s9  }
.LBB2_5:
0x6f: {  	_ =	swait.ge [sflag:s26], $0x80  }
0x70: {  	[sflag:s26] =	ssyncset.done $0x0  }
0x71: {  	[sflag:s26] =	ssyncadd.s32 $0xFFFFFF80  }
0x72: {  	_ =	swait.ge [sflag:s26], $0x80  }
0x73: {  	[sflag:s26] =	ssyncset.done $0x0  }
0x74: {  	[sflag:s26] =	ssyncadd.s32 $0xFFFFFF80  }
0x75: {  	[tilespmem:s28], [sflag:$0x4] =	stream.indirect.gather [hbm4b:s1+s19], $0x80, s20, s19, $0xb8;
	[tilespmem:$0x10200] =	vst v63  }
0x76: {  	_ = 	snop  }
0x77: {  	[tilespmem:s29], [sflag:$0x4] =	stream.indirect.gather [hbm4b:s1+s19], $0x80, s21, s19, $0xb8;
	[tilespmem:$0x10200] =	vst v63  }
0x78: {  	_ =	swait.ge [sflag:s30], $0x4000  }
0x79: {  	[sflag:s30] =	ssyncset.done $0x0  }
0x7a: {  	[sflag:s30] =	ssyncadd.s32 $0xFFFFC000  }
0x7b: {  	_ =	swait.ge [sflag:s30], $0x4000  }
.Ltmp4:
0x7c: {  	[sflag:s30] =	ssyncset.done $0x0;
	(pc) =	sbr.rel @p1 .LBB2_7-.Ltmp4, $4  }
0x7d: {  	s11 =	sadd.s32 s4, s9;
	[sflag:s30] =	ssyncadd.s32 $0xFFFFC000  }
0x7e: {  	[hbm4b:s11+s3] =	stream.linear.scatter [tilespmem:s28], [sflag:$0x6], $0x4000, $0x38;
	[tilespmem:$0x10200] =	vst v63  }
0x7f: {  	s12 =	sadd.s32 s5, s9  }
0x80: {  	[hbm4b:s12+s3] =	stream.linear.scatter [tilespmem:s29], [sflag:$0x6], $0x4000, $0x38;
	[tilespmem:$0x10200] =	vst v63  }
.Ltmp5:
0x81: {  	s9 =	sadd.s32 s6, s17;
	(pc) =	sbr.rel .LBB2_2-.Ltmp5, $4  }
0x82: {  	s12 =	sadd.s32 s6, s18;
	s8 =	sadd.s32 $0x1, s8;
	s9 =	sadd.s32 $0x6A00, s9  }
0x83: {  	[tilespmem:s20], [sflag:$0x2] =	stream.linear.gather [hbm4b:s9+s3], $0x80, $0x38;
	[tilespmem:$0x10200] =	vst v63  }
0x84: {  	s16 =	sadd.s32 $0x20000, s16;
	s6 =	sadd.s32 $0x400, s6;
	s9 =	sadd.s32 $0x6A00, s12  }
0x85: {  	[tilespmem:s21], [sflag:$0x2] =	stream.linear.gather [hbm4b:s9+s3], $0x80, $0x38;
	[tilespmem:$0x10200] =	vst v63  }
.LBB2_8:
0x86: {  	_ =	sfence.sel $0x180000  }
0x87: {  	[bflag:$0x0] =	sbarrier.arrive $0xFFFF  }
0x88: {  	_ =	strace $0x9000004D  }
0x89: {  	s0 =	stileid.u32;
	[bflag:$0x2] =	sbarrier.arrive $0xFFFF  }
0x8a: {  	p0 =	sne.s32 s0, $0x0;
	s0 =	rddreg [dreg:$0x2]  }
0x8b: {  	s0 =	sadd.s32 @!p0 $0x100000, s0  }
0x8c: {  	[sflag:s0] =	ssyncadd.tile.s32 @!p0 $0x1;
	_ =	shalt  }
.Lfunc_end2:
_tile_overlayer_lowered:
.L_overlay_start_2:
0x8d: {  	(tag) =	ssettag $0x2  }
0x8e: {  	s0 =	rddreg [dreg:$0x0];
	s2 =	stileid.u32  }
0x8f: {  	s1 =	rddreg [dreg:$0x1];
	p0 =	sne.s32 s2, $0x0  }
0x90: {  	s3 =	rddreg [dreg:$0x2];
	[bflag:$0x3] =	sbarrier.arrive $0xFFFF;
	s2 =	simm.s32 @!p0 $0x1C07  }
0x91: {  	[timem:s3], [sflag:s2] =	dma.local @!p0 [hbm:s0], s1  }
0x92: {  	s0 =	simm.s32 @!p0 $0x7  }
0x93: {  	_ =	swait.ge @!p0 [sflag:s0], s1  }
0x94: {  	s1 =	ssub.s32 @!p0 $0x0, s1;
	[sflag:s0] =	ssyncset.done @!p0 $0x0  }
0x95: {  	[sflag:s0] =	ssyncadd.s32 @!p0 s1  }
0x96: {  	[bflag:$0x3] =	sbarrier.arrive $0xFFFF  }
0x97: {  	_ =	shalt  }

// kernel: kernel.23.cloned.1.call-start
scs
__scs_entry_jumppad:
0x0: {  	(pc) =	sbr.rel $0x88, $3  }
0x1: {  	(tag) =	ssettag $0x0;
	lr =	simm.s32 $0x1  }
0x2: {  	[smem:$0x3F95] =	sst lr;
	_ =	strace $0xD0000000  }
0x3: {  	_ = 	snop  }
0x4: {  	_ = 	snop  }
0x5: {  	_ = 	snop  }
0x6: {  	_ = 	snop  }
0x7: {  	_ = 	snop  }
__scs_overlays_trampoline_lowered:
0x8: {  	[smem:$0x3FA4] =	sst s0  }
0x9: {  	[smem:$0x3FA5] =	sst s1  }
0xa: {  	[smem:$0x3FA6] =	sst s2  }
0xb: {  	[smem:$0x3FA7] =	sst s3  }
0xc: {  	[smem:$0x3FA8] =	sst s4  }
0xd: {  	[smem:$0x3FA9] =	sst s5  }
0xe: {  	[smem:$0x3FAA] =	sst s6  }
0xf: {  	[smem:$0x3FAB] =	sst s7  }
0x10: {  	[smem:$0x3FAC] =	sst s8  }
0x11: {  	[smem:$0x3FAD] =	sst s9;
	s0 =	simm.s32 @!p0 $0x0  }
0x12: {  	s1 =	sld [smem:$0x3F93];
	s0 =	simm.s32 @p0 $0x1  }
0x13: {  	[smem:$0x3FAE] =	sst s0;
	s0 =	simm.s32 @!p1 $0x0  }
0x14: {  	s2 =	sld [smem:$0x3F92];
	s0 =	simm.s32 @p1 $0x1  }
0x15: {  	[smem:$0x3FAF] =	sst s0;
	s0 =	simm.s32 @!p2 $0x0  }
0x16: {  	s3 =	sld [smem:$0x3FDB];
	s0 =	simm.s32 @p2 $0x1  }
0x17: {  	s4 =	simm.s32 $0x1BF5;
	[smem:$0x3FB1] =	sst s0  }
0x18: {  	s0 =	sld [smem:$0x3F94];
	_ =	swait.ge [sflag:s4], $0x0  }
0x19: {  	s7 =	sld [smem:$0x3F95]  }
0x1a: {  	s8 =	sadd.s32 $0xFFFFE003, lr  }
0x1b: {  	s9 =	sadd.s32 $0xFFFFFEF7, lr;
	s5 =	simm.s32 $0xFFFFFFFF;
	p2 =	slt.u32 s8, $0xFFFFF086  }
0x1c: {  	p1 =	slt.u32 s9, $0xF7A;
	s5 =	simm.s32 @!p2 $0x0  }
0x1d: {  	s5 =	simm.s32 @p1 $0x1;
	p0 =	seq.s32 s7, s2  }
0x1e: {  	s7 =	smul.u32 @!p0 $0xF7A, s2;
	p2 =	seq.s32 @!p0 s5, $0x0  }
0x1f: {  	s9 =	smul.u32 $0xF7A, s1;
	s8 =	simm.s32 @!p0 $0x1BF5;
	p2 =	por !p2, p0  }
0x20: {  	[sflag:s8] =	ssyncset.s32 @!p0 $0xFFFFF086;
	s6 =	sadd.s32 @!p0 s3, s7;
	s7 =	simm.s32 @!p0 $0x108  }
0x21: {  	s3 =	sadd.s32 s3, s9;
	s6 =	sadd.s32 @!p0 $0x88, s6;
	s7 =	simm.s32 @p2 $0x1082  }
0x22: {  	[simem:s7], [sflag:s8] =	dma.local @!p0 [hbm:s6], $0xF7A  }
0x23: {  	s9 =	sor.u32 $0xD0000000, s2;
	s6 =	simm.s32 $0x108;
	_ =	swait.ge @!p0 [sflag:s8], $0x0  }
0x24: {  	s3 =	sadd.s32 $0x88, s3;
	s6 =	simm.s32 @!p1 $0x1082;
	[sflag:s4] =	ssyncset.s32 $0xFFFFF086  }
0x25: {  	[simem:s6], [sflag:s4] =	dma.local [hbm:s3], $0xF7A  }
0x26: {  	[smem:$0x3F95] =	sst s1;
	(tag) =	ssettag s2;
	_ =	strace s9  }
0x27: {  	s1 =	sld [smem:$0x3FA5]  }
0x28: {  	s2 =	sld [smem:$0x3FA6]  }
0x29: {  	s4 =	sld [smem:$0x3FA8]  }
0x2a: {  	p0 =	seq.s32 s5, $0x0;
	s5 =	sld [smem:$0x3FA9]  }
0x2b: {  	s6 =	sld [smem:$0x3FAA]  }
0x2c: {  	s7 =	sld [smem:$0x3FAB]  }
0x2d: {  	s3 =	simm.s32 $0x108;
	s8 =	sld [smem:$0x3FAC]  }
0x2e: {  	s3 =	simm.s32 @!p0 $0x1082;
	s9 =	sld [smem:$0x3FAD]  }
0x2f: {  	lr =	sadd.s32 s0, s3;
	s0 =	sld [smem:$0x3FA4]  }
0x30: {  	s3 =	sld [smem:$0x3FA7]  }
0x31: {  	[smem:$0x3FB0] =	sst s10  }
0x32: {  	s10 =	sld [smem:$0x3FAE];
	_ =	sdelay $0x3  }
0x33: {  	p0 =	seq.s32 s10, $0x1;
	s10 =	sld [smem:$0x3FB0];
	_ =	sdelay $0x3  }
0x34: {  	[smem:$0x3FB0] =	sst s10  }
0x35: {  	s10 =	sld [smem:$0x3FAF];
	_ =	sdelay $0x3  }
0x36: {  	p1 =	seq.s32 s10, $0x1;
	s10 =	sld [smem:$0x3FB0];
	_ =	sdelay $0x3  }
0x37: {  	[smem:$0x3FB0] =	sst s10  }
0x38: {  	s10 =	sld [smem:$0x3FB1]  }
0x39: {  	_ = 	snop;
	(pc) =	sbr.ind lr, $3  }
0x3a: {  	_ = 	snop  }
0x3b: {  	_ = 	snop  }
0x3c: {  	p2 =	seq.s32 s10, $0x1;
	s10 =	sld [smem:$0x3FB0]  }
0x3d: {  	_ =	shalt  }
0x3e: {  	_ =	shalt  }
0x3f: {  	_ =	shalt  }
0x40: {  	_ =	shalt  }
0x41: {  	_ =	shalt  }
0x42: {  	_ =	shalt  }
0x43: {  	_ =	shalt  }
0x44: {  	_ =	shalt  }
0x45: {  	_ =	shalt  }
0x46: {  	_ =	shalt  }
0x47: {  	_ =	shalt  }
0x48: {  	_ =	shalt  }
0x49: {  	_ =	shalt  }
0x4a: {  	_ =	shalt  }
0x4b: {  	_ =	shalt  }
0x4c: {  	_ =	shalt  }
0x4d: {  	_ =	shalt  }
0x4e: {  	_ =	shalt  }
0x4f: {  	_ =	shalt  }
0x50: {  	_ =	shalt  }
0x51: {  	_ =	shalt  }
0x52: {  	_ =	shalt  }
0x53: {  	_ =	shalt  }
0x54: {  	_ =	shalt  }
0x55: {  	_ =	shalt  }
0x56: {  	_ =	shalt  }
0x57: {  	_ =	shalt  }
0x58: {  	_ =	shalt  }
0x59: {  	_ =	shalt  }
0x5a: {  	_ =	shalt  }
0x5b: {  	_ =	shalt  }
0x5c: {  	_ =	shalt  }
0x5d: {  	_ =	shalt  }
0x5e: {  	_ =	shalt  }
0x5f: {  	_ =	shalt  }
0x60: {  	_ =	shalt  }
0x61: {  	_ =	shalt  }
0x62: {  	_ =	shalt  }
0x63: {  	_ =	shalt  }
0x64: {  	_ =	shalt  }
0x65: {  	_ =	shalt  }
0x66: {  	_ =	shalt  }
0x67: {  	_ =	shalt  }
0x68: {  	_ =	shalt  }
0x69: {  	_ =	shalt  }
0x6a: {  	_ =	shalt  }
0x6b: {  	_ =	shalt  }
0x6c: {  	_ =	shalt  }
0x6d: {  	_ =	shalt  }
0x6e: {  	_ =	shalt  }
0x6f: {  	_ =	shalt  }
0x70: {  	_ =	shalt  }
0x71: {  	_ =	shalt  }
0x72: {  	_ =	shalt  }
0x73: {  	_ =	shalt  }
0x74: {  	_ =	shalt  }
0x75: {  	_ =	shalt  }
0x76: {  	_ =	shalt  }
0x77: {  	_ =	shalt  }
0x78: {  	_ =	shalt  }
0x79: {  	_ =	shalt  }
0x7a: {  	_ =	shalt  }
0x7b: {  	_ =	shalt  }
0x7c: {  	_ =	shalt  }
0x7d: {  	_ =	shalt  }
0x7e: {  	_ =	shalt  }
0x7f: {  	_ =	shalt  }
0x80: {  	_ =	shalt  }
0x81: {  	_ =	shalt  }
0x82: {  	_ =	shalt  }
0x83: {  	_ =	shalt  }
0x84: {  	_ =	shalt  }
0x85: {  	_ =	shalt  }
0x86: {  	_ =	shalt  }
0x87: {  	_ =	shalt  }
.Lfunc_end0:
.L_simem_size_0:
called_computation.3_lowered:
.L_overlay_start_0:
0x88: {  	s2 =	sld [smem:$0x3FD9]  }
0x89: {  	s3 =	sld [smem:$0x3FFE];
	_ =	sdelay $0x1  }
0x8a: {  	s1 =	srdreg.scid  }
0x8b: {  	s0 =	sand.u32 $0x1, s1  }
0x8c: {  	s17 =	sshll.u32 s0, $0xA;
	s2 =	sadd.s32 s3, s2  }
0x8d: {  	s2 =	sadd.s32 s2, s17  }
0x8e: {  	[smem:$0x3FBC] =	sst s2  }
0x8f: {  	_ = 	snop  }
0x90: {  	(tm) =	ssettm $0x1  }
0x91: {  	s18 =	sld [smem:$0x3FFB];
	_ =	sdelay $0x3  }
0x92: {  	_ =	strace s18  }
0x93: {  	s2 =	sld [smem:$0x3FFC];
	_ =	sdelay $0x3  }
0x94: {  	_ =	strace s2  }
0x95: {  	s2 =	sld [smem:$0x3FFD];
	_ =	sdelay $0x3  }
0x96: {  	_ =	strace s2  }
0x97: {  	_ =	strace $0x8FFFFFFF  }
0x98: {  	s19 =	sld [smem:$0x3FDB];
	_ =	sdelay $0x1  }
0x99: {  	s20 =	simm.s32 $_scs_section_size  }
0x9a: {  	s4 =	simm.s32 $_size__tile_overlayer_lowered;
	s5 =	simm.s32 $_tile_overlayer_lowered  }
0x9b: {  	s6 =	simm.s32 $0x1BFF;
	s21 =	sshll.u32 s5, $0x1;
	s3 =	sadd.s32 s20, s19  }
0x9c: {  	s22 =	simm.s32 $0x0;
	s4 =	sshll.u32 s4, $0x1;
	s5 =	sadd.s32 s21, s3  }
0x9d: {  	[timem:s22], [sflag:s6] =	dma.local [hbm:s5], s4  }
0x9e: {  	_ =	swait.ge [sflag:s6], s4  }
0x9f: {  	s4 =	ssub.s32 $0x0, s4;
	[sflag:s6] =	ssyncset.done $0x0  }
0xa0: {  	[sflag:s6] =	ssyncadd.s32 s4;
	_ =	sdelay $0x1  }
0xa1: {  	s23 =	simm.s32 $0x1B8B  }
0xa2: {  	_ =	swait.ge [sflag:s23], $0x1  }
0xa3: {  	[sflag:s23] =	ssyncset.done $0x0  }
0xa4: {  	[sflag:s23] =	ssyncadd.s32 $0xFFFFFFFF  }
0xa5: {  	s4 =	sld [smem:$0x0]  }
0xa6: {  	s5 =	sand.u32 $0xFFFFFFFE, s1  }
0xa7: {  	p0 =	sne.s32 s1, s5  }
0xa8: {  	s5 =	sshll.u32 @p0 s5, $0xE  }
0xa9: {  	s5 =	sadd.s32 @p0 $0x11B8D, s5;
	s6 =	sshll.u32 @p0 s4, $0x11  }
0xaa: {  	s5 =	sor.u32 @p0 s6, s5  }
0xab: {  	[sflag:s5] =	ssyncadd.remote.s32 @p0 $0x1;
	_ =	sdelay $0x1  }
0xac: {  	s5 =	simm.s32 @p0 $0x1B8D  }
0xad: {  	_ =	swait.eq @p0 [sflag:s5], $0x1  }
0xae: {  	[sflag:s5] =	ssyncadd.s32 @p0 $0xFFFFFFFF  }
0xaf: {  	s6 =	sshll.u32 @!p0 s1, $0xE  }
0xb0: {  	s6 =	sor.u32 @!p0 $0x4000, s6;
	s5 =	simm.s32 @!p0 $0x1B8D  }
0xb1: {  	s4 =	sshll.u32 @!p0 s4, $0x11;
	s6 =	sadd.s32 @!p0 $0x11B8D, s6;
	_ =	swait.eq @!p0 [sflag:s5], $0x1  }
0xb2: {  	s4 =	sor.u32 @!p0 s4, s6;
	[sflag:s5] =	ssyncadd.s32 @!p0 $0xFFFFFFFF  }
0xb3: {  	s25 =	simm.s32 $0x1B8E;
	s24 =	sld [smem:$0x3FFE];
	[sflag:s4] =	ssyncadd.remote.s32 @!p0 $0x1  }
0xb4: {  	s26 =	simm.s32 $execute0_lowered;
	[smem:$0x3FD2] =	sst s25  }
0xb5: {  	s5 =	sshll.u32 s26, $0x1;
	_ =	strace $0x80000052;
	[dreg:$0x1] =	wrdreg $0xFFFFFFFF  }
0xb6: {  	s28 =	simm.s32 $_size_execute0_lowered;
	s3 =	sadd.s32 s3, s5;
	[dreg:$0x0] =	wrdreg $0x0  }
0xb7: {  	s5 =	sshll.u32 s28, $0x1;
	[dreg:$0x2] =	wrdreg s3  }
0xb8: {  	[dreg:$0x3] =	wrdreg s5  }
0xb9: {  	[dreg:$0x4] =	wrdreg $0xC0  }
0xba: {  	_ =	task [dreg:s22], $0x5FFFF  }
0xbb: {  	[dreg:$0x1] =	wrdreg $0xFFFFFFFF  }
0xbc: {  	[dreg:$0x0] =	wrdreg $0x60  }
0xbd: {  	[dreg:$0x2] =	wrdreg s24  }
0xbe: {  	[dreg:$0x3] =	wrdreg $0x81000  }
0xbf: {  	[dreg:$0x4] =	wrdreg $0xB  }
0xc0: {  	_ =	task.clear_ibuf [dreg:s22], $0x5FFFF;
	_ =	strace $0x90000052  }
0xc1: {  	s29 =	simm.s32 $0xB;
	_ =	strace $0x80000054  }
0xc2: {  	_ =	swait.ge [sflag:s29], $0x1  }
0xc3: {  	[sflag:s29] =	ssyncadd.s32 $0xFFFFFFFF  }
0xc4: {  	_ =	strace $0x90000054  }
0xc5: {  	_ =	sfence  }
0xc6: {  	s30 =	sld [smem:$0x0];
	_ =	sdelay $0x2  }
0xc7: {  	s31 =	sshll.u32 s1, $0xD;
	s1 =	sshrl.u32 s1, $0x2  }
0xc8: {  	s4 =	sand.u32 $0x4000, s31;
	s1 =	sadd.s32 s1, s30  }
0xc9: {  	s0 =	sor.u32 s4, s0;
	s1 =	sshll.u32 s1, $0x11  }
0xca: {  	s0 =	sor.u32 s1, s0  }
0xcb: {  	s0 =	sadd.s32 $0x8F2B, s0  }
0xcc: {  	[sflag:s0] =	ssyncadd.remote.s32 $0x1  }
0xcd: {  	_ =	sfence.sel $0xFFFF  }
0xce: {  	[dreg:$0x0] =	wrdreg $0xFFFFFFFF;
	(pc) =	sbr.abs _section_cstart, $3  }
0xcf: {  	[dreg:$0x1] =	wrdreg $0xFFFFFFFF  }
0xd0: {  	_ =	task.clear_ibuf [dreg:s22], $0x2FFFF;
	_ =	strace $0x9FFFFFFF  }
0xd1: {  	(tm) =	ssettm $0x7FFFFFFF  }
tec
execute0_lowered:
.L_overlay_start_1:
0x0: {  	(tag) =	ssettag $0x1  }
0x1: {  	s5 =	rddreg [dreg:$0x0]  }
0x2: {  	s1 =	rddreg [dreg:$0x1]  }
0x3: {  	s0 =	rddreg [dreg:$0x2];
	s2 =	simm.s32 $0x0;
	s4 =	srdreg.scid  }
0x4: {  	s3 =	stileid.u32;
	s19 =	simm.s32 $0x80;
	s20 =	simm.s32 $0x4100  }
0x5: {  	s21 =	simm.s32 $0x2;
	[smem:$0x7FF] =	sst s2;
	s13 =	sand.u32 $0x1, s4  }
0x6: {  	s6 =	smul.u32 $0x2800, s3;
	s14 =	sadd.s32 $0xA56200, s5;
	s15 =	sadd.s32 $0xFC00, s5  }
0x7: {  	s4 =	sadd.s32 $0x9DDA00, s5;
	s10 =	smul.u32 $0x50000, s3;
	s17 =	sshll.u32 s3, $0x7  }
0x8: {  	s18 =	sshll.u32 s3, $0xB;
	p0 =	sne.s32 s3, $0x0;
	_ =	strace $0x80000053  }
0x9: {  	s7 =	smul.u32 $0x28000, s13;
	s22 =	sshll.u32 s13, $0x4;
	s23 =	ssub.s32 $0x2, s13  }
0xa: {  	s31 =	sshll.u32 s13, $0xB;
	s13 =	sshll.u32 s13, $0xF;
	s24 =	sshrl.u32 s23, $0x1  }
0xb: {  	s26 =	sshrl.u32 s10, $0x2;
	s6 =	sadd.s32 s6, s7;
	s7 =	sor.u32 s3, s22  }
0xc: {  	s11 =	ssub.s32 s23, s24;
	s24 =	sadd.s32 s26, s1;
	s22 =	simm.s32 $0x3  }
0xd: {  	s23 =	simm.s32 $0x4;
	s26 =	simm.s32 $0x0;
	s8 =	sadd.s32 s6, s5  }
0xe: {  	s9 =	sshll.u32 s7, $0x4;
	s25 =	sshll.u32 s7, $0xB;
	s7 =	sshll.u32 s7, $0x7  }
0xf: {  	s24 =	sshrl.u32 s24, $0x3;
	s5 =	sadd.s32 s15, s9;
	s6 =	sadd.s32 s14, s25  }
0x10: {  	s12 =	sor.u32 $0x2000, s7;
	s28 =	sor.u32 $0x1000, s7;
	s7 =	sadd.s32 $0x19E00, s8  }
0x11: {  	s8 =	smax.u32 s11, $0x1;
	s25 =	simm.s32 $0x5;
	s29 =	sshrl.u32 s28, $0x3  }
0x12: {  	s16 =	sshll.u32 s28, $0x4;
	s30 =	sshrl.u32 s12, $0x3;
	s12 =	sshll.u32 s12, $0x4  }
0x13: {  	s9 =	sadd.s32 s15, s29;
	s10 =	sadd.s32 s14, s16;
	s16 =	sor.u32 s17, s31  }
.Ltmp0:
0x14: {  	s12 =	sadd.s32 s14, s12;
	s14 =	sadd.s32 s13, s14;
	(pc) =	sbr.rel .LBB2_1-.Ltmp0, $4  }
0x15: {  	s11 =	sadd.s32 s15, s30;
	s17 =	sor.u32 $0x3000, s16;
	s14 =	sadd.s32 s18, s14  }
0x16: {  	s16 =	sor.u32 $0x4000, s16;
	s18 =	simm.s32 $0x1;
	s17 =	sshrl.u32 s17, $0x3  }
0x17: {  	s14 =	sadd.s32 $0x30000, s14;
	s16 =	sshrl.u32 s16, $0x3;
	s13 =	sadd.s32 s17, s15  }
0x18: {  	s15 =	sadd.s32 s16, s15;
	s16 =	sshrl.u32 @!p0 s1, $0x3;
	s17 =	simm.s32 $0x100  }
.LBB2_4:
0x19: {  	_ =	swait.ge [sflag:s23], $0x4000  }
0x1a: {  	s26 =	sadd.s32 $0x1, s26;
	[sflag:s23] =	ssyncset.done $0x0  }
0x1b: {  	s28 =	sshll.u32 s3, $0x6;
	p1 =	sne.s32 s26, s8;
	[sflag:s23] =	ssyncadd.s32 $0xFFFFC000  }
.Ltmp1:
0x1c: {  	s28 =	sor.u32 $0x1C05, s28;
	[bflag:$0x0] =	sbarrier.arrive $0xFFFF;
	(pc) =	sbr.rel @!p1 .LBB2_5-.Ltmp1, $4  }
0x1d: {  	[hbm:s7], [sflag:s28] =	dma.local [spmem:s24], $0x2800  }
0x1e: {  	_ =	swait.ge [sflag:s25], $0x2800  }
0x1f: {  	[sflag:s25] =	ssyncset.done $0x0  }
0x20: {  	[sflag:s25] =	ssyncadd.s32 $0xFFFFD800  }
.LBB2_1:
0x21: {  	s28 =	simm.s32 @!p0 $0x1C05  }
0x22: {  	[spmem:s16], [sflag:s28] =	dma.local @!p0 [hbm:s4], $0x28000  }
0x23: {  	s28 =	simm.s32 @!p0 $0x5  }
0x24: {  	_ =	swait.ge @!p0 [sflag:s28], $0x28000  }
0x25: {  	[sflag:s28] =	ssyncset.done @!p0 $0x0  }
0x26: {  	[sflag:s28] =	ssyncadd.s32 @!p0 $0xFFFD8000  }
0x27: {  	[bflag:$0x0] =	sbarrier.arrive $0xFFFF  }
0x28: {  	[tilespmem:s2], [sflag:$0x1] =	stream.linear.gather [hbm4b:s5+s2], $0x80, $0x38;
	[tilespmem:$0x1C100] =	vst v63  }
0x29: {  	_ = 	snop  }
0x2a: {  	[tilespmem:s17], [sflag:$0x1] =	stream.linear.gather [hbm4b:s6+s2], $0x4000, $0x38;
	[tilespmem:$0x1C100] =	vst v63  }
0x2b: {  	_ =	swait.ge [sflag:s18], $0x80  }
0x2c: {  	[sflag:s18] =	ssyncset.done $0x0  }
0x2d: {  	[sflag:s18] =	ssyncadd.s32 $0xFFFFFF80  }
0x2e: {  	_ =	swait.ge [sflag:s18], $0x4000  }
0x2f: {  	[sflag:s18] =	ssyncset.done $0x0  }
0x30: {  	[sflag:s18] =	ssyncadd.s32 $0xFFFFC000  }
0x31: {  	[spmem:s1] =	stream.indirect.scatter.add.f32 [tilespmem:s17], [sflag:$0x3], $0x80, s2, s19, $0xb8;
	[tilespmem:$0x1C100] =	vst v63  }
0x32: {  	_ = 	snop  }
0x33: {  	[tilespmem:s19], [sflag:$0x2] =	stream.linear.gather [hbm4b:s9+s2], $0x80, $0x38;
	[tilespmem:$0x1C100] =	vst v63  }
0x34: {  	_ = 	snop  }
0x35: {  	[tilespmem:s20], [sflag:$0x2] =	stream.linear.gather [hbm4b:s10+s2], $0x4000, $0x38;
	[tilespmem:$0x1C100] =	vst v63  }
0x36: {  	_ =	swait.ge [sflag:s21], $0x80  }
0x37: {  	[sflag:s21] =	ssyncset.done $0x0  }
0x38: {  	[sflag:s21] =	ssyncadd.s32 $0xFFFFFF80  }
0x39: {  	_ =	swait.ge [sflag:s21], $0x4000  }
0x3a: {  	[sflag:s21] =	ssyncset.done $0x0  }
0x3b: {  	[sflag:s21] =	ssyncadd.s32 $0xFFFFC000  }
0x3c: {  	[spmem:s1] =	stream.indirect.scatter.add.f32 [tilespmem:s20], [sflag:$0x4], $0x80, s19, s19, $0xb8;
	[tilespmem:$0x1C100] =	vst v63  }
0x3d: {  	_ =	swait.ge [sflag:s22], $0x4000  }
0x3e: {  	[sflag:s22] =	ssyncset.done $0x0  }
0x3f: {  	[sflag:s22] =	ssyncadd.s32 $0xFFFFC000  }
0x40: {  	[tilespmem:s2], [sflag:$0x1] =	stream.linear.gather [hbm4b:s11+s2], $0x80, $0x38;
	[tilespmem:$0x1C100] =	vst v63  }
0x41: {  	s29 =	simm.s32 $0x0;
	s28 =	smov.u32 s14  }
0x42: {  	[tilespmem:s17], [sflag:$0x1] =	stream.linear.gather [hbm4b:s12+s2], $0x4000, $0x38;
	[tilespmem:$0x1C100] =	vst v63  }
.LBB2_2:
0x43: {  	_ =	swait.ge [sflag:s18], $0x80  }
0x44: {  	[sflag:s18] =	ssyncset.done $0x0  }
0x45: {  	[sflag:s18] =	ssyncadd.s32 $0xFFFFFF80  }
0x46: {  	_ =	swait.ge [sflag:s18], $0x4000  }
0x47: {  	[sflag:s18] =	ssyncset.done $0x0  }
0x48: {  	[sflag:s18] =	ssyncadd.s32 $0xFFFFC000  }
0x49: {  	[spmem:s1] =	stream.indirect.scatter.add.f32 [tilespmem:s17], [sflag:$0x3], $0x80, s2, s19, $0xb8;
	[tilespmem:$0x1C100] =	vst v63  }
0x4a: {  	_ =	swait.ge [sflag:s23], $0x4000  }
0x4b: {  	[sflag:s23] =	ssyncset.done $0x0  }
0x4c: {  	s30 =	sadd.s32 s29, s13;
	[sflag:s23] =	ssyncadd.s32 $0xFFFFC000  }
0x4d: {  	[tilespmem:s19], [sflag:$0x2] =	stream.linear.gather [hbm4b:s30+s2], $0x80, $0x38;
	[tilespmem:$0x1C100] =	vst v63  }
0x4e: {  	_ = 	snop  }
0x4f: {  	[tilespmem:s20], [sflag:$0x2] =	stream.linear.gather [hbm4b:s28+s2], $0x4000, $0x38;
	[tilespmem:$0x1C100] =	vst v63  }
0x50: {  	_ =	swait.ge [sflag:s21], $0x80  }
0x51: {  	[sflag:s21] =	ssyncset.done $0x0  }
0x52: {  	[sflag:s21] =	ssyncadd.s32 $0xFFFFFF80  }
0x53: {  	_ =	swait.ge [sflag:s21], $0x4000  }
0x54: {  	p1 =	seq.s32 s29, $0x2000;
	[sflag:s21] =	ssyncset.done $0x0  }
.Ltmp2:
0x55: {  	[sflag:s21] =	ssyncadd.s32 $0xFFFFC000;
	(pc) =	sbr.rel @p1 .LBB2_4-.Ltmp2, $4  }
0x56: {  	[spmem:s1] =	stream.indirect.scatter.add.f32 [tilespmem:s20], [sflag:$0x4], $0x80, s19, s19, $0xb8;
	[tilespmem:$0x1C100] =	vst v63  }
0x57: {  	_ =	swait.ge [sflag:s22], $0x4000  }
0x58: {  	[sflag:s22] =	ssyncset.done $0x0  }
0x59: {  	[sflag:s22] =	ssyncadd.s32 $0xFFFFC000  }
.Ltmp3:
0x5a: {  	(pc) =	sbr.rel .LBB2_2-.Ltmp3, $4  }
0x5b: {  	s30 =	sadd.s32 s29, s15  }
0x5c: {  	[tilespmem:s2], [sflag:$0x1] =	stream.linear.gather [hbm4b:s30+s2], $0x80, $0x38;
	[tilespmem:$0x1C100] =	vst v63  }
0x5d: {  	s31 =	sadd.s32 $0x10000, s28;
	s29 =	sadd.s32 $0x400, s29;
	s28 =	sadd.s32 $0x20000, s28  }
0x5e: {  	[tilespmem:s17], [sflag:$0x1] =	stream.linear.gather [hbm4b:s31+s2], $0x4000, $0x38;
	[tilespmem:$0x1C100] =	vst v63  }
.LBB2_5:
0x5f: {  	_ =	sfence.sel $0x180000  }
0x60: {  	[bflag:$0x0] =	sbarrier.arrive $0xFFFF  }
0x61: {  	_ =	strace $0x90000053  }
0x62: {  	s0 =	sadd.s32 @!p0 $0x100000, s0;
	[bflag:$0x2] =	sbarrier.arrive $0xFFFF  }
0x63: {  	[sflag:s0] =	ssyncadd.tile.s32 @!p0 $0x1;
	_ =	shalt  }
.Lfunc_end2:
_tile_overlayer_lowered:
.L_overlay_start_2:
0x64: {  	(tag) =	ssettag $0x2  }
0x65: {  	s0 =	rddreg [dreg:$0x0];
	s2 =	stileid.u32  }
0x66: {  	s1 =	rddreg [dreg:$0x1];
	p0 =	sne.s32 s2, $0x0  }
0x67: {  	s3 =	rddreg [dreg:$0x2];
	[bflag:$0x3] =	sbarrier.arrive $0xFFFF;
	s2 =	simm.s32 @!p0 $0x1C05  }
0x68: {  	[timem:s3], [sflag:s2] =	dma.local @!p0 [hbm:s0], s1  }
0x69: {  	s0 =	simm.s32 @!p0 $0x5  }
0x6a: {  	_ =	swait.ge @!p0 [sflag:s0], s1  }
0x6b: {  	s1 =	ssub.s32 @!p0 $0x0, s1;
	[sflag:s0] =	ssyncset.done @!p0 $0x0  }
0x6c: {  	[sflag:s0] =	ssyncadd.s32 @!p0 s1  }
0x6d: {  	[bflag:$0x3] =	sbarrier.arrive $0xFFFF  }
0x6e: {  	_ =	shalt  }

// kernel: kernel.26.cloned.1.call-start
scs
__scs_entry_jumppad:
0x0: {  	(pc) =	sbr.rel $0x88, $3  }
0x1: {  	(tag) =	ssettag $0x0;
	lr =	simm.s32 $0x1  }
0x2: {  	[smem:$0x3F95] =	sst lr;
	_ =	strace $0xD0000000  }
0x3: {  	_ = 	snop  }
0x4: {  	_ = 	snop  }
0x5: {  	_ = 	snop  }
0x6: {  	_ = 	snop  }
0x7: {  	_ = 	snop  }
__scs_overlays_trampoline_lowered:
0x8: {  	[smem:$0x3FA4] =	sst s0  }
0x9: {  	[smem:$0x3FA5] =	sst s1  }
0xa: {  	[smem:$0x3FA6] =	sst s2  }
0xb: {  	[smem:$0x3FA7] =	sst s3  }
0xc: {  	[smem:$0x3FA8] =	sst s4  }
0xd: {  	[smem:$0x3FA9] =	sst s5  }
0xe: {  	[smem:$0x3FAA] =	sst s6  }
0xf: {  	[smem:$0x3FAB] =	sst s7  }
0x10: {  	[smem:$0x3FAC] =	sst s8  }
0x11: {  	[smem:$0x3FAD] =	sst s9;
	s0 =	simm.s32 @!p0 $0x0  }
0x12: {  	s1 =	sld [smem:$0x3F93];
	s0 =	simm.s32 @p0 $0x1  }
0x13: {  	[smem:$0x3FAE] =	sst s0;
	s0 =	simm.s32 @!p1 $0x0  }
0x14: {  	s2 =	sld [smem:$0x3F92];
	s0 =	simm.s32 @p1 $0x1  }
0x15: {  	[smem:$0x3FAF] =	sst s0;
	s0 =	simm.s32 @!p2 $0x0  }
0x16: {  	s3 =	sld [smem:$0x3FDB];
	s0 =	simm.s32 @p2 $0x1  }
0x17: {  	s4 =	simm.s32 $0x1BF5;
	[smem:$0x3FB1] =	sst s0  }
0x18: {  	s0 =	sld [smem:$0x3F94];
	_ =	swait.ge [sflag:s4], $0x0  }
0x19: {  	s7 =	sld [smem:$0x3F95]  }
0x1a: {  	s8 =	sadd.s32 $0xFFFFE003, lr  }
0x1b: {  	s9 =	sadd.s32 $0xFFFFFEF7, lr;
	s5 =	simm.s32 $0xFFFFFFFF;
	p2 =	slt.u32 s8, $0xFFFFF086  }
0x1c: {  	p1 =	slt.u32 s9, $0xF7A;
	s5 =	simm.s32 @!p2 $0x0  }
0x1d: {  	s5 =	simm.s32 @p1 $0x1;
	p0 =	seq.s32 s7, s2  }
0x1e: {  	s7 =	smul.u32 @!p0 $0xF7A, s2;
	p2 =	seq.s32 @!p0 s5, $0x0  }
0x1f: {  	s9 =	smul.u32 $0xF7A, s1;
	s8 =	simm.s32 @!p0 $0x1BF5;
	p2 =	por !p2, p0  }
0x20: {  	[sflag:s8] =	ssyncset.s32 @!p0 $0xFFFFF086;
	s6 =	sadd.s32 @!p0 s3, s7;
	s7 =	simm.s32 @!p0 $0x108  }
0x21: {  	s3 =	sadd.s32 s3, s9;
	s6 =	sadd.s32 @!p0 $0x88, s6;
	s7 =	simm.s32 @p2 $0x1082  }
0x22: {  	[simem:s7], [sflag:s8] =	dma.local @!p0 [hbm:s6], $0xF7A  }
0x23: {  	s9 =	sor.u32 $0xD0000000, s2;
	s6 =	simm.s32 $0x108;
	_ =	swait.ge @!p0 [sflag:s8], $0x0  }
0x24: {  	s3 =	sadd.s32 $0x88, s3;
	s6 =	simm.s32 @!p1 $0x1082;
	[sflag:s4] =	ssyncset.s32 $0xFFFFF086  }
0x25: {  	[simem:s6], [sflag:s4] =	dma.local [hbm:s3], $0xF7A  }
0x26: {  	[smem:$0x3F95] =	sst s1;
	(tag) =	ssettag s2;
	_ =	strace s9  }
0x27: {  	s1 =	sld [smem:$0x3FA5]  }
0x28: {  	s2 =	sld [smem:$0x3FA6]  }
0x29: {  	s4 =	sld [smem:$0x3FA8]  }
0x2a: {  	p0 =	seq.s32 s5, $0x0;
	s5 =	sld [smem:$0x3FA9]  }
0x2b: {  	s6 =	sld [smem:$0x3FAA]  }
0x2c: {  	s7 =	sld [smem:$0x3FAB]  }
0x2d: {  	s3 =	simm.s32 $0x108;
	s8 =	sld [smem:$0x3FAC]  }
0x2e: {  	s3 =	simm.s32 @!p0 $0x1082;
	s9 =	sld [smem:$0x3FAD]  }
0x2f: {  	lr =	sadd.s32 s0, s3;
	s0 =	sld [smem:$0x3FA4]  }
0x30: {  	s3 =	sld [smem:$0x3FA7]  }
0x31: {  	[smem:$0x3FB0] =	sst s10  }
0x32: {  	s10 =	sld [smem:$0x3FAE];
	_ =	sdelay $0x3  }
0x33: {  	p0 =	seq.s32 s10, $0x1;
	s10 =	sld [smem:$0x3FB0];
	_ =	sdelay $0x3  }
0x34: {  	[smem:$0x3FB0] =	sst s10  }
0x35: {  	s10 =	sld [smem:$0x3FAF];
	_ =	sdelay $0x3  }
0x36: {  	p1 =	seq.s32 s10, $0x1;
	s10 =	sld [smem:$0x3FB0];
	_ =	sdelay $0x3  }
0x37: {  	[smem:$0x3FB0] =	sst s10  }
0x38: {  	s10 =	sld [smem:$0x3FB1]  }
0x39: {  	_ = 	snop;
	(pc) =	sbr.ind lr, $3  }
0x3a: {  	_ = 	snop  }
0x3b: {  	_ = 	snop  }
0x3c: {  	p2 =	seq.s32 s10, $0x1;
	s10 =	sld [smem:$0x3FB0]  }
0x3d: {  	_ =	shalt  }
0x3e: {  	_ =	shalt  }
0x3f: {  	_ =	shalt  }
0x40: {  	_ =	shalt  }
0x41: {  	_ =	shalt  }
0x42: {  	_ =	shalt  }
0x43: {  	_ =	shalt  }
0x44: {  	_ =	shalt  }
0x45: {  	_ =	shalt  }
0x46: {  	_ =	shalt  }
0x47: {  	_ =	shalt  }
0x48: {  	_ =	shalt  }
0x49: {  	_ =	shalt  }
0x4a: {  	_ =	shalt  }
0x4b: {  	_ =	shalt  }
0x4c: {  	_ =	shalt  }
0x4d: {  	_ =	shalt  }
0x4e: {  	_ =	shalt  }
0x4f: {  	_ =	shalt  }
0x50: {  	_ =	shalt  }
0x51: {  	_ =	shalt  }
0x52: {  	_ =	shalt  }
0x53: {  	_ =	shalt  }
0x54: {  	_ =	shalt  }
0x55: {  	_ =	shalt  }
0x56: {  	_ =	shalt  }
0x57: {  	_ =	shalt  }
0x58: {  	_ =	shalt  }
0x59: {  	_ =	shalt  }
0x5a: {  	_ =	shalt  }
0x5b: {  	_ =	shalt  }
0x5c: {  	_ =	shalt  }
0x5d: {  	_ =	shalt  }
0x5e: {  	_ =	shalt  }
0x5f: {  	_ =	shalt  }
0x60: {  	_ =	shalt  }
0x61: {  	_ =	shalt  }
0x62: {  	_ =	shalt  }
0x63: {  	_ =	shalt  }
0x64: {  	_ =	shalt  }
0x65: {  	_ =	shalt  }
0x66: {  	_ =	shalt  }
0x67: {  	_ =	shalt  }
0x68: {  	_ =	shalt  }
0x69: {  	_ =	shalt  }
0x6a: {  	_ =	shalt  }
0x6b: {  	_ =	shalt  }
0x6c: {  	_ =	shalt  }
0x6d: {  	_ =	shalt  }
0x6e: {  	_ =	shalt  }
0x6f: {  	_ =	shalt  }
0x70: {  	_ =	shalt  }
0x71: {  	_ =	shalt  }
0x72: {  	_ =	shalt  }
0x73: {  	_ =	shalt  }
0x74: {  	_ =	shalt  }
0x75: {  	_ =	shalt  }
0x76: {  	_ =	shalt  }
0x77: {  	_ =	shalt  }
0x78: {  	_ =	shalt  }
0x79: {  	_ =	shalt  }
0x7a: {  	_ =	shalt  }
0x7b: {  	_ =	shalt  }
0x7c: {  	_ =	shalt  }
0x7d: {  	_ =	shalt  }
0x7e: {  	_ =	shalt  }
0x7f: {  	_ =	shalt  }
0x80: {  	_ =	shalt  }
0x81: {  	_ =	shalt  }
0x82: {  	_ =	shalt  }
0x83: {  	_ =	shalt  }
0x84: {  	_ =	shalt  }
0x85: {  	_ =	shalt  }
0x86: {  	_ =	shalt  }
0x87: {  	_ =	shalt  }
.Lfunc_end0:
.L_simem_size_0:
called_computation.4_lowered:
.L_overlay_start_0:
0x88: {  	s2 =	sld [smem:$0x3FD9]  }
0x89: {  	s3 =	sld [smem:$0x3FFE];
	_ =	sdelay $0x1  }
0x8a: {  	s1 =	srdreg.scid  }
0x8b: {  	s0 =	sand.u32 $0x1, s1  }
0x8c: {  	s17 =	sshll.u32 s0, $0xA;
	s2 =	sadd.s32 s3, s2  }
0x8d: {  	s2 =	sadd.s32 s2, s17  }
0x8e: {  	[smem:$0x3FBC] =	sst s2  }
0x8f: {  	_ = 	snop  }
0x90: {  	(tm) =	ssettm $0x1  }
0x91: {  	s18 =	sld [smem:$0x3FFB];
	_ =	sdelay $0x3  }
0x92: {  	_ =	strace s18  }
0x93: {  	s2 =	sld [smem:$0x3FFC];
	_ =	sdelay $0x3  }
0x94: {  	_ =	strace s2  }
0x95: {  	s2 =	sld [smem:$0x3FFD];
	_ =	sdelay $0x3  }
0x96: {  	_ =	strace s2  }
0x97: {  	_ =	strace $0x8FFFFFFF  }
0x98: {  	s19 =	sld [smem:$0x3FDB];
	_ =	sdelay $0x1  }
0x99: {  	s20 =	simm.s32 $_scs_section_size  }
0x9a: {  	s4 =	simm.s32 $_size__tile_overlayer_lowered;
	s5 =	simm.s32 $_tile_overlayer_lowered  }
0x9b: {  	s6 =	simm.s32 $0x1BFF;
	s21 =	sshll.u32 s5, $0x1;
	s3 =	sadd.s32 s20, s19  }
0x9c: {  	s22 =	simm.s32 $0x0;
	s4 =	sshll.u32 s4, $0x1;
	s5 =	sadd.s32 s21, s3  }
0x9d: {  	[timem:s22], [sflag:s6] =	dma.local [hbm:s5], s4  }
0x9e: {  	_ =	swait.ge [sflag:s6], s4  }
0x9f: {  	s4 =	ssub.s32 $0x0, s4;
	[sflag:s6] =	ssyncset.done $0x0  }
0xa0: {  	[sflag:s6] =	ssyncadd.s32 s4;
	_ =	sdelay $0x1  }
0xa1: {  	s23 =	simm.s32 $0x1B8B  }
0xa2: {  	_ =	swait.ge [sflag:s23], $0x1  }
0xa3: {  	[sflag:s23] =	ssyncset.done $0x0  }
0xa4: {  	[sflag:s23] =	ssyncadd.s32 $0xFFFFFFFF  }
0xa5: {  	s4 =	sld [smem:$0x0]  }
0xa6: {  	s5 =	sand.u32 $0xFFFFFFFE, s1  }
0xa7: {  	p0 =	sne.s32 s1, s5  }
0xa8: {  	s5 =	sshll.u32 @p0 s5, $0xE  }
0xa9: {  	s5 =	sadd.s32 @p0 $0x11B8D, s5;
	s6 =	sshll.u32 @p0 s4, $0x11  }
0xaa: {  	s5 =	sor.u32 @p0 s6, s5  }
0xab: {  	[sflag:s5] =	ssyncadd.remote.s32 @p0 $0x1;
	_ =	sdelay $0x1  }
0xac: {  	s5 =	simm.s32 @p0 $0x1B8D  }
0xad: {  	_ =	swait.eq @p0 [sflag:s5], $0x1  }
0xae: {  	[sflag:s5] =	ssyncadd.s32 @p0 $0xFFFFFFFF  }
0xaf: {  	s6 =	sshll.u32 @!p0 s1, $0xE  }
0xb0: {  	s6 =	sor.u32 @!p0 $0x4000, s6;
	s5 =	simm.s32 @!p0 $0x1B8D  }
0xb1: {  	s4 =	sshll.u32 @!p0 s4, $0x11;
	s6 =	sadd.s32 @!p0 $0x11B8D, s6;
	_ =	swait.eq @!p0 [sflag:s5], $0x1  }
0xb2: {  	s4 =	sor.u32 @!p0 s4, s6;
	[sflag:s5] =	ssyncadd.s32 @!p0 $0xFFFFFFFF  }
0xb3: {  	s25 =	simm.s32 $0x1B8E;
	s24 =	sld [smem:$0x3FFE];
	[sflag:s4] =	ssyncadd.remote.s32 @!p0 $0x1  }
0xb4: {  	s26 =	simm.s32 $execute0_lowered;
	[smem:$0x3FD2] =	sst s25  }
0xb5: {  	s5 =	sshll.u32 s26, $0x1;
	_ =	strace $0x8000004F;
	[dreg:$0x1] =	wrdreg $0xFFFFFFFF  }
0xb6: {  	s28 =	simm.s32 $_size_execute0_lowered;
	s3 =	sadd.s32 s3, s5;
	[dreg:$0x0] =	wrdreg $0x0  }
0xb7: {  	s5 =	sshll.u32 s28, $0x1;
	[dreg:$0x2] =	wrdreg s3  }
0xb8: {  	[dreg:$0x3] =	wrdreg s5  }
0xb9: {  	[dreg:$0x4] =	wrdreg $0xC0  }
0xba: {  	_ =	task [dreg:s22], $0x5FFFF  }
0xbb: {  	[dreg:$0x1] =	wrdreg $0xFFFFFFFF  }
0xbc: {  	[dreg:$0x0] =	wrdreg $0x60  }
0xbd: {  	[dreg:$0x2] =	wrdreg s24  }
0xbe: {  	[dreg:$0x3] =	wrdreg $0x41000  }
0xbf: {  	[dreg:$0x4] =	wrdreg $0x9  }
0xc0: {  	_ =	task.clear_ibuf [dreg:s22], $0x5FFFF;
	_ =	strace $0x9000004F  }
0xc1: {  	s29 =	simm.s32 $0x9;
	_ =	strace $0x80000051  }
0xc2: {  	_ =	swait.ge [sflag:s29], $0x1  }
0xc3: {  	[sflag:s29] =	ssyncadd.s32 $0xFFFFFFFF  }
0xc4: {  	_ =	strace $0x90000051  }
0xc5: {  	_ =	sfence  }
0xc6: {  	s30 =	sld [smem:$0x0];
	_ =	sdelay $0x2  }
0xc7: {  	s31 =	sshll.u32 s1, $0xD;
	s1 =	sshrl.u32 s1, $0x2  }
0xc8: {  	s4 =	sand.u32 $0x4000, s31;
	s1 =	sadd.s32 s1, s30  }
0xc9: {  	s0 =	sor.u32 s4, s0;
	s1 =	sshll.u32 s1, $0x11  }
0xca: {  	s0 =	sor.u32 s1, s0  }
0xcb: {  	s0 =	sadd.s32 $0x8F2B, s0  }
0xcc: {  	[sflag:s0] =	ssyncadd.remote.s32 $0x1  }
0xcd: {  	_ =	sfence.sel $0xFFFF  }
0xce: {  	[dreg:$0x0] =	wrdreg $0xFFFFFFFF;
	(pc) =	sbr.abs _section_cstart, $3  }
0xcf: {  	[dreg:$0x1] =	wrdreg $0xFFFFFFFF  }
0xd0: {  	_ =	task.clear_ibuf [dreg:s22], $0x2FFFF;
	_ =	strace $0x9FFFFFFF  }
0xd1: {  	(tm) =	ssettm $0x7FFFFFFF  }
tec
execute0_lowered:
.L_overlay_start_1:
0x0: {  	(tag) =	ssettag $0x1  }
0x1: {  	s5 =	rddreg [dreg:$0x0]  }
0x2: {  	s1 =	rddreg [dreg:$0x1]  }
0x3: {  	s0 =	rddreg [dreg:$0x2];
	s2 =	simm.s32 $0x0;
	s3 =	srdreg.scid  }
0x4: {  	s20 =	stileid.u32;
	s14 =	simm.s32 $0x5;
	s15 =	simm.s32 $0x1  }
0x5: {  	s16 =	simm.s32 $0x80;
	s17 =	simm.s32 $0x2;
	s18 =	simm.s32 $0x3  }
0x6: {  	s19 =	simm.s32 $0x4;
	[smem:$0x7FF] =	sst s2;
	s10 =	sand.u32 $0x1, s3  }
0x7: {  	s6 =	smul.u32 $0x2800, s20;
	s8 =	sadd.s32 $0xFC00, s5;
	s3 =	sadd.s32 $0x9DDA00, s5  }
0x8: {  	s4 =	sadd.s32 $0xA05A00, s5;
	s11 =	smul.u32 $0x50000, s20;
	s29 =	sshll.u32 s20, $0x4  }
0x9: {  	p0 =	sne.s32 s20, $0x0;
	_ =	strace $0x80000050;
	s7 =	smul.u32 $0x28000, s10  }
0xa: {  	s25 =	sshll.u32 s10, $0x4;
	s26 =	ssub.s32 $0x2, s10;
	s13 =	sadd.s32 s29, s8  }
0xb: {  	s31 =	sshll.u32 s10, $0x8;
	s21 =	sor.u32 s20, s25;
	s28 =	sshrl.u32 s26, $0x1  }
0xc: {  	s30 =	sshrl.u32 s11, $0x2;
	s11 =	sadd.s32 s31, s13;
	s20 =	sshll.u32 s20, $0x6  }
0xd: {  	s6 =	sadd.s32 s6, s7;
	s7 =	sshll.u32 s21, $0x4;
	s12 =	ssub.s32 s26, s28  }
.Ltmp0:
0xe: {  	s22 =	sadd.s32 s30, s1;
	p1 =	sgt.u32 s21, $0x3;
	(pc) =	sbr.rel .LBB2_1-.Ltmp0, $4  }
0xf: {  	s20 =	sor.u32 $0x1C05, s20;
	s9 =	sadd.s32 s6, s5;
	s5 =	sadd.s32 s8, s7  }
0x10: {  	s7 =	sadd.s32 $0x9C00, s13;
	s13 =	simm.s32 $0x100;
	s21 =	sshrl.u32 s22, $0x3  }
0x11: {  	s22 =	simm.s32 $0x0;
	s6 =	sadd.s32 $0x400, s5;
	s8 =	sadd.s32 $0xA06200, s9  }
0x12: {  	s9 =	smax.u32 s12, $0x1;
	s10 =	sadd.s32 $0x200, s5;
	s12 =	sshrl.u32 @!p0 s1, $0x3  }
.LBB2_4:
0x13: {  	_ =	swait.ge [sflag:s19], $0x4000  }
0x14: {  	[sflag:s19] =	ssyncset.done $0x0  }
0x15: {  	s23 =	simm.s32 @!p1 $0x0;
	s24 =	simm.s32 @!p1 $0x5;
	[sflag:s19] =	ssyncadd.s32 $0xFFFFC000  }
0x16: {  	[tilespmem:s23], [sflag:$0x5] =	stream.linear.gather @!p1 [hbm4b:s7+s23], $0x80, $0x38;
	[tilespmem:$0x18100] =	vst v63  }
0x17: {  	_ =	swait.ge @!p1 [sflag:s24], $0x80  }
0x18: {  	[sflag:s24] =	ssyncset.done @!p1 $0x0  }
0x19: {  	s25 =	simm.s32 @!p1 $0x80;
	s26 =	simm.s32 @!p1 $0x100;
	[sflag:s24] =	ssyncadd.s32 @!p1 $0xFFFFFF80  }
0x1a: {  	[spmem:s1] =	stream.indirect.scatter.add.f32 @!p1 [tilespmem:s26], [sflag:$0x5], $0x80, s23, s25, $0xb8;
	[tilespmem:$0x18100] =	vst v63  }
0x1b: {  	_ =	swait.ge @!p1 [sflag:s24], $0x4000  }
0x1c: {  	s22 =	sadd.s32 $0x1, s22;
	[sflag:s24] =	ssyncset.done @!p1 $0x0  }
0x1d: {  	p2 =	sne.s32 s22, s9;
	[sflag:s24] =	ssyncadd.s32 @!p1 $0xFFFFC000  }
.Ltmp1:
0x1e: {  	[bflag:$0x0] =	sbarrier.arrive $0xFFFF;
	(pc) =	sbr.rel @!p2 .LBB2_5-.Ltmp1, $4  }
0x1f: {  	[hbm:s8], [sflag:s20] =	dma.local [spmem:s21], $0x2800  }
0x20: {  	_ =	swait.ge [sflag:s14], $0x2800  }
0x21: {  	[sflag:s14] =	ssyncset.done $0x0  }
0x22: {  	[sflag:s14] =	ssyncadd.s32 $0xFFFFD800  }
.LBB2_1:
0x23: {  	s23 =	simm.s32 @!p0 $0x1C05  }
0x24: {  	[spmem:s12], [sflag:s23] =	dma.local @!p0 [hbm:s3], $0x28000  }
0x25: {  	s23 =	simm.s32 @!p0 $0x5  }
0x26: {  	_ =	swait.ge @!p0 [sflag:s23], $0x28000  }
0x27: {  	[sflag:s23] =	ssyncset.done @!p0 $0x0  }
0x28: {  	[sflag:s23] =	ssyncadd.s32 @!p0 $0xFFFD8000  }
0x29: {  	[tilespmem:s13], [sflag:$0x5] =	stream.linear.gather [hbm4b:s4+s2], $0x4000, $0x38;
	[tilespmem:$0x18100] =	vst v63  }
0x2a: {  	_ =	swait.ge [sflag:s14], $0x4000  }
0x2b: {  	[sflag:s14] =	ssyncset.done $0x0  }
0x2c: {  	[sflag:s14] =	ssyncadd.s32 $0xFFFFC000  }
0x2d: {  	[bflag:$0x0] =	sbarrier.arrive $0xFFFF  }
0x2e: {  	[tilespmem:s2], [sflag:$0x1] =	stream.linear.gather [hbm4b:s5+s2], $0x80, $0x38;
	[tilespmem:$0x18100] =	vst v63  }
0x2f: {  	_ =	swait.ge [sflag:s15], $0x80  }
0x30: {  	[sflag:s15] =	ssyncset.done $0x0  }
0x31: {  	[sflag:s15] =	ssyncadd.s32 $0xFFFFFF80  }
0x32: {  	[spmem:s1] =	stream.indirect.scatter.add.f32 [tilespmem:s13], [sflag:$0x3], $0x80, s2, s16, $0xb8;
	[tilespmem:$0x18100] =	vst v63  }
0x33: {  	_ = 	snop  }
0x34: {  	[tilespmem:s16], [sflag:$0x2] =	stream.linear.gather [hbm4b:s10+s2], $0x80, $0x38;
	[tilespmem:$0x18100] =	vst v63  }
0x35: {  	_ =	swait.ge [sflag:s17], $0x80  }
0x36: {  	[sflag:s17] =	ssyncset.done $0x0  }
0x37: {  	[sflag:s17] =	ssyncadd.s32 $0xFFFFFF80  }
0x38: {  	[spmem:s1] =	stream.indirect.scatter.add.f32 [tilespmem:s13], [sflag:$0x4], $0x80, s16, s16, $0xb8;
	[tilespmem:$0x18100] =	vst v63  }
0x39: {  	_ =	swait.ge [sflag:s18], $0x4000  }
0x3a: {  	[sflag:s18] =	ssyncset.done $0x0  }
0x3b: {  	s23 =	simm.s32 $0xFFFF6C00;
	[sflag:s18] =	ssyncadd.s32 $0xFFFFC000  }
0x3c: {  	[tilespmem:s2], [sflag:$0x1] =	stream.linear.gather [hbm4b:s6+s2], $0x80, $0x38;
	[tilespmem:$0x18100] =	vst v63  }
.LBB2_2:
0x3d: {  	_ =	swait.ge [sflag:s15], $0x80  }
0x3e: {  	[sflag:s15] =	ssyncset.done $0x0  }
0x3f: {  	[sflag:s15] =	ssyncadd.s32 $0xFFFFFF80  }
0x40: {  	[spmem:s1] =	stream.indirect.scatter.add.f32 [tilespmem:s13], [sflag:$0x3], $0x80, s2, s16, $0xb8;
	[tilespmem:$0x18100] =	vst v63  }
0x41: {  	_ =	swait.ge [sflag:s19], $0x4000  }
0x42: {  	s24 =	sadd.s32 s23, s11;
	[sflag:s19] =	ssyncset.done $0x0  }
0x43: {  	s25 =	sadd.s32 $0x9A00, s24;
	[sflag:s19] =	ssyncadd.s32 $0xFFFFC000  }
0x44: {  	[tilespmem:s16], [sflag:$0x2] =	stream.linear.gather [hbm4b:s25+s2], $0x80, $0x38;
	[tilespmem:$0x18100] =	vst v63  }
0x45: {  	_ =	swait.ge [sflag:s17], $0x80  }
0x46: {  	p2 =	seq.s32 s23, $0x0;
	[sflag:s17] =	ssyncset.done $0x0  }
.Ltmp2:
0x47: {  	[sflag:s17] =	ssyncadd.s32 $0xFFFFFF80;
	(pc) =	sbr.rel @p2 .LBB2_4-.Ltmp2, $4  }
0x48: {  	[spmem:s1] =	stream.indirect.scatter.add.f32 [tilespmem:s13], [sflag:$0x4], $0x80, s16, s16, $0xb8;
	[tilespmem:$0x18100] =	vst v63  }
0x49: {  	_ =	swait.ge [sflag:s18], $0x4000  }
0x4a: {  	[sflag:s18] =	ssyncset.done $0x0  }
0x4b: {  	[sflag:s18] =	ssyncadd.s32 $0xFFFFC000  }
.Ltmp3:
0x4c: {  	(pc) =	sbr.rel .LBB2_2-.Ltmp3, $3  }
0x4d: {  	_ =	sdelay $0x1  }
0x4e: {  	s24 =	sadd.s32 $0x9C00, s24;
	s23 =	sadd.s32 $0x400, s23  }
0x4f: {  	[tilespmem:s2], [sflag:$0x1] =	stream.linear.gather [hbm4b:s24+s2], $0x80, $0x38;
	[tilespmem:$0x18100] =	vst v63  }
.LBB2_5:
0x50: {  	_ =	sfence.sel $0x180000  }
0x51: {  	[bflag:$0x0] =	sbarrier.arrive $0xFFFF  }
0x52: {  	_ =	strace $0x90000050  }
0x53: {  	s0 =	sadd.s32 @!p0 $0x100000, s0;
	[bflag:$0x2] =	sbarrier.arrive $0xFFFF  }
0x54: {  	[sflag:s0] =	ssyncadd.tile.s32 @!p0 $0x1;
	_ =	shalt  }
.Lfunc_end2:
_tile_overlayer_lowered:
.L_overlay_start_2:
0x55: {  	(tag) =	ssettag $0x2  }
0x56: {  	s0 =	rddreg [dreg:$0x0];
	s2 =	stileid.u32  }
0x57: {  	s1 =	rddreg [dreg:$0x1];
	p0 =	sne.s32 s2, $0x0  }
0x58: {  	s3 =	rddreg [dreg:$0x2];
	[bflag:$0x3] =	sbarrier.arrive $0xFFFF;
	s2 =	simm.s32 @!p0 $0x1C05  }
0x59: {  	[timem:s3], [sflag:s2] =	dma.local @!p0 [hbm:s0], s1  }
0x5a: {  	s0 =	simm.s32 @!p0 $0x5  }
0x5b: {  	_ =	swait.ge @!p0 [sflag:s0], s1  }
0x5c: {  	s1 =	ssub.s32 @!p0 $0x0, s1;
	[sflag:s0] =	ssyncset.done @!p0 $0x0  }
0x5d: {  	[sflag:s0] =	ssyncadd.s32 @!p0 s1  }
0x5e: {  	[bflag:$0x3] =	sbarrier.arrive $0xFFFF  }
0x5f: {  	_ =	shalt  }

// kernel: kernel.29.cloned.1.call-start
scs
__scs_entry_jumppad:
0x0: {  	(pc) =	sbr.rel $0x88, $3  }
0x1: {  	(tag) =	ssettag $0x0;
	lr =	simm.s32 $0x1  }
0x2: {  	[smem:$0x3F95] =	sst lr;
	_ =	strace $0xD0000000  }
0x3: {  	_ = 	snop  }
0x4: {  	_ = 	snop  }
0x5: {  	_ = 	snop  }
0x6: {  	_ = 	snop  }
0x7: {  	_ = 	snop  }
__scs_overlays_trampoline_lowered:
0x8: {  	[smem:$0x3FA4] =	sst s0  }
0x9: {  	[smem:$0x3FA5] =	sst s1  }
0xa: {  	[smem:$0x3FA6] =	sst s2  }
0xb: {  	[smem:$0x3FA7] =	sst s3  }
0xc: {  	[smem:$0x3FA8] =	sst s4  }
0xd: {  	[smem:$0x3FA9] =	sst s5  }
0xe: {  	[smem:$0x3FAA] =	sst s6  }
0xf: {  	[smem:$0x3FAB] =	sst s7  }
0x10: {  	[smem:$0x3FAC] =	sst s8  }
0x11: {  	[smem:$0x3FAD] =	sst s9;
	s0 =	simm.s32 @!p0 $0x0  }
0x12: {  	s1 =	sld [smem:$0x3F93];
	s0 =	simm.s32 @p0 $0x1  }
0x13: {  	[smem:$0x3FAE] =	sst s0;
	s0 =	simm.s32 @!p1 $0x0  }
0x14: {  	s2 =	sld [smem:$0x3F92];
	s0 =	simm.s32 @p1 $0x1  }
0x15: {  	[smem:$0x3FAF] =	sst s0;
	s0 =	simm.s32 @!p2 $0x0  }
0x16: {  	s3 =	sld [smem:$0x3FDB];
	s0 =	simm.s32 @p2 $0x1  }
0x17: {  	s4 =	simm.s32 $0x1BF5;
	[smem:$0x3FB1] =	sst s0  }
0x18: {  	s0 =	sld [smem:$0x3F94];
	_ =	swait.ge [sflag:s4], $0x0  }
0x19: {  	s7 =	sld [smem:$0x3F95]  }
0x1a: {  	s8 =	sadd.s32 $0xFFFFE003, lr  }
0x1b: {  	s9 =	sadd.s32 $0xFFFFFEF7, lr;
	s5 =	simm.s32 $0xFFFFFFFF;
	p2 =	slt.u32 s8, $0xFFFFF086  }
0x1c: {  	p1 =	slt.u32 s9, $0xF7A;
	s5 =	simm.s32 @!p2 $0x0  }
0x1d: {  	s5 =	simm.s32 @p1 $0x1;
	p0 =	seq.s32 s7, s2  }
0x1e: {  	s7 =	smul.u32 @!p0 $0xF7A, s2;
	p2 =	seq.s32 @!p0 s5, $0x0  }
0x1f: {  	s9 =	smul.u32 $0xF7A, s1;
	s8 =	simm.s32 @!p0 $0x1BF5;
	p2 =	por !p2, p0  }
0x20: {  	[sflag:s8] =	ssyncset.s32 @!p0 $0xFFFFF086;
	s6 =	sadd.s32 @!p0 s3, s7;
	s7 =	simm.s32 @!p0 $0x108  }
0x21: {  	s3 =	sadd.s32 s3, s9;
	s6 =	sadd.s32 @!p0 $0x88, s6;
	s7 =	simm.s32 @p2 $0x1082  }
0x22: {  	[simem:s7], [sflag:s8] =	dma.local @!p0 [hbm:s6], $0xF7A  }
0x23: {  	s9 =	sor.u32 $0xD0000000, s2;
	s6 =	simm.s32 $0x108;
	_ =	swait.ge @!p0 [sflag:s8], $0x0  }
0x24: {  	s3 =	sadd.s32 $0x88, s3;
	s6 =	simm.s32 @!p1 $0x1082;
	[sflag:s4] =	ssyncset.s32 $0xFFFFF086  }
0x25: {  	[simem:s6], [sflag:s4] =	dma.local [hbm:s3], $0xF7A  }
0x26: {  	[smem:$0x3F95] =	sst s1;
	(tag) =	ssettag s2;
	_ =	strace s9  }
0x27: {  	s1 =	sld [smem:$0x3FA5]  }
0x28: {  	s2 =	sld [smem:$0x3FA6]  }
0x29: {  	s4 =	sld [smem:$0x3FA8]  }
0x2a: {  	p0 =	seq.s32 s5, $0x0;
	s5 =	sld [smem:$0x3FA9]  }
0x2b: {  	s6 =	sld [smem:$0x3FAA]  }
0x2c: {  	s7 =	sld [smem:$0x3FAB]  }
0x2d: {  	s3 =	simm.s32 $0x108;
	s8 =	sld [smem:$0x3FAC]  }
0x2e: {  	s3 =	simm.s32 @!p0 $0x1082;
	s9 =	sld [smem:$0x3FAD]  }
0x2f: {  	lr =	sadd.s32 s0, s3;
	s0 =	sld [smem:$0x3FA4]  }
0x30: {  	s3 =	sld [smem:$0x3FA7]  }
0x31: {  	[smem:$0x3FB0] =	sst s10  }
0x32: {  	s10 =	sld [smem:$0x3FAE];
	_ =	sdelay $0x3  }
0x33: {  	p0 =	seq.s32 s10, $0x1;
	s10 =	sld [smem:$0x3FB0];
	_ =	sdelay $0x3  }
0x34: {  	[smem:$0x3FB0] =	sst s10  }
0x35: {  	s10 =	sld [smem:$0x3FAF];
	_ =	sdelay $0x3  }
0x36: {  	p1 =	seq.s32 s10, $0x1;
	s10 =	sld [smem:$0x3FB0];
	_ =	sdelay $0x3  }
0x37: {  	[smem:$0x3FB0] =	sst s10  }
0x38: {  	s10 =	sld [smem:$0x3FB1]  }
0x39: {  	_ = 	snop;
	(pc) =	sbr.ind lr, $3  }
0x3a: {  	_ = 	snop  }
0x3b: {  	_ = 	snop  }
0x3c: {  	p2 =	seq.s32 s10, $0x1;
	s10 =	sld [smem:$0x3FB0]  }
0x3d: {  	_ =	shalt  }
0x3e: {  	_ =	shalt  }
0x3f: {  	_ =	shalt  }
0x40: {  	_ =	shalt  }
0x41: {  	_ =	shalt  }
0x42: {  	_ =	shalt  }
0x43: {  	_ =	shalt  }
0x44: {  	_ =	shalt  }
0x45: {  	_ =	shalt  }
0x46: {  	_ =	shalt  }
0x47: {  	_ =	shalt  }
0x48: {  	_ =	shalt  }
0x49: {  	_ =	shalt  }
0x4a: {  	_ =	shalt  }
0x4b: {  	_ =	shalt  }
0x4c: {  	_ =	shalt  }
0x4d: {  	_ =	shalt  }
0x4e: {  	_ =	shalt  }
0x4f: {  	_ =	shalt  }
0x50: {  	_ =	shalt  }
0x51: {  	_ =	shalt  }
0x52: {  	_ =	shalt  }
0x53: {  	_ =	shalt  }
0x54: {  	_ =	shalt  }
0x55: {  	_ =	shalt  }
0x56: {  	_ =	shalt  }
0x57: {  	_ =	shalt  }
0x58: {  	_ =	shalt  }
0x59: {  	_ =	shalt  }
0x5a: {  	_ =	shalt  }
0x5b: {  	_ =	shalt  }
0x5c: {  	_ =	shalt  }
0x5d: {  	_ =	shalt  }
0x5e: {  	_ =	shalt  }
0x5f: {  	_ =	shalt  }
0x60: {  	_ =	shalt  }
0x61: {  	_ =	shalt  }
0x62: {  	_ =	shalt  }
0x63: {  	_ =	shalt  }
0x64: {  	_ =	shalt  }
0x65: {  	_ =	shalt  }
0x66: {  	_ =	shalt  }
0x67: {  	_ =	shalt  }
0x68: {  	_ =	shalt  }
0x69: {  	_ =	shalt  }
0x6a: {  	_ =	shalt  }
0x6b: {  	_ =	shalt  }
0x6c: {  	_ =	shalt  }
0x6d: {  	_ =	shalt  }
0x6e: {  	_ =	shalt  }
0x6f: {  	_ =	shalt  }
0x70: {  	_ =	shalt  }
0x71: {  	_ =	shalt  }
0x72: {  	_ =	shalt  }
0x73: {  	_ =	shalt  }
0x74: {  	_ =	shalt  }
0x75: {  	_ =	shalt  }
0x76: {  	_ =	shalt  }
0x77: {  	_ =	shalt  }
0x78: {  	_ =	shalt  }
0x79: {  	_ =	shalt  }
0x7a: {  	_ =	shalt  }
0x7b: {  	_ =	shalt  }
0x7c: {  	_ =	shalt  }
0x7d: {  	_ =	shalt  }
0x7e: {  	_ =	shalt  }
0x7f: {  	_ =	shalt  }
0x80: {  	_ =	shalt  }
0x81: {  	_ =	shalt  }
0x82: {  	_ =	shalt  }
0x83: {  	_ =	shalt  }
0x84: {  	_ =	shalt  }
0x85: {  	_ =	shalt  }
0x86: {  	_ =	shalt  }
0x87: {  	_ =	shalt  }
.Lfunc_end0:
.L_simem_size_0:
called_computation.5_lowered:
.L_overlay_start_0:
0x88: {  	s2 =	sld [smem:$0x3FD9]  }
0x89: {  	s3 =	sld [smem:$0x3FFE];
	_ =	sdelay $0x1  }
0x8a: {  	s1 =	srdreg.scid  }
0x8b: {  	s0 =	sand.u32 $0x1, s1  }
0x8c: {  	s17 =	sshll.u32 s0, $0xA;
	s2 =	sadd.s32 s3, s2  }
0x8d: {  	s2 =	sadd.s32 s2, s17  }
0x8e: {  	[smem:$0x3FBC] =	sst s2  }
0x8f: {  	_ = 	snop  }
0x90: {  	(tm) =	ssettm $0x1  }
0x91: {  	s18 =	sld [smem:$0x3FFB];
	_ =	sdelay $0x3  }
0x92: {  	_ =	strace s18  }
0x93: {  	s2 =	sld [smem:$0x3FFC];
	_ =	sdelay $0x3  }
0x94: {  	_ =	strace s2  }
0x95: {  	s2 =	sld [smem:$0x3FFD];
	_ =	sdelay $0x3  }
0x96: {  	_ =	strace s2  }
0x97: {  	_ =	strace $0x8FFFFFFF  }
0x98: {  	s19 =	sld [smem:$0x3FDB];
	_ =	sdelay $0x1  }
0x99: {  	s20 =	simm.s32 $_scs_section_size  }
0x9a: {  	s4 =	simm.s32 $_size__tile_overlayer_lowered;
	s5 =	simm.s32 $_tile_overlayer_lowered  }
0x9b: {  	s6 =	simm.s32 $0x1BFF;
	s21 =	sshll.u32 s5, $0x1;
	s3 =	sadd.s32 s20, s19  }
0x9c: {  	s22 =	simm.s32 $0x0;
	s4 =	sshll.u32 s4, $0x1;
	s5 =	sadd.s32 s21, s3  }
0x9d: {  	[timem:s22], [sflag:s6] =	dma.local [hbm:s5], s4  }
0x9e: {  	_ =	swait.ge [sflag:s6], s4  }
0x9f: {  	s4 =	ssub.s32 $0x0, s4;
	[sflag:s6] =	ssyncset.done $0x0  }
0xa0: {  	[sflag:s6] =	ssyncadd.s32 s4;
	_ =	sdelay $0x1  }
0xa1: {  	s23 =	simm.s32 $0x1B8B  }
0xa2: {  	_ =	swait.ge [sflag:s23], $0x1  }
0xa3: {  	[sflag:s23] =	ssyncset.done $0x0  }
0xa4: {  	[sflag:s23] =	ssyncadd.s32 $0xFFFFFFFF  }
0xa5: {  	s4 =	sld [smem:$0x0]  }
0xa6: {  	s5 =	sand.u32 $0xFFFFFFFE, s1  }
0xa7: {  	p0 =	sne.s32 s1, s5  }
0xa8: {  	s5 =	sshll.u32 @p0 s5, $0xE  }
0xa9: {  	s5 =	sadd.s32 @p0 $0x11B8D, s5;
	s6 =	sshll.u32 @p0 s4, $0x11  }
0xaa: {  	s5 =	sor.u32 @p0 s6, s5  }
0xab: {  	[sflag:s5] =	ssyncadd.remote.s32 @p0 $0x1;
	_ =	sdelay $0x1  }
0xac: {  	s5 =	simm.s32 @p0 $0x1B8D  }
0xad: {  	_ =	swait.eq @p0 [sflag:s5], $0x1  }
0xae: {  	[sflag:s5] =	ssyncadd.s32 @p0 $0xFFFFFFFF  }
0xaf: {  	s6 =	sshll.u32 @!p0 s1, $0xE  }
0xb0: {  	s6 =	sor.u32 @!p0 $0x4000, s6;
	s5 =	simm.s32 @!p0 $0x1B8D  }
0xb1: {  	s4 =	sshll.u32 @!p0 s4, $0x11;
	s6 =	sadd.s32 @!p0 $0x11B8D, s6;
	_ =	swait.eq @!p0 [sflag:s5], $0x1  }
0xb2: {  	s4 =	sor.u32 @!p0 s4, s6;
	[sflag:s5] =	ssyncadd.s32 @!p0 $0xFFFFFFFF  }
0xb3: {  	s25 =	simm.s32 $0x1B8E;
	s24 =	sld [smem:$0x3FFE];
	[sflag:s4] =	ssyncadd.remote.s32 @!p0 $0x1  }
0xb4: {  	s26 =	simm.s32 $execute0_lowered;
	[smem:$0x3FD2] =	sst s25  }
0xb5: {  	s5 =	sshll.u32 s26, $0x1;
	_ =	strace $0x80000055;
	[dreg:$0x1] =	wrdreg $0xFFFFFFFF  }
0xb6: {  	s28 =	simm.s32 $_size_execute0_lowered;
	s3 =	sadd.s32 s3, s5;
	[dreg:$0x0] =	wrdreg $0x0  }
0xb7: {  	s5 =	sshll.u32 s28, $0x1;
	[dreg:$0x2] =	wrdreg s3  }
0xb8: {  	[dreg:$0x3] =	wrdreg s5  }
0xb9: {  	[dreg:$0x4] =	wrdreg $0xC0  }
0xba: {  	_ =	task [dreg:s22], $0x5FFFF  }
0xbb: {  	[dreg:$0x1] =	wrdreg $0xFFFFFFFF  }
0xbc: {  	[dreg:$0x0] =	wrdreg $0x60  }
0xbd: {  	[dreg:$0x2] =	wrdreg s24  }
0xbe: {  	[dreg:$0x3] =	wrdreg $0x81000  }
0xbf: {  	[dreg:$0x4] =	wrdreg $0xC  }
0xc0: {  	_ =	task.clear_ibuf [dreg:s22], $0x5FFFF;
	_ =	strace $0x90000055  }
0xc1: {  	s29 =	simm.s32 $0xC;
	_ =	strace $0x80000057  }
0xc2: {  	_ =	swait.ge [sflag:s29], $0x1  }
0xc3: {  	[sflag:s29] =	ssyncadd.s32 $0xFFFFFFFF  }
0xc4: {  	_ =	strace $0x90000057  }
0xc5: {  	_ =	sfence  }
0xc6: {  	s30 =	sld [smem:$0x0];
	_ =	sdelay $0x2  }
0xc7: {  	s31 =	sshll.u32 s1, $0xD;
	s1 =	sshrl.u32 s1, $0x2  }
0xc8: {  	s4 =	sand.u32 $0x4000, s31;
	s1 =	sadd.s32 s1, s30  }
0xc9: {  	s0 =	sor.u32 s4, s0;
	s1 =	sshll.u32 s1, $0x11  }
0xca: {  	s0 =	sor.u32 s1, s0  }
0xcb: {  	s0 =	sadd.s32 $0x8F2B, s0  }
0xcc: {  	[sflag:s0] =	ssyncadd.remote.s32 $0x1  }
0xcd: {  	_ =	sfence.sel $0xFFFF  }
0xce: {  	[dreg:$0x0] =	wrdreg $0xFFFFFFFF;
	(pc) =	sbr.abs _section_cstart, $3  }
0xcf: {  	[dreg:$0x1] =	wrdreg $0xFFFFFFFF  }
0xd0: {  	_ =	task.clear_ibuf [dreg:s22], $0x2FFFF;
	_ =	strace $0x9FFFFFFF  }
0xd1: {  	(tm) =	ssettm $0x7FFFFFFF  }
tec
execute0_lowered:
.L_overlay_start_1:
0x0: {  	(tag) =	ssettag $0x1  }
0x1: {  	s5 =	rddreg [dreg:$0x0]  }
0x2: {  	s1 =	rddreg [dreg:$0x1]  }
0x3: {  	s0 =	rddreg [dreg:$0x2]  }
0x4: {  	s4 =	srdreg.scid;
	s2 =	stileid.u32  }
0x5: {  	s3 =	simm.s32 $0x0;
	s17 =	simm.s32 $0x100;
	s18 =	simm.s32 $0x1  }
0x6: {  	s19 =	simm.s32 $0x80;
	s20 =	simm.s32 $0x4100;
	s21 =	simm.s32 $0x2  }
0x7: {  	s22 =	simm.s32 $0x3;
	s12 =	sand.u32 $0x1, s4;
	s6 =	smul.u32 $0x2800, s2  }
0x8: {  	[smem:$0x7FF] =	sst s3;
	s13 =	sadd.s32 $0x69E00, s5;
	s14 =	sadd.s32 $0xFC00, s5  }
0x9: {  	s4 =	sadd.s32 $0x9DDA00, s5;
	s10 =	smul.u32 $0x50000, s2;
	s16 =	sshll.u32 s2, $0x4  }
0xa: {  	s30 =	sshll.u32 s2, $0xB;
	p0 =	sne.s32 s2, $0x0;
	s7 =	smul.u32 $0x28000, s12  }
0xb: {  	_ =	strace $0x80000056;
	s23 =	sshll.u32 s12, $0x4;
	s24 =	ssub.s32 $0x2, s12  }
0xc: {  	s29 =	sshll.u32 s12, $0xF;
	s12 =	sshll.u32 s12, $0x8;
	s25 =	sor.u32 s2, s23  }
0xd: {  	s26 =	sshrl.u32 s24, $0x1;
	s28 =	sshrl.u32 s10, $0x2;
	s16 =	sor.u32 s16, s12  }
0xe: {  	s23 =	simm.s32 $0x4;
	s6 =	sadd.s32 s6, s7;
	s9 =	sshll.u32 s25, $0x4  }
0xf: {  	s11 =	ssub.s32 s24, s26;
	s24 =	sadd.s32 s28, s1;
	s31 =	sadd.s32 s16, s14  }
0x10: {  	s16 =	sshrl.u32 @!p0 s1, $0x3;
	s26 =	simm.s32 $0x0;
	s8 =	sadd.s32 s6, s5  }
0x11: {  	s15 =	sadd.s32 s9, s14;
	s6 =	sshll.u32 s25, $0xB;
	s14 =	sadd.s32 $0x2E00, s31  }
.Ltmp0:
0x12: {  	s24 =	sshrl.u32 s24, $0x3;
	s25 =	simm.s32 $0x5;
	(pc) =	sbr.rel .LBB2_1-.Ltmp0, $4  }
0x13: {  	s5 =	sadd.s32 $0x2800, s15;
	s6 =	sadd.s32 s13, s6;
	s7 =	sadd.s32 $0x24A200, s8  }
0x14: {  	s8 =	smax.u32 s11, $0x1;
	s9 =	sadd.s32 $0x2A00, s15;
	s13 =	sadd.s32 s29, s13  }
0x15: {  	s11 =	sadd.s32 $0x2C00, s15;
	s15 =	sadd.s32 $0x3000, s31;
	s13 =	sadd.s32 s30, s13  }
0x16: {  	s10 =	sadd.s32 $0x10000, s6;
	s12 =	sadd.s32 $0x20000, s6;
	s13 =	sadd.s32 $0x30000, s13  }
.LBB2_4:
0x17: {  	_ =	swait.ge [sflag:s23], $0x4000  }
0x18: {  	s26 =	sadd.s32 $0x1, s26;
	[sflag:s23] =	ssyncset.done $0x0  }
0x19: {  	s28 =	sshll.u32 s2, $0x6;
	p1 =	sne.s32 s26, s8;
	[sflag:s23] =	ssyncadd.s32 $0xFFFFC000  }
.Ltmp1:
0x1a: {  	s28 =	sor.u32 $0x1C05, s28;
	[bflag:$0x0] =	sbarrier.arrive $0xFFFF;
	(pc) =	sbr.rel @!p1 .LBB2_5-.Ltmp1, $4  }
0x1b: {  	[hbm:s7], [sflag:s28] =	dma.local [spmem:s24], $0x2800  }
0x1c: {  	_ =	swait.ge [sflag:s25], $0x2800  }
0x1d: {  	[sflag:s25] =	ssyncset.done $0x0  }
0x1e: {  	[sflag:s25] =	ssyncadd.s32 $0xFFFFD800  }
.LBB2_1:
0x1f: {  	s28 =	simm.s32 @!p0 $0x1C05  }
0x20: {  	[spmem:s16], [sflag:s28] =	dma.local @!p0 [hbm:s4], $0x28000  }
0x21: {  	s28 =	simm.s32 @!p0 $0x5  }
0x22: {  	_ =	swait.ge @!p0 [sflag:s28], $0x28000  }
0x23: {  	[sflag:s28] =	ssyncset.done @!p0 $0x0  }
0x24: {  	[sflag:s28] =	ssyncadd.s32 @!p0 $0xFFFD8000  }
0x25: {  	[bflag:$0x0] =	sbarrier.arrive $0xFFFF  }
0x26: {  	[tilespmem:s3], [sflag:$0x1] =	stream.linear.gather [hbm4b:s5+s3], $0x80, $0x38;
	[tilespmem:$0x1C100] =	vst v63  }
0x27: {  	_ = 	snop  }
0x28: {  	[tilespmem:s17], [sflag:$0x1] =	stream.linear.gather [hbm4b:s6+s3], $0x4000, $0x38;
	[tilespmem:$0x1C100] =	vst v63  }
0x29: {  	_ =	swait.ge [sflag:s18], $0x80  }
0x2a: {  	[sflag:s18] =	ssyncset.done $0x0  }
0x2b: {  	[sflag:s18] =	ssyncadd.s32 $0xFFFFFF80  }
0x2c: {  	_ =	swait.ge [sflag:s18], $0x4000  }
0x2d: {  	[sflag:s18] =	ssyncset.done $0x0  }
0x2e: {  	[sflag:s18] =	ssyncadd.s32 $0xFFFFC000  }
0x2f: {  	[spmem:s1] =	stream.indirect.scatter.add.f32 [tilespmem:s17], [sflag:$0x3], $0x80, s3, s19, $0xb8;
	[tilespmem:$0x1C100] =	vst v63  }
0x30: {  	_ = 	snop  }
0x31: {  	[tilespmem:s19], [sflag:$0x2] =	stream.linear.gather [hbm4b:s9+s3], $0x80, $0x38;
	[tilespmem:$0x1C100] =	vst v63  }
0x32: {  	_ = 	snop  }
0x33: {  	[tilespmem:s20], [sflag:$0x2] =	stream.linear.gather [hbm4b:s10+s3], $0x4000, $0x38;
	[tilespmem:$0x1C100] =	vst v63  }
0x34: {  	_ =	swait.ge [sflag:s21], $0x80  }
0x35: {  	[sflag:s21] =	ssyncset.done $0x0  }
0x36: {  	[sflag:s21] =	ssyncadd.s32 $0xFFFFFF80  }
0x37: {  	_ =	swait.ge [sflag:s21], $0x4000  }
0x38: {  	[sflag:s21] =	ssyncset.done $0x0  }
0x39: {  	[sflag:s21] =	ssyncadd.s32 $0xFFFFC000  }
0x3a: {  	[spmem:s1] =	stream.indirect.scatter.add.f32 [tilespmem:s20], [sflag:$0x4], $0x80, s19, s19, $0xb8;
	[tilespmem:$0x1C100] =	vst v63  }
0x3b: {  	_ =	swait.ge [sflag:s22], $0x4000  }
0x3c: {  	[sflag:s22] =	ssyncset.done $0x0  }
0x3d: {  	[sflag:s22] =	ssyncadd.s32 $0xFFFFC000  }
0x3e: {  	[tilespmem:s3], [sflag:$0x1] =	stream.linear.gather [hbm4b:s11+s3], $0x80, $0x38;
	[tilespmem:$0x1C100] =	vst v63  }
0x3f: {  	s29 =	smov.u32 s13;
	s28 =	simm.s32 $0x0  }
0x40: {  	[tilespmem:s17], [sflag:$0x1] =	stream.linear.gather [hbm4b:s12+s3], $0x4000, $0x38;
	[tilespmem:$0x1C100] =	vst v63  }
.LBB2_2:
0x41: {  	_ =	swait.ge [sflag:s18], $0x80  }
0x42: {  	[sflag:s18] =	ssyncset.done $0x0  }
0x43: {  	[sflag:s18] =	ssyncadd.s32 $0xFFFFFF80  }
0x44: {  	_ =	swait.ge [sflag:s18], $0x4000  }
0x45: {  	[sflag:s18] =	ssyncset.done $0x0  }
0x46: {  	[sflag:s18] =	ssyncadd.s32 $0xFFFFC000  }
0x47: {  	[spmem:s1] =	stream.indirect.scatter.add.f32 [tilespmem:s17], [sflag:$0x3], $0x80, s3, s19, $0xb8;
	[tilespmem:$0x1C100] =	vst v63  }
0x48: {  	_ =	swait.ge [sflag:s23], $0x4000  }
0x49: {  	[sflag:s23] =	ssyncset.done $0x0  }
0x4a: {  	s30 =	sadd.s32 s28, s14;
	[sflag:s23] =	ssyncadd.s32 $0xFFFFC000  }
0x4b: {  	[tilespmem:s19], [sflag:$0x2] =	stream.linear.gather [hbm4b:s30+s3], $0x80, $0x38;
	[tilespmem:$0x1C100] =	vst v63  }
0x4c: {  	_ = 	snop  }
0x4d: {  	[tilespmem:s20], [sflag:$0x2] =	stream.linear.gather [hbm4b:s29+s3], $0x4000, $0x38;
	[tilespmem:$0x1C100] =	vst v63  }
0x4e: {  	_ =	swait.ge [sflag:s21], $0x80  }
0x4f: {  	[sflag:s21] =	ssyncset.done $0x0  }
0x50: {  	[sflag:s21] =	ssyncadd.s32 $0xFFFFFF80  }
0x51: {  	_ =	swait.ge [sflag:s21], $0x4000  }
0x52: {  	p1 =	seq.s32 s28, $0x3400;
	[sflag:s21] =	ssyncset.done $0x0  }
.Ltmp2:
0x53: {  	[sflag:s21] =	ssyncadd.s32 $0xFFFFC000;
	(pc) =	sbr.rel @p1 .LBB2_4-.Ltmp2, $4  }
0x54: {  	[spmem:s1] =	stream.indirect.scatter.add.f32 [tilespmem:s20], [sflag:$0x4], $0x80, s19, s19, $0xb8;
	[tilespmem:$0x1C100] =	vst v63  }
0x55: {  	_ =	swait.ge [sflag:s22], $0x4000  }
0x56: {  	[sflag:s22] =	ssyncset.done $0x0  }
0x57: {  	[sflag:s22] =	ssyncadd.s32 $0xFFFFC000  }
.Ltmp3:
0x58: {  	(pc) =	sbr.rel .LBB2_2-.Ltmp3, $4  }
0x59: {  	s30 =	sadd.s32 s28, s15  }
0x5a: {  	[tilespmem:s3], [sflag:$0x1] =	stream.linear.gather [hbm4b:s30+s3], $0x80, $0x38;
	[tilespmem:$0x1C100] =	vst v63  }
0x5b: {  	s31 =	sadd.s32 $0x10000, s29;
	s29 =	sadd.s32 $0x20000, s29;
	s28 =	sadd.s32 $0x400, s28  }
0x5c: {  	[tilespmem:s17], [sflag:$0x1] =	stream.linear.gather [hbm4b:s31+s3], $0x4000, $0x38;
	[tilespmem:$0x1C100] =	vst v63  }
.LBB2_5:
0x5d: {  	_ =	sfence.sel $0x180000  }
0x5e: {  	[bflag:$0x0] =	sbarrier.arrive $0xFFFF  }
0x5f: {  	_ =	strace $0x90000056  }
0x60: {  	s0 =	sadd.s32 @!p0 $0x100000, s0;
	[bflag:$0x2] =	sbarrier.arrive $0xFFFF  }
0x61: {  	[sflag:s0] =	ssyncadd.tile.s32 @!p0 $0x1;
	_ =	shalt  }
.Lfunc_end2:
_tile_overlayer_lowered:
.L_overlay_start_2:
0x62: {  	(tag) =	ssettag $0x2  }
0x63: {  	s0 =	rddreg [dreg:$0x0];
	s2 =	stileid.u32  }
0x64: {  	s1 =	rddreg [dreg:$0x1];
	p0 =	sne.s32 s2, $0x0  }
0x65: {  	s3 =	rddreg [dreg:$0x2];
	[bflag:$0x3] =	sbarrier.arrive $0xFFFF;
	s2 =	simm.s32 @!p0 $0x1C05  }
0x66: {  	[timem:s3], [sflag:s2] =	dma.local @!p0 [hbm:s0], s1  }
0x67: {  	s0 =	simm.s32 @!p0 $0x5  }
0x68: {  	_ =	swait.ge @!p0 [sflag:s0], s1  }
0x69: {  	s1 =	ssub.s32 @!p0 $0x0, s1;
	[sflag:s0] =	ssyncset.done @!p0 $0x0  }
0x6a: {  	[sflag:s0] =	ssyncadd.s32 @!p0 s1  }
0x6b: {  	[bflag:$0x3] =	sbarrier.arrive $0xFFFF  }
0x6c: {  	_ =	shalt  }

// kernel: kernel.32.cloned.1.call-start
scs
__scs_entry_jumppad:
0x0: {  	(pc) =	sbr.rel $0x88, $3  }
0x1: {  	(tag) =	ssettag $0x0;
	lr =	simm.s32 $0x1  }
0x2: {  	[smem:$0x3F95] =	sst lr;
	_ =	strace $0xD0000000  }
0x3: {  	_ = 	snop  }
0x4: {  	_ = 	snop  }
0x5: {  	_ = 	snop  }
0x6: {  	_ = 	snop  }
0x7: {  	_ = 	snop  }
__scs_overlays_trampoline_lowered:
0x8: {  	[smem:$0x3FA4] =	sst s0  }
0x9: {  	[smem:$0x3FA5] =	sst s1  }
0xa: {  	[smem:$0x3FA6] =	sst s2  }
0xb: {  	[smem:$0x3FA7] =	sst s3  }
0xc: {  	[smem:$0x3FA8] =	sst s4  }
0xd: {  	[smem:$0x3FA9] =	sst s5  }
0xe: {  	[smem:$0x3FAA] =	sst s6  }
0xf: {  	[smem:$0x3FAB] =	sst s7  }
0x10: {  	[smem:$0x3FAC] =	sst s8  }
0x11: {  	[smem:$0x3FAD] =	sst s9;
	s0 =	simm.s32 @!p0 $0x0  }
0x12: {  	s1 =	sld [smem:$0x3F93];
	s0 =	simm.s32 @p0 $0x1  }
0x13: {  	[smem:$0x3FAE] =	sst s0;
	s0 =	simm.s32 @!p1 $0x0  }
0x14: {  	s2 =	sld [smem:$0x3F92];
	s0 =	simm.s32 @p1 $0x1  }
0x15: {  	[smem:$0x3FAF] =	sst s0;
	s0 =	simm.s32 @!p2 $0x0  }
0x16: {  	s3 =	sld [smem:$0x3FDB];
	s0 =	simm.s32 @p2 $0x1  }
0x17: {  	s4 =	simm.s32 $0x1BF5;
	[smem:$0x3FB1] =	sst s0  }
0x18: {  	s0 =	sld [smem:$0x3F94];
	_ =	swait.ge [sflag:s4], $0x0  }
0x19: {  	s7 =	sld [smem:$0x3F95]  }
0x1a: {  	s8 =	sadd.s32 $0xFFFFE003, lr  }
0x1b: {  	s9 =	sadd.s32 $0xFFFFFEF7, lr;
	s5 =	simm.s32 $0xFFFFFFFF;
	p2 =	slt.u32 s8, $0xFFFFF086  }
0x1c: {  	p1 =	slt.u32 s9, $0xF7A;
	s5 =	simm.s32 @!p2 $0x0  }
0x1d: {  	s5 =	simm.s32 @p1 $0x1;
	p0 =	seq.s32 s7, s2  }
0x1e: {  	s7 =	smul.u32 @!p0 $0xF7A, s2;
	p2 =	seq.s32 @!p0 s5, $0x0  }
0x1f: {  	s9 =	smul.u32 $0xF7A, s1;
	s8 =	simm.s32 @!p0 $0x1BF5;
	p2 =	por !p2, p0  }
0x20: {  	[sflag:s8] =	ssyncset.s32 @!p0 $0xFFFFF086;
	s6 =	sadd.s32 @!p0 s3, s7;
	s7 =	simm.s32 @!p0 $0x108  }
0x21: {  	s3 =	sadd.s32 s3, s9;
	s6 =	sadd.s32 @!p0 $0x88, s6;
	s7 =	simm.s32 @p2 $0x1082  }
0x22: {  	[simem:s7], [sflag:s8] =	dma.local @!p0 [hbm:s6], $0xF7A  }
0x23: {  	s9 =	sor.u32 $0xD0000000, s2;
	s6 =	simm.s32 $0x108;
	_ =	swait.ge @!p0 [sflag:s8], $0x0  }
0x24: {  	s3 =	sadd.s32 $0x88, s3;
	s6 =	simm.s32 @!p1 $0x1082;
	[sflag:s4] =	ssyncset.s32 $0xFFFFF086  }
0x25: {  	[simem:s6], [sflag:s4] =	dma.local [hbm:s3], $0xF7A  }
0x26: {  	[smem:$0x3F95] =	sst s1;
	(tag) =	ssettag s2;
	_ =	strace s9  }
0x27: {  	s1 =	sld [smem:$0x3FA5]  }
0x28: {  	s2 =	sld [smem:$0x3FA6]  }
0x29: {  	s4 =	sld [smem:$0x3FA8]  }
0x2a: {  	p0 =	seq.s32 s5, $0x0;
	s5 =	sld [smem:$0x3FA9]  }
0x2b: {  	s6 =	sld [smem:$0x3FAA]  }
0x2c: {  	s7 =	sld [smem:$0x3FAB]  }
0x2d: {  	s3 =	simm.s32 $0x108;
	s8 =	sld [smem:$0x3FAC]  }
0x2e: {  	s3 =	simm.s32 @!p0 $0x1082;
	s9 =	sld [smem:$0x3FAD]  }
0x2f: {  	lr =	sadd.s32 s0, s3;
	s0 =	sld [smem:$0x3FA4]  }
0x30: {  	s3 =	sld [smem:$0x3FA7]  }
0x31: {  	[smem:$0x3FB0] =	sst s10  }
0x32: {  	s10 =	sld [smem:$0x3FAE];
	_ =	sdelay $0x3  }
0x33: {  	p0 =	seq.s32 s10, $0x1;
	s10 =	sld [smem:$0x3FB0];
	_ =	sdelay $0x3  }
0x34: {  	[smem:$0x3FB0] =	sst s10  }
0x35: {  	s10 =	sld [smem:$0x3FAF];
	_ =	sdelay $0x3  }
0x36: {  	p1 =	seq.s32 s10, $0x1;
	s10 =	sld [smem:$0x3FB0];
	_ =	sdelay $0x3  }
0x37: {  	[smem:$0x3FB0] =	sst s10  }
0x38: {  	s10 =	sld [smem:$0x3FB1]  }
0x39: {  	_ = 	snop;
	(pc) =	sbr.ind lr, $3  }
0x3a: {  	_ = 	snop  }
0x3b: {  	_ = 	snop  }
0x3c: {  	p2 =	seq.s32 s10, $0x1;
	s10 =	sld [smem:$0x3FB0]  }
0x3d: {  	_ =	shalt  }
0x3e: {  	_ =	shalt  }
0x3f: {  	_ =	shalt  }
0x40: {  	_ =	shalt  }
0x41: {  	_ =	shalt  }
0x42: {  	_ =	shalt  }
0x43: {  	_ =	shalt  }
0x44: {  	_ =	shalt  }
0x45: {  	_ =	shalt  }
0x46: {  	_ =	shalt  }
0x47: {  	_ =	shalt  }
0x48: {  	_ =	shalt  }
0x49: {  	_ =	shalt  }
0x4a: {  	_ =	shalt  }
0x4b: {  	_ =	shalt  }
0x4c: {  	_ =	shalt  }
0x4d: {  	_ =	shalt  }
0x4e: {  	_ =	shalt  }
0x4f: {  	_ =	shalt  }
0x50: {  	_ =	shalt  }
0x51: {  	_ =	shalt  }
0x52: {  	_ =	shalt  }
0x53: {  	_ =	shalt  }
0x54: {  	_ =	shalt  }
0x55: {  	_ =	shalt  }
0x56: {  	_ =	shalt  }
0x57: {  	_ =	shalt  }
0x58: {  	_ =	shalt  }
0x59: {  	_ =	shalt  }
0x5a: {  	_ =	shalt  }
0x5b: {  	_ =	shalt  }
0x5c: {  	_ =	shalt  }
0x5d: {  	_ =	shalt  }
0x5e: {  	_ =	shalt  }
0x5f: {  	_ =	shalt  }
0x60: {  	_ =	shalt  }
0x61: {  	_ =	shalt  }
0x62: {  	_ =	shalt  }
0x63: {  	_ =	shalt  }
0x64: {  	_ =	shalt  }
0x65: {  	_ =	shalt  }
0x66: {  	_ =	shalt  }
0x67: {  	_ =	shalt  }
0x68: {  	_ =	shalt  }
0x69: {  	_ =	shalt  }
0x6a: {  	_ =	shalt  }
0x6b: {  	_ =	shalt  }
0x6c: {  	_ =	shalt  }
0x6d: {  	_ =	shalt  }
0x6e: {  	_ =	shalt  }
0x6f: {  	_ =	shalt  }
0x70: {  	_ =	shalt  }
0x71: {  	_ =	shalt  }
0x72: {  	_ =	shalt  }
0x73: {  	_ =	shalt  }
0x74: {  	_ =	shalt  }
0x75: {  	_ =	shalt  }
0x76: {  	_ =	shalt  }
0x77: {  	_ =	shalt  }
0x78: {  	_ =	shalt  }
0x79: {  	_ =	shalt  }
0x7a: {  	_ =	shalt  }
0x7b: {  	_ =	shalt  }
0x7c: {  	_ =	shalt  }
0x7d: {  	_ =	shalt  }
0x7e: {  	_ =	shalt  }
0x7f: {  	_ =	shalt  }
0x80: {  	_ =	shalt  }
0x81: {  	_ =	shalt  }
0x82: {  	_ =	shalt  }
0x83: {  	_ =	shalt  }
0x84: {  	_ =	shalt  }
0x85: {  	_ =	shalt  }
0x86: {  	_ =	shalt  }
0x87: {  	_ =	shalt  }
.Lfunc_end0:
.L_simem_size_0:
called_computation.6_lowered:
.L_overlay_start_0:
0x88: {  	s2 =	sld [smem:$0x3FD9]  }
0x89: {  	s3 =	sld [smem:$0x3FFE];
	_ =	sdelay $0x1  }
0x8a: {  	s1 =	srdreg.scid  }
0x8b: {  	s0 =	sand.u32 $0x1, s1  }
0x8c: {  	s17 =	sshll.u32 s0, $0xA;
	s2 =	sadd.s32 s3, s2  }
0x8d: {  	s2 =	sadd.s32 s2, s17  }
0x8e: {  	[smem:$0x3FBC] =	sst s2  }
0x8f: {  	_ = 	snop  }
0x90: {  	(tm) =	ssettm $0x1  }
0x91: {  	s18 =	sld [smem:$0x3FFB];
	_ =	sdelay $0x3  }
0x92: {  	_ =	strace s18  }
0x93: {  	s2 =	sld [smem:$0x3FFC];
	_ =	sdelay $0x3  }
0x94: {  	_ =	strace s2  }
0x95: {  	s2 =	sld [smem:$0x3FFD];
	_ =	sdelay $0x3  }
0x96: {  	_ =	strace s2  }
0x97: {  	_ =	strace $0x8FFFFFFF  }
0x98: {  	s19 =	sld [smem:$0x3FDB];
	_ =	sdelay $0x1  }
0x99: {  	s20 =	simm.s32 $_scs_section_size  }
0x9a: {  	s4 =	simm.s32 $_size__tile_overlayer_lowered;
	s5 =	simm.s32 $_tile_overlayer_lowered  }
0x9b: {  	s6 =	simm.s32 $0x1BFF;
	s21 =	sshll.u32 s5, $0x1;
	s3 =	sadd.s32 s20, s19  }
0x9c: {  	s22 =	simm.s32 $0x0;
	s4 =	sshll.u32 s4, $0x1;
	s5 =	sadd.s32 s21, s3  }
0x9d: {  	[timem:s22], [sflag:s6] =	dma.local [hbm:s5], s4  }
0x9e: {  	_ =	swait.ge [sflag:s6], s4  }
0x9f: {  	s4 =	ssub.s32 $0x0, s4;
	[sflag:s6] =	ssyncset.done $0x0  }
0xa0: {  	[sflag:s6] =	ssyncadd.s32 s4;
	_ =	sdelay $0x1  }
0xa1: {  	s23 =	simm.s32 $0x1B8B  }
0xa2: {  	_ =	swait.ge [sflag:s23], $0x1  }
0xa3: {  	[sflag:s23] =	ssyncset.done $0x0  }
0xa4: {  	[sflag:s23] =	ssyncadd.s32 $0xFFFFFFFF  }
0xa5: {  	s4 =	sld [smem:$0x0]  }
0xa6: {  	s5 =	sand.u32 $0xFFFFFFFE, s1  }
0xa7: {  	p0 =	sne.s32 s1, s5  }
0xa8: {  	s5 =	sshll.u32 @p0 s5, $0xE  }
0xa9: {  	s5 =	sadd.s32 @p0 $0x11B8D, s5;
	s6 =	sshll.u32 @p0 s4, $0x11  }
0xaa: {  	s5 =	sor.u32 @p0 s6, s5  }
0xab: {  	[sflag:s5] =	ssyncadd.remote.s32 @p0 $0x1;
	_ =	sdelay $0x1  }
0xac: {  	s5 =	simm.s32 @p0 $0x1B8D  }
0xad: {  	_ =	swait.eq @p0 [sflag:s5], $0x1  }
0xae: {  	[sflag:s5] =	ssyncadd.s32 @p0 $0xFFFFFFFF  }
0xaf: {  	s6 =	sshll.u32 @!p0 s1, $0xE  }
0xb0: {  	s6 =	sor.u32 @!p0 $0x4000, s6;
	s5 =	simm.s32 @!p0 $0x1B8D  }
0xb1: {  	s4 =	sshll.u32 @!p0 s4, $0x11;
	s6 =	sadd.s32 @!p0 $0x11B8D, s6;
	_ =	swait.eq @!p0 [sflag:s5], $0x1  }
0xb2: {  	s4 =	sor.u32 @!p0 s4, s6;
	[sflag:s5] =	ssyncadd.s32 @!p0 $0xFFFFFFFF  }
0xb3: {  	s25 =	simm.s32 $0x1B8E;
	s24 =	sld [smem:$0x3FFE];
	[sflag:s4] =	ssyncadd.remote.s32 @!p0 $0x1  }
0xb4: {  	s26 =	simm.s32 $execute0_lowered;
	[smem:$0x3FD2] =	sst s25  }
0xb5: {  	s5 =	sshll.u32 s26, $0x1;
	_ =	strace $0x80000058;
	[dreg:$0x1] =	wrdreg $0xFFFFFFFF  }
0xb6: {  	s28 =	simm.s32 $_size_execute0_lowered;
	s3 =	sadd.s32 s3, s5;
	[dreg:$0x0] =	wrdreg $0x0  }
0xb7: {  	s5 =	sshll.u32 s28, $0x1;
	[dreg:$0x2] =	wrdreg s3  }
0xb8: {  	[dreg:$0x3] =	wrdreg s5  }
0xb9: {  	[dreg:$0x4] =	wrdreg $0xC0  }
0xba: {  	_ =	task [dreg:s22], $0x5FFFF  }
0xbb: {  	[dreg:$0x1] =	wrdreg $0xFFFFFFFF  }
0xbc: {  	[dreg:$0x0] =	wrdreg $0x60  }
0xbd: {  	[dreg:$0x2] =	wrdreg s24  }
0xbe: {  	[dreg:$0x3] =	wrdreg $0x81000  }
0xbf: {  	[dreg:$0x4] =	wrdreg $0xA  }
0xc0: {  	_ =	task.clear_ibuf [dreg:s22], $0x5FFFF;
	_ =	strace $0x90000058  }
0xc1: {  	s29 =	simm.s32 $0xA;
	_ =	strace $0x8000005A  }
0xc2: {  	_ =	swait.ge [sflag:s29], $0x1  }
0xc3: {  	[sflag:s29] =	ssyncadd.s32 $0xFFFFFFFF  }
0xc4: {  	_ =	strace $0x9000005A  }
0xc5: {  	_ =	sfence  }
0xc6: {  	s30 =	sld [smem:$0x0];
	_ =	sdelay $0x2  }
0xc7: {  	s31 =	sshll.u32 s1, $0xD;
	s1 =	sshrl.u32 s1, $0x2  }
0xc8: {  	s4 =	sand.u32 $0x4000, s31;
	s1 =	sadd.s32 s1, s30  }
0xc9: {  	s0 =	sor.u32 s4, s0;
	s1 =	sshll.u32 s1, $0x11  }
0xca: {  	s0 =	sor.u32 s1, s0  }
0xcb: {  	s0 =	sadd.s32 $0x8F2B, s0  }
0xcc: {  	[sflag:s0] =	ssyncadd.remote.s32 $0x1  }
0xcd: {  	_ =	sfence.sel $0xFFFF  }
0xce: {  	[dreg:$0x0] =	wrdreg $0xFFFFFFFF;
	(pc) =	sbr.abs _section_cstart, $3  }
0xcf: {  	[dreg:$0x1] =	wrdreg $0xFFFFFFFF  }
0xd0: {  	_ =	task.clear_ibuf [dreg:s22], $0x2FFFF;
	_ =	strace $0x9FFFFFFF  }
0xd1: {  	(tm) =	ssettm $0x7FFFFFFF  }
tec
execute0_lowered:
.L_overlay_start_1:
0x0: {  	(tag) =	ssettag $0x1  }
0x1: {  	s5 =	rddreg [dreg:$0x0]  }
0x2: {  	s1 =	rddreg [dreg:$0x1]  }
0x3: {  	s2 =	simm.s32 $0x0;
	s4 =	srdreg.scid;
	s0 =	stileid.u32  }
0x4: {  	s20 =	simm.s32 $0x1;
	s28 =	simm.s32 $0x5;
	s29 =	simm.s32 $0x0  }
0x5: {  	[smem:$0x7FF] =	sst s2;
	s7 =	sadd.s32 $0x29A200, s5;
	s13 =	sand.u32 $0x1, s4  }
0x6: {  	s6 =	smul.u32 $0x2800, s0;
	s16 =	sadd.s32 $0xFC00, s5;
	s4 =	sadd.s32 $0x9DDA00, s5  }
0x7: {  	s23 =	smul.u32 $0x50000, s0;
	s25 =	sshll.u32 s0, $0xB;
	s15 =	sshll.u32 s0, $0x4  }
0x8: {  	p0 =	sne.s32 s0, $0x0;
	_ =	strace $0x80000059;
	s8 =	smul.u32 $0x28000, s13  }
0x9: {  	s9 =	sshll.u32 s13, $0x4;
	s10 =	ssub.s32 $0x2, s13;
	s12 =	sadd.s32 s15, s16  }
0xa: {  	s17 =	sadd.s32 s25, s7;
	s18 =	sshll.u32 s13, $0xF;
	s19 =	sshll.u32 s13, $0x8  }
0xb: {  	s24 =	sor.u32 s0, s9;
	s21 =	sshrl.u32 s10, $0x1;
	s26 =	sshrl.u32 s23, $0x2  }
0xc: {  	s30 =	sor.u32 s15, s19;
	s19 =	simm.s32 $0x100;
	s23 =	simm.s32 $0x2  }
0xd: {  	s6 =	sadd.s32 s6, s8;
	s9 =	sshll.u32 s24, $0x4;
	s10 =	ssub.s32 s10, s21  }
0xe: {  	s22 =	sshll.u32 s24, $0xB;
	s8 =	sadd.s32 $0x1C0000, s17;
	s25 =	sadd.s32 s26, s1  }
0xf: {  	s17 =	sadd.s32 s18, s17;
	s31 =	sadd.s32 s30, s16;
	s18 =	sshrl.u32 @!p0 s1, $0x3  }
0x10: {  	s21 =	simm.s32 $0x80;
	p1 =	sgt.u32 s24, $0x3;
	s24 =	simm.s32 $0x3  }
0x11: {  	s26 =	simm.s32 $0x4;
	s11 =	sadd.s32 s6, s5;
	s14 =	sadd.s32 s9, s16  }
.Ltmp0:
0x12: {  	s6 =	sadd.s32 s7, s22;
	s7 =	sadd.s32 $0x9C00, s12;
	(pc) =	sbr.rel .LBB2_1-.Ltmp0, $4  }
0x13: {  	s10 =	smax.u32 s10, $0x1;
	s15 =	sadd.s32 $0x30000, s17;
	s16 =	sadd.s32 $0x6A00, s31  }
0x14: {  	s17 =	sadd.s32 $0x6C00, s31;
	s22 =	simm.s32 $0x4100;
	s25 =	sshrl.u32 s25, $0x3  }
0x15: {  	s5 =	sadd.s32 $0x6400, s14;
	s9 =	sadd.s32 $0x45C200, s11;
	s11 =	sadd.s32 $0x6600, s14  }
0x16: {  	s12 =	sadd.s32 $0x10000, s6;
	s13 =	sadd.s32 $0x6800, s14;
	s14 =	sadd.s32 $0x20000, s6  }
.LBB2_4:
0x17: {  	_ =	swait.ge [sflag:s26], $0x4000  }
0x18: {  	[sflag:s26] =	ssyncset.done $0x0  }
0x19: {  	s0 =	simm.s32 @!p1 $0x0;
	s30 =	simm.s32 @!p1 $0x5;
	[sflag:s26] =	ssyncadd.s32 $0xFFFFC000  }
0x1a: {  	[tilespmem:s0], [sflag:$0x5] =	stream.linear.gather @!p1 [hbm4b:s7+s0], $0x80, $0x38;
	[tilespmem:$0x1C100] =	vst v63  }
0x1b: {  	_ =	swait.ge @!p1 [sflag:s30], $0x80  }
0x1c: {  	[sflag:s30] =	ssyncset.done @!p1 $0x0  }
0x1d: {  	s31 =	simm.s32 @!p1 $0x100;
	[sflag:s30] =	ssyncadd.s32 @!p1 $0xFFFFFF80  }
0x1e: {  	[tilespmem:s31], [sflag:$0x5] =	stream.linear.gather @!p1 [hbm4b:s8+s0], $0x4000, $0x38;
	[tilespmem:$0x1C100] =	vst v63  }
0x1f: {  	_ =	swait.ge @!p1 [sflag:s30], $0x4000  }
0x20: {  	[sflag:s30] =	ssyncset.done @!p1 $0x0  }
0x21: {  	s3 =	simm.s32 @!p1 $0x80;
	[sflag:s30] =	ssyncadd.s32 @!p1 $0xFFFFC000  }
0x22: {  	[spmem:s1] =	stream.indirect.scatter.add.f32 @!p1 [tilespmem:s31], [sflag:$0x5], $0x80, s0, s3, $0xb8;
	[tilespmem:$0x1C100] =	vst v63  }
0x23: {  	_ =	swait.ge @!p1 [sflag:s30], $0x4000  }
0x24: {  	s29 =	sadd.s32 $0x1, s29;
	s31 =	stileid.u32;
	[sflag:s30] =	ssyncset.done @!p1 $0x0  }
0x25: {  	p2 =	sne.s32 s29, s10;
	s0 =	sshll.u32 s31, $0x6;
	[sflag:s30] =	ssyncadd.s32 @!p1 $0xFFFFC000  }
.Ltmp1:
0x26: {  	s0 =	sor.u32 $0x1C05, s0;
	[bflag:$0x0] =	sbarrier.arrive $0xFFFF;
	(pc) =	sbr.rel @!p2 .LBB2_5-.Ltmp1, $4  }
0x27: {  	[hbm:s9], [sflag:s0] =	dma.local [spmem:s25], $0x2800  }
0x28: {  	_ =	swait.ge [sflag:s28], $0x2800  }
0x29: {  	[sflag:s28] =	ssyncset.done $0x0  }
0x2a: {  	[sflag:s28] =	ssyncadd.s32 $0xFFFFD800  }
.LBB2_1:
0x2b: {  	s30 =	simm.s32 @!p0 $0x1C05  }
0x2c: {  	[spmem:s18], [sflag:s30] =	dma.local @!p0 [hbm:s4], $0x28000  }
0x2d: {  	s30 =	simm.s32 @!p0 $0x5  }
0x2e: {  	_ =	swait.ge @!p0 [sflag:s30], $0x28000  }
0x2f: {  	[sflag:s30] =	ssyncset.done @!p0 $0x0  }
0x30: {  	[sflag:s30] =	ssyncadd.s32 @!p0 $0xFFFD8000  }
0x31: {  	[bflag:$0x0] =	sbarrier.arrive $0xFFFF  }
0x32: {  	[tilespmem:s2], [sflag:$0x1] =	stream.linear.gather [hbm4b:s5+s2], $0x80, $0x38;
	[tilespmem:$0x1C100] =	vst v63  }
0x33: {  	_ = 	snop  }
0x34: {  	[tilespmem:s19], [sflag:$0x1] =	stream.linear.gather [hbm4b:s6+s2], $0x4000, $0x38;
	[tilespmem:$0x1C100] =	vst v63  }
0x35: {  	_ =	swait.ge [sflag:s20], $0x80  }
0x36: {  	[sflag:s20] =	ssyncset.done $0x0  }
0x37: {  	[sflag:s20] =	ssyncadd.s32 $0xFFFFFF80  }
0x38: {  	_ =	swait.ge [sflag:s20], $0x4000  }
0x39: {  	[sflag:s20] =	ssyncset.done $0x0  }
0x3a: {  	[sflag:s20] =	ssyncadd.s32 $0xFFFFC000  }
0x3b: {  	[spmem:s1] =	stream.indirect.scatter.add.f32 [tilespmem:s19], [sflag:$0x3], $0x80, s2, s21, $0xb8;
	[tilespmem:$0x1C100] =	vst v63  }
0x3c: {  	_ = 	snop  }
0x3d: {  	[tilespmem:s21], [sflag:$0x2] =	stream.linear.gather [hbm4b:s11+s2], $0x80, $0x38;
	[tilespmem:$0x1C100] =	vst v63  }
0x3e: {  	_ = 	snop  }
0x3f: {  	[tilespmem:s22], [sflag:$0x2] =	stream.linear.gather [hbm4b:s12+s2], $0x4000, $0x38;
	[tilespmem:$0x1C100] =	vst v63  }
0x40: {  	_ =	swait.ge [sflag:s23], $0x80  }
0x41: {  	[sflag:s23] =	ssyncset.done $0x0  }
0x42: {  	[sflag:s23] =	ssyncadd.s32 $0xFFFFFF80  }
0x43: {  	_ =	swait.ge [sflag:s23], $0x4000  }
0x44: {  	[sflag:s23] =	ssyncset.done $0x0  }
0x45: {  	[sflag:s23] =	ssyncadd.s32 $0xFFFFC000  }
0x46: {  	[spmem:s1] =	stream.indirect.scatter.add.f32 [tilespmem:s22], [sflag:$0x4], $0x80, s21, s21, $0xb8;
	[tilespmem:$0x1C100] =	vst v63  }
0x47: {  	_ =	swait.ge [sflag:s24], $0x4000  }
0x48: {  	[sflag:s24] =	ssyncset.done $0x0  }
0x49: {  	[sflag:s24] =	ssyncadd.s32 $0xFFFFC000  }
0x4a: {  	[tilespmem:s2], [sflag:$0x1] =	stream.linear.gather [hbm4b:s13+s2], $0x80, $0x38;
	[tilespmem:$0x1C100] =	vst v63  }
0x4b: {  	s31 =	smov.u32 s15;
	s30 =	simm.s32 $0x0  }
0x4c: {  	[tilespmem:s19], [sflag:$0x1] =	stream.linear.gather [hbm4b:s14+s2], $0x4000, $0x38;
	[tilespmem:$0x1C100] =	vst v63  }
.LBB2_2:
0x4d: {  	_ =	swait.ge [sflag:s20], $0x80  }
0x4e: {  	[sflag:s20] =	ssyncset.done $0x0  }
0x4f: {  	[sflag:s20] =	ssyncadd.s32 $0xFFFFFF80  }
0x50: {  	_ =	swait.ge [sflag:s20], $0x4000  }
0x51: {  	[sflag:s20] =	ssyncset.done $0x0  }
0x52: {  	[sflag:s20] =	ssyncadd.s32 $0xFFFFC000  }
0x53: {  	[spmem:s1] =	stream.indirect.scatter.add.f32 [tilespmem:s19], [sflag:$0x3], $0x80, s2, s21, $0xb8;
	[tilespmem:$0x1C100] =	vst v63  }
0x54: {  	_ =	swait.ge [sflag:s26], $0x4000  }
0x55: {  	[sflag:s26] =	ssyncset.done $0x0  }
0x56: {  	s0 =	sadd.s32 s30, s16;
	[sflag:s26] =	ssyncadd.s32 $0xFFFFC000  }
0x57: {  	[tilespmem:s21], [sflag:$0x2] =	stream.linear.gather [hbm4b:s0+s2], $0x80, $0x38;
	[tilespmem:$0x1C100] =	vst v63  }
0x58: {  	_ = 	snop  }
0x59: {  	[tilespmem:s22], [sflag:$0x2] =	stream.linear.gather [hbm4b:s31+s2], $0x4000, $0x38;
	[tilespmem:$0x1C100] =	vst v63  }
0x5a: {  	_ =	swait.ge [sflag:s23], $0x80  }
0x5b: {  	[sflag:s23] =	ssyncset.done $0x0  }
0x5c: {  	[sflag:s23] =	ssyncadd.s32 $0xFFFFFF80  }
0x5d: {  	_ =	swait.ge [sflag:s23], $0x4000  }
0x5e: {  	p2 =	seq.s32 s30, $0x3000;
	[sflag:s23] =	ssyncset.done $0x0  }
.Ltmp2:
0x5f: {  	[sflag:s23] =	ssyncadd.s32 $0xFFFFC000;
	(pc) =	sbr.rel @p2 .LBB2_4-.Ltmp2, $4  }
0x60: {  	[spmem:s1] =	stream.indirect.scatter.add.f32 [tilespmem:s22], [sflag:$0x4], $0x80, s21, s21, $0xb8;
	[tilespmem:$0x1C100] =	vst v63  }
0x61: {  	_ =	swait.ge [sflag:s24], $0x4000  }
0x62: {  	[sflag:s24] =	ssyncset.done $0x0  }
0x63: {  	[sflag:s24] =	ssyncadd.s32 $0xFFFFC000  }
.Ltmp3:
0x64: {  	(pc) =	sbr.rel .LBB2_2-.Ltmp3, $4  }
0x65: {  	s0 =	sadd.s32 s30, s17  }
0x66: {  	[tilespmem:s2], [sflag:$0x1] =	stream.linear.gather [hbm4b:s0+s2], $0x80, $0x38;
	[tilespmem:$0x1C100] =	vst v63  }
0x67: {  	s3 =	sadd.s32 $0x10000, s31;
	s31 =	sadd.s32 $0x20000, s31;
	s30 =	sadd.s32 $0x400, s30  }
0x68: {  	[tilespmem:s19], [sflag:$0x1] =	stream.linear.gather [hbm4b:s3+s2], $0x4000, $0x38;
	[tilespmem:$0x1C100] =	vst v63  }
.LBB2_5:
0x69: {  	_ =	sfence.sel $0x180000  }
0x6a: {  	[bflag:$0x0] =	sbarrier.arrive $0xFFFF  }
0x6b: {  	_ =	strace $0x90000059  }
0x6c: {  	[bflag:$0x2] =	sbarrier.arrive $0xFFFF  }
0x6d: {  	s0 =	rddreg [dreg:$0x2]  }
0x6e: {  	s0 =	sadd.s32 @!p0 $0x100000, s0  }
0x6f: {  	[sflag:s0] =	ssyncadd.tile.s32 @!p0 $0x1;
	_ =	shalt  }
.Lfunc_end2:
_tile_overlayer_lowered:
.L_overlay_start_2:
0x70: {  	(tag) =	ssettag $0x2  }
0x71: {  	s0 =	rddreg [dreg:$0x0];
	s2 =	stileid.u32  }
0x72: {  	s1 =	rddreg [dreg:$0x1];
	p0 =	sne.s32 s2, $0x0  }
0x73: {  	s3 =	rddreg [dreg:$0x2];
	[bflag:$0x3] =	sbarrier.arrive $0xFFFF;
	s2 =	simm.s32 @!p0 $0x1C05  }
0x74: {  	[timem:s3], [sflag:s2] =	dma.local @!p0 [hbm:s0], s1  }
0x75: {  	s0 =	simm.s32 @!p0 $0x5  }
0x76: {  	_ =	swait.ge @!p0 [sflag:s0], s1  }
0x77: {  	s1 =	ssub.s32 @!p0 $0x0, s1;
	[sflag:s0] =	ssyncset.done @!p0 $0x0  }
0x78: {  	[sflag:s0] =	ssyncadd.s32 @!p0 s1  }
0x79: {  	[bflag:$0x3] =	sbarrier.arrive $0xFFFF  }
0x7a: {  	_ =	shalt  }

</sc_bundles>
